<compile_context>
chip_gen: v7x
topology: tpu7x:2x2x1
jax: 0.10.2.dev20260603
libtpu: 0.0.44.dev20260713+nightly
codegen_flags: <defaults>
</compile_context>

<pallas_src>
import functools

import jax
import jax.numpy as jnp
from jax import lax
from jax.experimental import pallas as pl
from jax.experimental.pallas import tpu as pltpu
from jax.experimental.pallas import tpu_sc as plsc

_FEATURE_DIM = 512
_TOP_K = 50
_ALPHA = 0.01
_TEMPERATURE = 0.1
_OLD_W = 1.0
_NEW_W = 0.3

_NC = 2
_NS = 16
_NW = _NC * _NS
_LANES = 16
_CHUNK = 64


def _vsort(x, desc=False):
    k, _ = plsc.sort_key_val(x, x, descending=desc)
    return k


def _sort_bitonic(x, desc):
    m = len(x)
    if m == 1:
        return [_vsort(x[0], desc)]
    half = m // 2
    los = [jnp.minimum(x[j], x[j + half]) for j in range(half)]
    his = [jnp.maximum(x[j], x[j + half]) for j in range(half)]
    if desc:
        return _sort_bitonic(his, True) + _sort_bitonic(los, True)
    return _sort_bitonic(los, False) + _sort_bitonic(his, False)


def _merge(a, b, desc, top_only):
    m = len(a)
    los = [jnp.minimum(a[j], b[j]) for j in range(m)]
    his = [jnp.maximum(a[j], b[j]) for j in range(m)]
    if top_only:
        return _sort_bitonic(his, desc)
    if desc:
        return _sort_bitonic(his, True) + _sort_bitonic(los, True)
    return _sort_bitonic(los, False) + _sort_bitonic(his, False)


def _row_threshold(buf, i):
    lvl = [[_vsort(jnp.abs(buf[i, pl.ds(_LANES * q, _LANES)]), q % 2 == 1)]
           for q in range(_FEATURE_DIM // _LANES)]
    lvl = [_merge(lvl[2 * a], lvl[2 * a + 1], a % 2 == 1, False)
           for a in range(16)]
    lvl = [_merge(lvl[2 * a], lvl[2 * a + 1], a % 2 == 1, False)
           for a in range(8)]
    lvl = [_merge(lvl[2 * a], lvl[2 * a + 1], a % 2 == 1, True)
           for a in range(4)]
    lvl = [_merge(lvl[2 * a], lvl[2 * a + 1], a % 2 == 1, True)
           for a in range(2)]
    his = [jnp.maximum(lvl[0][j], lvl[1][j]) for j in range(4)]
    lo2 = [jnp.minimum(his[0], his[2]), jnp.minimum(his[1], his[3])]
    lo1 = jnp.minimum(lo2[0], lo2[1])
    return _vsort(lo1)


def _sc_body(s_hbm, t_hbm, ths_hbm, tht_hbm, buf_a, buf_b, thr_buf, low_buf,
             sem_a, sem_b, *, row0, nrows):
    wid = lax.axis_index("s") * _NC + lax.axis_index("c")
    rows_per_w = nrows // _NW
    base = row0 + wid * rows_per_w
    obase = wid * rows_per_w
    nchunks = rows_per_w // _CHUNK
    lane = lax.iota(jnp.int32, _LANES)

    idx14 = jnp.full((_LANES,), 14, jnp.int32)

    def compute_chunk(buf, dst, off):
        @plsc.parallel_loop(0, _CHUNK, 1, unroll=1)
        def _(j):
            low_buf[j, :] = _row_threshold(buf, j)

        def group_body(g, _):
            goff = pl.multiple_of(g * _LANES, _LANES)
            th = plsc.load_gather(low_buf.at[pl.ds(goff, _LANES)],
                                  [lane, idx14])
            thr_buf[pl.ds(goff, _LANES)] = th
            return 0

        lax.fori_loop(0, _CHUNK // _LANES, group_body, 0)
        pltpu.sync_copy(thr_buf, dst.at[pl.ds(off, _CHUNK)])

    for src, dst in ((s_hbm, ths_hbm), (t_hbm, tht_hbm)):
        pltpu.async_copy(src.at[pl.ds(pl.multiple_of(base, _CHUNK), _CHUNK)],
                         buf_a, sem_a)

        def pair_body(c2, _, src=src, dst=dst):
            for b, (bf, sm, obf, osm) in enumerate(
                    ((buf_a, sem_a, buf_b, sem_b),
                     (buf_b, sem_b, buf_a, sem_a))):
                chunk = c2 * 2 + b
                pltpu.make_async_copy(src.at[pl.ds(0, _CHUNK)], bf, sm).wait()

                @pl.when(chunk < nchunks - 1)
                def _(chunk=chunk, obf=obf, osm=osm, src=src):
                    noff = pl.multiple_of(base + (chunk + 1) * _CHUNK, _CHUNK)
                    pltpu.async_copy(src.at[pl.ds(noff, _CHUNK)], obf, osm)

                off = pl.multiple_of(obase + chunk * _CHUNK, _CHUNK)
                compute_chunk(bf, dst, off)
            return 0

        lax.fori_loop(0, nchunks // 2, pair_body, 0)


def _sc_thresholds(student_feats, teacher_feats, row0, nrows):
    mesh = plsc.VectorSubcoreMesh(core_axis_name="c", subcore_axis_name="s")
    fn = functools.partial(
        pl.kernel,
        mesh=mesh,
        out_type=[
            jax.ShapeDtypeStruct((nrows,), jnp.float32),
            jax.ShapeDtypeStruct((nrows,), jnp.float32),
        ],
        scratch_types=[
            pltpu.VMEM((_CHUNK, _FEATURE_DIM), jnp.float32),
            pltpu.VMEM((_CHUNK, _FEATURE_DIM), jnp.float32),
            pltpu.VMEM((_CHUNK,), jnp.float32),
            pltpu.VMEM((_CHUNK, _LANES), jnp.float32),
            pltpu.SemaphoreType.DMA,
            pltpu.SemaphoreType.DMA,
        ],
        compiler_params=pltpu.CompilerParams(needs_layout_passes=False),
    )(functools.partial(_sc_body, row0=row0, nrows=nrows))
    return fn(student_feats, teacher_feats)


def _tc_body(s_ref, t_ref, ths_ref, tht_ref, w_ref, num_ref, den_ref):
    i = pl.program_id(0)
    s = s_ref[...]
    t = t_ref[...]
    fs = jnp.where(jnp.abs(s) >= ths_ref[...], 1.0, _ALPHA)
    ft = jnp.where(jnp.abs(t) >= tht_ref[...], 1.0, _ALPHA)
    sm = s * fs
    tm = t * ft
    ones = jnp.ones((s.shape[1], 1), jnp.float32)
    dot = jnp.dot(sm * tm, ones, preferred_element_type=jnp.float32)
    ss = jnp.dot(sm * sm, ones, preferred_element_type=jnp.float32)
    tt = jnp.dot(tm * tm, ones, preferred_element_type=jnp.float32)
    cos = dot / ((jnp.sqrt(ss) + 1e-8) * (jnp.sqrt(tt) + 1e-8))
    per = (1.0 - cos) / _TEMPERATURE
    w = w_ref[0]
    pnum = jnp.dot(w, per, preferred_element_type=jnp.float32)
    pden = jnp.sum(w, axis=1, keepdims=True)

    @pl.when(i == 0)
    def _():
        num_ref[...] = pnum
        den_ref[...] = pden

    @pl.when(i > 0)
    def _():
        num_ref[...] += pnum
        den_ref[...] += pden


def _tc_partial(student_feats, teacher_feats, ths, tht, w3, row0, nrows, r):
    d = student_feats.shape[1]
    g = nrows // r
    g0 = row0 // r
    return pl.pallas_call(
        _tc_body,
        grid=(g,),
        in_specs=[
            pl.BlockSpec((r, d), lambda i: (i + g0, 0)),
            pl.BlockSpec((r, d), lambda i: (i + g0, 0)),
            pl.BlockSpec((r, 1), lambda i: (i, 0)),
            pl.BlockSpec((r, 1), lambda i: (i, 0)),
            pl.BlockSpec((1, 1, r), lambda i: (i + g0, 0, 0)),
        ],
        out_specs=[
            pl.BlockSpec((1, 1), lambda i: (0, 0)),
            pl.BlockSpec((1, 1), lambda i: (0, 0)),
        ],
        out_shape=[
            jax.ShapeDtypeStruct((1, 1), jnp.float32),
            jax.ShapeDtypeStruct((1, 1), jnp.float32),
        ],
    )(student_feats, teacher_feats, ths.reshape(nrows, 1),
      tht.reshape(nrows, 1), w3)


def kernel(student_feats, teacher_feats, targets, num_old_classes):
    b, d = student_feats.shape
    r = 2048
    w = jnp.where(targets < num_old_classes, _OLD_W, _NEW_W).astype(jnp.float32)
    w3 = w.reshape(b // r, 1, r)
    ths, tht = _sc_thresholds(student_feats, teacher_feats, 0, b)
    num, den = _tc_partial(student_feats, teacher_feats, ths, tht, w3,
                           0, b, r)
    return (num[0, 0] / (den[0, 0] + 1e-8)).astype(jnp.float32)

# --- scband reference (transcript-rebuilt; emitter-appended) ---
"""Pipeline reference for scband-discrete-contrastive-distillation-84293028151427 (READ-ONLY COPY).

The authoritative reference and input builder live on the scoring server;
editing this copy changes nothing except your own understanding.
"""

import jax, jax.numpy as jnp
import numpy as np

FEATURE_DIM = 512
TOP_K_SAMPLE = 50
ALPHA = 0.01
TEMPERATURE = 0.1
OLD_W = 1.0
NEW_W = 0.3


def _discrete_activation(x, k, alpha):
    # Keep the top-k strongest (by |x|) activations per sample at full strength,
    # leak the rest by alpha (discrete/leaky activation from the DCD module).
    ax = jnp.abs(x)
    topv = jax.lax.top_k(ax, k)[0]
    thresh = topv[:, -1:]
    mask = jnp.where(ax >= thresh, 1.0, alpha)
    return x * mask


def setup_inputs(seed: int = 0) -> dict:
    key = jax.random.key(seed)
    k1, k2, k3 = jax.random.split(key, 3)
    B = 16384
    return {
        "student_feats": jax.random.normal(k1, (B, FEATURE_DIM), dtype=jnp.float32),
        "teacher_feats": jax.random.normal(k2, (B, FEATURE_DIM), dtype=jnp.float32),
        "targets": jax.random.randint(k3, (B,), 0, 100),
        "num_old_classes": 50,
    }


def reference(student_feats, teacher_feats, targets, num_old_classes):
    # Discrete activation via per-sample top-k masking
    s = _discrete_activation(student_feats, TOP_K_SAMPLE, ALPHA)
    t = _discrete_activation(teacher_feats, TOP_K_SAMPLE, ALPHA)
    # L2 normalize
    s_n = s / (jnp.linalg.norm(s, axis=-1, keepdims=True) + 1e-8)
    t_n = t / (jnp.linalg.norm(t, axis=-1, keepdims=True) + 1e-8)
    # Temperature-scaled cosine distillation per positive (student, teacher) pair
    cos = jnp.sum(s_n * t_n, axis=-1)
    per_sample = (1.0 - cos) / TEMPERATURE
    # Old classes weighted more heavily than new classes
    w = jnp.where(targets < num_old_classes, OLD_W, NEW_W)
    loss = jnp.sum(w * per_sample) / (jnp.sum(w) + 1e-8)
    return loss

if __name__ == "__main__":
    import jax
    _d = setup_inputs()
    print(jax.jit(kernel)(*tuple(_d.values())))

</pallas_src>

<mosaic_0001>
#map = affine_map<(d0, d1) -> (0, 0)>
#map1 = affine_map<(d0, d1) -> (0)>
module attributes {stable_mosaic.version = 14 : i64} {
  func.func @_sc_body(%arg0: i32, %arg1: i32, %arg2: memref<16384x512xf32, #tpu.memory_space<hbm>>, %arg3: memref<16384x512xf32, #tpu.memory_space<hbm>>, %arg4: memref<16384xf32, #tpu.memory_space<hbm>>, %arg5: memref<16384xf32, #tpu.memory_space<hbm>>, %arg6: memref<64x512xf32, #tpu.memory_space<vmem>>, %arg7: memref<64x512xf32, #tpu.memory_space<vmem>>, %arg8: memref<64xf32, #tpu.memory_space<vmem>>, %arg9: memref<64x16xf32, #tpu.memory_space<vmem>>, %arg10: memref<!tpu.dma_semaphore, #tpu.memory_space<semaphore_mem>>, %arg11: memref<!tpu.dma_semaphore, #tpu.memory_space<semaphore_mem>>) attributes {dimension_semantics = [#tpu.dimension_semantics<core_parallel>, #tpu.dimension_semantics<subcore_parallel>], iteration_bounds = array<i64: 2, 16>, scalar_prefetch = 0 : i64, scratch_operands = 6 : i64, tpu.core_type = #tpu.core_type<sc_vector_subcore>, window_params = [{transform_indices = #map}, {transform_indices = #map}, {transform_indices = #map1}, {transform_indices = #map1}]} {
    %mul3A = arith.constant 2 : i32
    %mul3A_0 = arith.muli %arg1, %mul3A : i32
    %add3A = arith.addi %mul3A_0, %arg0 : i32
    %mul3A_1 = arith.constant 512 : i32
    %mul3A_2 = arith.muli %add3A, %mul3A_1 : i32
    %add3A_3 = arith.constant 0 : i32
    %add3A_4 = arith.addi %add3A_3, %mul3A_2 : i32
    %mul3A_5 = arith.constant 512 : i32
    %mul3A_6 = arith.muli %add3A, %mul3A_5 : i32
    %iota3A = tpu.iota {dimensions = array<i32: 0>} : vector<16xi32>
    %broadcast_in_dim3A = arith.constant 14 : i32
    %broadcast_in_dim3A_7 = vector.broadcast %broadcast_in_dim3A : i32 to vector<16xi32>
    %multiple_of3A = tpu.assume_multiple %add3A_4, 64 : i32
    %dma_start3A = arith.constant 0 : i32
    %dma_start3A_8 = tpu.memref_slice %arg2[%multiple_of3A, %dma_start3A] : memref<16384x512xf32, #tpu.memory_space<hbm>> -> memref<64x512xf32, #tpu.memory_space<hbm>>
    %dma_start3A_9 = arith.constant 0 : i32
    %dma_start3A_10 = tpu.memref_slice %arg2[%multiple_of3A, %dma_start3A_9] : memref<16384x512xf32, #tpu.memory_space<hbm>> -> memref<64x512xf32, #tpu.memory_space<hbm>>
    tpu.enqueue_dma source(%dma_start3A_10 : memref<64x512xf32, #tpu.memory_space<hbm>>) target(%arg6 : memref<64x512xf32, #tpu.memory_space<vmem>>) target_semaphore(%arg10 : memref<!tpu.dma_semaphore, #tpu.memory_space<semaphore_mem>>)
    %scan3A = arith.constant 0 : i32
    %scan3A_11 = arith.constant 0 : i32
    %scan3A_12 = arith.constant 4 : i32
    %scan3A_13 = arith.addi %scan3A_11, %scan3A_12 : i32
    %scan3A_14 = arith.constant 1 : i32
    %scan3A_15 = scf.for %scan3A_29 = %scan3A_11 to %scan3A_13 step %scan3A_14 iter_args(%scan3A_30 = %scan3A) -> (i32)  : i32 {
      %mul3A_31 = arith.constant 2 : i32
      %mul3A_32 = arith.muli %scan3A_29, %mul3A_31 : i32
      %add3A_33 = arith.constant 0 : i32
      %add3A_34 = arith.addi %mul3A_32, %add3A_33 : i32
      %dma_wait3A = arith.constant 0 : i32
      %dma_wait3A_35 = arith.constant 0 : i32
      %dma_wait3A_36 = tpu.memref_slice %arg2[%dma_wait3A, %dma_wait3A_35] : memref<16384x512xf32, #tpu.memory_space<hbm>> -> memref<64x512xf32, #tpu.memory_space<hbm>>
      %dma_wait3A_37 = arith.constant 0 : i32
      %dma_wait3A_38 = arith.constant 0 : i32
      %dma_wait3A_39 = tpu.memref_slice %arg2[%dma_wait3A_37, %dma_wait3A_38] : memref<16384x512xf32, #tpu.memory_space<hbm>> -> memref<64x512xf32, #tpu.memory_space<hbm>>
      tpu.wait_dma2 semaphore(%arg10 : memref<!tpu.dma_semaphore, #tpu.memory_space<semaphore_mem>>) src(%dma_wait3A_39 : memref<64x512xf32, #tpu.memory_space<hbm>>) dst(%arg6 : memref<64x512xf32, #tpu.memory_space<vmem>>)
      %lt3A = arith.constant 7 : i32
      %lt3A_40 = arith.cmpi slt, %add3A_34, %lt3A : i32
      %convert_element_type3A = arith.extui %lt3A_40 : i1 to i32
      %cond3A = arith.constant 0 : i32
      %cond3A_41 = arith.cmpi ne, %convert_element_type3A, %cond3A : i32
      scf.if %cond3A_41 {
        %add3A_85 = arith.constant 1 : i32
        %add3A_86 = arith.addi %add3A_34, %add3A_85 : i32
        %mul3A_87 = arith.constant 64 : i32
        %mul3A_88 = arith.muli %add3A_86, %mul3A_87 : i32
        %add3A_89 = arith.addi %add3A_4, %mul3A_88 : i32
        %multiple_of3A_90 = tpu.assume_multiple %add3A_89, 64 : i32
        %dma_start3A_91 = arith.constant 0 : i32
        %dma_start3A_92 = tpu.memref_slice %arg2[%multiple_of3A_90, %dma_start3A_91] : memref<16384x512xf32, #tpu.memory_space<hbm>> -> memref<64x512xf32, #tpu.memory_space<hbm>>
        %dma_start3A_93 = arith.constant 0 : i32
        %dma_start3A_94 = tpu.memref_slice %arg2[%multiple_of3A_90, %dma_start3A_93] : memref<16384x512xf32, #tpu.memory_space<hbm>> -> memref<64x512xf32, #tpu.memory_space<hbm>>
        tpu.enqueue_dma source(%dma_start3A_94 : memref<64x512xf32, #tpu.memory_space<hbm>>) target(%arg7 : memref<64x512xf32, #tpu.memory_space<vmem>>) target_semaphore(%arg11 : memref<!tpu.dma_semaphore, #tpu.memory_space<semaphore_mem>>)
      } else {
      }
      %mul3A_42 = arith.constant 64 : i32
      %mul3A_43 = arith.muli %add3A_34, %mul3A_42 : i32
      %add3A_44 = arith.addi %mul3A_6, %mul3A_43 : i32
      %multiple_of3A_45 = tpu.assume_multiple %add3A_44, 64 : i32
      %parallel_loop3A = arith.constant 0 : i32
      %parallel_loop3A_46 = arith.constant 64 : i32
      %parallel_loop3A_47 = arith.constant 1 : i32
      scf.for %parallel_loop3A_85 = %parallel_loop3A to %parallel_loop3A_46 step %parallel_loop3A_47  : i32 {
        %parallel_loop3A_86 = arith.index_cast %parallel_loop3A_85 : i32 to index
        %parallel_loop3A_87 = arith.constant 0 : index
        %parallel_loop3A_88 = tpu.vector_load %arg6[%parallel_loop3A_86, %parallel_loop3A_87] {strides = array<i32>} : memref<64x512xf32, #tpu.memory_space<vmem>>, vector<16xf32>,
        %parallel_loop3A_89 = math.absf %parallel_loop3A_88 : vector<16xf32>
        %parallel_loop3A_90 = arith.constant dense<true> : vector<16xi1>
        %parallel_loop3A_91, %parallel_loop3A_92, %parallel_loop3A_93 = tpu.sort %parallel_loop3A_89, %parallel_loop3A_89 masked %parallel_loop3A_90 : (vector<16xf32>, vector<16xf32>, vector<16xi1>) -> (vector<16xi1>, vector<16xf32>, vector<16xf32>)
        %parallel_loop3A_94 = arith.index_cast %parallel_loop3A_85 : i32 to index
        %parallel_loop3A_95 = arith.constant 16 : index
        %parallel_loop3A_96 = tpu.vector_load %arg6[%parallel_loop3A_94, %parallel_loop3A_95] {strides = array<i32>} : memref<64x512xf32, #tpu.memory_space<vmem>>, vector<16xf32>,
        %parallel_loop3A_97 = math.absf %parallel_loop3A_96 : vector<16xf32>
        %parallel_loop3A_98 = arith.constant dense<true> : vector<16xi1>
        %parallel_loop3A_99, %parallel_loop3A_100, %parallel_loop3A_101 = tpu.sort %parallel_loop3A_97, %parallel_loop3A_97 masked %parallel_loop3A_98 {descending = true} : (vector<16xf32>, vector<16xf32>, vector<16xi1>) -> (vector<16xi1>, vector<16xf32>, vector<16xf32>)
        %parallel_loop3A_102 = arith.index_cast %parallel_loop3A_85 : i32 to index
        %parallel_loop3A_103 = arith.constant 32 : index
        %parallel_loop3A_104 = tpu.vector_load %arg6[%parallel_loop3A_102, %parallel_loop3A_103] {strides = array<i32>} : memref<64x512xf32, #tpu.memory_space<vmem>>, vector<16xf32>,
        %parallel_loop3A_105 = math.absf %parallel_loop3A_104 : vector<16xf32>
        %parallel_loop3A_106 = arith.constant dense<true> : vector<16xi1>
        %parallel_loop3A_107, %parallel_loop3A_108, %parallel_loop3A_109 = tpu.sort %parallel_loop3A_105, %parallel_loop3A_105 masked %parallel_loop3A_106 : (vector<16xf32>, vector<16xf32>, vector<16xi1>) -> (vector<16xi1>, vector<16xf32>, vector<16xf32>)
        %parallel_loop3A_110 = arith.index_cast %parallel_loop3A_85 : i32 to index
        %parallel_loop3A_111 = arith.constant 48 : index
        %parallel_loop3A_112 = tpu.vector_load %arg6[%parallel_loop3A_110, %parallel_loop3A_111] {strides = array<i32>} : memref<64x512xf32, #tpu.memory_space<vmem>>, vector<16xf32>,
        %parallel_loop3A_113 = math.absf %parallel_loop3A_112 : vector<16xf32>
        %parallel_loop3A_114 = arith.constant dense<true> : vector<16xi1>
        %parallel_loop3A_115, %parallel_loop3A_116, %parallel_loop3A_117 = tpu.sort %parallel_loop3A_113, %parallel_loop3A_113 masked %parallel_loop3A_114 {descending = true} : (vector<16xf32>, vector<16xf32>, vector<16xi1>) -> (vector<16xi1>, vector<16xf32>, vector<16xf32>)
        %parallel_loop3A_118 = arith.index_cast %parallel_loop3A_85 : i32 to index
        %parallel_loop3A_119 = arith.constant 64 : index
        %parallel_loop3A_120 = tpu.vector_load %arg6[%parallel_loop3A_118, %parallel_loop3A_119] {strides = array<i32>} : memref<64x512xf32, #tpu.memory_space<vmem>>, vector<16xf32>,
        %parallel_loop3A_121 = math.absf %parallel_loop3A_120 : vector<16xf32>
        %parallel_loop3A_122 = arith.constant dense<true> : vector<16xi1>
        %parallel_loop3A_123, %parallel_loop3A_124, %parallel_loop3A_125 = tpu.sort %parallel_loop3A_121, %parallel_loop3A_121 masked %parallel_loop3A_122 : (vector<16xf32>, vector<16xf32>, vector<16xi1>) -> (vector<16xi1>, vector<16xf32>, vector<16xf32>)
        %parallel_loop3A_126 = arith.index_cast %parallel_loop3A_85 : i32 to index
        %parallel_loop3A_127 = arith.constant 80 : index
        %parallel_loop3A_128 = tpu.vector_load %arg6[%parallel_loop3A_126, %parallel_loop3A_127] {strides = array<i32>} : memref<64x512xf32, #tpu.memory_space<vmem>>, vector<16xf32>,
        %parallel_loop3A_129 = math.absf %parallel_loop3A_128 : vector<16xf32>
        %parallel_loop3A_130 = arith.constant dense<true> : vector<16xi1>
        %parallel_loop3A_131, %parallel_loop3A_132, %parallel_loop3A_133 = tpu.sort %parallel_loop3A_129, %parallel_loop3A_129 masked %parallel_loop3A_130 {descending = true} : (vector<16xf32>, vector<16xf32>, vector<16xi1>) -> (vector<16xi1>, vector<16xf32>, vector<16xf32>)
        %parallel_loop3A_134 = arith.index_cast %parallel_loop3A_85 : i32 to index
        %parallel_loop3A_135 = arith.constant 96 : index
        %parallel_loop3A_136 = tpu.vector_load %arg6[%parallel_loop3A_134, %parallel_loop3A_135] {strides = array<i32>} : memref<64x512xf32, #tpu.memory_space<vmem>>, vector<16xf32>,
        %parallel_loop3A_137 = math.absf %parallel_loop3A_136 : vector<16xf32>
        %parallel_loop3A_138 = arith.constant dense<true> : vector<16xi1>
        %parallel_loop3A_139, %parallel_loop3A_140, %parallel_loop3A_141 = tpu.sort %parallel_loop3A_137, %parallel_loop3A_137 masked %parallel_loop3A_138 : (vector<16xf32>, vector<16xf32>, vector<16xi1>) -> (vector<16xi1>, vector<16xf32>, vector<16xf32>)
        %parallel_loop3A_142 = arith.index_cast %parallel_loop3A_85 : i32 to index
        %parallel_loop3A_143 = arith.constant 112 : index
        %parallel_loop3A_144 = tpu.vector_load %arg6[%parallel_loop3A_142, %parallel_loop3A_143] {strides = array<i32>} : memref<64x512xf32, #tpu.memory_space<vmem>>, vector<16xf32>,
        %parallel_loop3A_145 = math.absf %parallel_loop3A_144 : vector<16xf32>
        %parallel_loop3A_146 = arith.constant dense<true> : vector<16xi1>
        %parallel_loop3A_147, %parallel_loop3A_148, %parallel_loop3A_149 = tpu.sort %parallel_loop3A_145, %parallel_loop3A_145 masked %parallel_loop3A_146 {descending = true} : (vector<16xf32>, vector<16xf32>, vector<16xi1>) -> (vector<16xi1>, vector<16xf32>, vector<16xf32>)
        %parallel_loop3A_150 = arith.index_cast %parallel_loop3A_85 : i32 to index
        %parallel_loop3A_151 = arith.constant 128 : index
        %parallel_loop3A_152 = tpu.vector_load %arg6[%parallel_loop3A_150, %parallel_loop3A_151] {strides = array<i32>} : memref<64x512xf32, #tpu.memory_space<vmem>>, vector<16xf32>,
        %parallel_loop3A_153 = math.absf %parallel_loop3A_152 : vector<16xf32>
        %parallel_loop3A_154 = arith.constant dense<true> : vector<16xi1>
        %parallel_loop3A_155, %parallel_loop3A_156, %parallel_loop3A_157 = tpu.sort %parallel_loop3A_153, %parallel_loop3A_153 masked %parallel_loop3A_154 : (vector<16xf32>, vector<16xf32>, vector<16xi1>) -> (vector<16xi1>, vector<16xf32>, vector<16xf32>)
        %parallel_loop3A_158 = arith.index_cast %parallel_loop3A_85 : i32 to index
        %parallel_loop3A_159 = arith.constant 144 : index
        %parallel_loop3A_160 = tpu.vector_load %arg6[%parallel_loop3A_158, %parallel_loop3A_159] {strides = array<i32>} : memref<64x512xf32, #tpu.memory_space<vmem>>, vector<16xf32>,
        %parallel_loop3A_161 = math.absf %parallel_loop3A_160 : vector<16xf32>
        %parallel_loop3A_162 = arith.constant dense<true> : vector<16xi1>
        %parallel_loop3A_163, %parallel_loop3A_164, %parallel_loop3A_165 = tpu.sort %parallel_loop3A_161, %parallel_loop3A_161 masked %parallel_loop3A_162 {descending = true} : (vector<16xf32>, vector<16xf32>, vector<16xi1>) -> (vector<16xi1>, vector<16xf32>, vector<16xf32>)
        %parallel_loop3A_166 = arith.index_cast %parallel_loop3A_85 : i32 to index
        %parallel_loop3A_167 = arith.constant 160 : index
        %parallel_loop3A_168 = tpu.vector_load %arg6[%parallel_loop3A_166, %parallel_loop3A_167] {strides = array<i32>} : memref<64x512xf32, #tpu.memory_space<vmem>>, vector<16xf32>,
        %parallel_loop3A_169 = math.absf %parallel_loop3A_168 : vector<16xf32>
        %parallel_loop3A_170 = arith.constant dense<true> : vector<16xi1>
        %parallel_loop3A_171, %parallel_loop3A_172, %parallel_loop3A_173 = tpu.sort %parallel_loop3A_169, %parallel_loop3A_169 masked %parallel_loop3A_170 : (vector<16xf32>, vector<16xf32>, vector<16xi1>) -> (vector<16xi1>, vector<16xf32>, vector<16xf32>)
        %parallel_loop3A_174 = arith.index_cast %parallel_loop3A_85 : i32 to index
        %parallel_loop3A_175 = arith.constant 176 : index
        %parallel_loop3A_176 = tpu.vector_load %arg6[%parallel_loop3A_174, %parallel_loop3A_175] {strides = array<i32>} : memref<64x512xf32, #tpu.memory_space<vmem>>, vector<16xf32>,
        %parallel_loop3A_177 = math.absf %parallel_loop3A_176 : vector<16xf32>
        %parallel_loop3A_178 = arith.constant dense<true> : vector<16xi1>
        %parallel_loop3A_179, %parallel_loop3A_180, %parallel_loop3A_181 = tpu.sort %parallel_loop3A_177, %parallel_loop3A_177 masked %parallel_loop3A_178 {descending = true} : (vector<16xf32>, vector<16xf32>, vector<16xi1>) -> (vector<16xi1>, vector<16xf32>, vector<16xf32>)
        %parallel_loop3A_182 = arith.index_cast %parallel_loop3A_85 : i32 to index
        %parallel_loop3A_183 = arith.constant 192 : index
        %parallel_loop3A_184 = tpu.vector_load %arg6[%parallel_loop3A_182, %parallel_loop3A_183] {strides = array<i32>} : memref<64x512xf32, #tpu.memory_space<vmem>>, vector<16xf32>,
        %parallel_loop3A_185 = math.absf %parallel_loop3A_184 : vector<16xf32>
        %parallel_loop3A_186 = arith.constant dense<true> : vector<16xi1>
        %parallel_loop3A_187, %parallel_loop3A_188, %parallel_loop3A_189 = tpu.sort %parallel_loop3A_185, %parallel_loop3A_185 masked %parallel_loop3A_186 : (vector<16xf32>, vector<16xf32>, vector<16xi1>) -> (vector<16xi1>, vector<16xf32>, vector<16xf32>)
        %parallel_loop3A_190 = arith.index_cast %parallel_loop3A_85 : i32 to index
        %parallel_loop3A_191 = arith.constant 208 : index
        %parallel_loop3A_192 = tpu.vector_load %arg6[%parallel_loop3A_190, %parallel_loop3A_191] {strides = array<i32>} : memref<64x512xf32, #tpu.memory_space<vmem>>, vector<16xf32>,
        %parallel_loop3A_193 = math.absf %parallel_loop3A_192 : vector<16xf32>
        %parallel_loop3A_194 = arith.constant dense<true> : vector<16xi1>
        %parallel_loop3A_195, %parallel_loop3A_196, %parallel_loop3A_197 = tpu.sort %parallel_loop3A_193, %parallel_loop3A_193 masked %parallel_loop3A_194 {descending = true} : (vector<16xf32>, vector<16xf32>, vector<16xi1>) -> (vector<16xi1>, vector<16xf32>, vector<16xf32>)
        %parallel_loop3A_198 = arith.index_cast %parallel_loop3A_85 : i32 to index
        %parallel_loop3A_199 = arith.constant 224 : index
        %parallel_loop3A_200 = tpu.vector_load %arg6[%parallel_loop3A_198, %parallel_loop3A_199] {strides = array<i32>} : memref<64x512xf32, #tpu.memory_space<vmem>>, vector<16xf32>,
        %parallel_loop3A_201 = math.absf %parallel_loop3A_200 : vector<16xf32>
        %parallel_loop3A_202 = arith.constant dense<true> : vector<16xi1>
        %parallel_loop3A_203, %parallel_loop3A_204, %parallel_loop3A_205 = tpu.sort %parallel_loop3A_201, %parallel_loop3A_201 masked %parallel_loop3A_202 : (vector<16xf32>, vector<16xf32>, vector<16xi1>) -> (vector<16xi1>, vector<16xf32>, vector<16xf32>)
        %parallel_loop3A_206 = arith.index_cast %parallel_loop3A_85 : i32 to index
        %parallel_loop3A_207 = arith.constant 240 : index
        %parallel_loop3A_208 = tpu.vector_load %arg6[%parallel_loop3A_206, %parallel_loop3A_207] {strides = array<i32>} : memref<64x512xf32, #tpu.memory_space<vmem>>, vector<16xf32>,
        %parallel_loop3A_209 = math.absf %parallel_loop3A_208 : vector<16xf32>
        %parallel_loop3A_210 = arith.constant dense<true> : vector<16xi1>
        %parallel_loop3A_211, %parallel_loop3A_212, %parallel_loop3A_213 = tpu.sort %parallel_loop3A_209, %parallel_loop3A_209 masked %parallel_loop3A_210 {descending = true} : (vector<16xf32>, vector<16xf32>, vector<16xi1>) -> (vector<16xi1>, vector<16xf32>, vector<16xf32>)
        %parallel_loop3A_214 = arith.index_cast %parallel_loop3A_85 : i32 to index
        %parallel_loop3A_215 = arith.constant 256 : index
        %parallel_loop3A_216 = tpu.vector_load %arg6[%parallel_loop3A_214, %parallel_loop3A_215] {strides = array<i32>} : memref<64x512xf32, #tpu.memory_space<vmem>>, vector<16xf32>,
        %parallel_loop3A_217 = math.absf %parallel_loop3A_216 : vector<16xf32>
        %parallel_loop3A_218 = arith.constant dense<true> : vector<16xi1>
        %parallel_loop3A_219, %parallel_loop3A_220, %parallel_loop3A_221 = tpu.sort %parallel_loop3A_217, %parallel_loop3A_217 masked %parallel_loop3A_218 : (vector<16xf32>, vector<16xf32>, vector<16xi1>) -> (vector<16xi1>, vector<16xf32>, vector<16xf32>)
        %parallel_loop3A_222 = arith.index_cast %parallel_loop3A_85 : i32 to index
        %parallel_loop3A_223 = arith.constant 272 : index
        %parallel_loop3A_224 = tpu.vector_load %arg6[%parallel_loop3A_222, %parallel_loop3A_223] {strides = array<i32>} : memref<64x512xf32, #tpu.memory_space<vmem>>, vector<16xf32>,
        %parallel_loop3A_225 = math.absf %parallel_loop3A_224 : vector<16xf32>
        %parallel_loop3A_226 = arith.constant dense<true> : vector<16xi1>
        %parallel_loop3A_227, %parallel_loop3A_228, %parallel_loop3A_229 = tpu.sort %parallel_loop3A_225, %parallel_loop3A_225 masked %parallel_loop3A_226 {descending = true} : (vector<16xf32>, vector<16xf32>, vector<16xi1>) -> (vector<16xi1>, vector<16xf32>, vector<16xf32>)
        %parallel_loop3A_230 = arith.index_cast %parallel_loop3A_85 : i32 to index
        %parallel_loop3A_231 = arith.constant 288 : index
        %parallel_loop3A_232 = tpu.vector_load %arg6[%parallel_loop3A_230, %parallel_loop3A_231] {strides = array<i32>} : memref<64x512xf32, #tpu.memory_space<vmem>>, vector<16xf32>,
        %parallel_loop3A_233 = math.absf %parallel_loop3A_232 : vector<16xf32>
        %parallel_loop3A_234 = arith.constant dense<true> : vector<16xi1>
        %parallel_loop3A_235, %parallel_loop3A_236, %parallel_loop3A_237 = tpu.sort %parallel_loop3A_233, %parallel_loop3A_233 masked %parallel_loop3A_234 : (vector<16xf32>, vector<16xf32>, vector<16xi1>) -> (vector<16xi1>, vector<16xf32>, vector<16xf32>)
        %parallel_loop3A_238 = arith.index_cast %parallel_loop3A_85 : i32 to index
        %parallel_loop3A_239 = arith.constant 304 : index
        %parallel_loop3A_240 = tpu.vector_load %arg6[%parallel_loop3A_238, %parallel_loop3A_239] {strides = array<i32>} : memref<64x512xf32, #tpu.memory_space<vmem>>, vector<16xf32>,
        %parallel_loop3A_241 = math.absf %parallel_loop3A_240 : vector<16xf32>
        %parallel_loop3A_242 = arith.constant dense<true> : vector<16xi1>
        %parallel_loop3A_243, %parallel_loop3A_244, %parallel_loop3A_245 = tpu.sort %parallel_loop3A_241, %parallel_loop3A_241 masked %parallel_loop3A_242 {descending = true} : (vector<16xf32>, vector<16xf32>, vector<16xi1>) -> (vector<16xi1>, vector<16xf32>, vector<16xf32>)
        %parallel_loop3A_246 = arith.index_cast %parallel_loop3A_85 : i32 to index
        %parallel_loop3A_247 = arith.constant 320 : index
        %parallel_loop3A_248 = tpu.vector_load %arg6[%parallel_loop3A_246, %parallel_loop3A_247] {strides = array<i32>} : memref<64x512xf32, #tpu.memory_space<vmem>>, vector<16xf32>,
        %parallel_loop3A_249 = math.absf %parallel_loop3A_248 : vector<16xf32>
        %parallel_loop3A_250 = arith.constant dense<true> : vector<16xi1>
        %parallel_loop3A_251, %parallel_loop3A_252, %parallel_loop3A_253 = tpu.sort %parallel_loop3A_249, %parallel_loop3A_249 masked %parallel_loop3A_250 : (vector<16xf32>, vector<16xf32>, vector<16xi1>) -> (vector<16xi1>, vector<16xf32>, vector<16xf32>)
        %parallel_loop3A_254 = arith.index_cast %parallel_loop3A_85 : i32 to index
        %parallel_loop3A_255 = arith.constant 336 : index
        %parallel_loop3A_256 = tpu.vector_load %arg6[%parallel_loop3A_254, %parallel_loop3A_255] {strides = array<i32>} : memref<64x512xf32, #tpu.memory_space<vmem>>, vector<16xf32>,
        %parallel_loop3A_257 = math.absf %parallel_loop3A_256 : vector<16xf32>
        %parallel_loop3A_258 = arith.constant dense<true> : vector<16xi1>
        %parallel_loop3A_259, %parallel_loop3A_260, %parallel_loop3A_261 = tpu.sort %parallel_loop3A_257, %parallel_loop3A_257 masked %parallel_loop3A_258 {descending = true} : (vector<16xf32>, vector<16xf32>, vector<16xi1>) -> (vector<16xi1>, vector<16xf32>, vector<16xf32>)
        %parallel_loop3A_262 = arith.index_cast %parallel_loop3A_85 : i32 to index
        %parallel_loop3A_263 = arith.constant 352 : index
        %parallel_loop3A_264 = tpu.vector_load %arg6[%parallel_loop3A_262, %parallel_loop3A_263] {strides = array<i32>} : memref<64x512xf32, #tpu.memory_space<vmem>>, vector<16xf32>,
        %parallel_loop3A_265 = math.absf %parallel_loop3A_264 : vector<16xf32>
        %parallel_loop3A_266 = arith.constant dense<true> : vector<16xi1>
        %parallel_loop3A_267, %parallel_loop3A_268, %parallel_loop3A_269 = tpu.sort %parallel_loop3A_265, %parallel_loop3A_265 masked %parallel_loop3A_266 : (vector<16xf32>, vector<16xf32>, vector<16xi1>) -> (vector<16xi1>, vector<16xf32>, vector<16xf32>)
        %parallel_loop3A_270 = arith.index_cast %parallel_loop3A_85 : i32 to index
        %parallel_loop3A_271 = arith.constant 368 : index
        %parallel_loop3A_272 = tpu.vector_load %arg6[%parallel_loop3A_270, %parallel_loop3A_271] {strides = array<i32>} : memref<64x512xf32, #tpu.memory_space<vmem>>, vector<16xf32>,
        %parallel_loop3A_273 = math.absf %parallel_loop3A_272 : vector<16xf32>
        %parallel_loop3A_274 = arith.constant dense<true> : vector<16xi1>
        %parallel_loop3A_275, %parallel_loop3A_276, %parallel_loop3A_277 = tpu.sort %parallel_loop3A_273, %parallel_loop3A_273 masked %parallel_loop3A_274 {descending = true} : (vector<16xf32>, vector<16xf32>, vector<16xi1>) -> (vector<16xi1>, vector<16xf32>, vector<16xf32>)
        %parallel_loop3A_278 = arith.index_cast %parallel_loop3A_85 : i32 to index
        %parallel_loop3A_279 = arith.constant 384 : index
        %parallel_loop3A_280 = tpu.vector_load %arg6[%parallel_loop3A_278, %parallel_loop3A_279] {strides = array<i32>} : memref<64x512xf32, #tpu.memory_space<vmem>>, vector<16xf32>,
        %parallel_loop3A_281 = math.absf %parallel_loop3A_280 : vector<16xf32>
        %parallel_loop3A_282 = arith.constant dense<true> : vector<16xi1>
        %parallel_loop3A_283, %parallel_loop3A_284, %parallel_loop3A_285 = tpu.sort %parallel_loop3A_281, %parallel_loop3A_281 masked %parallel_loop3A_282 : (vector<16xf32>, vector<16xf32>, vector<16xi1>) -> (vector<16xi1>, vector<16xf32>, vector<16xf32>)
        %parallel_loop3A_286 = arith.index_cast %parallel_loop3A_85 : i32 to index
        %parallel_loop3A_287 = arith.constant 400 : index
        %parallel_loop3A_288 = tpu.vector_load %arg6[%parallel_loop3A_286, %parallel_loop3A_287] {strides = array<i32>} : memref<64x512xf32, #tpu.memory_space<vmem>>, vector<16xf32>,
        %parallel_loop3A_289 = math.absf %parallel_loop3A_288 : vector<16xf32>
        %parallel_loop3A_290 = arith.constant dense<true> : vector<16xi1>
        %parallel_loop3A_291, %parallel_loop3A_292, %parallel_loop3A_293 = tpu.sort %parallel_loop3A_289, %parallel_loop3A_289 masked %parallel_loop3A_290 {descending = true} : (vector<16xf32>, vector<16xf32>, vector<16xi1>) -> (vector<16xi1>, vector<16xf32>, vector<16xf32>)
        %parallel_loop3A_294 = arith.index_cast %parallel_loop3A_85 : i32 to index
        %parallel_loop3A_295 = arith.constant 416 : index
        %parallel_loop3A_296 = tpu.vector_load %arg6[%parallel_loop3A_294, %parallel_loop3A_295] {strides = array<i32>} : memref<64x512xf32, #tpu.memory_space<vmem>>, vector<16xf32>,
        %parallel_loop3A_297 = math.absf %parallel_loop3A_296 : vector<16xf32>
        %parallel_loop3A_298 = arith.constant dense<true> : vector<16xi1>
        %parallel_loop3A_299, %parallel_loop3A_300, %parallel_loop3A_301 = tpu.sort %parallel_loop3A_297, %parallel_loop3A_297 masked %parallel_loop3A_298 : (vector<16xf32>, vector<16xf32>, vector<16xi1>) -> (vector<16xi1>, vector<16xf32>, vector<16xf32>)
        %parallel_loop3A_302 = arith.index_cast %parallel_loop3A_85 : i32 to index
        %parallel_loop3A_303 = arith.constant 432 : index
        %parallel_loop3A_304 = tpu.vector_load %arg6[%parallel_loop3A_302, %parallel_loop3A_303] {strides = array<i32>} : memref<64x512xf32, #tpu.memory_space<vmem>>, vector<16xf32>,
        %parallel_loop3A_305 = math.absf %parallel_loop3A_304 : vector<16xf32>
        %parallel_loop3A_306 = arith.constant dense<true> : vector<16xi1>
        %parallel_loop3A_307, %parallel_loop3A_308, %parallel_loop3A_309 = tpu.sort %parallel_loop3A_305, %parallel_loop3A_305 masked %parallel_loop3A_306 {descending = true} : (vector<16xf32>, vector<16xf32>, vector<16xi1>) -> (vector<16xi1>, vector<16xf32>, vector<16xf32>)
        %parallel_loop3A_310 = arith.index_cast %parallel_loop3A_85 : i32 to index
        %parallel_loop3A_311 = arith.constant 448 : index
        %parallel_loop3A_312 = tpu.vector_load %arg6[%parallel_loop3A_310, %parallel_loop3A_311] {strides = array<i32>} : memref<64x512xf32, #tpu.memory_space<vmem>>, vector<16xf32>,
        %parallel_loop3A_313 = math.absf %parallel_loop3A_312 : vector<16xf32>
        %parallel_loop3A_314 = arith.constant dense<true> : vector<16xi1>
        %parallel_loop3A_315, %parallel_loop3A_316, %parallel_loop3A_317 = tpu.sort %parallel_loop3A_313, %parallel_loop3A_313 masked %parallel_loop3A_314 : (vector<16xf32>, vector<16xf32>, vector<16xi1>) -> (vector<16xi1>, vector<16xf32>, vector<16xf32>)
        %parallel_loop3A_318 = arith.index_cast %parallel_loop3A_85 : i32 to index
        %parallel_loop3A_319 = arith.constant 464 : index
        %parallel_loop3A_320 = tpu.vector_load %arg6[%parallel_loop3A_318, %parallel_loop3A_319] {strides = array<i32>} : memref<64x512xf32, #tpu.memory_space<vmem>>, vector<16xf32>,
        %parallel_loop3A_321 = math.absf %parallel_loop3A_320 : vector<16xf32>
        %parallel_loop3A_322 = arith.constant dense<true> : vector<16xi1>
        %parallel_loop3A_323, %parallel_loop3A_324, %parallel_loop3A_325 = tpu.sort %parallel_loop3A_321, %parallel_loop3A_321 masked %parallel_loop3A_322 {descending = true} : (vector<16xf32>, vector<16xf32>, vector<16xi1>) -> (vector<16xi1>, vector<16xf32>, vector<16xf32>)
        %parallel_loop3A_326 = arith.index_cast %parallel_loop3A_85 : i32 to index
        %parallel_loop3A_327 = arith.constant 480 : index
        %parallel_loop3A_328 = tpu.vector_load %arg6[%parallel_loop3A_326, %parallel_loop3A_327] {strides = array<i32>} : memref<64x512xf32, #tpu.memory_space<vmem>>, vector<16xf32>,
        %parallel_loop3A_329 = math.absf %parallel_loop3A_328 : vector<16xf32>
        %parallel_loop3A_330 = arith.constant dense<true> : vector<16xi1>
        %parallel_loop3A_331, %parallel_loop3A_332, %parallel_loop3A_333 = tpu.sort %parallel_loop3A_329, %parallel_loop3A_329 masked %parallel_loop3A_330 : (vector<16xf32>, vector<16xf32>, vector<16xi1>) -> (vector<16xi1>, vector<16xf32>, vector<16xf32>)
        %parallel_loop3A_334 = arith.index_cast %parallel_loop3A_85 : i32 to index
        %parallel_loop3A_335 = arith.constant 496 : index
        %parallel_loop3A_336 = tpu.vector_load %arg6[%parallel_loop3A_334, %parallel_loop3A_335] {strides = array<i32>} : memref<64x512xf32, #tpu.memory_space<vmem>>, vector<16xf32>,
        %parallel_loop3A_337 = math.absf %parallel_loop3A_336 : vector<16xf32>
        %parallel_loop3A_338 = arith.constant dense<true> : vector<16xi1>
        %parallel_loop3A_339, %parallel_loop3A_340, %parallel_loop3A_341 = tpu.sort %parallel_loop3A_337, %parallel_loop3A_337 masked %parallel_loop3A_338 {descending = true} : (vector<16xf32>, vector<16xf32>, vector<16xi1>) -> (vector<16xi1>, vector<16xf32>, vector<16xf32>)
        %parallel_loop3A_342 = arith.minimumf %parallel_loop3A_92, %parallel_loop3A_100 : vector<16xf32>
        %parallel_loop3A_343 = arith.maximumf %parallel_loop3A_92, %parallel_loop3A_100 : vector<16xf32>
        %parallel_loop3A_344 = arith.constant dense<true> : vector<16xi1>
        %parallel_loop3A_345, %parallel_loop3A_346, %parallel_loop3A_347 = tpu.sort %parallel_loop3A_342, %parallel_loop3A_342 masked %parallel_loop3A_344 : (vector<16xf32>, vector<16xf32>, vector<16xi1>) -> (vector<16xi1>, vector<16xf32>, vector<16xf32>)
        %parallel_loop3A_348 = arith.constant dense<true> : vector<16xi1>
        %parallel_loop3A_349, %parallel_loop3A_350, %parallel_loop3A_351 = tpu.sort %parallel_loop3A_343, %parallel_loop3A_343 masked %parallel_loop3A_348 : (vector<16xf32>, vector<16xf32>, vector<16xi1>) -> (vector<16xi1>, vector<16xf32>, vector<16xf32>)
        %parallel_loop3A_352 = arith.minimumf %parallel_loop3A_108, %parallel_loop3A_116 : vector<16xf32>
        %parallel_loop3A_353 = arith.maximumf %parallel_loop3A_108, %parallel_loop3A_116 : vector<16xf32>
        %parallel_loop3A_354 = arith.constant dense<true> : vector<16xi1>
        %parallel_loop3A_355, %parallel_loop3A_356, %parallel_loop3A_357 = tpu.sort %parallel_loop3A_353, %parallel_loop3A_353 masked %parallel_loop3A_354 {descending = true} : (vector<16xf32>, vector<16xf32>, vector<16xi1>) -> (vector<16xi1>, vector<16xf32>, vector<16xf32>)
        %parallel_loop3A_358 = arith.constant dense<true> : vector<16xi1>
        %parallel_loop3A_359, %parallel_loop3A_360, %parallel_loop3A_361 = tpu.sort %parallel_loop3A_352, %parallel_loop3A_352 masked %parallel_loop3A_358 {descending = true} : (vector<16xf32>, vector<16xf32>, vector<16xi1>) -> (vector<16xi1>, vector<16xf32>, vector<16xf32>)
        %parallel_loop3A_362 = arith.minimumf %parallel_loop3A_124, %parallel_loop3A_132 : vector<16xf32>
        %parallel_loop3A_363 = arith.maximumf %parallel_loop3A_124, %parallel_loop3A_132 : vector<16xf32>
        %parallel_loop3A_364 = arith.constant dense<true> : vector<16xi1>
        %parallel_loop3A_365, %parallel_loop3A_366, %parallel_loop3A_367 = tpu.sort %parallel_loop3A_362, %parallel_loop3A_362 masked %parallel_loop3A_364 : (vector<16xf32>, vector<16xf32>, vector<16xi1>) -> (vector<16xi1>, vector<16xf32>, vector<16xf32>)
        %parallel_loop3A_368 = arith.constant dense<true> : vector<16xi1>
        %parallel_loop3A_369, %parallel_loop3A_370, %parallel_loop3A_371 = tpu.sort %parallel_loop3A_363, %parallel_loop3A_363 masked %parallel_loop3A_368 : (vector<16xf32>, vector<16xf32>, vector<16xi1>) -> (vector<16xi1>, vector<16xf32>, vector<16xf32>)
        %parallel_loop3A_372 = arith.minimumf %parallel_loop3A_140, %parallel_loop3A_148 : vector<16xf32>
        %parallel_loop3A_373 = arith.maximumf %parallel_loop3A_140, %parallel_loop3A_148 : vector<16xf32>
        %parallel_loop3A_374 = arith.constant dense<true> : vector<16xi1>
        %parallel_loop3A_375, %parallel_loop3A_376, %parallel_loop3A_377 = tpu.sort %parallel_loop3A_373, %parallel_loop3A_373 masked %parallel_loop3A_374 {descending = true} : (vector<16xf32>, vector<16xf32>, vector<16xi1>) -> (vector<16xi1>, vector<16xf32>, vector<16xf32>)
        %parallel_loop3A_378 = arith.constant dense<true> : vector<16xi1>
        %parallel_loop3A_379, %parallel_loop3A_380, %parallel_loop3A_381 = tpu.sort %parallel_loop3A_372, %parallel_loop3A_372 masked %parallel_loop3A_378 {descending = true} : (vector<16xf32>, vector<16xf32>, vector<16xi1>) -> (vector<16xi1>, vector<16xf32>, vector<16xf32>)
        %parallel_loop3A_382 = arith.minimumf %parallel_loop3A_156, %parallel_loop3A_164 : vector<16xf32>
        %parallel_loop3A_383 = arith.maximumf %parallel_loop3A_156, %parallel_loop3A_164 : vector<16xf32>
        %parallel_loop3A_384 = arith.constant dense<true> : vector<16xi1>
        %parallel_loop3A_385, %parallel_loop3A_386, %parallel_loop3A_387 = tpu.sort %parallel_loop3A_382, %parallel_loop3A_382 masked %parallel_loop3A_384 : (vector<16xf32>, vector<16xf32>, vector<16xi1>) -> (vector<16xi1>, vector<16xf32>, vector<16xf32>)
        %parallel_loop3A_388 = arith.constant dense<true> : vector<16xi1>
        %parallel_loop3A_389, %parallel_loop3A_390, %parallel_loop3A_391 = tpu.sort %parallel_loop3A_383, %parallel_loop3A_383 masked %parallel_loop3A_388 : (vector<16xf32>, vector<16xf32>, vector<16xi1>) -> (vector<16xi1>, vector<16xf32>, vector<16xf32>)
        %parallel_loop3A_392 = arith.minimumf %parallel_loop3A_172, %parallel_loop3A_180 : vector<16xf32>
        %parallel_loop3A_393 = arith.maximumf %parallel_loop3A_172, %parallel_loop3A_180 : vector<16xf32>
        %parallel_loop3A_394 = arith.constant dense<true> : vector<16xi1>
        %parallel_loop3A_395, %parallel_loop3A_396, %parallel_loop3A_397 = tpu.sort %parallel_loop3A_393, %parallel_loop3A_393 masked %parallel_loop3A_394 {descending = true} : (vector<16xf32>, vector<16xf32>, vector<16xi1>) -> (vector<16xi1>, vector<16xf32>, vector<16xf32>)
        %parallel_loop3A_398 = arith.constant dense<true> : vector<16xi1>
        %parallel_loop3A_399, %parallel_loop3A_400, %parallel_loop3A_401 = tpu.sort %parallel_loop3A_392, %parallel_loop3A_392 masked %parallel_loop3A_398 {descending = true} : (vector<16xf32>, vector<16xf32>, vector<16xi1>) -> (vector<16xi1>, vector<16xf32>, vector<16xf32>)
        %parallel_loop3A_402 = arith.minimumf %parallel_loop3A_188, %parallel_loop3A_196 : vector<16xf32>
        %parallel_loop3A_403 = arith.maximumf %parallel_loop3A_188, %parallel_loop3A_196 : vector<16xf32>
        %parallel_loop3A_404 = arith.constant dense<true> : vector<16xi1>
        %parallel_loop3A_405, %parallel_loop3A_406, %parallel_loop3A_407 = tpu.sort %parallel_loop3A_402, %parallel_loop3A_402 masked %parallel_loop3A_404 : (vector<16xf32>, vector<16xf32>, vector<16xi1>) -> (vector<16xi1>, vector<16xf32>, vector<16xf32>)
        %parallel_loop3A_408 = arith.constant dense<true> : vector<16xi1>
        %parallel_loop3A_409, %parallel_loop3A_410, %parallel_loop3A_411 = tpu.sort %parallel_loop3A_403, %parallel_loop3A_403 masked %parallel_loop3A_408 : (vector<16xf32>, vector<16xf32>, vector<16xi1>) -> (vector<16xi1>, vector<16xf32>, vector<16xf32>)
        %parallel_loop3A_412 = arith.minimumf %parallel_loop3A_204, %parallel_loop3A_212 : vector<16xf32>
        %parallel_loop3A_413 = arith.maximumf %parallel_loop3A_204, %parallel_loop3A_212 : vector<16xf32>
        %parallel_loop3A_414 = arith.constant dense<true> : vector<16xi1>
        %parallel_loop3A_415, %parallel_loop3A_416, %parallel_loop3A_417 = tpu.sort %parallel_loop3A_413, %parallel_loop3A_413 masked %parallel_loop3A_414 {descending = true} : (vector<16xf32>, vector<16xf32>, vector<16xi1>) -> (vector<16xi1>, vector<16xf32>, vector<16xf32>)
        %parallel_loop3A_418 = arith.constant dense<true> : vector<16xi1>
        %parallel_loop3A_419, %parallel_loop3A_420, %parallel_loop3A_421 = tpu.sort %parallel_loop3A_412, %parallel_loop3A_412 masked %parallel_loop3A_418 {descending = true} : (vector<16xf32>, vector<16xf32>, vector<16xi1>) -> (vector<16xi1>, vector<16xf32>, vector<16xf32>)
        %parallel_loop3A_422 = arith.minimumf %parallel_loop3A_220, %parallel_loop3A_228 : vector<16xf32>
        %parallel_loop3A_423 = arith.maximumf %parallel_loop3A_220, %parallel_loop3A_228 : vector<16xf32>
        %parallel_loop3A_424 = arith.constant dense<true> : vector<16xi1>
        %parallel_loop3A_425, %parallel_loop3A_426, %parallel_loop3A_427 = tpu.sort %parallel_loop3A_422, %parallel_loop3A_422 masked %parallel_loop3A_424 : (vector<16xf32>, vector<16xf32>, vector<16xi1>) -> (vector<16xi1>, vector<16xf32>, vector<16xf32>)
        %parallel_loop3A_428 = arith.constant dense<true> : vector<16xi1>
        %parallel_loop3A_429, %parallel_loop3A_430, %parallel_loop3A_431 = tpu.sort %parallel_loop3A_423, %parallel_loop3A_423 masked %parallel_loop3A_428 : (vector<16xf32>, vector<16xf32>, vector<16xi1>) -> (vector<16xi1>, vector<16xf32>, vector<16xf32>)
        %parallel_loop3A_432 = arith.minimumf %parallel_loop3A_236, %parallel_loop3A_244 : vector<16xf32>
        %parallel_loop3A_433 = arith.maximumf %parallel_loop3A_236, %parallel_loop3A_244 : vector<16xf32>
        %parallel_loop3A_434 = arith.constant dense<true> : vector<16xi1>
        %parallel_loop3A_435, %parallel_loop3A_436, %parallel_loop3A_437 = tpu.sort %parallel_loop3A_433, %parallel_loop3A_433 masked %parallel_loop3A_434 {descending = true} : (vector<16xf32>, vector<16xf32>, vector<16xi1>) -> (vector<16xi1>, vector<16xf32>, vector<16xf32>)
        %parallel_loop3A_438 = arith.constant dense<true> : vector<16xi1>
        %parallel_loop3A_439, %parallel_loop3A_440, %parallel_loop3A_441 = tpu.sort %parallel_loop3A_432, %parallel_loop3A_432 masked %parallel_loop3A_438 {descending = true} : (vector<16xf32>, vector<16xf32>, vector<16xi1>) -> (vector<16xi1>, vector<16xf32>, vector<16xf32>)
        %parallel_loop3A_442 = arith.minimumf %parallel_loop3A_252, %parallel_loop3A_260 : vector<16xf32>
        %parallel_loop3A_443 = arith.maximumf %parallel_loop3A_252, %parallel_loop3A_260 : vector<16xf32>
        %parallel_loop3A_444 = arith.constant dense<true> : vector<16xi1>
        %parallel_loop3A_445, %parallel_loop3A_446, %parallel_loop3A_447 = tpu.sort %parallel_loop3A_442, %parallel_loop3A_442 masked %parallel_loop3A_444 : (vector<16xf32>, vector<16xf32>, vector<16xi1>) -> (vector<16xi1>, vector<16xf32>, vector<16xf32>)
        %parallel_loop3A_448 = arith.constant dense<true> : vector<16xi1>
        %parallel_loop3A_449, %parallel_loop3A_450, %parallel_loop3A_451 = tpu.sort %parallel_loop3A_443, %parallel_loop3A_443 masked %parallel_loop3A_448 : (vector<16xf32>, vector<16xf32>, vector<16xi1>) -> (vector<16xi1>, vector<16xf32>, vector<16xf32>)
        %parallel_loop3A_452 = arith.minimumf %parallel_loop3A_268, %parallel_loop3A_276 : vector<16xf32>
        %parallel_loop3A_453 = arith.maximumf %parallel_loop3A_268, %parallel_loop3A_276 : vector<16xf32>
        %parallel_loop3A_454 = arith.constant dense<true> : vector<16xi1>
        %parallel_loop3A_455, %parallel_loop3A_456, %parallel_loop3A_457 = tpu.sort %parallel_loop3A_453, %parallel_loop3A_453 masked %parallel_loop3A_454 {descending = true} : (vector<16xf32>, vector<16xf32>, vector<16xi1>) -> (vector<16xi1>, vector<16xf32>, vector<16xf32>)
        %parallel_loop3A_458 = arith.constant dense<true> : vector<16xi1>
        %parallel_loop3A_459, %parallel_loop3A_460, %parallel_loop3A_461 = tpu.sort %parallel_loop3A_452, %parallel_loop3A_452 masked %parallel_loop3A_458 {descending = true} : (vector<16xf32>, vector<16xf32>, vector<16xi1>) -> (vector<16xi1>, vector<16xf32>, vector<16xf32>)
        %parallel_loop3A_462 = arith.minimumf %parallel_loop3A_284, %parallel_loop3A_292 : vector<16xf32>
        %parallel_loop3A_463 = arith.maximumf %parallel_loop3A_284, %parallel_loop3A_292 : vector<16xf32>
        %parallel_loop3A_464 = arith.constant dense<true> : vector<16xi1>
        %parallel_loop3A_465, %parallel_loop3A_466, %parallel_loop3A_467 = tpu.sort %parallel_loop3A_462, %parallel_loop3A_462 masked %parallel_loop3A_464 : (vector<16xf32>, vector<16xf32>, vector<16xi1>) -> (vector<16xi1>, vector<16xf32>, vector<16xf32>)
        %parallel_loop3A_468 = arith.constant dense<true> : vector<16xi1>
        %parallel_loop3A_469, %parallel_loop3A_470, %parallel_loop3A_471 = tpu.sort %parallel_loop3A_463, %parallel_loop3A_463 masked %parallel_loop3A_468 : (vector<16xf32>, vector<16xf32>, vector<16xi1>) -> (vector<16xi1>, vector<16xf32>, vector<16xf32>)
        %parallel_loop3A_472 = arith.minimumf %parallel_loop3A_300, %parallel_loop3A_308 : vector<16xf32>
        %parallel_loop3A_473 = arith.maximumf %parallel_loop3A_300, %parallel_loop3A_308 : vector<16xf32>
        %parallel_loop3A_474 = arith.constant dense<true> : vector<16xi1>
        %parallel_loop3A_475, %parallel_loop3A_476, %parallel_loop3A_477 = tpu.sort %parallel_loop3A_473, %parallel_loop3A_473 masked %parallel_loop3A_474 {descending = true} : (vector<16xf32>, vector<16xf32>, vector<16xi1>) -> (vector<16xi1>, vector<16xf32>, vector<16xf32>)
        %parallel_loop3A_478 = arith.constant dense<true> : vector<16xi1>
        %parallel_loop3A_479, %parallel_loop3A_480, %parallel_loop3A_481 = tpu.sort %parallel_loop3A_472, %parallel_loop3A_472 masked %parallel_loop3A_478 {descending = true} : (vector<16xf32>, vector<16xf32>, vector<16xi1>) -> (vector<16xi1>, vector<16xf32>, vector<16xf32>)
        %parallel_loop3A_482 = arith.minimumf %parallel_loop3A_316, %parallel_loop3A_324 : vector<16xf32>
        %parallel_loop3A_483 = arith.maximumf %parallel_loop3A_316, %parallel_loop3A_324 : vector<16xf32>
        %parallel_loop3A_484 = arith.constant dense<true> : vector<16xi1>
        %parallel_loop3A_485, %parallel_loop3A_486, %parallel_loop3A_487 = tpu.sort %parallel_loop3A_482, %parallel_loop3A_482 masked %parallel_loop3A_484 : (vector<16xf32>, vector<16xf32>, vector<16xi1>) -> (vector<16xi1>, vector<16xf32>, vector<16xf32>)
        %parallel_loop3A_488 = arith.constant dense<true> : vector<16xi1>
        %parallel_loop3A_489, %parallel_loop3A_490, %parallel_loop3A_491 = tpu.sort %parallel_loop3A_483, %parallel_loop3A_483 masked %parallel_loop3A_488 : (vector<16xf32>, vector<16xf32>, vector<16xi1>) -> (vector<16xi1>, vector<16xf32>, vector<16xf32>)
        %parallel_loop3A_492 = arith.minimumf %parallel_loop3A_332, %parallel_loop3A_340 : vector<16xf32>
        %parallel_loop3A_493 = arith.maximumf %parallel_loop3A_332, %parallel_loop3A_340 : vector<16xf32>
        %parallel_loop3A_494 = arith.constant dense<true> : vector<16xi1>
        %parallel_loop3A_495, %parallel_loop3A_496, %parallel_loop3A_497 = tpu.sort %parallel_loop3A_493, %parallel_loop3A_493 masked %parallel_loop3A_494 {descending = true} : (vector<16xf32>, vector<16xf32>, vector<16xi1>) -> (vector<16xi1>, vector<16xf32>, vector<16xf32>)
        %parallel_loop3A_498 = arith.constant dense<true> : vector<16xi1>
        %parallel_loop3A_499, %parallel_loop3A_500, %parallel_loop3A_501 = tpu.sort %parallel_loop3A_492, %parallel_loop3A_492 masked %parallel_loop3A_498 {descending = true} : (vector<16xf32>, vector<16xf32>, vector<16xi1>) -> (vector<16xi1>, vector<16xf32>, vector<16xf32>)
        %parallel_loop3A_502 = arith.minimumf %parallel_loop3A_346, %parallel_loop3A_356 : vector<16xf32>
        %parallel_loop3A_503 = arith.minimumf %parallel_loop3A_350, %parallel_loop3A_360 : vector<16xf32>
        %parallel_loop3A_504 = arith.maximumf %parallel_loop3A_346, %parallel_loop3A_356 : vector<16xf32>
        %parallel_loop3A_505 = arith.maximumf %parallel_loop3A_350, %parallel_loop3A_360 : vector<16xf32>
        %parallel_loop3A_506 = arith.minimumf %parallel_loop3A_502, %parallel_loop3A_503 : vector<16xf32>
        %parallel_loop3A_507 = arith.maximumf %parallel_loop3A_502, %parallel_loop3A_503 : vector<16xf32>
        %parallel_loop3A_508 = arith.constant dense<true> : vector<16xi1>
        %parallel_loop3A_509, %parallel_loop3A_510, %parallel_loop3A_511 = tpu.sort %parallel_loop3A_506, %parallel_loop3A_506 masked %parallel_loop3A_508 : (vector<16xf32>, vector<16xf32>, vector<16xi1>) -> (vector<16xi1>, vector<16xf32>, vector<16xf32>)
        %parallel_loop3A_512 = arith.constant dense<true> : vector<16xi1>
        %parallel_loop3A_513, %parallel_loop3A_514, %parallel_loop3A_515 = tpu.sort %parallel_loop3A_507, %parallel_loop3A_507 masked %parallel_loop3A_512 : (vector<16xf32>, vector<16xf32>, vector<16xi1>) -> (vector<16xi1>, vector<16xf32>, vector<16xf32>)
        %parallel_loop3A_516 = arith.minimumf %parallel_loop3A_504, %parallel_loop3A_505 : vector<16xf32>
        %parallel_loop3A_517 = arith.maximumf %parallel_loop3A_504, %parallel_loop3A_505 : vector<16xf32>
        %parallel_loop3A_518 = arith.constant dense<true> : vector<16xi1>
        %parallel_loop3A_519, %parallel_loop3A_520, %parallel_loop3A_521 = tpu.sort %parallel_loop3A_516, %parallel_loop3A_516 masked %parallel_loop3A_518 : (vector<16xf32>, vector<16xf32>, vector<16xi1>) -> (vector<16xi1>, vector<16xf32>, vector<16xf32>)
        %parallel_loop3A_522 = arith.constant dense<true> : vector<16xi1>
        %parallel_loop3A_523, %parallel_loop3A_524, %parallel_loop3A_525 = tpu.sort %parallel_loop3A_517, %parallel_loop3A_517 masked %parallel_loop3A_522 : (vector<16xf32>, vector<16xf32>, vector<16xi1>) -> (vector<16xi1>, vector<16xf32>, vector<16xf32>)
        %parallel_loop3A_526 = arith.minimumf %parallel_loop3A_366, %parallel_loop3A_376 : vector<16xf32>
        %parallel_loop3A_527 = arith.minimumf %parallel_loop3A_370, %parallel_loop3A_380 : vector<16xf32>
        %parallel_loop3A_528 = arith.maximumf %parallel_loop3A_366, %parallel_loop3A_376 : vector<16xf32>
        %parallel_loop3A_529 = arith.maximumf %parallel_loop3A_370, %parallel_loop3A_380 : vector<16xf32>
        %parallel_loop3A_530 = arith.minimumf %parallel_loop3A_528, %parallel_loop3A_529 : vector<16xf32>
        %parallel_loop3A_531 = arith.maximumf %parallel_loop3A_528, %parallel_loop3A_529 : vector<16xf32>
        %parallel_loop3A_532 = arith.constant dense<true> : vector<16xi1>
        %parallel_loop3A_533, %parallel_loop3A_534, %parallel_loop3A_535 = tpu.sort %parallel_loop3A_531, %parallel_loop3A_531 masked %parallel_loop3A_532 {descending = true} : (vector<16xf32>, vector<16xf32>, vector<16xi1>) -> (vector<16xi1>, vector<16xf32>, vector<16xf32>)
        %parallel_loop3A_536 = arith.constant dense<true> : vector<16xi1>
        %parallel_loop3A_537, %parallel_loop3A_538, %parallel_loop3A_539 = tpu.sort %parallel_loop3A_530, %parallel_loop3A_530 masked %parallel_loop3A_536 {descending = true} : (vector<16xf32>, vector<16xf32>, vector<16xi1>) -> (vector<16xi1>, vector<16xf32>, vector<16xf32>)
        %parallel_loop3A_540 = arith.minimumf %parallel_loop3A_526, %parallel_loop3A_527 : vector<16xf32>
        %parallel_loop3A_541 = arith.maximumf %parallel_loop3A_526, %parallel_loop3A_527 : vector<16xf32>
        %parallel_loop3A_542 = arith.constant dense<true> : vector<16xi1>
        %parallel_loop3A_543, %parallel_loop3A_544, %parallel_loop3A_545 = tpu.sort %parallel_loop3A_541, %parallel_loop3A_541 masked %parallel_loop3A_542 {descending = true} : (vector<16xf32>, vector<16xf32>, vector<16xi1>) -> (vector<16xi1>, vector<16xf32>, vector<16xf32>)
        %parallel_loop3A_546 = arith.constant dense<true> : vector<16xi1>
        %parallel_loop3A_547, %parallel_loop3A_548, %parallel_loop3A_549 = tpu.sort %parallel_loop3A_540, %parallel_loop3A_540 masked %parallel_loop3A_546 {descending = true} : (vector<16xf32>, vector<16xf32>, vector<16xi1>) -> (vector<16xi1>, vector<16xf32>, vector<16xf32>)
        %parallel_loop3A_550 = arith.minimumf %parallel_loop3A_386, %parallel_loop3A_396 : vector<16xf32>
        %parallel_loop3A_551 = arith.minimumf %parallel_loop3A_390, %parallel_loop3A_400 : vector<16xf32>
        %parallel_loop3A_552 = arith.maximumf %parallel_loop3A_386, %parallel_loop3A_396 : vector<16xf32>
        %parallel_loop3A_553 = arith.maximumf %parallel_loop3A_390, %parallel_loop3A_400 : vector<16xf32>
        %parallel_loop3A_554 = arith.minimumf %parallel_loop3A_550, %parallel_loop3A_551 : vector<16xf32>
        %parallel_loop3A_555 = arith.maximumf %parallel_loop3A_550, %parallel_loop3A_551 : vector<16xf32>
        %parallel_loop3A_556 = arith.constant dense<true> : vector<16xi1>
        %parallel_loop3A_557, %parallel_loop3A_558, %parallel_loop3A_559 = tpu.sort %parallel_loop3A_554, %parallel_loop3A_554 masked %parallel_loop3A_556 : (vector<16xf32>, vector<16xf32>, vector<16xi1>) -> (vector<16xi1>, vector<16xf32>, vector<16xf32>)
        %parallel_loop3A_560 = arith.constant dense<true> : vector<16xi1>
        %parallel_loop3A_561, %parallel_loop3A_562, %parallel_loop3A_563 = tpu.sort %parallel_loop3A_555, %parallel_loop3A_555 masked %parallel_loop3A_560 : (vector<16xf32>, vector<16xf32>, vector<16xi1>) -> (vector<16xi1>, vector<16xf32>, vector<16xf32>)
        %parallel_loop3A_564 = arith.minimumf %parallel_loop3A_552, %parallel_loop3A_553 : vector<16xf32>
        %parallel_loop3A_565 = arith.maximumf %parallel_loop3A_552, %parallel_loop3A_553 : vector<16xf32>
        %parallel_loop3A_566 = arith.constant dense<true> : vector<16xi1>
        %parallel_loop3A_567, %parallel_loop3A_568, %parallel_loop3A_569 = tpu.sort %parallel_loop3A_564, %parallel_loop3A_564 masked %parallel_loop3A_566 : (vector<16xf32>, vector<16xf32>, vector<16xi1>) -> (vector<16xi1>, vector<16xf32>, vector<16xf32>)
        %parallel_loop3A_570 = arith.constant dense<true> : vector<16xi1>
        %parallel_loop3A_571, %parallel_loop3A_572, %parallel_loop3A_573 = tpu.sort %parallel_loop3A_565, %parallel_loop3A_565 masked %parallel_loop3A_570 : (vector<16xf32>, vector<16xf32>, vector<16xi1>) -> (vector<16xi1>, vector<16xf32>, vector<16xf32>)
        %parallel_loop3A_574 = arith.minimumf %parallel_loop3A_406, %parallel_loop3A_416 : vector<16xf32>
        %parallel_loop3A_575 = arith.minimumf %parallel_loop3A_410, %parallel_loop3A_420 : vector<16xf32>
        %parallel_loop3A_576 = arith.maximumf %parallel_loop3A_406, %parallel_loop3A_416 : vector<16xf32>
        %parallel_loop3A_577 = arith.maximumf %parallel_loop3A_410, %parallel_loop3A_420 : vector<16xf32>
        %parallel_loop3A_578 = arith.minimumf %parallel_loop3A_576, %parallel_loop3A_577 : vector<16xf32>
        %parallel_loop3A_579 = arith.maximumf %parallel_loop3A_576, %parallel_loop3A_577 : vector<16xf32>
        %parallel_loop3A_580 = arith.constant dense<true> : vector<16xi1>
        %parallel_loop3A_581, %parallel_loop3A_582, %parallel_loop3A_583 = tpu.sort %parallel_loop3A_579, %parallel_loop3A_579 masked %parallel_loop3A_580 {descending = true} : (vector<16xf32>, vector<16xf32>, vector<16xi1>) -> (vector<16xi1>, vector<16xf32>, vector<16xf32>)
        %parallel_loop3A_584 = arith.constant dense<true> : vector<16xi1>
        %parallel_loop3A_585, %parallel_loop3A_586, %parallel_loop3A_587 = tpu.sort %parallel_loop3A_578, %parallel_loop3A_578 masked %parallel_loop3A_584 {descending = true} : (vector<16xf32>, vector<16xf32>, vector<16xi1>) -> (vector<16xi1>, vector<16xf32>, vector<16xf32>)
        %parallel_loop3A_588 = arith.minimumf %parallel_loop3A_574, %parallel_loop3A_575 : vector<16xf32>
        %parallel_loop3A_589 = arith.maximumf %parallel_loop3A_574, %parallel_loop3A_575 : vector<16xf32>
        %parallel_loop3A_590 = arith.constant dense<true> : vector<16xi1>
        %parallel_loop3A_591, %parallel_loop3A_592, %parallel_loop3A_593 = tpu.sort %parallel_loop3A_589, %parallel_loop3A_589 masked %parallel_loop3A_590 {descending = true} : (vector<16xf32>, vector<16xf32>, vector<16xi1>) -> (vector<16xi1>, vector<16xf32>, vector<16xf32>)
        %parallel_loop3A_594 = arith.constant dense<true> : vector<16xi1>
        %parallel_loop3A_595, %parallel_loop3A_596, %parallel_loop3A_597 = tpu.sort %parallel_loop3A_588, %parallel_loop3A_588 masked %parallel_loop3A_594 {descending = true} : (vector<16xf32>, vector<16xf32>, vector<16xi1>) -> (vector<16xi1>, vector<16xf32>, vector<16xf32>)
        %parallel_loop3A_598 = arith.minimumf %parallel_loop3A_426, %parallel_loop3A_436 : vector<16xf32>
        %parallel_loop3A_599 = arith.minimumf %parallel_loop3A_430, %parallel_loop3A_440 : vector<16xf32>
        %parallel_loop3A_600 = arith.maximumf %parallel_loop3A_426, %parallel_loop3A_436 : vector<16xf32>
        %parallel_loop3A_601 = arith.maximumf %parallel_loop3A_430, %parallel_loop3A_440 : vector<16xf32>
        %parallel_loop3A_602 = arith.minimumf %parallel_loop3A_598, %parallel_loop3A_599 : vector<16xf32>
        %parallel_loop3A_603 = arith.maximumf %parallel_loop3A_598, %parallel_loop3A_599 : vector<16xf32>
        %parallel_loop3A_604 = arith.constant dense<true> : vector<16xi1>
        %parallel_loop3A_605, %parallel_loop3A_606, %parallel_loop3A_607 = tpu.sort %parallel_loop3A_602, %parallel_loop3A_602 masked %parallel_loop3A_604 : (vector<16xf32>, vector<16xf32>, vector<16xi1>) -> (vector<16xi1>, vector<16xf32>, vector<16xf32>)
        %parallel_loop3A_608 = arith.constant dense<true> : vector<16xi1>
        %parallel_loop3A_609, %parallel_loop3A_610, %parallel_loop3A_611 = tpu.sort %parallel_loop3A_603, %parallel_loop3A_603 masked %parallel_loop3A_608 : (vector<16xf32>, vector<16xf32>, vector<16xi1>) -> (vector<16xi1>, vector<16xf32>, vector<16xf32>)
        %parallel_loop3A_612 = arith.minimumf %parallel_loop3A_600, %parallel_loop3A_601 : vector<16xf32>
        %parallel_loop3A_613 = arith.maximumf %parallel_loop3A_600, %parallel_loop3A_601 : vector<16xf32>
        %parallel_loop3A_614 = arith.constant dense<true> : vector<16xi1>
        %parallel_loop3A_615, %parallel_loop3A_616, %parallel_loop3A_617 = tpu.sort %parallel_loop3A_612, %parallel_loop3A_612 masked %parallel_loop3A_614 : (vector<16xf32>, vector<16xf32>, vector<16xi1>) -> (vector<16xi1>, vector<16xf32>, vector<16xf32>)
        %parallel_loop3A_618 = arith.constant dense<true> : vector<16xi1>
        %parallel_loop3A_619, %parallel_loop3A_620, %parallel_loop3A_621 = tpu.sort %parallel_loop3A_613, %parallel_loop3A_613 masked %parallel_loop3A_618 : (vector<16xf32>, vector<16xf32>, vector<16xi1>) -> (vector<16xi1>, vector<16xf32>, vector<16xf32>)
        %parallel_loop3A_622 = arith.minimumf %parallel_loop3A_446, %parallel_loop3A_456 : vector<16xf32>
        %parallel_loop3A_623 = arith.minimumf %parallel_loop3A_450, %parallel_loop3A_460 : vector<16xf32>
        %parallel_loop3A_624 = arith.maximumf %parallel_loop3A_446, %parallel_loop3A_456 : vector<16xf32>
        %parallel_loop3A_625 = arith.maximumf %parallel_loop3A_450, %parallel_loop3A_460 : vector<16xf32>
        %parallel_loop3A_626 = arith.minimumf %parallel_loop3A_624, %parallel_loop3A_625 : vector<16xf32>
        %parallel_loop3A_627 = arith.maximumf %parallel_loop3A_624, %parallel_loop3A_625 : vector<16xf32>
        %parallel_loop3A_628 = arith.constant dense<true> : vector<16xi1>
        %parallel_loop3A_629, %parallel_loop3A_630, %parallel_loop3A_631 = tpu.sort %parallel_loop3A_627, %parallel_loop3A_627 masked %parallel_loop3A_628 {descending = true} : (vector<16xf32>, vector<16xf32>, vector<16xi1>) -> (vector<16xi1>, vector<16xf32>, vector<16xf32>)
        %parallel_loop3A_632 = arith.constant dense<true> : vector<16xi1>
        %parallel_loop3A_633, %parallel_loop3A_634, %parallel_loop3A_635 = tpu.sort %parallel_loop3A_626, %parallel_loop3A_626 masked %parallel_loop3A_632 {descending = true} : (vector<16xf32>, vector<16xf32>, vector<16xi1>) -> (vector<16xi1>, vector<16xf32>, vector<16xf32>)
        %parallel_loop3A_636 = arith.minimumf %parallel_loop3A_622, %parallel_loop3A_623 : vector<16xf32>
        %parallel_loop3A_637 = arith.maximumf %parallel_loop3A_622, %parallel_loop3A_623 : vector<16xf32>
        %parallel_loop3A_638 = arith.constant dense<true> : vector<16xi1>
        %parallel_loop3A_639, %parallel_loop3A_640, %parallel_loop3A_641 = tpu.sort %parallel_loop3A_637, %parallel_loop3A_637 masked %parallel_loop3A_638 {descending = true} : (vector<16xf32>, vector<16xf32>, vector<16xi1>) -> (vector<16xi1>, vector<16xf32>, vector<16xf32>)
        %parallel_loop3A_642 = arith.constant dense<true> : vector<16xi1>
        %parallel_loop3A_643, %parallel_loop3A_644, %parallel_loop3A_645 = tpu.sort %parallel_loop3A_636, %parallel_loop3A_636 masked %parallel_loop3A_642 {descending = true} : (vector<16xf32>, vector<16xf32>, vector<16xi1>) -> (vector<16xi1>, vector<16xf32>, vector<16xf32>)
        %parallel_loop3A_646 = arith.minimumf %parallel_loop3A_466, %parallel_loop3A_476 : vector<16xf32>
        %parallel_loop3A_647 = arith.minimumf %parallel_loop3A_470, %parallel_loop3A_480 : vector<16xf32>
        %parallel_loop3A_648 = arith.maximumf %parallel_loop3A_466, %parallel_loop3A_476 : vector<16xf32>
        %parallel_loop3A_649 = arith.maximumf %parallel_loop3A_470, %parallel_loop3A_480 : vector<16xf32>
        %parallel_loop3A_650 = arith.minimumf %parallel_loop3A_646, %parallel_loop3A_647 : vector<16xf32>
        %parallel_loop3A_651 = arith.maximumf %parallel_loop3A_646, %parallel_loop3A_647 : vector<16xf32>
        %parallel_loop3A_652 = arith.constant dense<true> : vector<16xi1>
        %parallel_loop3A_653, %parallel_loop3A_654, %parallel_loop3A_655 = tpu.sort %parallel_loop3A_650, %parallel_loop3A_650 masked %parallel_loop3A_652 : (vector<16xf32>, vector<16xf32>, vector<16xi1>) -> (vector<16xi1>, vector<16xf32>, vector<16xf32>)
        %parallel_loop3A_656 = arith.constant dense<true> : vector<16xi1>
        %parallel_loop3A_657, %parallel_loop3A_658, %parallel_loop3A_659 = tpu.sort %parallel_loop3A_651, %parallel_loop3A_651 masked %parallel_loop3A_656 : (vector<16xf32>, vector<16xf32>, vector<16xi1>) -> (vector<16xi1>, vector<16xf32>, vector<16xf32>)
        %parallel_loop3A_660 = arith.minimumf %parallel_loop3A_648, %parallel_loop3A_649 : vector<16xf32>
        %parallel_loop3A_661 = arith.maximumf %parallel_loop3A_648, %parallel_loop3A_649 : vector<16xf32>
        %parallel_loop3A_662 = arith.constant dense<true> : vector<16xi1>
        %parallel_loop3A_663, %parallel_loop3A_664, %parallel_loop3A_665 = tpu.sort %parallel_loop3A_660, %parallel_loop3A_660 masked %parallel_loop3A_662 : (vector<16xf32>, vector<16xf32>, vector<16xi1>) -> (vector<16xi1>, vector<16xf32>, vector<16xf32>)
        %parallel_loop3A_666 = arith.constant dense<true> : vector<16xi1>
        %parallel_loop3A_667, %parallel_loop3A_668, %parallel_loop3A_669 = tpu.sort %parallel_loop3A_661, %parallel_loop3A_661 masked %parallel_loop3A_666 : (vector<16xf32>, vector<16xf32>, vector<16xi1>) -> (vector<16xi1>, vector<16xf32>, vector<16xf32>)
        %parallel_loop3A_670 = arith.minimumf %parallel_loop3A_486, %parallel_loop3A_496 : vector<16xf32>
        %parallel_loop3A_671 = arith.minimumf %parallel_loop3A_490, %parallel_loop3A_500 : vector<16xf32>
        %parallel_loop3A_672 = arith.maximumf %parallel_loop3A_486, %parallel_loop3A_496 : vector<16xf32>
        %parallel_loop3A_673 = arith.maximumf %parallel_loop3A_490, %parallel_loop3A_500 : vector<16xf32>
        %parallel_loop3A_674 = arith.minimumf %parallel_loop3A_672, %parallel_loop3A_673 : vector<16xf32>
        %parallel_loop3A_675 = arith.maximumf %parallel_loop3A_672, %parallel_loop3A_673 : vector<16xf32>
        %parallel_loop3A_676 = arith.constant dense<true> : vector<16xi1>
        %parallel_loop3A_677, %parallel_loop3A_678, %parallel_loop3A_679 = tpu.sort %parallel_loop3A_675, %parallel_loop3A_675 masked %parallel_loop3A_676 {descending = true} : (vector<16xf32>, vector<16xf32>, vector<16xi1>) -> (vector<16xi1>, vector<16xf32>, vector<16xf32>)
        %parallel_loop3A_680 = arith.constant dense<true> : vector<16xi1>
        %parallel_loop3A_681, %parallel_loop3A_682, %parallel_loop3A_683 = tpu.sort %parallel_loop3A_674, %parallel_loop3A_674 masked %parallel_loop3A_680 {descending = true} : (vector<16xf32>, vector<16xf32>, vector<16xi1>) -> (vector<16xi1>, vector<16xf32>, vector<16xf32>)
        %parallel_loop3A_684 = arith.minimumf %parallel_loop3A_670, %parallel_loop3A_671 : vector<16xf32>
        %parallel_loop3A_685 = arith.maximumf %parallel_loop3A_670, %parallel_loop3A_671 : vector<16xf32>
        %parallel_loop3A_686 = arith.constant dense<true> : vector<16xi1>
        %parallel_loop3A_687, %parallel_loop3A_688, %parallel_loop3A_689 = tpu.sort %parallel_loop3A_685, %parallel_loop3A_685 masked %parallel_loop3A_686 {descending = true} : (vector<16xf32>, vector<16xf32>, vector<16xi1>) -> (vector<16xi1>, vector<16xf32>, vector<16xf32>)
        %parallel_loop3A_690 = arith.constant dense<true> : vector<16xi1>
        %parallel_loop3A_691, %parallel_loop3A_692, %parallel_loop3A_693 = tpu.sort %parallel_loop3A_684, %parallel_loop3A_684 masked %parallel_loop3A_690 {descending = true} : (vector<16xf32>, vector<16xf32>, vector<16xi1>) -> (vector<16xi1>, vector<16xf32>, vector<16xf32>)
        %parallel_loop3A_694 = arith.minimumf %parallel_loop3A_510, %parallel_loop3A_534 : vector<16xf32>
        %parallel_loop3A_695 = arith.minimumf %parallel_loop3A_514, %parallel_loop3A_538 : vector<16xf32>
        %parallel_loop3A_696 = arith.minimumf %parallel_loop3A_520, %parallel_loop3A_544 : vector<16xf32>
        %parallel_loop3A_697 = arith.minimumf %parallel_loop3A_524, %parallel_loop3A_548 : vector<16xf32>
        %parallel_loop3A_698 = arith.maximumf %parallel_loop3A_510, %parallel_loop3A_534 : vector<16xf32>
        %parallel_loop3A_699 = arith.maximumf %parallel_loop3A_514, %parallel_loop3A_538 : vector<16xf32>
        %parallel_loop3A_700 = arith.maximumf %parallel_loop3A_520, %parallel_loop3A_544 : vector<16xf32>
        %parallel_loop3A_701 = arith.maximumf %parallel_loop3A_524, %parallel_loop3A_548 : vector<16xf32>
        %parallel_loop3A_702 = arith.minimumf %parallel_loop3A_698, %parallel_loop3A_700 : vector<16xf32>
        %parallel_loop3A_703 = arith.minimumf %parallel_loop3A_699, %parallel_loop3A_701 : vector<16xf32>
        %parallel_loop3A_704 = arith.maximumf %parallel_loop3A_698, %parallel_loop3A_700 : vector<16xf32>
        %parallel_loop3A_705 = arith.maximumf %parallel_loop3A_699, %parallel_loop3A_701 : vector<16xf32>
        %parallel_loop3A_706 = arith.minimumf %parallel_loop3A_702, %parallel_loop3A_703 : vector<16xf32>
        %parallel_loop3A_707 = arith.maximumf %parallel_loop3A_702, %parallel_loop3A_703 : vector<16xf32>
        %parallel_loop3A_708 = arith.constant dense<true> : vector<16xi1>
        %parallel_loop3A_709, %parallel_loop3A_710, %parallel_loop3A_711 = tpu.sort %parallel_loop3A_706, %parallel_loop3A_706 masked %parallel_loop3A_708 : (vector<16xf32>, vector<16xf32>, vector<16xi1>) -> (vector<16xi1>, vector<16xf32>, vector<16xf32>)
        %parallel_loop3A_712 = arith.constant dense<true> : vector<16xi1>
        %parallel_loop3A_713, %parallel_loop3A_714, %parallel_loop3A_715 = tpu.sort %parallel_loop3A_707, %parallel_loop3A_707 masked %parallel_loop3A_712 : (vector<16xf32>, vector<16xf32>, vector<16xi1>) -> (vector<16xi1>, vector<16xf32>, vector<16xf32>)
        %parallel_loop3A_716 = arith.minimumf %parallel_loop3A_704, %parallel_loop3A_705 : vector<16xf32>
        %parallel_loop3A_717 = arith.maximumf %parallel_loop3A_704, %parallel_loop3A_705 : vector<16xf32>
        %parallel_loop3A_718 = arith.constant dense<true> : vector<16xi1>
        %parallel_loop3A_719, %parallel_loop3A_720, %parallel_loop3A_721 = tpu.sort %parallel_loop3A_716, %parallel_loop3A_716 masked %parallel_loop3A_718 : (vector<16xf32>, vector<16xf32>, vector<16xi1>) -> (vector<16xi1>, vector<16xf32>, vector<16xf32>)
        %parallel_loop3A_722 = arith.constant dense<true> : vector<16xi1>
        %parallel_loop3A_723, %parallel_loop3A_724, %parallel_loop3A_725 = tpu.sort %parallel_loop3A_717, %parallel_loop3A_717 masked %parallel_loop3A_722 : (vector<16xf32>, vector<16xf32>, vector<16xi1>) -> (vector<16xi1>, vector<16xf32>, vector<16xf32>)
        %parallel_loop3A_726 = arith.minimumf %parallel_loop3A_558, %parallel_loop3A_582 : vector<16xf32>
        %parallel_loop3A_727 = arith.minimumf %parallel_loop3A_562, %parallel_loop3A_586 : vector<16xf32>
        %parallel_loop3A_728 = arith.minimumf %parallel_loop3A_568, %parallel_loop3A_592 : vector<16xf32>
        %parallel_loop3A_729 = arith.minimumf %parallel_loop3A_572, %parallel_loop3A_596 : vector<16xf32>
        %parallel_loop3A_730 = arith.maximumf %parallel_loop3A_558, %parallel_loop3A_582 : vector<16xf32>
        %parallel_loop3A_731 = arith.maximumf %parallel_loop3A_562, %parallel_loop3A_586 : vector<16xf32>
        %parallel_loop3A_732 = arith.maximumf %parallel_loop3A_568, %parallel_loop3A_592 : vector<16xf32>
        %parallel_loop3A_733 = arith.maximumf %parallel_loop3A_572, %parallel_loop3A_596 : vector<16xf32>
        %parallel_loop3A_734 = arith.minimumf %parallel_loop3A_730, %parallel_loop3A_732 : vector<16xf32>
        %parallel_loop3A_735 = arith.minimumf %parallel_loop3A_731, %parallel_loop3A_733 : vector<16xf32>
        %parallel_loop3A_736 = arith.maximumf %parallel_loop3A_730, %parallel_loop3A_732 : vector<16xf32>
        %parallel_loop3A_737 = arith.maximumf %parallel_loop3A_731, %parallel_loop3A_733 : vector<16xf32>
        %parallel_loop3A_738 = arith.minimumf %parallel_loop3A_736, %parallel_loop3A_737 : vector<16xf32>
        %parallel_loop3A_739 = arith.maximumf %parallel_loop3A_736, %parallel_loop3A_737 : vector<16xf32>
        %parallel_loop3A_740 = arith.constant dense<true> : vector<16xi1>
        %parallel_loop3A_741, %parallel_loop3A_742, %parallel_loop3A_743 = tpu.sort %parallel_loop3A_739, %parallel_loop3A_739 masked %parallel_loop3A_740 {descending = true} : (vector<16xf32>, vector<16xf32>, vector<16xi1>) -> (vector<16xi1>, vector<16xf32>, vector<16xf32>)
        %parallel_loop3A_744 = arith.constant dense<true> : vector<16xi1>
        %parallel_loop3A_745, %parallel_loop3A_746, %parallel_loop3A_747 = tpu.sort %parallel_loop3A_738, %parallel_loop3A_738 masked %parallel_loop3A_744 {descending = true} : (vector<16xf32>, vector<16xf32>, vector<16xi1>) -> (vector<16xi1>, vector<16xf32>, vector<16xf32>)
        %parallel_loop3A_748 = arith.minimumf %parallel_loop3A_734, %parallel_loop3A_735 : vector<16xf32>
        %parallel_loop3A_749 = arith.maximumf %parallel_loop3A_734, %parallel_loop3A_735 : vector<16xf32>
        %parallel_loop3A_750 = arith.constant dense<true> : vector<16xi1>
        %parallel_loop3A_751, %parallel_loop3A_752, %parallel_loop3A_753 = tpu.sort %parallel_loop3A_749, %parallel_loop3A_749 masked %parallel_loop3A_750 {descending = true} : (vector<16xf32>, vector<16xf32>, vector<16xi1>) -> (vector<16xi1>, vector<16xf32>, vector<16xf32>)
        %parallel_loop3A_754 = arith.constant dense<true> : vector<16xi1>
        %parallel_loop3A_755, %parallel_loop3A_756, %parallel_loop3A_757 = tpu.sort %parallel_loop3A_748, %parallel_loop3A_748 masked %parallel_loop3A_754 {descending = true} : (vector<16xf32>, vector<16xf32>, vector<16xi1>) -> (vector<16xi1>, vector<16xf32>, vector<16xf32>)
        %parallel_loop3A_758 = arith.minimumf %parallel_loop3A_606, %parallel_loop3A_630 : vector<16xf32>
        %parallel_loop3A_759 = arith.minimumf %parallel_loop3A_610, %parallel_loop3A_634 : vector<16xf32>
        %parallel_loop3A_760 = arith.minimumf %parallel_loop3A_616, %parallel_loop3A_640 : vector<16xf32>
        %parallel_loop3A_761 = arith.minimumf %parallel_loop3A_620, %parallel_loop3A_644 : vector<16xf32>
        %parallel_loop3A_762 = arith.maximumf %parallel_loop3A_606, %parallel_loop3A_630 : vector<16xf32>
        %parallel_loop3A_763 = arith.maximumf %parallel_loop3A_610, %parallel_loop3A_634 : vector<16xf32>
        %parallel_loop3A_764 = arith.maximumf %parallel_loop3A_616, %parallel_loop3A_640 : vector<16xf32>
        %parallel_loop3A_765 = arith.maximumf %parallel_loop3A_620, %parallel_loop3A_644 : vector<16xf32>
        %parallel_loop3A_766 = arith.minimumf %parallel_loop3A_762, %parallel_loop3A_764 : vector<16xf32>
        %parallel_loop3A_767 = arith.minimumf %parallel_loop3A_763, %parallel_loop3A_765 : vector<16xf32>
        %parallel_loop3A_768 = arith.maximumf %parallel_loop3A_762, %parallel_loop3A_764 : vector<16xf32>
        %parallel_loop3A_769 = arith.maximumf %parallel_loop3A_763, %parallel_loop3A_765 : vector<16xf32>
        %parallel_loop3A_770 = arith.minimumf %parallel_loop3A_766, %parallel_loop3A_767 : vector<16xf32>
        %parallel_loop3A_771 = arith.maximumf %parallel_loop3A_766, %parallel_loop3A_767 : vector<16xf32>
        %parallel_loop3A_772 = arith.constant dense<true> : vector<16xi1>
        %parallel_loop3A_773, %parallel_loop3A_774, %parallel_loop3A_775 = tpu.sort %parallel_loop3A_770, %parallel_loop3A_770 masked %parallel_loop3A_772 : (vector<16xf32>, vector<16xf32>, vector<16xi1>) -> (vector<16xi1>, vector<16xf32>, vector<16xf32>)
        %parallel_loop3A_776 = arith.constant dense<true> : vector<16xi1>
        %parallel_loop3A_777, %parallel_loop3A_778, %parallel_loop3A_779 = tpu.sort %parallel_loop3A_771, %parallel_loop3A_771 masked %parallel_loop3A_776 : (vector<16xf32>, vector<16xf32>, vector<16xi1>) -> (vector<16xi1>, vector<16xf32>, vector<16xf32>)
        %parallel_loop3A_780 = arith.minimumf %parallel_loop3A_768, %parallel_loop3A_769 : vector<16xf32>
        %parallel_loop3A_781 = arith.maximumf %parallel_loop3A_768, %parallel_loop3A_769 : vector<16xf32>
        %parallel_loop3A_782 = arith.constant dense<true> : vector<16xi1>
        %parallel_loop3A_783, %parallel_loop3A_784, %parallel_loop3A_785 = tpu.sort %parallel_loop3A_780, %parallel_loop3A_780 masked %parallel_loop3A_782 : (vector<16xf32>, vector<16xf32>, vector<16xi1>) -> (vector<16xi1>, vector<16xf32>, vector<16xf32>)
        %parallel_loop3A_786 = arith.constant dense<true> : vector<16xi1>
        %parallel_loop3A_787, %parallel_loop3A_788, %parallel_loop3A_789 = tpu.sort %parallel_loop3A_781, %parallel_loop3A_781 masked %parallel_loop3A_786 : (vector<16xf32>, vector<16xf32>, vector<16xi1>) -> (vector<16xi1>, vector<16xf32>, vector<16xf32>)
        %parallel_loop3A_790 = arith.minimumf %parallel_loop3A_654, %parallel_loop3A_678 : vector<16xf32>
        %parallel_loop3A_791 = arith.minimumf %parallel_loop3A_658, %parallel_loop3A_682 : vector<16xf32>
        %parallel_loop3A_792 = arith.minimumf %parallel_loop3A_664, %parallel_loop3A_688 : vector<16xf32>
        %parallel_loop3A_793 = arith.minimumf %parallel_loop3A_668, %parallel_loop3A_692 : vector<16xf32>
        %parallel_loop3A_794 = arith.maximumf %parallel_loop3A_654, %parallel_loop3A_678 : vector<16xf32>
        %parallel_loop3A_795 = arith.maximumf %parallel_loop3A_658, %parallel_loop3A_682 : vector<16xf32>
        %parallel_loop3A_796 = arith.maximumf %parallel_loop3A_664, %parallel_loop3A_688 : vector<16xf32>
        %parallel_loop3A_797 = arith.maximumf %parallel_loop3A_668, %parallel_loop3A_692 : vector<16xf32>
        %parallel_loop3A_798 = arith.minimumf %parallel_loop3A_794, %parallel_loop3A_796 : vector<16xf32>
        %parallel_loop3A_799 = arith.minimumf %parallel_loop3A_795, %parallel_loop3A_797 : vector<16xf32>
        %parallel_loop3A_800 = arith.maximumf %parallel_loop3A_794, %parallel_loop3A_796 : vector<16xf32>
        %parallel_loop3A_801 = arith.maximumf %parallel_loop3A_795, %parallel_loop3A_797 : vector<16xf32>
        %parallel_loop3A_802 = arith.minimumf %parallel_loop3A_800, %parallel_loop3A_801 : vector<16xf32>
        %parallel_loop3A_803 = arith.maximumf %parallel_loop3A_800, %parallel_loop3A_801 : vector<16xf32>
        %parallel_loop3A_804 = arith.constant dense<true> : vector<16xi1>
        %parallel_loop3A_805, %parallel_loop3A_806, %parallel_loop3A_807 = tpu.sort %parallel_loop3A_803, %parallel_loop3A_803 masked %parallel_loop3A_804 {descending = true} : (vector<16xf32>, vector<16xf32>, vector<16xi1>) -> (vector<16xi1>, vector<16xf32>, vector<16xf32>)
        %parallel_loop3A_808 = arith.constant dense<true> : vector<16xi1>
        %parallel_loop3A_809, %parallel_loop3A_810, %parallel_loop3A_811 = tpu.sort %parallel_loop3A_802, %parallel_loop3A_802 masked %parallel_loop3A_808 {descending = true} : (vector<16xf32>, vector<16xf32>, vector<16xi1>) -> (vector<16xi1>, vector<16xf32>, vector<16xf32>)
        %parallel_loop3A_812 = arith.minimumf %parallel_loop3A_798, %parallel_loop3A_799 : vector<16xf32>
        %parallel_loop3A_813 = arith.maximumf %parallel_loop3A_798, %parallel_loop3A_799 : vector<16xf32>
        %parallel_loop3A_814 = arith.constant dense<true> : vector<16xi1>
        %parallel_loop3A_815, %parallel_loop3A_816, %parallel_loop3A_817 = tpu.sort %parallel_loop3A_813, %parallel_loop3A_813 masked %parallel_loop3A_814 {descending = true} : (vector<16xf32>, vector<16xf32>, vector<16xi1>) -> (vector<16xi1>, vector<16xf32>, vector<16xf32>)
        %parallel_loop3A_818 = arith.constant dense<true> : vector<16xi1>
        %parallel_loop3A_819, %parallel_loop3A_820, %parallel_loop3A_821 = tpu.sort %parallel_loop3A_812, %parallel_loop3A_812 masked %parallel_loop3A_818 {descending = true} : (vector<16xf32>, vector<16xf32>, vector<16xi1>) -> (vector<16xi1>, vector<16xf32>, vector<16xf32>)
        %parallel_loop3A_822 = arith.minimumf %parallel_loop3A_710, %parallel_loop3A_742 : vector<16xf32>
        %parallel_loop3A_823 = arith.minimumf %parallel_loop3A_714, %parallel_loop3A_746 : vector<16xf32>
        %parallel_loop3A_824 = arith.minimumf %parallel_loop3A_720, %parallel_loop3A_752 : vector<16xf32>
        %parallel_loop3A_825 = arith.minimumf %parallel_loop3A_724, %parallel_loop3A_756 : vector<16xf32>
        %parallel_loop3A_826 = arith.maximumf %parallel_loop3A_710, %parallel_loop3A_742 : vector<16xf32>
        %parallel_loop3A_827 = arith.maximumf %parallel_loop3A_714, %parallel_loop3A_746 : vector<16xf32>
        %parallel_loop3A_828 = arith.maximumf %parallel_loop3A_720, %parallel_loop3A_752 : vector<16xf32>
        %parallel_loop3A_829 = arith.maximumf %parallel_loop3A_724, %parallel_loop3A_756 : vector<16xf32>
        %parallel_loop3A_830 = arith.minimumf %parallel_loop3A_826, %parallel_loop3A_828 : vector<16xf32>
        %parallel_loop3A_831 = arith.minimumf %parallel_loop3A_827, %parallel_loop3A_829 : vector<16xf32>
        %parallel_loop3A_832 = arith.maximumf %parallel_loop3A_826, %parallel_loop3A_828 : vector<16xf32>
        %parallel_loop3A_833 = arith.maximumf %parallel_loop3A_827, %parallel_loop3A_829 : vector<16xf32>
        %parallel_loop3A_834 = arith.minimumf %parallel_loop3A_830, %parallel_loop3A_831 : vector<16xf32>
        %parallel_loop3A_835 = arith.maximumf %parallel_loop3A_830, %parallel_loop3A_831 : vector<16xf32>
        %parallel_loop3A_836 = arith.constant dense<true> : vector<16xi1>
        %parallel_loop3A_837, %parallel_loop3A_838, %parallel_loop3A_839 = tpu.sort %parallel_loop3A_834, %parallel_loop3A_834 masked %parallel_loop3A_836 : (vector<16xf32>, vector<16xf32>, vector<16xi1>) -> (vector<16xi1>, vector<16xf32>, vector<16xf32>)
        %parallel_loop3A_840 = arith.constant dense<true> : vector<16xi1>
        %parallel_loop3A_841, %parallel_loop3A_842, %parallel_loop3A_843 = tpu.sort %parallel_loop3A_835, %parallel_loop3A_835 masked %parallel_loop3A_840 : (vector<16xf32>, vector<16xf32>, vector<16xi1>) -> (vector<16xi1>, vector<16xf32>, vector<16xf32>)
        %parallel_loop3A_844 = arith.minimumf %parallel_loop3A_832, %parallel_loop3A_833 : vector<16xf32>
        %parallel_loop3A_845 = arith.maximumf %parallel_loop3A_832, %parallel_loop3A_833 : vector<16xf32>
        %parallel_loop3A_846 = arith.constant dense<true> : vector<16xi1>
        %parallel_loop3A_847, %parallel_loop3A_848, %parallel_loop3A_849 = tpu.sort %parallel_loop3A_844, %parallel_loop3A_844 masked %parallel_loop3A_846 : (vector<16xf32>, vector<16xf32>, vector<16xi1>) -> (vector<16xi1>, vector<16xf32>, vector<16xf32>)
        %parallel_loop3A_850 = arith.constant dense<true> : vector<16xi1>
        %parallel_loop3A_851, %parallel_loop3A_852, %parallel_loop3A_853 = tpu.sort %parallel_loop3A_845, %parallel_loop3A_845 masked %parallel_loop3A_850 : (vector<16xf32>, vector<16xf32>, vector<16xi1>) -> (vector<16xi1>, vector<16xf32>, vector<16xf32>)
        %parallel_loop3A_854 = arith.minimumf %parallel_loop3A_774, %parallel_loop3A_806 : vector<16xf32>
        %parallel_loop3A_855 = arith.minimumf %parallel_loop3A_778, %parallel_loop3A_810 : vector<16xf32>
        %parallel_loop3A_856 = arith.minimumf %parallel_loop3A_784, %parallel_loop3A_816 : vector<16xf32>
        %parallel_loop3A_857 = arith.minimumf %parallel_loop3A_788, %parallel_loop3A_820 : vector<16xf32>
        %parallel_loop3A_858 = arith.maximumf %parallel_loop3A_774, %parallel_loop3A_806 : vector<16xf32>
        %parallel_loop3A_859 = arith.maximumf %parallel_loop3A_778, %parallel_loop3A_810 : vector<16xf32>
        %parallel_loop3A_860 = arith.maximumf %parallel_loop3A_784, %parallel_loop3A_816 : vector<16xf32>
        %parallel_loop3A_861 = arith.maximumf %parallel_loop3A_788, %parallel_loop3A_820 : vector<16xf32>
        %parallel_loop3A_862 = arith.minimumf %parallel_loop3A_858, %parallel_loop3A_860 : vector<16xf32>
        %parallel_loop3A_863 = arith.minimumf %parallel_loop3A_859, %parallel_loop3A_861 : vector<16xf32>
        %parallel_loop3A_864 = arith.maximumf %parallel_loop3A_858, %parallel_loop3A_860 : vector<16xf32>
        %parallel_loop3A_865 = arith.maximumf %parallel_loop3A_859, %parallel_loop3A_861 : vector<16xf32>
        %parallel_loop3A_866 = arith.minimumf %parallel_loop3A_864, %parallel_loop3A_865 : vector<16xf32>
        %parallel_loop3A_867 = arith.maximumf %parallel_loop3A_864, %parallel_loop3A_865 : vector<16xf32>
        %parallel_loop3A_868 = arith.constant dense<true> : vector<16xi1>
        %parallel_loop3A_869, %parallel_loop3A_870, %parallel_loop3A_871 = tpu.sort %parallel_loop3A_867, %parallel_loop3A_867 masked %parallel_loop3A_868 {descending = true} : (vector<16xf32>, vector<16xf32>, vector<16xi1>) -> (vector<16xi1>, vector<16xf32>, vector<16xf32>)
        %parallel_loop3A_872 = arith.constant dense<true> : vector<16xi1>
        %parallel_loop3A_873, %parallel_loop3A_874, %parallel_loop3A_875 = tpu.sort %parallel_loop3A_866, %parallel_loop3A_866 masked %parallel_loop3A_872 {descending = true} : (vector<16xf32>, vector<16xf32>, vector<16xi1>) -> (vector<16xi1>, vector<16xf32>, vector<16xf32>)
        %parallel_loop3A_876 = arith.minimumf %parallel_loop3A_862, %parallel_loop3A_863 : vector<16xf32>
        %parallel_loop3A_877 = arith.maximumf %parallel_loop3A_862, %parallel_loop3A_863 : vector<16xf32>
        %parallel_loop3A_878 = arith.constant dense<true> : vector<16xi1>
        %parallel_loop3A_879, %parallel_loop3A_880, %parallel_loop3A_881 = tpu.sort %parallel_loop3A_877, %parallel_loop3A_877 masked %parallel_loop3A_878 {descending = true} : (vector<16xf32>, vector<16xf32>, vector<16xi1>) -> (vector<16xi1>, vector<16xf32>, vector<16xf32>)
        %parallel_loop3A_882 = arith.constant dense<true> : vector<16xi1>
        %parallel_loop3A_883, %parallel_loop3A_884, %parallel_loop3A_885 = tpu.sort %parallel_loop3A_876, %parallel_loop3A_876 masked %parallel_loop3A_882 {descending = true} : (vector<16xf32>, vector<16xf32>, vector<16xi1>) -> (vector<16xi1>, vector<16xf32>, vector<16xf32>)
        %parallel_loop3A_886 = arith.maximumf %parallel_loop3A_838, %parallel_loop3A_870 : vector<16xf32>
        %parallel_loop3A_887 = arith.maximumf %parallel_loop3A_842, %parallel_loop3A_874 : vector<16xf32>
        %parallel_loop3A_888 = arith.maximumf %parallel_loop3A_848, %parallel_loop3A_880 : vector<16xf32>
        %parallel_loop3A_889 = arith.maximumf %parallel_loop3A_852, %parallel_loop3A_884 : vector<16xf32>
        %parallel_loop3A_890 = arith.minimumf %parallel_loop3A_886, %parallel_loop3A_888 : vector<16xf32>
        %parallel_loop3A_891 = arith.minimumf %parallel_loop3A_887, %parallel_loop3A_889 : vector<16xf32>
        %parallel_loop3A_892 = arith.minimumf %parallel_loop3A_890, %parallel_loop3A_891 : vector<16xf32>
        %parallel_loop3A_893 = arith.constant dense<true> : vector<16xi1>
        %parallel_loop3A_894, %parallel_loop3A_895, %parallel_loop3A_896 = tpu.sort %parallel_loop3A_892, %parallel_loop3A_892 masked %parallel_loop3A_893 : (vector<16xf32>, vector<16xf32>, vector<16xi1>) -> (vector<16xi1>, vector<16xf32>, vector<16xf32>)
        %parallel_loop3A_897 = arith.index_cast %parallel_loop3A_85 : i32 to index
        %parallel_loop3A_898 = arith.constant 0 : index
        %parallel_loop3A_899 = tpu.vector_load %arg9[%parallel_loop3A_897, %parallel_loop3A_898] {strides = array<i32>} : memref<64x16xf32, #tpu.memory_space<vmem>>, vector<16xf32>,
        tpu.vector_store %arg9[%parallel_loop3A_897, %parallel_loop3A_898], %parallel_loop3A_895 {strides = array<i32>} : memref<64x16xf32, #tpu.memory_space<vmem>>, vector<16xf32>,
      } {sc.loop_unroll_factor = 1 : i64, sc.parallel_access}
      %scan3A_48 = arith.constant 0 : i32
      %scan3A_49 = arith.constant 0 : i32
      %scan3A_50 = arith.constant 4 : i32
      %scan3A_51 = arith.addi %scan3A_49, %scan3A_50 : i32
      %scan3A_52 = arith.constant 1 : i32
      %scan3A_53 = scf.for %scan3A_85 = %scan3A_49 to %scan3A_51 step %scan3A_52 iter_args(%scan3A_86 = %scan3A_48) -> (i32)  : i32 {
        %mul3A_87 = arith.constant 16 : i32
        %mul3A_88 = arith.muli %scan3A_85, %mul3A_87 : i32
        %multiple_of3A_89 = tpu.assume_multiple %mul3A_88, 16 : i32
        %gather3A = arith.constant 0 : i32
        %gather3A_90 = tpu.memref_slice %arg9[%multiple_of3A_89, %gather3A] : memref<64x16xf32, #tpu.memory_space<vmem>> -> memref<16x16xf32, #tpu.memory_space<vmem>>
        %gather3A_91 = tpu.vector_load_idx %gather3A_90[%iota3A, %broadcast_in_dim3A_7] : memref<16x16xf32, #tpu.memory_space<vmem>>[vector<16xi32>, vector<16xi32>], vector<16xf32>,
        %swap3A = arith.index_cast %multiple_of3A_89 : i32 to index
        %swap3A_92 = tpu.vector_load %arg8[%swap3A] {strides = array<i32>} : memref<64xf32, #tpu.memory_space<vmem>>, vector<16xf32>,
        tpu.vector_store %arg8[%swap3A], %gather3A_91 {strides = array<i32>} : memref<64xf32, #tpu.memory_space<vmem>>, vector<16xf32>,
        %scan3A_93 = arith.constant 0 : i32
        scf.yield %scan3A_93 : i32
      }
      %scan3A_54 = arith.constant 4 : i32
      "tpu.region"() ({
        %run_scoped3A = tpu.sem_alloc : memref<!tpu.dma_semaphore, #tpu.memory_space<semaphore_mem>>
        %dma_start3A_85 = tpu.memref_slice %arg4[%multiple_of3A_45] : memref<16384xf32, #tpu.memory_space<hbm>> -> memref<64xf32, #tpu.memory_space<hbm>>
        %dma_start3A_86 = tpu.memref_slice %arg4[%multiple_of3A_45] : memref<16384xf32, #tpu.memory_space<hbm>> -> memref<64xf32, #tpu.memory_space<hbm>>
        tpu.enqueue_dma source(%arg8 : memref<64xf32, #tpu.memory_space<vmem>>) target(%dma_start3A_86 : memref<64xf32, #tpu.memory_space<hbm>>) target_semaphore(%run_scoped3A : memref<!tpu.dma_semaphore, #tpu.memory_space<semaphore_mem>>)
        %dma_wait3A_87 = tpu.memref_slice %arg4[%multiple_of3A_45] : memref<16384xf32, #tpu.memory_space<hbm>> -> memref<64xf32, #tpu.memory_space<hbm>>
        %dma_wait3A_88 = tpu.memref_slice %arg4[%multiple_of3A_45] : memref<16384xf32, #tpu.memory_space<hbm>> -> memref<64xf32, #tpu.memory_space<hbm>>
        tpu.wait_dma2 semaphore(%run_scoped3A : memref<!tpu.dma_semaphore, #tpu.memory_space<semaphore_mem>>) src(%arg8 : memref<64xf32, #tpu.memory_space<vmem>>) dst(%dma_wait3A_88 : memref<64xf32, #tpu.memory_space<hbm>>)
        tpu.yield
      }) : () -> ()
      %mul3A_55 = arith.constant 2 : i32
      %mul3A_56 = arith.muli %scan3A_29, %mul3A_55 : i32
      %add3A_57 = arith.constant 1 : i32
      %add3A_58 = arith.addi %mul3A_56, %add3A_57 : i32
      %dma_wait3A_59 = arith.constant 0 : i32
      %dma_wait3A_60 = arith.constant 0 : i32
      %dma_wait3A_61 = tpu.memref_slice %arg2[%dma_wait3A_59, %dma_wait3A_60] : memref<16384x512xf32, #tpu.memory_space<hbm>> -> memref<64x512xf32, #tpu.memory_space<hbm>>
      %dma_wait3A_62 = arith.constant 0 : i32
      %dma_wait3A_63 = arith.constant 0 : i32
      %dma_wait3A_64 = tpu.memref_slice %arg2[%dma_wait3A_62, %dma_wait3A_63] : memref<16384x512xf32, #tpu.memory_space<hbm>> -> memref<64x512xf32, #tpu.memory_space<hbm>>
      tpu.wait_dma2 semaphore(%arg11 : memref<!tpu.dma_semaphore, #tpu.memory_space<semaphore_mem>>) src(%dma_wait3A_64 : memref<64x512xf32, #tpu.memory_space<hbm>>) dst(%arg7 : memref<64x512xf32, #tpu.memory_space<vmem>>)
      %lt3A_65 = arith.constant 7 : i32
      %lt3A_66 = arith.cmpi slt, %add3A_58, %lt3A_65 : i32
      %convert_element_type3A_67 = arith.extui %lt3A_66 : i1 to i32
      %cond3A_68 = arith.constant 0 : i32
      %cond3A_69 = arith.cmpi ne, %convert_element_type3A_67, %cond3A_68 : i32
      scf.if %cond3A_69 {
        %add3A_85 = arith.constant 1 : i32
        %add3A_86 = arith.addi %add3A_58, %add3A_85 : i32
        %mul3A_87 = arith.constant 64 : i32
        %mul3A_88 = arith.muli %add3A_86, %mul3A_87 : i32
        %add3A_89 = arith.addi %add3A_4, %mul3A_88 : i32
        %multiple_of3A_90 = tpu.assume_multiple %add3A_89, 64 : i32
        %dma_start3A_91 = arith.constant 0 : i32
        %dma_start3A_92 = tpu.memref_slice %arg2[%multiple_of3A_90, %dma_start3A_91] : memref<16384x512xf32, #tpu.memory_space<hbm>> -> memref<64x512xf32, #tpu.memory_space<hbm>>
        %dma_start3A_93 = arith.constant 0 : i32
        %dma_start3A_94 = tpu.memref_slice %arg2[%multiple_of3A_90, %dma_start3A_93] : memref<16384x512xf32, #tpu.memory_space<hbm>> -> memref<64x512xf32, #tpu.memory_space<hbm>>
        tpu.enqueue_dma source(%dma_start3A_94 : memref<64x512xf32, #tpu.memory_space<hbm>>) target(%arg6 : memref<64x512xf32, #tpu.memory_space<vmem>>) target_semaphore(%arg10 : memref<!tpu.dma_semaphore, #tpu.memory_space<semaphore_mem>>)
      } else {
      }
      %mul3A_70 = arith.constant 64 : i32
      %mul3A_71 = arith.muli %add3A_58, %mul3A_70 : i32
      %add3A_72 = arith.addi %mul3A_6, %mul3A_71 : i32
      %multiple_of3A_73 = tpu.assume_multiple %add3A_72, 64 : i32
      %parallel_loop3A_74 = arith.constant 0 : i32
      %parallel_loop3A_75 = arith.constant 64 : i32
      %parallel_loop3A_76 = arith.constant 1 : i32
      scf.for %parallel_loop3A_85 = %parallel_loop3A_74 to %parallel_loop3A_75 step %parallel_loop3A_76  : i32 {
        %parallel_loop3A_86 = arith.index_cast %parallel_loop3A_85 : i32 to index
        %parallel_loop3A_87 = arith.constant 0 : index
        %parallel_loop3A_88 = tpu.vector_load %arg7[%parallel_loop3A_86, %parallel_loop3A_87] {strides = array<i32>} : memref<64x512xf32, #tpu.memory_space<vmem>>, vector<16xf32>,
        %parallel_loop3A_89 = math.absf %parallel_loop3A_88 : vector<16xf32>
        %parallel_loop3A_90 = arith.constant dense<true> : vector<16xi1>
        %parallel_loop3A_91, %parallel_loop3A_92, %parallel_loop3A_93 = tpu.sort %parallel_loop3A_89, %parallel_loop3A_89 masked %parallel_loop3A_90 : (vector<16xf32>, vector<16xf32>, vector<16xi1>) -> (vector<16xi1>, vector<16xf32>, vector<16xf32>)
        %parallel_loop3A_94 = arith.index_cast %parallel_loop3A_85 : i32 to index
        %parallel_loop3A_95 = arith.constant 16 : index
        %parallel_loop3A_96 = tpu.vector_load %arg7[%parallel_loop3A_94, %parallel_loop3A_95] {strides = array<i32>} : memref<64x512xf32, #tpu.memory_space<vmem>>, vector<16xf32>,
        %parallel_loop3A_97 = math.absf %parallel_loop3A_96 : vector<16xf32>
        %parallel_loop3A_98 = arith.constant dense<true> : vector<16xi1>
        %parallel_loop3A_99, %parallel_loop3A_100, %parallel_loop3A_101 = tpu.sort %parallel_loop3A_97, %parallel_loop3A_97 masked %parallel_loop3A_98 {descending = true} : (vector<16xf32>, vector<16xf32>, vector<16xi1>) -> (vector<16xi1>, vector<16xf32>, vector<16xf32>)
        %parallel_loop3A_102 = arith.index_cast %parallel_loop3A_85 : i32 to index
        %parallel_loop3A_103 = arith.constant 32 : index
        %parallel_loop3A_104 = tpu.vector_load %arg7[%parallel_loop3A_102, %parallel_loop3A_103] {strides = array<i32>} : memref<64x512xf32, #tpu.memory_space<vmem>>, vector<16xf32>,
        %parallel_loop3A_105 = math.absf %parallel_loop3A_104 : vector<16xf32>
        %parallel_loop3A_106 = arith.constant dense<true> : vector<16xi1>
        %parallel_loop3A_107, %parallel_loop3A_108, %parallel_loop3A_109 = tpu.sort %parallel_loop3A_105, %parallel_loop3A_105 masked %parallel_loop3A_106 : (vector<16xf32>, vector<16xf32>, vector<16xi1>) -> (vector<16xi1>, vector<16xf32>, vector<16xf32>)
        %parallel_loop3A_110 = arith.index_cast %parallel_loop3A_85 : i32 to index
        %parallel_loop3A_111 = arith.constant 48 : index
        %parallel_loop3A_112 = tpu.vector_load %arg7[%parallel_loop3A_110, %parallel_loop3A_111] {strides = array<i32>} : memref<64x512xf32, #tpu.memory_space<vmem>>, vector<16xf32>,
        %parallel_loop3A_113 = math.absf %parallel_loop3A_112 : vector<16xf32>
        %parallel_loop3A_114 = arith.constant dense<true> : vector<16xi1>
        %parallel_loop3A_115, %parallel_loop3A_116, %parallel_loop3A_117 = tpu.sort %parallel_loop3A_113, %parallel_loop3A_113 masked %parallel_loop3A_114 {descending = true} : (vector<16xf32>, vector<16xf32>, vector<16xi1>) -> (vector<16xi1>, vector<16xf32>, vector<16xf32>)
        %parallel_loop3A_118 = arith.index_cast %parallel_loop3A_85 : i32 to index
        %parallel_loop3A_119 = arith.constant 64 : index
        %parallel_loop3A_120 = tpu.vector_load %arg7[%parallel_loop3A_118, %parallel_loop3A_119] {strides = array<i32>} : memref<64x512xf32, #tpu.memory_space<vmem>>, vector<16xf32>,
        %parallel_loop3A_121 = math.absf %parallel_loop3A_120 : vector<16xf32>
        %parallel_loop3A_122 = arith.constant dense<true> : vector<16xi1>
        %parallel_loop3A_123, %parallel_loop3A_124, %parallel_loop3A_125 = tpu.sort %parallel_loop3A_121, %parallel_loop3A_121 masked %parallel_loop3A_122 : (vector<16xf32>, vector<16xf32>, vector<16xi1>) -> (vector<16xi1>, vector<16xf32>, vector<16xf32>)
        %parallel_loop3A_126 = arith.index_cast %parallel_loop3A_85 : i32 to index
        %parallel_loop3A_127 = arith.constant 80 : index
        %parallel_loop3A_128 = tpu.vector_load %arg7[%parallel_loop3A_126, %parallel_loop3A_127] {strides = array<i32>} : memref<64x512xf32, #tpu.memory_space<vmem>>, vector<16xf32>,
        %parallel_loop3A_129 = math.absf %parallel_loop3A_128 : vector<16xf32>
        %parallel_loop3A_130 = arith.constant dense<true> : vector<16xi1>
        %parallel_loop3A_131, %parallel_loop3A_132, %parallel_loop3A_133 = tpu.sort %parallel_loop3A_129, %parallel_loop3A_129 masked %parallel_loop3A_130 {descending = true} : (vector<16xf32>, vector<16xf32>, vector<16xi1>) -> (vector<16xi1>, vector<16xf32>, vector<16xf32>)
        %parallel_loop3A_134 = arith.index_cast %parallel_loop3A_85 : i32 to index
        %parallel_loop3A_135 = arith.constant 96 : index
        %parallel_loop3A_136 = tpu.vector_load %arg7[%parallel_loop3A_134, %parallel_loop3A_135] {strides = array<i32>} : memref<64x512xf32, #tpu.memory_space<vmem>>, vector<16xf32>,
        %parallel_loop3A_137 = math.absf %parallel_loop3A_136 : vector<16xf32>
        %parallel_loop3A_138 = arith.constant dense<true> : vector<16xi1>
        %parallel_loop3A_139, %parallel_loop3A_140, %parallel_loop3A_141 = tpu.sort %parallel_loop3A_137, %parallel_loop3A_137 masked %parallel_loop3A_138 : (vector<16xf32>, vector<16xf32>, vector<16xi1>) -> (vector<16xi1>, vector<16xf32>, vector<16xf32>)
        %parallel_loop3A_142 = arith.index_cast %parallel_loop3A_85 : i32 to index
        %parallel_loop3A_143 = arith.constant 112 : index
        %parallel_loop3A_144 = tpu.vector_load %arg7[%parallel_loop3A_142, %parallel_loop3A_143] {strides = array<i32>} : memref<64x512xf32, #tpu.memory_space<vmem>>, vector<16xf32>,
        %parallel_loop3A_145 = math.absf %parallel_loop3A_144 : vector<16xf32>
        %parallel_loop3A_146 = arith.constant dense<true> : vector<16xi1>
        %parallel_loop3A_147, %parallel_loop3A_148, %parallel_loop3A_149 = tpu.sort %parallel_loop3A_145, %parallel_loop3A_145 masked %parallel_loop3A_146 {descending = true} : (vector<16xf32>, vector<16xf32>, vector<16xi1>) -> (vector<16xi1>, vector<16xf32>, vector<16xf32>)
        %parallel_loop3A_150 = arith.index_cast %parallel_loop3A_85 : i32 to index
        %parallel_loop3A_151 = arith.constant 128 : index
        %parallel_loop3A_152 = tpu.vector_load %arg7[%parallel_loop3A_150, %parallel_loop3A_151] {strides = array<i32>} : memref<64x512xf32, #tpu.memory_space<vmem>>, vector<16xf32>,
        %parallel_loop3A_153 = math.absf %parallel_loop3A_152 : vector<16xf32>
        %parallel_loop3A_154 = arith.constant dense<true> : vector<16xi1>
        %parallel_loop3A_155, %parallel_loop3A_156, %parallel_loop3A_157 = tpu.sort %parallel_loop3A_153, %parallel_loop3A_153 masked %parallel_loop3A_154 : (vector<16xf32>, vector<16xf32>, vector<16xi1>) -> (vector<16xi1>, vector<16xf32>, vector<16xf32>)
        %parallel_loop3A_158 = arith.index_cast %parallel_loop3A_85 : i32 to index
        %parallel_loop3A_159 = arith.constant 144 : index
        %parallel_loop3A_160 = tpu.vector_load %arg7[%parallel_loop3A_158, %parallel_loop3A_159] {strides = array<i32>} : memref<64x512xf32, #tpu.memory_space<vmem>>, vector<16xf32>,
        %parallel_loop3A_161 = math.absf %parallel_loop3A_160 : vector<16xf32>
        %parallel_loop3A_162 = arith.constant dense<true> : vector<16xi1>
        %parallel_loop3A_163, %parallel_loop3A_164, %parallel_loop3A_165 = tpu.sort %parallel_loop3A_161, %parallel_loop3A_161 masked %parallel_loop3A_162 {descending = true} : (vector<16xf32>, vector<16xf32>, vector<16xi1>) -> (vector<16xi1>, vector<16xf32>, vector<16xf32>)
        %parallel_loop3A_166 = arith.index_cast %parallel_loop3A_85 : i32 to index
        %parallel_loop3A_167 = arith.constant 160 : index
        %parallel_loop3A_168 = tpu.vector_load %arg7[%parallel_loop3A_166, %parallel_loop3A_167] {strides = array<i32>} : memref<64x512xf32, #tpu.memory_space<vmem>>, vector<16xf32>,
        %parallel_loop3A_169 = math.absf %parallel_loop3A_168 : vector<16xf32>
        %parallel_loop3A_170 = arith.constant dense<true> : vector<16xi1>
        %parallel_loop3A_171, %parallel_loop3A_172, %parallel_loop3A_173 = tpu.sort %parallel_loop3A_169, %parallel_loop3A_169 masked %parallel_loop3A_170 : (vector<16xf32>, vector<16xf32>, vector<16xi1>) -> (vector<16xi1>, vector<16xf32>, vector<16xf32>)
        %parallel_loop3A_174 = arith.index_cast %parallel_loop3A_85 : i32 to index
        %parallel_loop3A_175 = arith.constant 176 : index
        %parallel_loop3A_176 = tpu.vector_load %arg7[%parallel_loop3A_174, %parallel_loop3A_175] {strides = array<i32>} : memref<64x512xf32, #tpu.memory_space<vmem>>, vector<16xf32>,
        %parallel_loop3A_177 = math.absf %parallel_loop3A_176 : vector<16xf32>
        %parallel_loop3A_178 = arith.constant dense<true> : vector<16xi1>
        %parallel_loop3A_179, %parallel_loop3A_180, %parallel_loop3A_181 = tpu.sort %parallel_loop3A_177, %parallel_loop3A_177 masked %parallel_loop3A_178 {descending = true} : (vector<16xf32>, vector<16xf32>, vector<16xi1>) -> (vector<16xi1>, vector<16xf32>, vector<16xf32>)
        %parallel_loop3A_182 = arith.index_cast %parallel_loop3A_85 : i32 to index
        %parallel_loop3A_183 = arith.constant 192 : index
        %parallel_loop3A_184 = tpu.vector_load %arg7[%parallel_loop3A_182, %parallel_loop3A_183] {strides = array<i32>} : memref<64x512xf32, #tpu.memory_space<vmem>>, vector<16xf32>,
        %parallel_loop3A_185 = math.absf %parallel_loop3A_184 : vector<16xf32>
        %parallel_loop3A_186 = arith.constant dense<true> : vector<16xi1>
        %parallel_loop3A_187, %parallel_loop3A_188, %parallel_loop3A_189 = tpu.sort %parallel_loop3A_185, %parallel_loop3A_185 masked %parallel_loop3A_186 : (vector<16xf32>, vector<16xf32>, vector<16xi1>) -> (vector<16xi1>, vector<16xf32>, vector<16xf32>)
        %parallel_loop3A_190 = arith.index_cast %parallel_loop3A_85 : i32 to index
        %parallel_loop3A_191 = arith.constant 208 : index
        %parallel_loop3A_192 = tpu.vector_load %arg7[%parallel_loop3A_190, %parallel_loop3A_191] {strides = array<i32>} : memref<64x512xf32, #tpu.memory_space<vmem>>, vector<16xf32>,
        %parallel_loop3A_193 = math.absf %parallel_loop3A_192 : vector<16xf32>
        %parallel_loop3A_194 = arith.constant dense<true> : vector<16xi1>
        %parallel_loop3A_195, %parallel_loop3A_196, %parallel_loop3A_197 = tpu.sort %parallel_loop3A_193, %parallel_loop3A_193 masked %parallel_loop3A_194 {descending = true} : (vector<16xf32>, vector<16xf32>, vector<16xi1>) -> (vector<16xi1>, vector<16xf32>, vector<16xf32>)
        %parallel_loop3A_198 = arith.index_cast %parallel_loop3A_85 : i32 to index
        %parallel_loop3A_199 = arith.constant 224 : index
        %parallel_loop3A_200 = tpu.vector_load %arg7[%parallel_loop3A_198, %parallel_loop3A_199] {strides = array<i32>} : memref<64x512xf32, #tpu.memory_space<vmem>>, vector<16xf32>,
        %parallel_loop3A_201 = math.absf %parallel_loop3A_200 : vector<16xf32>
        %parallel_loop3A_202 = arith.constant dense<true> : vector<16xi1>
        %parallel_loop3A_203, %parallel_loop3A_204, %parallel_loop3A_205 = tpu.sort %parallel_loop3A_201, %parallel_loop3A_201 masked %parallel_loop3A_202 : (vector<16xf32>, vector<16xf32>, vector<16xi1>) -> (vector<16xi1>, vector<16xf32>, vector<16xf32>)
        %parallel_loop3A_206 = arith.index_cast %parallel_loop3A_85 : i32 to index
        %parallel_loop3A_207 = arith.constant 240 : index
        %parallel_loop3A_208 = tpu.vector_load %arg7[%parallel_loop3A_206, %parallel_loop3A_207] {strides = array<i32>} : memref<64x512xf32, #tpu.memory_space<vmem>>, vector<16xf32>,
        %parallel_loop3A_209 = math.absf %parallel_loop3A_208 : vector<16xf32>
        %parallel_loop3A_210 = arith.constant dense<true> : vector<16xi1>
        %parallel_loop3A_211, %parallel_loop3A_212, %parallel_loop3A_213 = tpu.sort %parallel_loop3A_209, %parallel_loop3A_209 masked %parallel_loop3A_210 {descending = true} : (vector<16xf32>, vector<16xf32>, vector<16xi1>) -> (vector<16xi1>, vector<16xf32>, vector<16xf32>)
        %parallel_loop3A_214 = arith.index_cast %parallel_loop3A_85 : i32 to index
        %parallel_loop3A_215 = arith.constant 256 : index
        %parallel_loop3A_216 = tpu.vector_load %arg7[%parallel_loop3A_214, %parallel_loop3A_215] {strides = array<i32>} : memref<64x512xf32, #tpu.memory_space<vmem>>, vector<16xf32>,
        %parallel_loop3A_217 = math.absf %parallel_loop3A_216 : vector<16xf32>
        %parallel_loop3A_218 = arith.constant dense<true> : vector<16xi1>
        %parallel_loop3A_219, %parallel_loop3A_220, %parallel_loop3A_221 = tpu.sort %parallel_loop3A_217, %parallel_loop3A_217 masked %parallel_loop3A_218 : (vector<16xf32>, vector<16xf32>, vector<16xi1>) -> (vector<16xi1>, vector<16xf32>, vector<16xf32>)
        %parallel_loop3A_222 = arith.index_cast %parallel_loop3A_85 : i32 to index
        %parallel_loop3A_223 = arith.constant 272 : index
        %parallel_loop3A_224 = tpu.vector_load %arg7[%parallel_loop3A_222, %parallel_loop3A_223] {strides = array<i32>} : memref<64x512xf32, #tpu.memory_space<vmem>>, vector<16xf32>,
        %parallel_loop3A_225 = math.absf %parallel_loop3A_224 : vector<16xf32>
        %parallel_loop3A_226 = arith.constant dense<true> : vector<16xi1>
        %parallel_loop3A_227, %parallel_loop3A_228, %parallel_loop3A_229 = tpu.sort %parallel_loop3A_225, %parallel_loop3A_225 masked %parallel_loop3A_226 {descending = true} : (vector<16xf32>, vector<16xf32>, vector<16xi1>) -> (vector<16xi1>, vector<16xf32>, vector<16xf32>)
        %parallel_loop3A_230 = arith.index_cast %parallel_loop3A_85 : i32 to index
        %parallel_loop3A_231 = arith.constant 288 : index
        %parallel_loop3A_232 = tpu.vector_load %arg7[%parallel_loop3A_230, %parallel_loop3A_231] {strides = array<i32>} : memref<64x512xf32, #tpu.memory_space<vmem>>, vector<16xf32>,
        %parallel_loop3A_233 = math.absf %parallel_loop3A_232 : vector<16xf32>
        %parallel_loop3A_234 = arith.constant dense<true> : vector<16xi1>
        %parallel_loop3A_235, %parallel_loop3A_236, %parallel_loop3A_237 = tpu.sort %parallel_loop3A_233, %parallel_loop3A_233 masked %parallel_loop3A_234 : (vector<16xf32>, vector<16xf32>, vector<16xi1>) -> (vector<16xi1>, vector<16xf32>, vector<16xf32>)
        %parallel_loop3A_238 = arith.index_cast %parallel_loop3A_85 : i32 to index
        %parallel_loop3A_239 = arith.constant 304 : index
        %parallel_loop3A_240 = tpu.vector_load %arg7[%parallel_loop3A_238, %parallel_loop3A_239] {strides = array<i32>} : memref<64x512xf32, #tpu.memory_space<vmem>>, vector<16xf32>,
        %parallel_loop3A_241 = math.absf %parallel_loop3A_240 : vector<16xf32>
        %parallel_loop3A_242 = arith.constant dense<true> : vector<16xi1>
        %parallel_loop3A_243, %parallel_loop3A_244, %parallel_loop3A_245 = tpu.sort %parallel_loop3A_241, %parallel_loop3A_241 masked %parallel_loop3A_242 {descending = true} : (vector<16xf32>, vector<16xf32>, vector<16xi1>) -> (vector<16xi1>, vector<16xf32>, vector<16xf32>)
        %parallel_loop3A_246 = arith.index_cast %parallel_loop3A_85 : i32 to index
        %parallel_loop3A_247 = arith.constant 320 : index
        %parallel_loop3A_248 = tpu.vector_load %arg7[%parallel_loop3A_246, %parallel_loop3A_247] {strides = array<i32>} : memref<64x512xf32, #tpu.memory_space<vmem>>, vector<16xf32>,
        %parallel_loop3A_249 = math.absf %parallel_loop3A_248 : vector<16xf32>
        %parallel_loop3A_250 = arith.constant dense<true> : vector<16xi1>
        %parallel_loop3A_251, %parallel_loop3A_252, %parallel_loop3A_253 = tpu.sort %parallel_loop3A_249, %parallel_loop3A_249 masked %parallel_loop3A_250 : (vector<16xf32>, vector<16xf32>, vector<16xi1>) -> (vector<16xi1>, vector<16xf32>, vector<16xf32>)
        %parallel_loop3A_254 = arith.index_cast %parallel_loop3A_85 : i32 to index
        %parallel_loop3A_255 = arith.constant 336 : index
        %parallel_loop3A_256 = tpu.vector_load %arg7[%parallel_loop3A_254, %parallel_loop3A_255] {strides = array<i32>} : memref<64x512xf32, #tpu.memory_space<vmem>>, vector<16xf32>,
        %parallel_loop3A_257 = math.absf %parallel_loop3A_256 : vector<16xf32>
        %parallel_loop3A_258 = arith.constant dense<true> : vector<16xi1>
        %parallel_loop3A_259, %parallel_loop3A_260, %parallel_loop3A_261 = tpu.sort %parallel_loop3A_257, %parallel_loop3A_257 masked %parallel_loop3A_258 {descending = true} : (vector<16xf32>, vector<16xf32>, vector<16xi1>) -> (vector<16xi1>, vector<16xf32>, vector<16xf32>)
        %parallel_loop3A_262 = arith.index_cast %parallel_loop3A_85 : i32 to index
        %parallel_loop3A_263 = arith.constant 352 : index
        %parallel_loop3A_264 = tpu.vector_load %arg7[%parallel_loop3A_262, %parallel_loop3A_263] {strides = array<i32>} : memref<64x512xf32, #tpu.memory_space<vmem>>, vector<16xf32>,
        %parallel_loop3A_265 = math.absf %parallel_loop3A_264 : vector<16xf32>
        %parallel_loop3A_266 = arith.constant dense<true> : vector<16xi1>
        %parallel_loop3A_267, %parallel_loop3A_268, %parallel_loop3A_269 = tpu.sort %parallel_loop3A_265, %parallel_loop3A_265 masked %parallel_loop3A_266 : (vector<16xf32>, vector<16xf32>, vector<16xi1>) -> (vector<16xi1>, vector<16xf32>, vector<16xf32>)
        %parallel_loop3A_270 = arith.index_cast %parallel_loop3A_85 : i32 to index
        %parallel_loop3A_271 = arith.constant 368 : index
        %parallel_loop3A_272 = tpu.vector_load %arg7[%parallel_loop3A_270, %parallel_loop3A_271] {strides = array<i32>} : memref<64x512xf32, #tpu.memory_space<vmem>>, vector<16xf32>,
        %parallel_loop3A_273 = math.absf %parallel_loop3A_272 : vector<16xf32>
        %parallel_loop3A_274 = arith.constant dense<true> : vector<16xi1>
        %parallel_loop3A_275, %parallel_loop3A_276, %parallel_loop3A_277 = tpu.sort %parallel_loop3A_273, %parallel_loop3A_273 masked %parallel_loop3A_274 {descending = true} : (vector<16xf32>, vector<16xf32>, vector<16xi1>) -> (vector<16xi1>, vector<16xf32>, vector<16xf32>)
        %parallel_loop3A_278 = arith.index_cast %parallel_loop3A_85 : i32 to index
        %parallel_loop3A_279 = arith.constant 384 : index
        %parallel_loop3A_280 = tpu.vector_load %arg7[%parallel_loop3A_278, %parallel_loop3A_279] {strides = array<i32>} : memref<64x512xf32, #tpu.memory_space<vmem>>, vector<16xf32>,
        %parallel_loop3A_281 = math.absf %parallel_loop3A_280 : vector<16xf32>
        %parallel_loop3A_282 = arith.constant dense<true> : vector<16xi1>
        %parallel_loop3A_283, %parallel_loop3A_284, %parallel_loop3A_285 = tpu.sort %parallel_loop3A_281, %parallel_loop3A_281 masked %parallel_loop3A_282 : (vector<16xf32>, vector<16xf32>, vector<16xi1>) -> (vector<16xi1>, vector<16xf32>, vector<16xf32>)
        %parallel_loop3A_286 = arith.index_cast %parallel_loop3A_85 : i32 to index
        %parallel_loop3A_287 = arith.constant 400 : index
        %parallel_loop3A_288 = tpu.vector_load %arg7[%parallel_loop3A_286, %parallel_loop3A_287] {strides = array<i32>} : memref<64x512xf32, #tpu.memory_space<vmem>>, vector<16xf32>,
        %parallel_loop3A_289 = math.absf %parallel_loop3A_288 : vector<16xf32>
        %parallel_loop3A_290 = arith.constant dense<true> : vector<16xi1>
        %parallel_loop3A_291, %parallel_loop3A_292, %parallel_loop3A_293 = tpu.sort %parallel_loop3A_289, %parallel_loop3A_289 masked %parallel_loop3A_290 {descending = true} : (vector<16xf32>, vector<16xf32>, vector<16xi1>) -> (vector<16xi1>, vector<16xf32>, vector<16xf32>)
        %parallel_loop3A_294 = arith.index_cast %parallel_loop3A_85 : i32 to index
        %parallel_loop3A_295 = arith.constant 416 : index
        %parallel_loop3A_296 = tpu.vector_load %arg7[%parallel_loop3A_294, %parallel_loop3A_295] {strides = array<i32>} : memref<64x512xf32, #tpu.memory_space<vmem>>, vector<16xf32>,
        %parallel_loop3A_297 = math.absf %parallel_loop3A_296 : vector<16xf32>
        %parallel_loop3A_298 = arith.constant dense<true> : vector<16xi1>
        %parallel_loop3A_299, %parallel_loop3A_300, %parallel_loop3A_301 = tpu.sort %parallel_loop3A_297, %parallel_loop3A_297 masked %parallel_loop3A_298 : (vector<16xf32>, vector<16xf32>, vector<16xi1>) -> (vector<16xi1>, vector<16xf32>, vector<16xf32>)
        %parallel_loop3A_302 = arith.index_cast %parallel_loop3A_85 : i32 to index
        %parallel_loop3A_303 = arith.constant 432 : index
        %parallel_loop3A_304 = tpu.vector_load %arg7[%parallel_loop3A_302, %parallel_loop3A_303] {strides = array<i32>} : memref<64x512xf32, #tpu.memory_space<vmem>>, vector<16xf32>,
        %parallel_loop3A_305 = math.absf %parallel_loop3A_304 : vector<16xf32>
        %parallel_loop3A_306 = arith.constant dense<true> : vector<16xi1>
        %parallel_loop3A_307, %parallel_loop3A_308, %parallel_loop3A_309 = tpu.sort %parallel_loop3A_305, %parallel_loop3A_305 masked %parallel_loop3A_306 {descending = true} : (vector<16xf32>, vector<16xf32>, vector<16xi1>) -> (vector<16xi1>, vector<16xf32>, vector<16xf32>)
        %parallel_loop3A_310 = arith.index_cast %parallel_loop3A_85 : i32 to index
        %parallel_loop3A_311 = arith.constant 448 : index
        %parallel_loop3A_312 = tpu.vector_load %arg7[%parallel_loop3A_310, %parallel_loop3A_311] {strides = array<i32>} : memref<64x512xf32, #tpu.memory_space<vmem>>, vector<16xf32>,
        %parallel_loop3A_313 = math.absf %parallel_loop3A_312 : vector<16xf32>
        %parallel_loop3A_314 = arith.constant dense<true> : vector<16xi1>
        %parallel_loop3A_315, %parallel_loop3A_316, %parallel_loop3A_317 = tpu.sort %parallel_loop3A_313, %parallel_loop3A_313 masked %parallel_loop3A_314 : (vector<16xf32>, vector<16xf32>, vector<16xi1>) -> (vector<16xi1>, vector<16xf32>, vector<16xf32>)
        %parallel_loop3A_318 = arith.index_cast %parallel_loop3A_85 : i32 to index
        %parallel_loop3A_319 = arith.constant 464 : index
        %parallel_loop3A_320 = tpu.vector_load %arg7[%parallel_loop3A_318, %parallel_loop3A_319] {strides = array<i32>} : memref<64x512xf32, #tpu.memory_space<vmem>>, vector<16xf32>,
        %parallel_loop3A_321 = math.absf %parallel_loop3A_320 : vector<16xf32>
        %parallel_loop3A_322 = arith.constant dense<true> : vector<16xi1>
        %parallel_loop3A_323, %parallel_loop3A_324, %parallel_loop3A_325 = tpu.sort %parallel_loop3A_321, %parallel_loop3A_321 masked %parallel_loop3A_322 {descending = true} : (vector<16xf32>, vector<16xf32>, vector<16xi1>) -> (vector<16xi1>, vector<16xf32>, vector<16xf32>)
        %parallel_loop3A_326 = arith.index_cast %parallel_loop3A_85 : i32 to index
        %parallel_loop3A_327 = arith.constant 480 : index
        %parallel_loop3A_328 = tpu.vector_load %arg7[%parallel_loop3A_326, %parallel_loop3A_327] {strides = array<i32>} : memref<64x512xf32, #tpu.memory_space<vmem>>, vector<16xf32>,
        %parallel_loop3A_329 = math.absf %parallel_loop3A_328 : vector<16xf32>
        %parallel_loop3A_330 = arith.constant dense<true> : vector<16xi1>
        %parallel_loop3A_331, %parallel_loop3A_332, %parallel_loop3A_333 = tpu.sort %parallel_loop3A_329, %parallel_loop3A_329 masked %parallel_loop3A_330 : (vector<16xf32>, vector<16xf32>, vector<16xi1>) -> (vector<16xi1>, vector<16xf32>, vector<16xf32>)
        %parallel_loop3A_334 = arith.index_cast %parallel_loop3A_85 : i32 to index
        %parallel_loop3A_335 = arith.constant 496 : index
        %parallel_loop3A_336 = tpu.vector_load %arg7[%parallel_loop3A_334, %parallel_loop3A_335] {strides = array<i32>} : memref<64x512xf32, #tpu.memory_space<vmem>>, vector<16xf32>,
        %parallel_loop3A_337 = math.absf %parallel_loop3A_336 : vector<16xf32>
        %parallel_loop3A_338 = arith.constant dense<true> : vector<16xi1>
        %parallel_loop3A_339, %parallel_loop3A_340, %parallel_loop3A_341 = tpu.sort %parallel_loop3A_337, %parallel_loop3A_337 masked %parallel_loop3A_338 {descending = true} : (vector<16xf32>, vector<16xf32>, vector<16xi1>) -> (vector<16xi1>, vector<16xf32>, vector<16xf32>)
        %parallel_loop3A_342 = arith.minimumf %parallel_loop3A_92, %parallel_loop3A_100 : vector<16xf32>
        %parallel_loop3A_343 = arith.maximumf %parallel_loop3A_92, %parallel_loop3A_100 : vector<16xf32>
        %parallel_loop3A_344 = arith.constant dense<true> : vector<16xi1>
        %parallel_loop3A_345, %parallel_loop3A_346, %parallel_loop3A_347 = tpu.sort %parallel_loop3A_342, %parallel_loop3A_342 masked %parallel_loop3A_344 : (vector<16xf32>, vector<16xf32>, vector<16xi1>) -> (vector<16xi1>, vector<16xf32>, vector<16xf32>)
        %parallel_loop3A_348 = arith.constant dense<true> : vector<16xi1>
        %parallel_loop3A_349, %parallel_loop3A_350, %parallel_loop3A_351 = tpu.sort %parallel_loop3A_343, %parallel_loop3A_343 masked %parallel_loop3A_348 : (vector<16xf32>, vector<16xf32>, vector<16xi1>) -> (vector<16xi1>, vector<16xf32>, vector<16xf32>)
        %parallel_loop3A_352 = arith.minimumf %parallel_loop3A_108, %parallel_loop3A_116 : vector<16xf32>
        %parallel_loop3A_353 = arith.maximumf %parallel_loop3A_108, %parallel_loop3A_116 : vector<16xf32>
        %parallel_loop3A_354 = arith.constant dense<true> : vector<16xi1>
        %parallel_loop3A_355, %parallel_loop3A_356, %parallel_loop3A_357 = tpu.sort %parallel_loop3A_353, %parallel_loop3A_353 masked %parallel_loop3A_354 {descending = true} : (vector<16xf32>, vector<16xf32>, vector<16xi1>) -> (vector<16xi1>, vector<16xf32>, vector<16xf32>)
        %parallel_loop3A_358 = arith.constant dense<true> : vector<16xi1>
        %parallel_loop3A_359, %parallel_loop3A_360, %parallel_loop3A_361 = tpu.sort %parallel_loop3A_352, %parallel_loop3A_352 masked %parallel_loop3A_358 {descending = true} : (vector<16xf32>, vector<16xf32>, vector<16xi1>) -> (vector<16xi1>, vector<16xf32>, vector<16xf32>)
        %parallel_loop3A_362 = arith.minimumf %parallel_loop3A_124, %parallel_loop3A_132 : vector<16xf32>
        %parallel_loop3A_363 = arith.maximumf %parallel_loop3A_124, %parallel_loop3A_132 : vector<16xf32>
        %parallel_loop3A_364 = arith.constant dense<true> : vector<16xi1>
        %parallel_loop3A_365, %parallel_loop3A_366, %parallel_loop3A_367 = tpu.sort %parallel_loop3A_362, %parallel_loop3A_362 masked %parallel_loop3A_364 : (vector<16xf32>, vector<16xf32>, vector<16xi1>) -> (vector<16xi1>, vector<16xf32>, vector<16xf32>)
        %parallel_loop3A_368 = arith.constant dense<true> : vector<16xi1>
        %parallel_loop3A_369, %parallel_loop3A_370, %parallel_loop3A_371 = tpu.sort %parallel_loop3A_363, %parallel_loop3A_363 masked %parallel_loop3A_368 : (vector<16xf32>, vector<16xf32>, vector<16xi1>) -> (vector<16xi1>, vector<16xf32>, vector<16xf32>)
        %parallel_loop3A_372 = arith.minimumf %parallel_loop3A_140, %parallel_loop3A_148 : vector<16xf32>
        %parallel_loop3A_373 = arith.maximumf %parallel_loop3A_140, %parallel_loop3A_148 : vector<16xf32>
        %parallel_loop3A_374 = arith.constant dense<true> : vector<16xi1>
        %parallel_loop3A_375, %parallel_loop3A_376, %parallel_loop3A_377 = tpu.sort %parallel_loop3A_373, %parallel_loop3A_373 masked %parallel_loop3A_374 {descending = true} : (vector<16xf32>, vector<16xf32>, vector<16xi1>) -> (vector<16xi1>, vector<16xf32>, vector<16xf32>)
        %parallel_loop3A_378 = arith.constant dense<true> : vector<16xi1>
        %parallel_loop3A_379, %parallel_loop3A_380, %parallel_loop3A_381 = tpu.sort %parallel_loop3A_372, %parallel_loop3A_372 masked %parallel_loop3A_378 {descending = true} : (vector<16xf32>, vector<16xf32>, vector<16xi1>) -> (vector<16xi1>, vector<16xf32>, vector<16xf32>)
        %parallel_loop3A_382 = arith.minimumf %parallel_loop3A_156, %parallel_loop3A_164 : vector<16xf32>
        %parallel_loop3A_383 = arith.maximumf %parallel_loop3A_156, %parallel_loop3A_164 : vector<16xf32>
        %parallel_loop3A_384 = arith.constant dense<true> : vector<16xi1>
        %parallel_loop3A_385, %parallel_loop3A_386, %parallel_loop3A_387 = tpu.sort %parallel_loop3A_382, %parallel_loop3A_382 masked %parallel_loop3A_384 : (vector<16xf32>, vector<16xf32>, vector<16xi1>) -> (vector<16xi1>, vector<16xf32>, vector<16xf32>)
        %parallel_loop3A_388 = arith.constant dense<true> : vector<16xi1>
        %parallel_loop3A_389, %parallel_loop3A_390, %parallel_loop3A_391 = tpu.sort %parallel_loop3A_383, %parallel_loop3A_383 masked %parallel_loop3A_388 : (vector<16xf32>, vector<16xf32>, vector<16xi1>) -> (vector<16xi1>, vector<16xf32>, vector<16xf32>)
        %parallel_loop3A_392 = arith.minimumf %parallel_loop3A_172, %parallel_loop3A_180 : vector<16xf32>
        %parallel_loop3A_393 = arith.maximumf %parallel_loop3A_172, %parallel_loop3A_180 : vector<16xf32>
        %parallel_loop3A_394 = arith.constant dense<true> : vector<16xi1>
        %parallel_loop3A_395, %parallel_loop3A_396, %parallel_loop3A_397 = tpu.sort %parallel_loop3A_393, %parallel_loop3A_393 masked %parallel_loop3A_394 {descending = true} : (vector<16xf32>, vector<16xf32>, vector<16xi1>) -> (vector<16xi1>, vector<16xf32>, vector<16xf32>)
        %parallel_loop3A_398 = arith.constant dense<true> : vector<16xi1>
        %parallel_loop3A_399, %parallel_loop3A_400, %parallel_loop3A_401 = tpu.sort %parallel_loop3A_392, %parallel_loop3A_392 masked %parallel_loop3A_398 {descending = true} : (vector<16xf32>, vector<16xf32>, vector<16xi1>) -> (vector<16xi1>, vector<16xf32>, vector<16xf32>)
        %parallel_loop3A_402 = arith.minimumf %parallel_loop3A_188, %parallel_loop3A_196 : vector<16xf32>
        %parallel_loop3A_403 = arith.maximumf %parallel_loop3A_188, %parallel_loop3A_196 : vector<16xf32>
        %parallel_loop3A_404 = arith.constant dense<true> : vector<16xi1>
        %parallel_loop3A_405, %parallel_loop3A_406, %parallel_loop3A_407 = tpu.sort %parallel_loop3A_402, %parallel_loop3A_402 masked %parallel_loop3A_404 : (vector<16xf32>, vector<16xf32>, vector<16xi1>) -> (vector<16xi1>, vector<16xf32>, vector<16xf32>)
        %parallel_loop3A_408 = arith.constant dense<true> : vector<16xi1>
        %parallel_loop3A_409, %parallel_loop3A_410, %parallel_loop3A_411 = tpu.sort %parallel_loop3A_403, %parallel_loop3A_403 masked %parallel_loop3A_408 : (vector<16xf32>, vector<16xf32>, vector<16xi1>) -> (vector<16xi1>, vector<16xf32>, vector<16xf32>)
        %parallel_loop3A_412 = arith.minimumf %parallel_loop3A_204, %parallel_loop3A_212 : vector<16xf32>
        %parallel_loop3A_413 = arith.maximumf %parallel_loop3A_204, %parallel_loop3A_212 : vector<16xf32>
        %parallel_loop3A_414 = arith.constant dense<true> : vector<16xi1>
        %parallel_loop3A_415, %parallel_loop3A_416, %parallel_loop3A_417 = tpu.sort %parallel_loop3A_413, %parallel_loop3A_413 masked %parallel_loop3A_414 {descending = true} : (vector<16xf32>, vector<16xf32>, vector<16xi1>) -> (vector<16xi1>, vector<16xf32>, vector<16xf32>)
        %parallel_loop3A_418 = arith.constant dense<true> : vector<16xi1>
        %parallel_loop3A_419, %parallel_loop3A_420, %parallel_loop3A_421 = tpu.sort %parallel_loop3A_412, %parallel_loop3A_412 masked %parallel_loop3A_418 {descending = true} : (vector<16xf32>, vector<16xf32>, vector<16xi1>) -> (vector<16xi1>, vector<16xf32>, vector<16xf32>)
        %parallel_loop3A_422 = arith.minimumf %parallel_loop3A_220, %parallel_loop3A_228 : vector<16xf32>
        %parallel_loop3A_423 = arith.maximumf %parallel_loop3A_220, %parallel_loop3A_228 : vector<16xf32>
        %parallel_loop3A_424 = arith.constant dense<true> : vector<16xi1>
        %parallel_loop3A_425, %parallel_loop3A_426, %parallel_loop3A_427 = tpu.sort %parallel_loop3A_422, %parallel_loop3A_422 masked %parallel_loop3A_424 : (vector<16xf32>, vector<16xf32>, vector<16xi1>) -> (vector<16xi1>, vector<16xf32>, vector<16xf32>)
        %parallel_loop3A_428 = arith.constant dense<true> : vector<16xi1>
        %parallel_loop3A_429, %parallel_loop3A_430, %parallel_loop3A_431 = tpu.sort %parallel_loop3A_423, %parallel_loop3A_423 masked %parallel_loop3A_428 : (vector<16xf32>, vector<16xf32>, vector<16xi1>) -> (vector<16xi1>, vector<16xf32>, vector<16xf32>)
        %parallel_loop3A_432 = arith.minimumf %parallel_loop3A_236, %parallel_loop3A_244 : vector<16xf32>
        %parallel_loop3A_433 = arith.maximumf %parallel_loop3A_236, %parallel_loop3A_244 : vector<16xf32>
        %parallel_loop3A_434 = arith.constant dense<true> : vector<16xi1>
        %parallel_loop3A_435, %parallel_loop3A_436, %parallel_loop3A_437 = tpu.sort %parallel_loop3A_433, %parallel_loop3A_433 masked %parallel_loop3A_434 {descending = true} : (vector<16xf32>, vector<16xf32>, vector<16xi1>) -> (vector<16xi1>, vector<16xf32>, vector<16xf32>)
        %parallel_loop3A_438 = arith.constant dense<true> : vector<16xi1>
        %parallel_loop3A_439, %parallel_loop3A_440, %parallel_loop3A_441 = tpu.sort %parallel_loop3A_432, %parallel_loop3A_432 masked %parallel_loop3A_438 {descending = true} : (vector<16xf32>, vector<16xf32>, vector<16xi1>) -> (vector<16xi1>, vector<16xf32>, vector<16xf32>)
        %parallel_loop3A_442 = arith.minimumf %parallel_loop3A_252, %parallel_loop3A_260 : vector<16xf32>
        %parallel_loop3A_443 = arith.maximumf %parallel_loop3A_252, %parallel_loop3A_260 : vector<16xf32>
        %parallel_loop3A_444 = arith.constant dense<true> : vector<16xi1>
        %parallel_loop3A_445, %parallel_loop3A_446, %parallel_loop3A_447 = tpu.sort %parallel_loop3A_442, %parallel_loop3A_442 masked %parallel_loop3A_444 : (vector<16xf32>, vector<16xf32>, vector<16xi1>) -> (vector<16xi1>, vector<16xf32>, vector<16xf32>)
        %parallel_loop3A_448 = arith.constant dense<true> : vector<16xi1>
        %parallel_loop3A_449, %parallel_loop3A_450, %parallel_loop3A_451 = tpu.sort %parallel_loop3A_443, %parallel_loop3A_443 masked %parallel_loop3A_448 : (vector<16xf32>, vector<16xf32>, vector<16xi1>) -> (vector<16xi1>, vector<16xf32>, vector<16xf32>)
        %parallel_loop3A_452 = arith.minimumf %parallel_loop3A_268, %parallel_loop3A_276 : vector<16xf32>
        %parallel_loop3A_453 = arith.maximumf %parallel_loop3A_268, %parallel_loop3A_276 : vector<16xf32>
        %parallel_loop3A_454 = arith.constant dense<true> : vector<16xi1>
        %parallel_loop3A_455, %parallel_loop3A_456, %parallel_loop3A_457 = tpu.sort %parallel_loop3A_453, %parallel_loop3A_453 masked %parallel_loop3A_454 {descending = true} : (vector<16xf32>, vector<16xf32>, vector<16xi1>) -> (vector<16xi1>, vector<16xf32>, vector<16xf32>)
        %parallel_loop3A_458 = arith.constant dense<true> : vector<16xi1>
        %parallel_loop3A_459, %parallel_loop3A_460, %parallel_loop3A_461 = tpu.sort %parallel_loop3A_452, %parallel_loop3A_452 masked %parallel_loop3A_458 {descending = true} : (vector<16xf32>, vector<16xf32>, vector<16xi1>) -> (vector<16xi1>, vector<16xf32>, vector<16xf32>)
        %parallel_loop3A_462 = arith.minimumf %parallel_loop3A_284, %parallel_loop3A_292 : vector<16xf32>
        %parallel_loop3A_463 = arith.maximumf %parallel_loop3A_284, %parallel_loop3A_292 : vector<16xf32>
        %parallel_loop3A_464 = arith.constant dense<true> : vector<16xi1>
        %parallel_loop3A_465, %parallel_loop3A_466, %parallel_loop3A_467 = tpu.sort %parallel_loop3A_462, %parallel_loop3A_462 masked %parallel_loop3A_464 : (vector<16xf32>, vector<16xf32>, vector<16xi1>) -> (vector<16xi1>, vector<16xf32>, vector<16xf32>)
        %parallel_loop3A_468 = arith.constant dense<true> : vector<16xi1>
        %parallel_loop3A_469, %parallel_loop3A_470, %parallel_loop3A_471 = tpu.sort %parallel_loop3A_463, %parallel_loop3A_463 masked %parallel_loop3A_468 : (vector<16xf32>, vector<16xf32>, vector<16xi1>) -> (vector<16xi1>, vector<16xf32>, vector<16xf32>)
        %parallel_loop3A_472 = arith.minimumf %parallel_loop3A_300, %parallel_loop3A_308 : vector<16xf32>
        %parallel_loop3A_473 = arith.maximumf %parallel_loop3A_300, %parallel_loop3A_308 : vector<16xf32>
        %parallel_loop3A_474 = arith.constant dense<true> : vector<16xi1>
        %parallel_loop3A_475, %parallel_loop3A_476, %parallel_loop3A_477 = tpu.sort %parallel_loop3A_473, %parallel_loop3A_473 masked %parallel_loop3A_474 {descending = true} : (vector<16xf32>, vector<16xf32>, vector<16xi1>) -> (vector<16xi1>, vector<16xf32>, vector<16xf32>)
        %parallel_loop3A_478 = arith.constant dense<true> : vector<16xi1>
        %parallel_loop3A_479, %parallel_loop3A_480, %parallel_loop3A_481 = tpu.sort %parallel_loop3A_472, %parallel_loop3A_472 masked %parallel_loop3A_478 {descending = true} : (vector<16xf32>, vector<16xf32>, vector<16xi1>) -> (vector<16xi1>, vector<16xf32>, vector<16xf32>)
        %parallel_loop3A_482 = arith.minimumf %parallel_loop3A_316, %parallel_loop3A_324 : vector<16xf32>
        %parallel_loop3A_483 = arith.maximumf %parallel_loop3A_316, %parallel_loop3A_324 : vector<16xf32>
        %parallel_loop3A_484 = arith.constant dense<true> : vector<16xi1>
        %parallel_loop3A_485, %parallel_loop3A_486, %parallel_loop3A_487 = tpu.sort %parallel_loop3A_482, %parallel_loop3A_482 masked %parallel_loop3A_484 : (vector<16xf32>, vector<16xf32>, vector<16xi1>) -> (vector<16xi1>, vector<16xf32>, vector<16xf32>)
        %parallel_loop3A_488 = arith.constant dense<true> : vector<16xi1>
        %parallel_loop3A_489, %parallel_loop3A_490, %parallel_loop3A_491 = tpu.sort %parallel_loop3A_483, %parallel_loop3A_483 masked %parallel_loop3A_488 : (vector<16xf32>, vector<16xf32>, vector<16xi1>) -> (vector<16xi1>, vector<16xf32>, vector<16xf32>)
        %parallel_loop3A_492 = arith.minimumf %parallel_loop3A_332, %parallel_loop3A_340 : vector<16xf32>
        %parallel_loop3A_493 = arith.maximumf %parallel_loop3A_332, %parallel_loop3A_340 : vector<16xf32>
        %parallel_loop3A_494 = arith.constant dense<true> : vector<16xi1>
        %parallel_loop3A_495, %parallel_loop3A_496, %parallel_loop3A_497 = tpu.sort %parallel_loop3A_493, %parallel_loop3A_493 masked %parallel_loop3A_494 {descending = true} : (vector<16xf32>, vector<16xf32>, vector<16xi1>) -> (vector<16xi1>, vector<16xf32>, vector<16xf32>)
        %parallel_loop3A_498 = arith.constant dense<true> : vector<16xi1>
        %parallel_loop3A_499, %parallel_loop3A_500, %parallel_loop3A_501 = tpu.sort %parallel_loop3A_492, %parallel_loop3A_492 masked %parallel_loop3A_498 {descending = true} : (vector<16xf32>, vector<16xf32>, vector<16xi1>) -> (vector<16xi1>, vector<16xf32>, vector<16xf32>)
        %parallel_loop3A_502 = arith.minimumf %parallel_loop3A_346, %parallel_loop3A_356 : vector<16xf32>
        %parallel_loop3A_503 = arith.minimumf %parallel_loop3A_350, %parallel_loop3A_360 : vector<16xf32>
        %parallel_loop3A_504 = arith.maximumf %parallel_loop3A_346, %parallel_loop3A_356 : vector<16xf32>
        %parallel_loop3A_505 = arith.maximumf %parallel_loop3A_350, %parallel_loop3A_360 : vector<16xf32>
        %parallel_loop3A_506 = arith.minimumf %parallel_loop3A_502, %parallel_loop3A_503 : vector<16xf32>
        %parallel_loop3A_507 = arith.maximumf %parallel_loop3A_502, %parallel_loop3A_503 : vector<16xf32>
        %parallel_loop3A_508 = arith.constant dense<true> : vector<16xi1>
        %parallel_loop3A_509, %parallel_loop3A_510, %parallel_loop3A_511 = tpu.sort %parallel_loop3A_506, %parallel_loop3A_506 masked %parallel_loop3A_508 : (vector<16xf32>, vector<16xf32>, vector<16xi1>) -> (vector<16xi1>, vector<16xf32>, vector<16xf32>)
        %parallel_loop3A_512 = arith.constant dense<true> : vector<16xi1>
        %parallel_loop3A_513, %parallel_loop3A_514, %parallel_loop3A_515 = tpu.sort %parallel_loop3A_507, %parallel_loop3A_507 masked %parallel_loop3A_512 : (vector<16xf32>, vector<16xf32>, vector<16xi1>) -> (vector<16xi1>, vector<16xf32>, vector<16xf32>)
        %parallel_loop3A_516 = arith.minimumf %parallel_loop3A_504, %parallel_loop3A_505 : vector<16xf32>
        %parallel_loop3A_517 = arith.maximumf %parallel_loop3A_504, %parallel_loop3A_505 : vector<16xf32>
        %parallel_loop3A_518 = arith.constant dense<true> : vector<16xi1>
        %parallel_loop3A_519, %parallel_loop3A_520, %parallel_loop3A_521 = tpu.sort %parallel_loop3A_516, %parallel_loop3A_516 masked %parallel_loop3A_518 : (vector<16xf32>, vector<16xf32>, vector<16xi1>) -> (vector<16xi1>, vector<16xf32>, vector<16xf32>)
        %parallel_loop3A_522 = arith.constant dense<true> : vector<16xi1>
        %parallel_loop3A_523, %parallel_loop3A_524, %parallel_loop3A_525 = tpu.sort %parallel_loop3A_517, %parallel_loop3A_517 masked %parallel_loop3A_522 : (vector<16xf32>, vector<16xf32>, vector<16xi1>) -> (vector<16xi1>, vector<16xf32>, vector<16xf32>)
        %parallel_loop3A_526 = arith.minimumf %parallel_loop3A_366, %parallel_loop3A_376 : vector<16xf32>
        %parallel_loop3A_527 = arith.minimumf %parallel_loop3A_370, %parallel_loop3A_380 : vector<16xf32>
        %parallel_loop3A_528 = arith.maximumf %parallel_loop3A_366, %parallel_loop3A_376 : vector<16xf32>
        %parallel_loop3A_529 = arith.maximumf %parallel_loop3A_370, %parallel_loop3A_380 : vector<16xf32>
        %parallel_loop3A_530 = arith.minimumf %parallel_loop3A_528, %parallel_loop3A_529 : vector<16xf32>
        %parallel_loop3A_531 = arith.maximumf %parallel_loop3A_528, %parallel_loop3A_529 : vector<16xf32>
        %parallel_loop3A_532 = arith.constant dense<true> : vector<16xi1>
        %parallel_loop3A_533, %parallel_loop3A_534, %parallel_loop3A_535 = tpu.sort %parallel_loop3A_531, %parallel_loop3A_531 masked %parallel_loop3A_532 {descending = true} : (vector<16xf32>, vector<16xf32>, vector<16xi1>) -> (vector<16xi1>, vector<16xf32>, vector<16xf32>)
        %parallel_loop3A_536 = arith.constant dense<true> : vector<16xi1>
        %parallel_loop3A_537, %parallel_loop3A_538, %parallel_loop3A_539 = tpu.sort %parallel_loop3A_530, %parallel_loop3A_530 masked %parallel_loop3A_536 {descending = true} : (vector<16xf32>, vector<16xf32>, vector<16xi1>) -> (vector<16xi1>, vector<16xf32>, vector<16xf32>)
        %parallel_loop3A_540 = arith.minimumf %parallel_loop3A_526, %parallel_loop3A_527 : vector<16xf32>
        %parallel_loop3A_541 = arith.maximumf %parallel_loop3A_526, %parallel_loop3A_527 : vector<16xf32>
        %parallel_loop3A_542 = arith.constant dense<true> : vector<16xi1>
        %parallel_loop3A_543, %parallel_loop3A_544, %parallel_loop3A_545 = tpu.sort %parallel_loop3A_541, %parallel_loop3A_541 masked %parallel_loop3A_542 {descending = true} : (vector<16xf32>, vector<16xf32>, vector<16xi1>) -> (vector<16xi1>, vector<16xf32>, vector<16xf32>)
        %parallel_loop3A_546 = arith.constant dense<true> : vector<16xi1>
        %parallel_loop3A_547, %parallel_loop3A_548, %parallel_loop3A_549 = tpu.sort %parallel_loop3A_540, %parallel_loop3A_540 masked %parallel_loop3A_546 {descending = true} : (vector<16xf32>, vector<16xf32>, vector<16xi1>) -> (vector<16xi1>, vector<16xf32>, vector<16xf32>)
        %parallel_loop3A_550 = arith.minimumf %parallel_loop3A_386, %parallel_loop3A_396 : vector<16xf32>
        %parallel_loop3A_551 = arith.minimumf %parallel_loop3A_390, %parallel_loop3A_400 : vector<16xf32>
        %parallel_loop3A_552 = arith.maximumf %parallel_loop3A_386, %parallel_loop3A_396 : vector<16xf32>
        %parallel_loop3A_553 = arith.maximumf %parallel_loop3A_390, %parallel_loop3A_400 : vector<16xf32>
        %parallel_loop3A_554 = arith.minimumf %parallel_loop3A_550, %parallel_loop3A_551 : vector<16xf32>
        %parallel_loop3A_555 = arith.maximumf %parallel_loop3A_550, %parallel_loop3A_551 : vector<16xf32>
        %parallel_loop3A_556 = arith.constant dense<true> : vector<16xi1>
        %parallel_loop3A_557, %parallel_loop3A_558, %parallel_loop3A_559 = tpu.sort %parallel_loop3A_554, %parallel_loop3A_554 masked %parallel_loop3A_556 : (vector<16xf32>, vector<16xf32>, vector<16xi1>) -> (vector<16xi1>, vector<16xf32>, vector<16xf32>)
        %parallel_loop3A_560 = arith.constant dense<true> : vector<16xi1>
        %parallel_loop3A_561, %parallel_loop3A_562, %parallel_loop3A_563 = tpu.sort %parallel_loop3A_555, %parallel_loop3A_555 masked %parallel_loop3A_560 : (vector<16xf32>, vector<16xf32>, vector<16xi1>) -> (vector<16xi1>, vector<16xf32>, vector<16xf32>)
        %parallel_loop3A_564 = arith.minimumf %parallel_loop3A_552, %parallel_loop3A_553 : vector<16xf32>
        %parallel_loop3A_565 = arith.maximumf %parallel_loop3A_552, %parallel_loop3A_553 : vector<16xf32>
        %parallel_loop3A_566 = arith.constant dense<true> : vector<16xi1>
        %parallel_loop3A_567, %parallel_loop3A_568, %parallel_loop3A_569 = tpu.sort %parallel_loop3A_564, %parallel_loop3A_564 masked %parallel_loop3A_566 : (vector<16xf32>, vector<16xf32>, vector<16xi1>) -> (vector<16xi1>, vector<16xf32>, vector<16xf32>)
        %parallel_loop3A_570 = arith.constant dense<true> : vector<16xi1>
        %parallel_loop3A_571, %parallel_loop3A_572, %parallel_loop3A_573 = tpu.sort %parallel_loop3A_565, %parallel_loop3A_565 masked %parallel_loop3A_570 : (vector<16xf32>, vector<16xf32>, vector<16xi1>) -> (vector<16xi1>, vector<16xf32>, vector<16xf32>)
        %parallel_loop3A_574 = arith.minimumf %parallel_loop3A_406, %parallel_loop3A_416 : vector<16xf32>
        %parallel_loop3A_575 = arith.minimumf %parallel_loop3A_410, %parallel_loop3A_420 : vector<16xf32>
        %parallel_loop3A_576 = arith.maximumf %parallel_loop3A_406, %parallel_loop3A_416 : vector<16xf32>
        %parallel_loop3A_577 = arith.maximumf %parallel_loop3A_410, %parallel_loop3A_420 : vector<16xf32>
        %parallel_loop3A_578 = arith.minimumf %parallel_loop3A_576, %parallel_loop3A_577 : vector<16xf32>
        %parallel_loop3A_579 = arith.maximumf %parallel_loop3A_576, %parallel_loop3A_577 : vector<16xf32>
        %parallel_loop3A_580 = arith.constant dense<true> : vector<16xi1>
        %parallel_loop3A_581, %parallel_loop3A_582, %parallel_loop3A_583 = tpu.sort %parallel_loop3A_579, %parallel_loop3A_579 masked %parallel_loop3A_580 {descending = true} : (vector<16xf32>, vector<16xf32>, vector<16xi1>) -> (vector<16xi1>, vector<16xf32>, vector<16xf32>)
        %parallel_loop3A_584 = arith.constant dense<true> : vector<16xi1>
        %parallel_loop3A_585, %parallel_loop3A_586, %parallel_loop3A_587 = tpu.sort %parallel_loop3A_578, %parallel_loop3A_578 masked %parallel_loop3A_584 {descending = true} : (vector<16xf32>, vector<16xf32>, vector<16xi1>) -> (vector<16xi1>, vector<16xf32>, vector<16xf32>)
        %parallel_loop3A_588 = arith.minimumf %parallel_loop3A_574, %parallel_loop3A_575 : vector<16xf32>
        %parallel_loop3A_589 = arith.maximumf %parallel_loop3A_574, %parallel_loop3A_575 : vector<16xf32>
        %parallel_loop3A_590 = arith.constant dense<true> : vector<16xi1>
        %parallel_loop3A_591, %parallel_loop3A_592, %parallel_loop3A_593 = tpu.sort %parallel_loop3A_589, %parallel_loop3A_589 masked %parallel_loop3A_590 {descending = true} : (vector<16xf32>, vector<16xf32>, vector<16xi1>) -> (vector<16xi1>, vector<16xf32>, vector<16xf32>)
        %parallel_loop3A_594 = arith.constant dense<true> : vector<16xi1>
        %parallel_loop3A_595, %parallel_loop3A_596, %parallel_loop3A_597 = tpu.sort %parallel_loop3A_588, %parallel_loop3A_588 masked %parallel_loop3A_594 {descending = true} : (vector<16xf32>, vector<16xf32>, vector<16xi1>) -> (vector<16xi1>, vector<16xf32>, vector<16xf32>)
        %parallel_loop3A_598 = arith.minimumf %parallel_loop3A_426, %parallel_loop3A_436 : vector<16xf32>
        %parallel_loop3A_599 = arith.minimumf %parallel_loop3A_430, %parallel_loop3A_440 : vector<16xf32>
        %parallel_loop3A_600 = arith.maximumf %parallel_loop3A_426, %parallel_loop3A_436 : vector<16xf32>
        %parallel_loop3A_601 = arith.maximumf %parallel_loop3A_430, %parallel_loop3A_440 : vector<16xf32>
        %parallel_loop3A_602 = arith.minimumf %parallel_loop3A_598, %parallel_loop3A_599 : vector<16xf32>
        %parallel_loop3A_603 = arith.maximumf %parallel_loop3A_598, %parallel_loop3A_599 : vector<16xf32>
        %parallel_loop3A_604 = arith.constant dense<true> : vector<16xi1>
        %parallel_loop3A_605, %parallel_loop3A_606, %parallel_loop3A_607 = tpu.sort %parallel_loop3A_602, %parallel_loop3A_602 masked %parallel_loop3A_604 : (vector<16xf32>, vector<16xf32>, vector<16xi1>) -> (vector<16xi1>, vector<16xf32>, vector<16xf32>)
        %parallel_loop3A_608 = arith.constant dense<true> : vector<16xi1>
        %parallel_loop3A_609, %parallel_loop3A_610, %parallel_loop3A_611 = tpu.sort %parallel_loop3A_603, %parallel_loop3A_603 masked %parallel_loop3A_608 : (vector<16xf32>, vector<16xf32>, vector<16xi1>) -> (vector<16xi1>, vector<16xf32>, vector<16xf32>)
        %parallel_loop3A_612 = arith.minimumf %parallel_loop3A_600, %parallel_loop3A_601 : vector<16xf32>
        %parallel_loop3A_613 = arith.maximumf %parallel_loop3A_600, %parallel_loop3A_601 : vector<16xf32>
        %parallel_loop3A_614 = arith.constant dense<true> : vector<16xi1>
        %parallel_loop3A_615, %parallel_loop3A_616, %parallel_loop3A_617 = tpu.sort %parallel_loop3A_612, %parallel_loop3A_612 masked %parallel_loop3A_614 : (vector<16xf32>, vector<16xf32>, vector<16xi1>) -> (vector<16xi1>, vector<16xf32>, vector<16xf32>)
        %parallel_loop3A_618 = arith.constant dense<true> : vector<16xi1>
        %parallel_loop3A_619, %parallel_loop3A_620, %parallel_loop3A_621 = tpu.sort %parallel_loop3A_613, %parallel_loop3A_613 masked %parallel_loop3A_618 : (vector<16xf32>, vector<16xf32>, vector<16xi1>) -> (vector<16xi1>, vector<16xf32>, vector<16xf32>)
        %parallel_loop3A_622 = arith.minimumf %parallel_loop3A_446, %parallel_loop3A_456 : vector<16xf32>
        %parallel_loop3A_623 = arith.minimumf %parallel_loop3A_450, %parallel_loop3A_460 : vector<16xf32>
        %parallel_loop3A_624 = arith.maximumf %parallel_loop3A_446, %parallel_loop3A_456 : vector<16xf32>
        %parallel_loop3A_625 = arith.maximumf %parallel_loop3A_450, %parallel_loop3A_460 : vector<16xf32>
        %parallel_loop3A_626 = arith.minimumf %parallel_loop3A_624, %parallel_loop3A_625 : vector<16xf32>
        %parallel_loop3A_627 = arith.maximumf %parallel_loop3A_624, %parallel_loop3A_625 : vector<16xf32>
        %parallel_loop3A_628 = arith.constant dense<true> : vector<16xi1>
        %parallel_loop3A_629, %parallel_loop3A_630, %parallel_loop3A_631 = tpu.sort %parallel_loop3A_627, %parallel_loop3A_627 masked %parallel_loop3A_628 {descending = true} : (vector<16xf32>, vector<16xf32>, vector<16xi1>) -> (vector<16xi1>, vector<16xf32>, vector<16xf32>)
        %parallel_loop3A_632 = arith.constant dense<true> : vector<16xi1>
        %parallel_loop3A_633, %parallel_loop3A_634, %parallel_loop3A_635 = tpu.sort %parallel_loop3A_626, %parallel_loop3A_626 masked %parallel_loop3A_632 {descending = true} : (vector<16xf32>, vector<16xf32>, vector<16xi1>) -> (vector<16xi1>, vector<16xf32>, vector<16xf32>)
        %parallel_loop3A_636 = arith.minimumf %parallel_loop3A_622, %parallel_loop3A_623 : vector<16xf32>
        %parallel_loop3A_637 = arith.maximumf %parallel_loop3A_622, %parallel_loop3A_623 : vector<16xf32>
        %parallel_loop3A_638 = arith.constant dense<true> : vector<16xi1>
        %parallel_loop3A_639, %parallel_loop3A_640, %parallel_loop3A_641 = tpu.sort %parallel_loop3A_637, %parallel_loop3A_637 masked %parallel_loop3A_638 {descending = true} : (vector<16xf32>, vector<16xf32>, vector<16xi1>) -> (vector<16xi1>, vector<16xf32>, vector<16xf32>)
        %parallel_loop3A_642 = arith.constant dense<true> : vector<16xi1>
        %parallel_loop3A_643, %parallel_loop3A_644, %parallel_loop3A_645 = tpu.sort %parallel_loop3A_636, %parallel_loop3A_636 masked %parallel_loop3A_642 {descending = true} : (vector<16xf32>, vector<16xf32>, vector<16xi1>) -> (vector<16xi1>, vector<16xf32>, vector<16xf32>)
        %parallel_loop3A_646 = arith.minimumf %parallel_loop3A_466, %parallel_loop3A_476 : vector<16xf32>
        %parallel_loop3A_647 = arith.minimumf %parallel_loop3A_470, %parallel_loop3A_480 : vector<16xf32>
        %parallel_loop3A_648 = arith.maximumf %parallel_loop3A_466, %parallel_loop3A_476 : vector<16xf32>
        %parallel_loop3A_649 = arith.maximumf %parallel_loop3A_470, %parallel_loop3A_480 : vector<16xf32>
        %parallel_loop3A_650 = arith.minimumf %parallel_loop3A_646, %parallel_loop3A_647 : vector<16xf32>
        %parallel_loop3A_651 = arith.maximumf %parallel_loop3A_646, %parallel_loop3A_647 : vector<16xf32>
        %parallel_loop3A_652 = arith.constant dense<true> : vector<16xi1>
        %parallel_loop3A_653, %parallel_loop3A_654, %parallel_loop3A_655 = tpu.sort %parallel_loop3A_650, %parallel_loop3A_650 masked %parallel_loop3A_652 : (vector<16xf32>, vector<16xf32>, vector<16xi1>) -> (vector<16xi1>, vector<16xf32>, vector<16xf32>)
        %parallel_loop3A_656 = arith.constant dense<true> : vector<16xi1>
        %parallel_loop3A_657, %parallel_loop3A_658, %parallel_loop3A_659 = tpu.sort %parallel_loop3A_651, %parallel_loop3A_651 masked %parallel_loop3A_656 : (vector<16xf32>, vector<16xf32>, vector<16xi1>) -> (vector<16xi1>, vector<16xf32>, vector<16xf32>)
        %parallel_loop3A_660 = arith.minimumf %parallel_loop3A_648, %parallel_loop3A_649 : vector<16xf32>
        %parallel_loop3A_661 = arith.maximumf %parallel_loop3A_648, %parallel_loop3A_649 : vector<16xf32>
        %parallel_loop3A_662 = arith.constant dense<true> : vector<16xi1>
        %parallel_loop3A_663, %parallel_loop3A_664, %parallel_loop3A_665 = tpu.sort %parallel_loop3A_660, %parallel_loop3A_660 masked %parallel_loop3A_662 : (vector<16xf32>, vector<16xf32>, vector<16xi1>) -> (vector<16xi1>, vector<16xf32>, vector<16xf32>)
        %parallel_loop3A_666 = arith.constant dense<true> : vector<16xi1>
        %parallel_loop3A_667, %parallel_loop3A_668, %parallel_loop3A_669 = tpu.sort %parallel_loop3A_661, %parallel_loop3A_661 masked %parallel_loop3A_666 : (vector<16xf32>, vector<16xf32>, vector<16xi1>) -> (vector<16xi1>, vector<16xf32>, vector<16xf32>)
        %parallel_loop3A_670 = arith.minimumf %parallel_loop3A_486, %parallel_loop3A_496 : vector<16xf32>
        %parallel_loop3A_671 = arith.minimumf %parallel_loop3A_490, %parallel_loop3A_500 : vector<16xf32>
        %parallel_loop3A_672 = arith.maximumf %parallel_loop3A_486, %parallel_loop3A_496 : vector<16xf32>
        %parallel_loop3A_673 = arith.maximumf %parallel_loop3A_490, %parallel_loop3A_500 : vector<16xf32>
        %parallel_loop3A_674 = arith.minimumf %parallel_loop3A_672, %parallel_loop3A_673 : vector<16xf32>
        %parallel_loop3A_675 = arith.maximumf %parallel_loop3A_672, %parallel_loop3A_673 : vector<16xf32>
        %parallel_loop3A_676 = arith.constant dense<true> : vector<16xi1>
        %parallel_loop3A_677, %parallel_loop3A_678, %parallel_loop3A_679 = tpu.sort %parallel_loop3A_675, %parallel_loop3A_675 masked %parallel_loop3A_676 {descending = true} : (vector<16xf32>, vector<16xf32>, vector<16xi1>) -> (vector<16xi1>, vector<16xf32>, vector<16xf32>)
        %parallel_loop3A_680 = arith.constant dense<true> : vector<16xi1>
        %parallel_loop3A_681, %parallel_loop3A_682, %parallel_loop3A_683 = tpu.sort %parallel_loop3A_674, %parallel_loop3A_674 masked %parallel_loop3A_680 {descending = true} : (vector<16xf32>, vector<16xf32>, vector<16xi1>) -> (vector<16xi1>, vector<16xf32>, vector<16xf32>)
        %parallel_loop3A_684 = arith.minimumf %parallel_loop3A_670, %parallel_loop3A_671 : vector<16xf32>
        %parallel_loop3A_685 = arith.maximumf %parallel_loop3A_670, %parallel_loop3A_671 : vector<16xf32>
        %parallel_loop3A_686 = arith.constant dense<true> : vector<16xi1>
        %parallel_loop3A_687, %parallel_loop3A_688, %parallel_loop3A_689 = tpu.sort %parallel_loop3A_685, %parallel_loop3A_685 masked %parallel_loop3A_686 {descending = true} : (vector<16xf32>, vector<16xf32>, vector<16xi1>) -> (vector<16xi1>, vector<16xf32>, vector<16xf32>)
        %parallel_loop3A_690 = arith.constant dense<true> : vector<16xi1>
        %parallel_loop3A_691, %parallel_loop3A_692, %parallel_loop3A_693 = tpu.sort %parallel_loop3A_684, %parallel_loop3A_684 masked %parallel_loop3A_690 {descending = true} : (vector<16xf32>, vector<16xf32>, vector<16xi1>) -> (vector<16xi1>, vector<16xf32>, vector<16xf32>)
        %parallel_loop3A_694 = arith.minimumf %parallel_loop3A_510, %parallel_loop3A_534 : vector<16xf32>
        %parallel_loop3A_695 = arith.minimumf %parallel_loop3A_514, %parallel_loop3A_538 : vector<16xf32>
        %parallel_loop3A_696 = arith.minimumf %parallel_loop3A_520, %parallel_loop3A_544 : vector<16xf32>
        %parallel_loop3A_697 = arith.minimumf %parallel_loop3A_524, %parallel_loop3A_548 : vector<16xf32>
        %parallel_loop3A_698 = arith.maximumf %parallel_loop3A_510, %parallel_loop3A_534 : vector<16xf32>
        %parallel_loop3A_699 = arith.maximumf %parallel_loop3A_514, %parallel_loop3A_538 : vector<16xf32>
        %parallel_loop3A_700 = arith.maximumf %parallel_loop3A_520, %parallel_loop3A_544 : vector<16xf32>
        %parallel_loop3A_701 = arith.maximumf %parallel_loop3A_524, %parallel_loop3A_548 : vector<16xf32>
        %parallel_loop3A_702 = arith.minimumf %parallel_loop3A_698, %parallel_loop3A_700 : vector<16xf32>
        %parallel_loop3A_703 = arith.minimumf %parallel_loop3A_699, %parallel_loop3A_701 : vector<16xf32>
        %parallel_loop3A_704 = arith.maximumf %parallel_loop3A_698, %parallel_loop3A_700 : vector<16xf32>
        %parallel_loop3A_705 = arith.maximumf %parallel_loop3A_699, %parallel_loop3A_701 : vector<16xf32>
        %parallel_loop3A_706 = arith.minimumf %parallel_loop3A_702, %parallel_loop3A_703 : vector<16xf32>
        %parallel_loop3A_707 = arith.maximumf %parallel_loop3A_702, %parallel_loop3A_703 : vector<16xf32>
        %parallel_loop3A_708 = arith.constant dense<true> : vector<16xi1>
        %parallel_loop3A_709, %parallel_loop3A_710, %parallel_loop3A_711 = tpu.sort %parallel_loop3A_706, %parallel_loop3A_706 masked %parallel_loop3A_708 : (vector<16xf32>, vector<16xf32>, vector<16xi1>) -> (vector<16xi1>, vector<16xf32>, vector<16xf32>)
        %parallel_loop3A_712 = arith.constant dense<true> : vector<16xi1>
        %parallel_loop3A_713, %parallel_loop3A_714, %parallel_loop3A_715 = tpu.sort %parallel_loop3A_707, %parallel_loop3A_707 masked %parallel_loop3A_712 : (vector<16xf32>, vector<16xf32>, vector<16xi1>) -> (vector<16xi1>, vector<16xf32>, vector<16xf32>)
        %parallel_loop3A_716 = arith.minimumf %parallel_loop3A_704, %parallel_loop3A_705 : vector<16xf32>
        %parallel_loop3A_717 = arith.maximumf %parallel_loop3A_704, %parallel_loop3A_705 : vector<16xf32>
        %parallel_loop3A_718 = arith.constant dense<true> : vector<16xi1>
        %parallel_loop3A_719, %parallel_loop3A_720, %parallel_loop3A_721 = tpu.sort %parallel_loop3A_716, %parallel_loop3A_716 masked %parallel_loop3A_718 : (vector<16xf32>, vector<16xf32>, vector<16xi1>) -> (vector<16xi1>, vector<16xf32>, vector<16xf32>)
        %parallel_loop3A_722 = arith.constant dense<true> : vector<16xi1>
        %parallel_loop3A_723, %parallel_loop3A_724, %parallel_loop3A_725 = tpu.sort %parallel_loop3A_717, %parallel_loop3A_717 masked %parallel_loop3A_722 : (vector<16xf32>, vector<16xf32>, vector<16xi1>) -> (vector<16xi1>, vector<16xf32>, vector<16xf32>)
        %parallel_loop3A_726 = arith.minimumf %parallel_loop3A_558, %parallel_loop3A_582 : vector<16xf32>
        %parallel_loop3A_727 = arith.minimumf %parallel_loop3A_562, %parallel_loop3A_586 : vector<16xf32>
        %parallel_loop3A_728 = arith.minimumf %parallel_loop3A_568, %parallel_loop3A_592 : vector<16xf32>
        %parallel_loop3A_729 = arith.minimumf %parallel_loop3A_572, %parallel_loop3A_596 : vector<16xf32>
        %parallel_loop3A_730 = arith.maximumf %parallel_loop3A_558, %parallel_loop3A_582 : vector<16xf32>
        %parallel_loop3A_731 = arith.maximumf %parallel_loop3A_562, %parallel_loop3A_586 : vector<16xf32>
        %parallel_loop3A_732 = arith.maximumf %parallel_loop3A_568, %parallel_loop3A_592 : vector<16xf32>
        %parallel_loop3A_733 = arith.maximumf %parallel_loop3A_572, %parallel_loop3A_596 : vector<16xf32>
        %parallel_loop3A_734 = arith.minimumf %parallel_loop3A_730, %parallel_loop3A_732 : vector<16xf32>
        %parallel_loop3A_735 = arith.minimumf %parallel_loop3A_731, %parallel_loop3A_733 : vector<16xf32>
        %parallel_loop3A_736 = arith.maximumf %parallel_loop3A_730, %parallel_loop3A_732 : vector<16xf32>
        %parallel_loop3A_737 = arith.maximumf %parallel_loop3A_731, %parallel_loop3A_733 : vector<16xf32>
        %parallel_loop3A_738 = arith.minimumf %parallel_loop3A_736, %parallel_loop3A_737 : vector<16xf32>
        %parallel_loop3A_739 = arith.maximumf %parallel_loop3A_736, %parallel_loop3A_737 : vector<16xf32>
        %parallel_loop3A_740 = arith.constant dense<true> : vector<16xi1>
        %parallel_loop3A_741, %parallel_loop3A_742, %parallel_loop3A_743 = tpu.sort %parallel_loop3A_739, %parallel_loop3A_739 masked %parallel_loop3A_740 {descending = true} : (vector<16xf32>, vector<16xf32>, vector<16xi1>) -> (vector<16xi1>, vector<16xf32>, vector<16xf32>)
        %parallel_loop3A_744 = arith.constant dense<true> : vector<16xi1>
        %parallel_loop3A_745, %parallel_loop3A_746, %parallel_loop3A_747 = tpu.sort %parallel_loop3A_738, %parallel_loop3A_738 masked %parallel_loop3A_744 {descending = true} : (vector<16xf32>, vector<16xf32>, vector<16xi1>) -> (vector<16xi1>, vector<16xf32>, vector<16xf32>)
        %parallel_loop3A_748 = arith.minimumf %parallel_loop3A_734, %parallel_loop3A_735 : vector<16xf32>
        %parallel_loop3A_749 = arith.maximumf %parallel_loop3A_734, %parallel_loop3A_735 : vector<16xf32>
        %parallel_loop3A_750 = arith.constant dense<true> : vector<16xi1>
        %parallel_loop3A_751, %parallel_loop3A_752, %parallel_loop3A_753 = tpu.sort %parallel_loop3A_749, %parallel_loop3A_749 masked %parallel_loop3A_750 {descending = true} : (vector<16xf32>, vector<16xf32>, vector<16xi1>) -> (vector<16xi1>, vector<16xf32>, vector<16xf32>)
        %parallel_loop3A_754 = arith.constant dense<true> : vector<16xi1>
        %parallel_loop3A_755, %parallel_loop3A_756, %parallel_loop3A_757 = tpu.sort %parallel_loop3A_748, %parallel_loop3A_748 masked %parallel_loop3A_754 {descending = true} : (vector<16xf32>, vector<16xf32>, vector<16xi1>) -> (vector<16xi1>, vector<16xf32>, vector<16xf32>)
        %parallel_loop3A_758 = arith.minimumf %parallel_loop3A_606, %parallel_loop3A_630 : vector<16xf32>
        %parallel_loop3A_759 = arith.minimumf %parallel_loop3A_610, %parallel_loop3A_634 : vector<16xf32>
        %parallel_loop3A_760 = arith.minimumf %parallel_loop3A_616, %parallel_loop3A_640 : vector<16xf32>
        %parallel_loop3A_761 = arith.minimumf %parallel_loop3A_620, %parallel_loop3A_644 : vector<16xf32>
        %parallel_loop3A_762 = arith.maximumf %parallel_loop3A_606, %parallel_loop3A_630 : vector<16xf32>
        %parallel_loop3A_763 = arith.maximumf %parallel_loop3A_610, %parallel_loop3A_634 : vector<16xf32>
        %parallel_loop3A_764 = arith.maximumf %parallel_loop3A_616, %parallel_loop3A_640 : vector<16xf32>
        %parallel_loop3A_765 = arith.maximumf %parallel_loop3A_620, %parallel_loop3A_644 : vector<16xf32>
        %parallel_loop3A_766 = arith.minimumf %parallel_loop3A_762, %parallel_loop3A_764 : vector<16xf32>
        %parallel_loop3A_767 = arith.minimumf %parallel_loop3A_763, %parallel_loop3A_765 : vector<16xf32>
        %parallel_loop3A_768 = arith.maximumf %parallel_loop3A_762, %parallel_loop3A_764 : vector<16xf32>
        %parallel_loop3A_769 = arith.maximumf %parallel_loop3A_763, %parallel_loop3A_765 : vector<16xf32>
        %parallel_loop3A_770 = arith.minimumf %parallel_loop3A_766, %parallel_loop3A_767 : vector<16xf32>
        %parallel_loop3A_771 = arith.maximumf %parallel_loop3A_766, %parallel_loop3A_767 : vector<16xf32>
        %parallel_loop3A_772 = arith.constant dense<true> : vector<16xi1>
        %parallel_loop3A_773, %parallel_loop3A_774, %parallel_loop3A_775 = tpu.sort %parallel_loop3A_770, %parallel_loop3A_770 masked %parallel_loop3A_772 : (vector<16xf32>, vector<16xf32>, vector<16xi1>) -> (vector<16xi1>, vector<16xf32>, vector<16xf32>)
        %parallel_loop3A_776 = arith.constant dense<true> : vector<16xi1>
        %parallel_loop3A_777, %parallel_loop3A_778, %parallel_loop3A_779 = tpu.sort %parallel_loop3A_771, %parallel_loop3A_771 masked %parallel_loop3A_776 : (vector<16xf32>, vector<16xf32>, vector<16xi1>) -> (vector<16xi1>, vector<16xf32>, vector<16xf32>)
        %parallel_loop3A_780 = arith.minimumf %parallel_loop3A_768, %parallel_loop3A_769 : vector<16xf32>
        %parallel_loop3A_781 = arith.maximumf %parallel_loop3A_768, %parallel_loop3A_769 : vector<16xf32>
        %parallel_loop3A_782 = arith.constant dense<true> : vector<16xi1>
        %parallel_loop3A_783, %parallel_loop3A_784, %parallel_loop3A_785 = tpu.sort %parallel_loop3A_780, %parallel_loop3A_780 masked %parallel_loop3A_782 : (vector<16xf32>, vector<16xf32>, vector<16xi1>) -> (vector<16xi1>, vector<16xf32>, vector<16xf32>)
        %parallel_loop3A_786 = arith.constant dense<true> : vector<16xi1>
        %parallel_loop3A_787, %parallel_loop3A_788, %parallel_loop3A_789 = tpu.sort %parallel_loop3A_781, %parallel_loop3A_781 masked %parallel_loop3A_786 : (vector<16xf32>, vector<16xf32>, vector<16xi1>) -> (vector<16xi1>, vector<16xf32>, vector<16xf32>)
        %parallel_loop3A_790 = arith.minimumf %parallel_loop3A_654, %parallel_loop3A_678 : vector<16xf32>
        %parallel_loop3A_791 = arith.minimumf %parallel_loop3A_658, %parallel_loop3A_682 : vector<16xf32>
        %parallel_loop3A_792 = arith.minimumf %parallel_loop3A_664, %parallel_loop3A_688 : vector<16xf32>
        %parallel_loop3A_793 = arith.minimumf %parallel_loop3A_668, %parallel_loop3A_692 : vector<16xf32>
        %parallel_loop3A_794 = arith.maximumf %parallel_loop3A_654, %parallel_loop3A_678 : vector<16xf32>
        %parallel_loop3A_795 = arith.maximumf %parallel_loop3A_658, %parallel_loop3A_682 : vector<16xf32>
        %parallel_loop3A_796 = arith.maximumf %parallel_loop3A_664, %parallel_loop3A_688 : vector<16xf32>
        %parallel_loop3A_797 = arith.maximumf %parallel_loop3A_668, %parallel_loop3A_692 : vector<16xf32>
        %parallel_loop3A_798 = arith.minimumf %parallel_loop3A_794, %parallel_loop3A_796 : vector<16xf32>
        %parallel_loop3A_799 = arith.minimumf %parallel_loop3A_795, %parallel_loop3A_797 : vector<16xf32>
        %parallel_loop3A_800 = arith.maximumf %parallel_loop3A_794, %parallel_loop3A_796 : vector<16xf32>
        %parallel_loop3A_801 = arith.maximumf %parallel_loop3A_795, %parallel_loop3A_797 : vector<16xf32>
        %parallel_loop3A_802 = arith.minimumf %parallel_loop3A_800, %parallel_loop3A_801 : vector<16xf32>
        %parallel_loop3A_803 = arith.maximumf %parallel_loop3A_800, %parallel_loop3A_801 : vector<16xf32>
        %parallel_loop3A_804 = arith.constant dense<true> : vector<16xi1>
        %parallel_loop3A_805, %parallel_loop3A_806, %parallel_loop3A_807 = tpu.sort %parallel_loop3A_803, %parallel_loop3A_803 masked %parallel_loop3A_804 {descending = true} : (vector<16xf32>, vector<16xf32>, vector<16xi1>) -> (vector<16xi1>, vector<16xf32>, vector<16xf32>)
        %parallel_loop3A_808 = arith.constant dense<true> : vector<16xi1>
        %parallel_loop3A_809, %parallel_loop3A_810, %parallel_loop3A_811 = tpu.sort %parallel_loop3A_802, %parallel_loop3A_802 masked %parallel_loop3A_808 {descending = true} : (vector<16xf32>, vector<16xf32>, vector<16xi1>) -> (vector<16xi1>, vector<16xf32>, vector<16xf32>)
        %parallel_loop3A_812 = arith.minimumf %parallel_loop3A_798, %parallel_loop3A_799 : vector<16xf32>
        %parallel_loop3A_813 = arith.maximumf %parallel_loop3A_798, %parallel_loop3A_799 : vector<16xf32>
        %parallel_loop3A_814 = arith.constant dense<true> : vector<16xi1>
        %parallel_loop3A_815, %parallel_loop3A_816, %parallel_loop3A_817 = tpu.sort %parallel_loop3A_813, %parallel_loop3A_813 masked %parallel_loop3A_814 {descending = true} : (vector<16xf32>, vector<16xf32>, vector<16xi1>) -> (vector<16xi1>, vector<16xf32>, vector<16xf32>)
        %parallel_loop3A_818 = arith.constant dense<true> : vector<16xi1>
        %parallel_loop3A_819, %parallel_loop3A_820, %parallel_loop3A_821 = tpu.sort %parallel_loop3A_812, %parallel_loop3A_812 masked %parallel_loop3A_818 {descending = true} : (vector<16xf32>, vector<16xf32>, vector<16xi1>) -> (vector<16xi1>, vector<16xf32>, vector<16xf32>)
        %parallel_loop3A_822 = arith.minimumf %parallel_loop3A_710, %parallel_loop3A_742 : vector<16xf32>
        %parallel_loop3A_823 = arith.minimumf %parallel_loop3A_714, %parallel_loop3A_746 : vector<16xf32>
        %parallel_loop3A_824 = arith.minimumf %parallel_loop3A_720, %parallel_loop3A_752 : vector<16xf32>
        %parallel_loop3A_825 = arith.minimumf %parallel_loop3A_724, %parallel_loop3A_756 : vector<16xf32>
        %parallel_loop3A_826 = arith.maximumf %parallel_loop3A_710, %parallel_loop3A_742 : vector<16xf32>
        %parallel_loop3A_827 = arith.maximumf %parallel_loop3A_714, %parallel_loop3A_746 : vector<16xf32>
        %parallel_loop3A_828 = arith.maximumf %parallel_loop3A_720, %parallel_loop3A_752 : vector<16xf32>
        %parallel_loop3A_829 = arith.maximumf %parallel_loop3A_724, %parallel_loop3A_756 : vector<16xf32>
        %parallel_loop3A_830 = arith.minimumf %parallel_loop3A_826, %parallel_loop3A_828 : vector<16xf32>
        %parallel_loop3A_831 = arith.minimumf %parallel_loop3A_827, %parallel_loop3A_829 : vector<16xf32>
        %parallel_loop3A_832 = arith.maximumf %parallel_loop3A_826, %parallel_loop3A_828 : vector<16xf32>
        %parallel_loop3A_833 = arith.maximumf %parallel_loop3A_827, %parallel_loop3A_829 : vector<16xf32>
        %parallel_loop3A_834 = arith.minimumf %parallel_loop3A_830, %parallel_loop3A_831 : vector<16xf32>
        %parallel_loop3A_835 = arith.maximumf %parallel_loop3A_830, %parallel_loop3A_831 : vector<16xf32>
        %parallel_loop3A_836 = arith.constant dense<true> : vector<16xi1>
        %parallel_loop3A_837, %parallel_loop3A_838, %parallel_loop3A_839 = tpu.sort %parallel_loop3A_834, %parallel_loop3A_834 masked %parallel_loop3A_836 : (vector<16xf32>, vector<16xf32>, vector<16xi1>) -> (vector<16xi1>, vector<16xf32>, vector<16xf32>)
        %parallel_loop3A_840 = arith.constant dense<true> : vector<16xi1>
        %parallel_loop3A_841, %parallel_loop3A_842, %parallel_loop3A_843 = tpu.sort %parallel_loop3A_835, %parallel_loop3A_835 masked %parallel_loop3A_840 : (vector<16xf32>, vector<16xf32>, vector<16xi1>) -> (vector<16xi1>, vector<16xf32>, vector<16xf32>)
        %parallel_loop3A_844 = arith.minimumf %parallel_loop3A_832, %parallel_loop3A_833 : vector<16xf32>
        %parallel_loop3A_845 = arith.maximumf %parallel_loop3A_832, %parallel_loop3A_833 : vector<16xf32>
        %parallel_loop3A_846 = arith.constant dense<true> : vector<16xi1>
        %parallel_loop3A_847, %parallel_loop3A_848, %parallel_loop3A_849 = tpu.sort %parallel_loop3A_844, %parallel_loop3A_844 masked %parallel_loop3A_846 : (vector<16xf32>, vector<16xf32>, vector<16xi1>) -> (vector<16xi1>, vector<16xf32>, vector<16xf32>)
        %parallel_loop3A_850 = arith.constant dense<true> : vector<16xi1>
        %parallel_loop3A_851, %parallel_loop3A_852, %parallel_loop3A_853 = tpu.sort %parallel_loop3A_845, %parallel_loop3A_845 masked %parallel_loop3A_850 : (vector<16xf32>, vector<16xf32>, vector<16xi1>) -> (vector<16xi1>, vector<16xf32>, vector<16xf32>)
        %parallel_loop3A_854 = arith.minimumf %parallel_loop3A_774, %parallel_loop3A_806 : vector<16xf32>
        %parallel_loop3A_855 = arith.minimumf %parallel_loop3A_778, %parallel_loop3A_810 : vector<16xf32>
        %parallel_loop3A_856 = arith.minimumf %parallel_loop3A_784, %parallel_loop3A_816 : vector<16xf32>
        %parallel_loop3A_857 = arith.minimumf %parallel_loop3A_788, %parallel_loop3A_820 : vector<16xf32>
        %parallel_loop3A_858 = arith.maximumf %parallel_loop3A_774, %parallel_loop3A_806 : vector<16xf32>
        %parallel_loop3A_859 = arith.maximumf %parallel_loop3A_778, %parallel_loop3A_810 : vector<16xf32>
        %parallel_loop3A_860 = arith.maximumf %parallel_loop3A_784, %parallel_loop3A_816 : vector<16xf32>
        %parallel_loop3A_861 = arith.maximumf %parallel_loop3A_788, %parallel_loop3A_820 : vector<16xf32>
        %parallel_loop3A_862 = arith.minimumf %parallel_loop3A_858, %parallel_loop3A_860 : vector<16xf32>
        %parallel_loop3A_863 = arith.minimumf %parallel_loop3A_859, %parallel_loop3A_861 : vector<16xf32>
        %parallel_loop3A_864 = arith.maximumf %parallel_loop3A_858, %parallel_loop3A_860 : vector<16xf32>
        %parallel_loop3A_865 = arith.maximumf %parallel_loop3A_859, %parallel_loop3A_861 : vector<16xf32>
        %parallel_loop3A_866 = arith.minimumf %parallel_loop3A_864, %parallel_loop3A_865 : vector<16xf32>
        %parallel_loop3A_867 = arith.maximumf %parallel_loop3A_864, %parallel_loop3A_865 : vector<16xf32>
        %parallel_loop3A_868 = arith.constant dense<true> : vector<16xi1>
        %parallel_loop3A_869, %parallel_loop3A_870, %parallel_loop3A_871 = tpu.sort %parallel_loop3A_867, %parallel_loop3A_867 masked %parallel_loop3A_868 {descending = true} : (vector<16xf32>, vector<16xf32>, vector<16xi1>) -> (vector<16xi1>, vector<16xf32>, vector<16xf32>)
        %parallel_loop3A_872 = arith.constant dense<true> : vector<16xi1>
        %parallel_loop3A_873, %parallel_loop3A_874, %parallel_loop3A_875 = tpu.sort %parallel_loop3A_866, %parallel_loop3A_866 masked %parallel_loop3A_872 {descending = true} : (vector<16xf32>, vector<16xf32>, vector<16xi1>) -> (vector<16xi1>, vector<16xf32>, vector<16xf32>)
        %parallel_loop3A_876 = arith.minimumf %parallel_loop3A_862, %parallel_loop3A_863 : vector<16xf32>
        %parallel_loop3A_877 = arith.maximumf %parallel_loop3A_862, %parallel_loop3A_863 : vector<16xf32>
        %parallel_loop3A_878 = arith.constant dense<true> : vector<16xi1>
        %parallel_loop3A_879, %parallel_loop3A_880, %parallel_loop3A_881 = tpu.sort %parallel_loop3A_877, %parallel_loop3A_877 masked %parallel_loop3A_878 {descending = true} : (vector<16xf32>, vector<16xf32>, vector<16xi1>) -> (vector<16xi1>, vector<16xf32>, vector<16xf32>)
        %parallel_loop3A_882 = arith.constant dense<true> : vector<16xi1>
        %parallel_loop3A_883, %parallel_loop3A_884, %parallel_loop3A_885 = tpu.sort %parallel_loop3A_876, %parallel_loop3A_876 masked %parallel_loop3A_882 {descending = true} : (vector<16xf32>, vector<16xf32>, vector<16xi1>) -> (vector<16xi1>, vector<16xf32>, vector<16xf32>)
        %parallel_loop3A_886 = arith.maximumf %parallel_loop3A_838, %parallel_loop3A_870 : vector<16xf32>
        %parallel_loop3A_887 = arith.maximumf %parallel_loop3A_842, %parallel_loop3A_874 : vector<16xf32>
        %parallel_loop3A_888 = arith.maximumf %parallel_loop3A_848, %parallel_loop3A_880 : vector<16xf32>
        %parallel_loop3A_889 = arith.maximumf %parallel_loop3A_852, %parallel_loop3A_884 : vector<16xf32>
        %parallel_loop3A_890 = arith.minimumf %parallel_loop3A_886, %parallel_loop3A_888 : vector<16xf32>
        %parallel_loop3A_891 = arith.minimumf %parallel_loop3A_887, %parallel_loop3A_889 : vector<16xf32>
        %parallel_loop3A_892 = arith.minimumf %parallel_loop3A_890, %parallel_loop3A_891 : vector<16xf32>
        %parallel_loop3A_893 = arith.constant dense<true> : vector<16xi1>
        %parallel_loop3A_894, %parallel_loop3A_895, %parallel_loop3A_896 = tpu.sort %parallel_loop3A_892, %parallel_loop3A_892 masked %parallel_loop3A_893 : (vector<16xf32>, vector<16xf32>, vector<16xi1>) -> (vector<16xi1>, vector<16xf32>, vector<16xf32>)
        %parallel_loop3A_897 = arith.index_cast %parallel_loop3A_85 : i32 to index
        %parallel_loop3A_898 = arith.constant 0 : index
        %parallel_loop3A_899 = tpu.vector_load %arg9[%parallel_loop3A_897, %parallel_loop3A_898] {strides = array<i32>} : memref<64x16xf32, #tpu.memory_space<vmem>>, vector<16xf32>,
        tpu.vector_store %arg9[%parallel_loop3A_897, %parallel_loop3A_898], %parallel_loop3A_895 {strides = array<i32>} : memref<64x16xf32, #tpu.memory_space<vmem>>, vector<16xf32>,
      } {sc.loop_unroll_factor = 1 : i64, sc.parallel_access}
      %scan3A_77 = arith.constant 0 : i32
      %scan3A_78 = arith.constant 0 : i32
      %scan3A_79 = arith.constant 4 : i32
      %scan3A_80 = arith.addi %scan3A_78, %scan3A_79 : i32
      %scan3A_81 = arith.constant 1 : i32
      %scan3A_82 = scf.for %scan3A_85 = %scan3A_78 to %scan3A_80 step %scan3A_81 iter_args(%scan3A_86 = %scan3A_77) -> (i32)  : i32 {
        %mul3A_87 = arith.constant 16 : i32
        %mul3A_88 = arith.muli %scan3A_85, %mul3A_87 : i32
        %multiple_of3A_89 = tpu.assume_multiple %mul3A_88, 16 : i32
        %gather3A = arith.constant 0 : i32
        %gather3A_90 = tpu.memref_slice %arg9[%multiple_of3A_89, %gather3A] : memref<64x16xf32, #tpu.memory_space<vmem>> -> memref<16x16xf32, #tpu.memory_space<vmem>>
        %gather3A_91 = tpu.vector_load_idx %gather3A_90[%iota3A, %broadcast_in_dim3A_7] : memref<16x16xf32, #tpu.memory_space<vmem>>[vector<16xi32>, vector<16xi32>], vector<16xf32>,
        %swap3A = arith.index_cast %multiple_of3A_89 : i32 to index
        %swap3A_92 = tpu.vector_load %arg8[%swap3A] {strides = array<i32>} : memref<64xf32, #tpu.memory_space<vmem>>, vector<16xf32>,
        tpu.vector_store %arg8[%swap3A], %gather3A_91 {strides = array<i32>} : memref<64xf32, #tpu.memory_space<vmem>>, vector<16xf32>,
        %scan3A_93 = arith.constant 0 : i32
        scf.yield %scan3A_93 : i32
      }
      %scan3A_83 = arith.constant 4 : i32
      "tpu.region"() ({
        %run_scoped3A = tpu.sem_alloc : memref<!tpu.dma_semaphore, #tpu.memory_space<semaphore_mem>>
        %dma_start3A_85 = tpu.memref_slice %arg4[%multiple_of3A_73] : memref<16384xf32, #tpu.memory_space<hbm>> -> memref<64xf32, #tpu.memory_space<hbm>>
        %dma_start3A_86 = tpu.memref_slice %arg4[%multiple_of3A_73] : memref<16384xf32, #tpu.memory_space<hbm>> -> memref<64xf32, #tpu.memory_space<hbm>>
        tpu.enqueue_dma source(%arg8 : memref<64xf32, #tpu.memory_space<vmem>>) target(%dma_start3A_86 : memref<64xf32, #tpu.memory_space<hbm>>) target_semaphore(%run_scoped3A : memref<!tpu.dma_semaphore, #tpu.memory_space<semaphore_mem>>)
        %dma_wait3A_87 = tpu.memref_slice %arg4[%multiple_of3A_73] : memref<16384xf32, #tpu.memory_space<hbm>> -> memref<64xf32, #tpu.memory_space<hbm>>
        %dma_wait3A_88 = tpu.memref_slice %arg4[%multiple_of3A_73] : memref<16384xf32, #tpu.memory_space<hbm>> -> memref<64xf32, #tpu.memory_space<hbm>>
        tpu.wait_dma2 semaphore(%run_scoped3A : memref<!tpu.dma_semaphore, #tpu.memory_space<semaphore_mem>>) src(%arg8 : memref<64xf32, #tpu.memory_space<vmem>>) dst(%dma_wait3A_88 : memref<64xf32, #tpu.memory_space<hbm>>)
        tpu.yield
      }) : () -> ()
      %scan3A_84 = arith.constant 0 : i32
      scf.yield %scan3A_84 : i32
    }
    %scan3A_16 = arith.constant 4 : i32
    %multiple_of3A_17 = tpu.assume_multiple %add3A_4, 64 : i32
    %dma_start3A_18 = arith.constant 0 : i32
    %dma_start3A_19 = tpu.memref_slice %arg3[%multiple_of3A_17, %dma_start3A_18] : memref<16384x512xf32, #tpu.memory_space<hbm>> -> memref<64x512xf32, #tpu.memory_space<hbm>>
    %dma_start3A_20 = arith.constant 0 : i32
    %dma_start3A_21 = tpu.memref_slice %arg3[%multiple_of3A_17, %dma_start3A_20] : memref<16384x512xf32, #tpu.memory_space<hbm>> -> memref<64x512xf32, #tpu.memory_space<hbm>>
    tpu.enqueue_dma source(%dma_start3A_21 : memref<64x512xf32, #tpu.memory_space<hbm>>) target(%arg6 : memref<64x512xf32, #tpu.memory_space<vmem>>) target_semaphore(%arg10 : memref<!tpu.dma_semaphore, #tpu.memory_space<semaphore_mem>>)
    %scan3A_22 = arith.constant 0 : i32
    %scan3A_23 = arith.constant 0 : i32
    %scan3A_24 = arith.constant 4 : i32
    %scan3A_25 = arith.addi %scan3A_23, %scan3A_24 : i32
    %scan3A_26 = arith.constant 1 : i32
    %scan3A_27 = scf.for %scan3A_29 = %scan3A_23 to %scan3A_25 step %scan3A_26 iter_args(%scan3A_30 = %scan3A_22) -> (i32)  : i32 {
      %mul3A_31 = arith.constant 2 : i32
      %mul3A_32 = arith.muli %scan3A_29, %mul3A_31 : i32
      %add3A_33 = arith.constant 0 : i32
      %add3A_34 = arith.addi %mul3A_32, %add3A_33 : i32
      %dma_wait3A = arith.constant 0 : i32
      %dma_wait3A_35 = arith.constant 0 : i32
      %dma_wait3A_36 = tpu.memref_slice %arg3[%dma_wait3A, %dma_wait3A_35] : memref<16384x512xf32, #tpu.memory_space<hbm>> -> memref<64x512xf32, #tpu.memory_space<hbm>>
      %dma_wait3A_37 = arith.constant 0 : i32
      %dma_wait3A_38 = arith.constant 0 : i32
      %dma_wait3A_39 = tpu.memref_slice %arg3[%dma_wait3A_37, %dma_wait3A_38] : memref<16384x512xf32, #tpu.memory_space<hbm>> -> memref<64x512xf32, #tpu.memory_space<hbm>>
      tpu.wait_dma2 semaphore(%arg10 : memref<!tpu.dma_semaphore, #tpu.memory_space<semaphore_mem>>) src(%dma_wait3A_39 : memref<64x512xf32, #tpu.memory_space<hbm>>) dst(%arg6 : memref<64x512xf32, #tpu.memory_space<vmem>>)
      %lt3A = arith.constant 7 : i32
      %lt3A_40 = arith.cmpi slt, %add3A_34, %lt3A : i32
      %convert_element_type3A = arith.extui %lt3A_40 : i1 to i32
      %cond3A = arith.constant 0 : i32
      %cond3A_41 = arith.cmpi ne, %convert_element_type3A, %cond3A : i32
      scf.if %cond3A_41 {
        %add3A_85 = arith.constant 1 : i32
        %add3A_86 = arith.addi %add3A_34, %add3A_85 : i32
        %mul3A_87 = arith.constant 64 : i32
        %mul3A_88 = arith.muli %add3A_86, %mul3A_87 : i32
        %add3A_89 = arith.addi %add3A_4, %mul3A_88 : i32
        %multiple_of3A_90 = tpu.assume_multiple %add3A_89, 64 : i32
        %dma_start3A_91 = arith.constant 0 : i32
        %dma_start3A_92 = tpu.memref_slice %arg3[%multiple_of3A_90, %dma_start3A_91] : memref<16384x512xf32, #tpu.memory_space<hbm>> -> memref<64x512xf32, #tpu.memory_space<hbm>>
        %dma_start3A_93 = arith.constant 0 : i32
        %dma_start3A_94 = tpu.memref_slice %arg3[%multiple_of3A_90, %dma_start3A_93] : memref<16384x512xf32, #tpu.memory_space<hbm>> -> memref<64x512xf32, #tpu.memory_space<hbm>>
        tpu.enqueue_dma source(%dma_start3A_94 : memref<64x512xf32, #tpu.memory_space<hbm>>) target(%arg7 : memref<64x512xf32, #tpu.memory_space<vmem>>) target_semaphore(%arg11 : memref<!tpu.dma_semaphore, #tpu.memory_space<semaphore_mem>>)
      } else {
      }
      %mul3A_42 = arith.constant 64 : i32
      %mul3A_43 = arith.muli %add3A_34, %mul3A_42 : i32
      %add3A_44 = arith.addi %mul3A_6, %mul3A_43 : i32
      %multiple_of3A_45 = tpu.assume_multiple %add3A_44, 64 : i32
      %parallel_loop3A = arith.constant 0 : i32
      %parallel_loop3A_46 = arith.constant 64 : i32
      %parallel_loop3A_47 = arith.constant 1 : i32
      scf.for %parallel_loop3A_85 = %parallel_loop3A to %parallel_loop3A_46 step %parallel_loop3A_47  : i32 {
        %parallel_loop3A_86 = arith.index_cast %parallel_loop3A_85 : i32 to index
        %parallel_loop3A_87 = arith.constant 0 : index
        %parallel_loop3A_88 = tpu.vector_load %arg6[%parallel_loop3A_86, %parallel_loop3A_87] {strides = array<i32>} : memref<64x512xf32, #tpu.memory_space<vmem>>, vector<16xf32>,
        %parallel_loop3A_89 = math.absf %parallel_loop3A_88 : vector<16xf32>
        %parallel_loop3A_90 = arith.constant dense<true> : vector<16xi1>
        %parallel_loop3A_91, %parallel_loop3A_92, %parallel_loop3A_93 = tpu.sort %parallel_loop3A_89, %parallel_loop3A_89 masked %parallel_loop3A_90 : (vector<16xf32>, vector<16xf32>, vector<16xi1>) -> (vector<16xi1>, vector<16xf32>, vector<16xf32>)
        %parallel_loop3A_94 = arith.index_cast %parallel_loop3A_85 : i32 to index
        %parallel_loop3A_95 = arith.constant 16 : index
        %parallel_loop3A_96 = tpu.vector_load %arg6[%parallel_loop3A_94, %parallel_loop3A_95] {strides = array<i32>} : memref<64x512xf32, #tpu.memory_space<vmem>>, vector<16xf32>,
        %parallel_loop3A_97 = math.absf %parallel_loop3A_96 : vector<16xf32>
        %parallel_loop3A_98 = arith.constant dense<true> : vector<16xi1>
        %parallel_loop3A_99, %parallel_loop3A_100, %parallel_loop3A_101 = tpu.sort %parallel_loop3A_97, %parallel_loop3A_97 masked %parallel_loop3A_98 {descending = true} : (vector<16xf32>, vector<16xf32>, vector<16xi1>) -> (vector<16xi1>, vector<16xf32>, vector<16xf32>)
        %parallel_loop3A_102 = arith.index_cast %parallel_loop3A_85 : i32 to index
        %parallel_loop3A_103 = arith.constant 32 : index
        %parallel_loop3A_104 = tpu.vector_load %arg6[%parallel_loop3A_102, %parallel_loop3A_103] {strides = array<i32>} : memref<64x512xf32, #tpu.memory_space<vmem>>, vector<16xf32>,
        %parallel_loop3A_105 = math.absf %parallel_loop3A_104 : vector<16xf32>
        %parallel_loop3A_106 = arith.constant dense<true> : vector<16xi1>
        %parallel_loop3A_107, %parallel_loop3A_108, %parallel_loop3A_109 = tpu.sort %parallel_loop3A_105, %parallel_loop3A_105 masked %parallel_loop3A_106 : (vector<16xf32>, vector<16xf32>, vector<16xi1>) -> (vector<16xi1>, vector<16xf32>, vector<16xf32>)
        %parallel_loop3A_110 = arith.index_cast %parallel_loop3A_85 : i32 to index
        %parallel_loop3A_111 = arith.constant 48 : index
        %parallel_loop3A_112 = tpu.vector_load %arg6[%parallel_loop3A_110, %parallel_loop3A_111] {strides = array<i32>} : memref<64x512xf32, #tpu.memory_space<vmem>>, vector<16xf32>,
        %parallel_loop3A_113 = math.absf %parallel_loop3A_112 : vector<16xf32>
        %parallel_loop3A_114 = arith.constant dense<true> : vector<16xi1>
        %parallel_loop3A_115, %parallel_loop3A_116, %parallel_loop3A_117 = tpu.sort %parallel_loop3A_113, %parallel_loop3A_113 masked %parallel_loop3A_114 {descending = true} : (vector<16xf32>, vector<16xf32>, vector<16xi1>) -> (vector<16xi1>, vector<16xf32>, vector<16xf32>)
        %parallel_loop3A_118 = arith.index_cast %parallel_loop3A_85 : i32 to index
        %parallel_loop3A_119 = arith.constant 64 : index
        %parallel_loop3A_120 = tpu.vector_load %arg6[%parallel_loop3A_118, %parallel_loop3A_119] {strides = array<i32>} : memref<64x512xf32, #tpu.memory_space<vmem>>, vector<16xf32>,
        %parallel_loop3A_121 = math.absf %parallel_loop3A_120 : vector<16xf32>
        %parallel_loop3A_122 = arith.constant dense<true> : vector<16xi1>
        %parallel_loop3A_123, %parallel_loop3A_124, %parallel_loop3A_125 = tpu.sort %parallel_loop3A_121, %parallel_loop3A_121 masked %parallel_loop3A_122 : (vector<16xf32>, vector<16xf32>, vector<16xi1>) -> (vector<16xi1>, vector<16xf32>, vector<16xf32>)
        %parallel_loop3A_126 = arith.index_cast %parallel_loop3A_85 : i32 to index
        %parallel_loop3A_127 = arith.constant 80 : index
        %parallel_loop3A_128 = tpu.vector_load %arg6[%parallel_loop3A_126, %parallel_loop3A_127] {strides = array<i32>} : memref<64x512xf32, #tpu.memory_space<vmem>>, vector<16xf32>,
        %parallel_loop3A_129 = math.absf %parallel_loop3A_128 : vector<16xf32>
        %parallel_loop3A_130 = arith.constant dense<true> : vector<16xi1>
        %parallel_loop3A_131, %parallel_loop3A_132, %parallel_loop3A_133 = tpu.sort %parallel_loop3A_129, %parallel_loop3A_129 masked %parallel_loop3A_130 {descending = true} : (vector<16xf32>, vector<16xf32>, vector<16xi1>) -> (vector<16xi1>, vector<16xf32>, vector<16xf32>)
        %parallel_loop3A_134 = arith.index_cast %parallel_loop3A_85 : i32 to index
        %parallel_loop3A_135 = arith.constant 96 : index
        %parallel_loop3A_136 = tpu.vector_load %arg6[%parallel_loop3A_134, %parallel_loop3A_135] {strides = array<i32>} : memref<64x512xf32, #tpu.memory_space<vmem>>, vector<16xf32>,
        %parallel_loop3A_137 = math.absf %parallel_loop3A_136 : vector<16xf32>
        %parallel_loop3A_138 = arith.constant dense<true> : vector<16xi1>
        %parallel_loop3A_139, %parallel_loop3A_140, %parallel_loop3A_141 = tpu.sort %parallel_loop3A_137, %parallel_loop3A_137 masked %parallel_loop3A_138 : (vector<16xf32>, vector<16xf32>, vector<16xi1>) -> (vector<16xi1>, vector<16xf32>, vector<16xf32>)
        %parallel_loop3A_142 = arith.index_cast %parallel_loop3A_85 : i32 to index
        %parallel_loop3A_143 = arith.constant 112 : index
        %parallel_loop3A_144 = tpu.vector_load %arg6[%parallel_loop3A_142, %parallel_loop3A_143] {strides = array<i32>} : memref<64x512xf32, #tpu.memory_space<vmem>>, vector<16xf32>,
        %parallel_loop3A_145 = math.absf %parallel_loop3A_144 : vector<16xf32>
        %parallel_loop3A_146 = arith.constant dense<true> : vector<16xi1>
        %parallel_loop3A_147, %parallel_loop3A_148, %parallel_loop3A_149 = tpu.sort %parallel_loop3A_145, %parallel_loop3A_145 masked %parallel_loop3A_146 {descending = true} : (vector<16xf32>, vector<16xf32>, vector<16xi1>) -> (vector<16xi1>, vector<16xf32>, vector<16xf32>)
        %parallel_loop3A_150 = arith.index_cast %parallel_loop3A_85 : i32 to index
        %parallel_loop3A_151 = arith.constant 128 : index
        %parallel_loop3A_152 = tpu.vector_load %arg6[%parallel_loop3A_150, %parallel_loop3A_151] {strides = array<i32>} : memref<64x512xf32, #tpu.memory_space<vmem>>, vector<16xf32>,
        %parallel_loop3A_153 = math.absf %parallel_loop3A_152 : vector<16xf32>
        %parallel_loop3A_154 = arith.constant dense<true> : vector<16xi1>
        %parallel_loop3A_155, %parallel_loop3A_156, %parallel_loop3A_157 = tpu.sort %parallel_loop3A_153, %parallel_loop3A_153 masked %parallel_loop3A_154 : (vector<16xf32>, vector<16xf32>, vector<16xi1>) -> (vector<16xi1>, vector<16xf32>, vector<16xf32>)
        %parallel_loop3A_158 = arith.index_cast %parallel_loop3A_85 : i32 to index
        %parallel_loop3A_159 = arith.constant 144 : index
        %parallel_loop3A_160 = tpu.vector_load %arg6[%parallel_loop3A_158, %parallel_loop3A_159] {strides = array<i32>} : memref<64x512xf32, #tpu.memory_space<vmem>>, vector<16xf32>,
        %parallel_loop3A_161 = math.absf %parallel_loop3A_160 : vector<16xf32>
        %parallel_loop3A_162 = arith.constant dense<true> : vector<16xi1>
        %parallel_loop3A_163, %parallel_loop3A_164, %parallel_loop3A_165 = tpu.sort %parallel_loop3A_161, %parallel_loop3A_161 masked %parallel_loop3A_162 {descending = true} : (vector<16xf32>, vector<16xf32>, vector<16xi1>) -> (vector<16xi1>, vector<16xf32>, vector<16xf32>)
        %parallel_loop3A_166 = arith.index_cast %parallel_loop3A_85 : i32 to index
        %parallel_loop3A_167 = arith.constant 160 : index
        %parallel_loop3A_168 = tpu.vector_load %arg6[%parallel_loop3A_166, %parallel_loop3A_167] {strides = array<i32>} : memref<64x512xf32, #tpu.memory_space<vmem>>, vector<16xf32>,
        %parallel_loop3A_169 = math.absf %parallel_loop3A_168 : vector<16xf32>
        %parallel_loop3A_170 = arith.constant dense<true> : vector<16xi1>
        %parallel_loop3A_171, %parallel_loop3A_172, %parallel_loop3A_173 = tpu.sort %parallel_loop3A_169, %parallel_loop3A_169 masked %parallel_loop3A_170 : (vector<16xf32>, vector<16xf32>, vector<16xi1>) -> (vector<16xi1>, vector<16xf32>, vector<16xf32>)
        %parallel_loop3A_174 = arith.index_cast %parallel_loop3A_85 : i32 to index
        %parallel_loop3A_175 = arith.constant 176 : index
        %parallel_loop3A_176 = tpu.vector_load %arg6[%parallel_loop3A_174, %parallel_loop3A_175] {strides = array<i32>} : memref<64x512xf32, #tpu.memory_space<vmem>>, vector<16xf32>,
        %parallel_loop3A_177 = math.absf %parallel_loop3A_176 : vector<16xf32>
        %parallel_loop3A_178 = arith.constant dense<true> : vector<16xi1>
        %parallel_loop3A_179, %parallel_loop3A_180, %parallel_loop3A_181 = tpu.sort %parallel_loop3A_177, %parallel_loop3A_177 masked %parallel_loop3A_178 {descending = true} : (vector<16xf32>, vector<16xf32>, vector<16xi1>) -> (vector<16xi1>, vector<16xf32>, vector<16xf32>)
        %parallel_loop3A_182 = arith.index_cast %parallel_loop3A_85 : i32 to index
        %parallel_loop3A_183 = arith.constant 192 : index
        %parallel_loop3A_184 = tpu.vector_load %arg6[%parallel_loop3A_182, %parallel_loop3A_183] {strides = array<i32>} : memref<64x512xf32, #tpu.memory_space<vmem>>, vector<16xf32>,
        %parallel_loop3A_185 = math.absf %parallel_loop3A_184 : vector<16xf32>
        %parallel_loop3A_186 = arith.constant dense<true> : vector<16xi1>
        %parallel_loop3A_187, %parallel_loop3A_188, %parallel_loop3A_189 = tpu.sort %parallel_loop3A_185, %parallel_loop3A_185 masked %parallel_loop3A_186 : (vector<16xf32>, vector<16xf32>, vector<16xi1>) -> (vector<16xi1>, vector<16xf32>, vector<16xf32>)
        %parallel_loop3A_190 = arith.index_cast %parallel_loop3A_85 : i32 to index
        %parallel_loop3A_191 = arith.constant 208 : index
        %parallel_loop3A_192 = tpu.vector_load %arg6[%parallel_loop3A_190, %parallel_loop3A_191] {strides = array<i32>} : memref<64x512xf32, #tpu.memory_space<vmem>>, vector<16xf32>,
        %parallel_loop3A_193 = math.absf %parallel_loop3A_192 : vector<16xf32>
        %parallel_loop3A_194 = arith.constant dense<true> : vector<16xi1>
        %parallel_loop3A_195, %parallel_loop3A_196, %parallel_loop3A_197 = tpu.sort %parallel_loop3A_193, %parallel_loop3A_193 masked %parallel_loop3A_194 {descending = true} : (vector<16xf32>, vector<16xf32>, vector<16xi1>) -> (vector<16xi1>, vector<16xf32>, vector<16xf32>)
        %parallel_loop3A_198 = arith.index_cast %parallel_loop3A_85 : i32 to index
        %parallel_loop3A_199 = arith.constant 224 : index
        %parallel_loop3A_200 = tpu.vector_load %arg6[%parallel_loop3A_198, %parallel_loop3A_199] {strides = array<i32>} : memref<64x512xf32, #tpu.memory_space<vmem>>, vector<16xf32>,
        %parallel_loop3A_201 = math.absf %parallel_loop3A_200 : vector<16xf32>
        %parallel_loop3A_202 = arith.constant dense<true> : vector<16xi1>
        %parallel_loop3A_203, %parallel_loop3A_204, %parallel_loop3A_205 = tpu.sort %parallel_loop3A_201, %parallel_loop3A_201 masked %parallel_loop3A_202 : (vector<16xf32>, vector<16xf32>, vector<16xi1>) -> (vector<16xi1>, vector<16xf32>, vector<16xf32>)
        %parallel_loop3A_206 = arith.index_cast %parallel_loop3A_85 : i32 to index
        %parallel_loop3A_207 = arith.constant 240 : index
        %parallel_loop3A_208 = tpu.vector_load %arg6[%parallel_loop3A_206, %parallel_loop3A_207] {strides = array<i32>} : memref<64x512xf32, #tpu.memory_space<vmem>>, vector<16xf32>,
        %parallel_loop3A_209 = math.absf %parallel_loop3A_208 : vector<16xf32>
        %parallel_loop3A_210 = arith.constant dense<true> : vector<16xi1>
        %parallel_loop3A_211, %parallel_loop3A_212, %parallel_loop3A_213 = tpu.sort %parallel_loop3A_209, %parallel_loop3A_209 masked %parallel_loop3A_210 {descending = true} : (vector<16xf32>, vector<16xf32>, vector<16xi1>) -> (vector<16xi1>, vector<16xf32>, vector<16xf32>)
        %parallel_loop3A_214 = arith.index_cast %parallel_loop3A_85 : i32 to index
        %parallel_loop3A_215 = arith.constant 256 : index
        %parallel_loop3A_216 = tpu.vector_load %arg6[%parallel_loop3A_214, %parallel_loop3A_215] {strides = array<i32>} : memref<64x512xf32, #tpu.memory_space<vmem>>, vector<16xf32>,
        %parallel_loop3A_217 = math.absf %parallel_loop3A_216 : vector<16xf32>
        %parallel_loop3A_218 = arith.constant dense<true> : vector<16xi1>
        %parallel_loop3A_219, %parallel_loop3A_220, %parallel_loop3A_221 = tpu.sort %parallel_loop3A_217, %parallel_loop3A_217 masked %parallel_loop3A_218 : (vector<16xf32>, vector<16xf32>, vector<16xi1>) -> (vector<16xi1>, vector<16xf32>, vector<16xf32>)
        %parallel_loop3A_222 = arith.index_cast %parallel_loop3A_85 : i32 to index
        %parallel_loop3A_223 = arith.constant 272 : index
        %parallel_loop3A_224 = tpu.vector_load %arg6[%parallel_loop3A_222, %parallel_loop3A_223] {strides = array<i32>} : memref<64x512xf32, #tpu.memory_space<vmem>>, vector<16xf32>,
        %parallel_loop3A_225 = math.absf %parallel_loop3A_224 : vector<16xf32>
        %parallel_loop3A_226 = arith.constant dense<true> : vector<16xi1>
        %parallel_loop3A_227, %parallel_loop3A_228, %parallel_loop3A_229 = tpu.sort %parallel_loop3A_225, %parallel_loop3A_225 masked %parallel_loop3A_226 {descending = true} : (vector<16xf32>, vector<16xf32>, vector<16xi1>) -> (vector<16xi1>, vector<16xf32>, vector<16xf32>)
        %parallel_loop3A_230 = arith.index_cast %parallel_loop3A_85 : i32 to index
        %parallel_loop3A_231 = arith.constant 288 : index
        %parallel_loop3A_232 = tpu.vector_load %arg6[%parallel_loop3A_230, %parallel_loop3A_231] {strides = array<i32>} : memref<64x512xf32, #tpu.memory_space<vmem>>, vector<16xf32>,
        %parallel_loop3A_233 = math.absf %parallel_loop3A_232 : vector<16xf32>
        %parallel_loop3A_234 = arith.constant dense<true> : vector<16xi1>
        %parallel_loop3A_235, %parallel_loop3A_236, %parallel_loop3A_237 = tpu.sort %parallel_loop3A_233, %parallel_loop3A_233 masked %parallel_loop3A_234 : (vector<16xf32>, vector<16xf32>, vector<16xi1>) -> (vector<16xi1>, vector<16xf32>, vector<16xf32>)
        %parallel_loop3A_238 = arith.index_cast %parallel_loop3A_85 : i32 to index
        %parallel_loop3A_239 = arith.constant 304 : index
        %parallel_loop3A_240 = tpu.vector_load %arg6[%parallel_loop3A_238, %parallel_loop3A_239] {strides = array<i32>} : memref<64x512xf32, #tpu.memory_space<vmem>>, vector<16xf32>,
        %parallel_loop3A_241 = math.absf %parallel_loop3A_240 : vector<16xf32>
        %parallel_loop3A_242 = arith.constant dense<true> : vector<16xi1>
        %parallel_loop3A_243, %parallel_loop3A_244, %parallel_loop3A_245 = tpu.sort %parallel_loop3A_241, %parallel_loop3A_241 masked %parallel_loop3A_242 {descending = true} : (vector<16xf32>, vector<16xf32>, vector<16xi1>) -> (vector<16xi1>, vector<16xf32>, vector<16xf32>)
        %parallel_loop3A_246 = arith.index_cast %parallel_loop3A_85 : i32 to index
        %parallel_loop3A_247 = arith.constant 320 : index
        %parallel_loop3A_248 = tpu.vector_load %arg6[%parallel_loop3A_246, %parallel_loop3A_247] {strides = array<i32>} : memref<64x512xf32, #tpu.memory_space<vmem>>, vector<16xf32>,
        %parallel_loop3A_249 = math.absf %parallel_loop3A_248 : vector<16xf32>
        %parallel_loop3A_250 = arith.constant dense<true> : vector<16xi1>
        %parallel_loop3A_251, %parallel_loop3A_252, %parallel_loop3A_253 = tpu.sort %parallel_loop3A_249, %parallel_loop3A_249 masked %parallel_loop3A_250 : (vector<16xf32>, vector<16xf32>, vector<16xi1>) -> (vector<16xi1>, vector<16xf32>, vector<16xf32>)
        %parallel_loop3A_254 = arith.index_cast %parallel_loop3A_85 : i32 to index
        %parallel_loop3A_255 = arith.constant 336 : index
        %parallel_loop3A_256 = tpu.vector_load %arg6[%parallel_loop3A_254, %parallel_loop3A_255] {strides = array<i32>} : memref<64x512xf32, #tpu.memory_space<vmem>>, vector<16xf32>,
        %parallel_loop3A_257 = math.absf %parallel_loop3A_256 : vector<16xf32>
        %parallel_loop3A_258 = arith.constant dense<true> : vector<16xi1>
        %parallel_loop3A_259, %parallel_loop3A_260, %parallel_loop3A_261 = tpu.sort %parallel_loop3A_257, %parallel_loop3A_257 masked %parallel_loop3A_258 {descending = true} : (vector<16xf32>, vector<16xf32>, vector<16xi1>) -> (vector<16xi1>, vector<16xf32>, vector<16xf32>)
        %parallel_loop3A_262 = arith.index_cast %parallel_loop3A_85 : i32 to index
        %parallel_loop3A_263 = arith.constant 352 : index
        %parallel_loop3A_264 = tpu.vector_load %arg6[%parallel_loop3A_262, %parallel_loop3A_263] {strides = array<i32>} : memref<64x512xf32, #tpu.memory_space<vmem>>, vector<16xf32>,
        %parallel_loop3A_265 = math.absf %parallel_loop3A_264 : vector<16xf32>
        %parallel_loop3A_266 = arith.constant dense<true> : vector<16xi1>
        %parallel_loop3A_267, %parallel_loop3A_268, %parallel_loop3A_269 = tpu.sort %parallel_loop3A_265, %parallel_loop3A_265 masked %parallel_loop3A_266 : (vector<16xf32>, vector<16xf32>, vector<16xi1>) -> (vector<16xi1>, vector<16xf32>, vector<16xf32>)
        %parallel_loop3A_270 = arith.index_cast %parallel_loop3A_85 : i32 to index
        %parallel_loop3A_271 = arith.constant 368 : index
        %parallel_loop3A_272 = tpu.vector_load %arg6[%parallel_loop3A_270, %parallel_loop3A_271] {strides = array<i32>} : memref<64x512xf32, #tpu.memory_space<vmem>>, vector<16xf32>,
        %parallel_loop3A_273 = math.absf %parallel_loop3A_272 : vector<16xf32>
        %parallel_loop3A_274 = arith.constant dense<true> : vector<16xi1>
        %parallel_loop3A_275, %parallel_loop3A_276, %parallel_loop3A_277 = tpu.sort %parallel_loop3A_273, %parallel_loop3A_273 masked %parallel_loop3A_274 {descending = true} : (vector<16xf32>, vector<16xf32>, vector<16xi1>) -> (vector<16xi1>, vector<16xf32>, vector<16xf32>)
        %parallel_loop3A_278 = arith.index_cast %parallel_loop3A_85 : i32 to index
        %parallel_loop3A_279 = arith.constant 384 : index
        %parallel_loop3A_280 = tpu.vector_load %arg6[%parallel_loop3A_278, %parallel_loop3A_279] {strides = array<i32>} : memref<64x512xf32, #tpu.memory_space<vmem>>, vector<16xf32>,
        %parallel_loop3A_281 = math.absf %parallel_loop3A_280 : vector<16xf32>
        %parallel_loop3A_282 = arith.constant dense<true> : vector<16xi1>
        %parallel_loop3A_283, %parallel_loop3A_284, %parallel_loop3A_285 = tpu.sort %parallel_loop3A_281, %parallel_loop3A_281 masked %parallel_loop3A_282 : (vector<16xf32>, vector<16xf32>, vector<16xi1>) -> (vector<16xi1>, vector<16xf32>, vector<16xf32>)
        %parallel_loop3A_286 = arith.index_cast %parallel_loop3A_85 : i32 to index
        %parallel_loop3A_287 = arith.constant 400 : index
        %parallel_loop3A_288 = tpu.vector_load %arg6[%parallel_loop3A_286, %parallel_loop3A_287] {strides = array<i32>} : memref<64x512xf32, #tpu.memory_space<vmem>>, vector<16xf32>,
        %parallel_loop3A_289 = math.absf %parallel_loop3A_288 : vector<16xf32>
        %parallel_loop3A_290 = arith.constant dense<true> : vector<16xi1>
        %parallel_loop3A_291, %parallel_loop3A_292, %parallel_loop3A_293 = tpu.sort %parallel_loop3A_289, %parallel_loop3A_289 masked %parallel_loop3A_290 {descending = true} : (vector<16xf32>, vector<16xf32>, vector<16xi1>) -> (vector<16xi1>, vector<16xf32>, vector<16xf32>)
        %parallel_loop3A_294 = arith.index_cast %parallel_loop3A_85 : i32 to index
        %parallel_loop3A_295 = arith.constant 416 : index
        %parallel_loop3A_296 = tpu.vector_load %arg6[%parallel_loop3A_294, %parallel_loop3A_295] {strides = array<i32>} : memref<64x512xf32, #tpu.memory_space<vmem>>, vector<16xf32>,
        %parallel_loop3A_297 = math.absf %parallel_loop3A_296 : vector<16xf32>
        %parallel_loop3A_298 = arith.constant dense<true> : vector<16xi1>
        %parallel_loop3A_299, %parallel_loop3A_300, %parallel_loop3A_301 = tpu.sort %parallel_loop3A_297, %parallel_loop3A_297 masked %parallel_loop3A_298 : (vector<16xf32>, vector<16xf32>, vector<16xi1>) -> (vector<16xi1>, vector<16xf32>, vector<16xf32>)
        %parallel_loop3A_302 = arith.index_cast %parallel_loop3A_85 : i32 to index
        %parallel_loop3A_303 = arith.constant 432 : index
        %parallel_loop3A_304 = tpu.vector_load %arg6[%parallel_loop3A_302, %parallel_loop3A_303] {strides = array<i32>} : memref<64x512xf32, #tpu.memory_space<vmem>>, vector<16xf32>,
        %parallel_loop3A_305 = math.absf %parallel_loop3A_304 : vector<16xf32>
        %parallel_loop3A_306 = arith.constant dense<true> : vector<16xi1>
        %parallel_loop3A_307, %parallel_loop3A_308, %parallel_loop3A_309 = tpu.sort %parallel_loop3A_305, %parallel_loop3A_305 masked %parallel_loop3A_306 {descending = true} : (vector<16xf32>, vector<16xf32>, vector<16xi1>) -> (vector<16xi1>, vector<16xf32>, vector<16xf32>)
        %parallel_loop3A_310 = arith.index_cast %parallel_loop3A_85 : i32 to index
        %parallel_loop3A_311 = arith.constant 448 : index
        %parallel_loop3A_312 = tpu.vector_load %arg6[%parallel_loop3A_310, %parallel_loop3A_311] {strides = array<i32>} : memref<64x512xf32, #tpu.memory_space<vmem>>, vector<16xf32>,
        %parallel_loop3A_313 = math.absf %parallel_loop3A_312 : vector<16xf32>
        %parallel_loop3A_314 = arith.constant dense<true> : vector<16xi1>
        %parallel_loop3A_315, %parallel_loop3A_316, %parallel_loop3A_317 = tpu.sort %parallel_loop3A_313, %parallel_loop3A_313 masked %parallel_loop3A_314 : (vector<16xf32>, vector<16xf32>, vector<16xi1>) -> (vector<16xi1>, vector<16xf32>, vector<16xf32>)
        %parallel_loop3A_318 = arith.index_cast %parallel_loop3A_85 : i32 to index
        %parallel_loop3A_319 = arith.constant 464 : index
        %parallel_loop3A_320 = tpu.vector_load %arg6[%parallel_loop3A_318, %parallel_loop3A_319] {strides = array<i32>} : memref<64x512xf32, #tpu.memory_space<vmem>>, vector<16xf32>,
        %parallel_loop3A_321 = math.absf %parallel_loop3A_320 : vector<16xf32>
        %parallel_loop3A_322 = arith.constant dense<true> : vector<16xi1>
        %parallel_loop3A_323, %parallel_loop3A_324, %parallel_loop3A_325 = tpu.sort %parallel_loop3A_321, %parallel_loop3A_321 masked %parallel_loop3A_322 {descending = true} : (vector<16xf32>, vector<16xf32>, vector<16xi1>) -> (vector<16xi1>, vector<16xf32>, vector<16xf32>)
        %parallel_loop3A_326 = arith.index_cast %parallel_loop3A_85 : i32 to index
        %parallel_loop3A_327 = arith.constant 480 : index
        %parallel_loop3A_328 = tpu.vector_load %arg6[%parallel_loop3A_326, %parallel_loop3A_327] {strides = array<i32>} : memref<64x512xf32, #tpu.memory_space<vmem>>, vector<16xf32>,
        %parallel_loop3A_329 = math.absf %parallel_loop3A_328 : vector<16xf32>
        %parallel_loop3A_330 = arith.constant dense<true> : vector<16xi1>
        %parallel_loop3A_331, %parallel_loop3A_332, %parallel_loop3A_333 = tpu.sort %parallel_loop3A_329, %parallel_loop3A_329 masked %parallel_loop3A_330 : (vector<16xf32>, vector<16xf32>, vector<16xi1>) -> (vector<16xi1>, vector<16xf32>, vector<16xf32>)
        %parallel_loop3A_334 = arith.index_cast %parallel_loop3A_85 : i32 to index
        %parallel_loop3A_335 = arith.constant 496 : index
        %parallel_loop3A_336 = tpu.vector_load %arg6[%parallel_loop3A_334, %parallel_loop3A_335] {strides = array<i32>} : memref<64x512xf32, #tpu.memory_space<vmem>>, vector<16xf32>,
        %parallel_loop3A_337 = math.absf %parallel_loop3A_336 : vector<16xf32>
        %parallel_loop3A_338 = arith.constant dense<true> : vector<16xi1>
        %parallel_loop3A_339, %parallel_loop3A_340, %parallel_loop3A_341 = tpu.sort %parallel_loop3A_337, %parallel_loop3A_337 masked %parallel_loop3A_338 {descending = true} : (vector<16xf32>, vector<16xf32>, vector<16xi1>) -> (vector<16xi1>, vector<16xf32>, vector<16xf32>)
        %parallel_loop3A_342 = arith.minimumf %parallel_loop3A_92, %parallel_loop3A_100 : vector<16xf32>
        %parallel_loop3A_343 = arith.maximumf %parallel_loop3A_92, %parallel_loop3A_100 : vector<16xf32>
        %parallel_loop3A_344 = arith.constant dense<true> : vector<16xi1>
        %parallel_loop3A_345, %parallel_loop3A_346, %parallel_loop3A_347 = tpu.sort %parallel_loop3A_342, %parallel_loop3A_342 masked %parallel_loop3A_344 : (vector<16xf32>, vector<16xf32>, vector<16xi1>) -> (vector<16xi1>, vector<16xf32>, vector<16xf32>)
        %parallel_loop3A_348 = arith.constant dense<true> : vector<16xi1>
        %parallel_loop3A_349, %parallel_loop3A_350, %parallel_loop3A_351 = tpu.sort %parallel_loop3A_343, %parallel_loop3A_343 masked %parallel_loop3A_348 : (vector<16xf32>, vector<16xf32>, vector<16xi1>) -> (vector<16xi1>, vector<16xf32>, vector<16xf32>)
        %parallel_loop3A_352 = arith.minimumf %parallel_loop3A_108, %parallel_loop3A_116 : vector<16xf32>
        %parallel_loop3A_353 = arith.maximumf %parallel_loop3A_108, %parallel_loop3A_116 : vector<16xf32>
        %parallel_loop3A_354 = arith.constant dense<true> : vector<16xi1>
        %parallel_loop3A_355, %parallel_loop3A_356, %parallel_loop3A_357 = tpu.sort %parallel_loop3A_353, %parallel_loop3A_353 masked %parallel_loop3A_354 {descending = true} : (vector<16xf32>, vector<16xf32>, vector<16xi1>) -> (vector<16xi1>, vector<16xf32>, vector<16xf32>)
        %parallel_loop3A_358 = arith.constant dense<true> : vector<16xi1>
        %parallel_loop3A_359, %parallel_loop3A_360, %parallel_loop3A_361 = tpu.sort %parallel_loop3A_352, %parallel_loop3A_352 masked %parallel_loop3A_358 {descending = true} : (vector<16xf32>, vector<16xf32>, vector<16xi1>) -> (vector<16xi1>, vector<16xf32>, vector<16xf32>)
        %parallel_loop3A_362 = arith.minimumf %parallel_loop3A_124, %parallel_loop3A_132 : vector<16xf32>
        %parallel_loop3A_363 = arith.maximumf %parallel_loop3A_124, %parallel_loop3A_132 : vector<16xf32>
        %parallel_loop3A_364 = arith.constant dense<true> : vector<16xi1>
        %parallel_loop3A_365, %parallel_loop3A_366, %parallel_loop3A_367 = tpu.sort %parallel_loop3A_362, %parallel_loop3A_362 masked %parallel_loop3A_364 : (vector<16xf32>, vector<16xf32>, vector<16xi1>) -> (vector<16xi1>, vector<16xf32>, vector<16xf32>)
        %parallel_loop3A_368 = arith.constant dense<true> : vector<16xi1>
        %parallel_loop3A_369, %parallel_loop3A_370, %parallel_loop3A_371 = tpu.sort %parallel_loop3A_363, %parallel_loop3A_363 masked %parallel_loop3A_368 : (vector<16xf32>, vector<16xf32>, vector<16xi1>) -> (vector<16xi1>, vector<16xf32>, vector<16xf32>)
        %parallel_loop3A_372 = arith.minimumf %parallel_loop3A_140, %parallel_loop3A_148 : vector<16xf32>
        %parallel_loop3A_373 = arith.maximumf %parallel_loop3A_140, %parallel_loop3A_148 : vector<16xf32>
        %parallel_loop3A_374 = arith.constant dense<true> : vector<16xi1>
        %parallel_loop3A_375, %parallel_loop3A_376, %parallel_loop3A_377 = tpu.sort %parallel_loop3A_373, %parallel_loop3A_373 masked %parallel_loop3A_374 {descending = true} : (vector<16xf32>, vector<16xf32>, vector<16xi1>) -> (vector<16xi1>, vector<16xf32>, vector<16xf32>)
        %parallel_loop3A_378 = arith.constant dense<true> : vector<16xi1>
        %parallel_loop3A_379, %parallel_loop3A_380, %parallel_loop3A_381 = tpu.sort %parallel_loop3A_372, %parallel_loop3A_372 masked %parallel_loop3A_378 {descending = true} : (vector<16xf32>, vector<16xf32>, vector<16xi1>) -> (vector<16xi1>, vector<16xf32>, vector<16xf32>)
        %parallel_loop3A_382 = arith.minimumf %parallel_loop3A_156, %parallel_loop3A_164 : vector<16xf32>
        %parallel_loop3A_383 = arith.maximumf %parallel_loop3A_156, %parallel_loop3A_164 : vector<16xf32>
        %parallel_loop3A_384 = arith.constant dense<true> : vector<16xi1>
        %parallel_loop3A_385, %parallel_loop3A_386, %parallel_loop3A_387 = tpu.sort %parallel_loop3A_382, %parallel_loop3A_382 masked %parallel_loop3A_384 : (vector<16xf32>, vector<16xf32>, vector<16xi1>) -> (vector<16xi1>, vector<16xf32>, vector<16xf32>)
        %parallel_loop3A_388 = arith.constant dense<true> : vector<16xi1>
        %parallel_loop3A_389, %parallel_loop3A_390, %parallel_loop3A_391 = tpu.sort %parallel_loop3A_383, %parallel_loop3A_383 masked %parallel_loop3A_388 : (vector<16xf32>, vector<16xf32>, vector<16xi1>) -> (vector<16xi1>, vector<16xf32>, vector<16xf32>)
        %parallel_loop3A_392 = arith.minimumf %parallel_loop3A_172, %parallel_loop3A_180 : vector<16xf32>
        %parallel_loop3A_393 = arith.maximumf %parallel_loop3A_172, %parallel_loop3A_180 : vector<16xf32>
        %parallel_loop3A_394 = arith.constant dense<true> : vector<16xi1>
        %parallel_loop3A_395, %parallel_loop3A_396, %parallel_loop3A_397 = tpu.sort %parallel_loop3A_393, %parallel_loop3A_393 masked %parallel_loop3A_394 {descending = true} : (vector<16xf32>, vector<16xf32>, vector<16xi1>) -> (vector<16xi1>, vector<16xf32>, vector<16xf32>)
        %parallel_loop3A_398 = arith.constant dense<true> : vector<16xi1>
        %parallel_loop3A_399, %parallel_loop3A_400, %parallel_loop3A_401 = tpu.sort %parallel_loop3A_392, %parallel_loop3A_392 masked %parallel_loop3A_398 {descending = true} : (vector<16xf32>, vector<16xf32>, vector<16xi1>) -> (vector<16xi1>, vector<16xf32>, vector<16xf32>)
        %parallel_loop3A_402 = arith.minimumf %parallel_loop3A_188, %parallel_loop3A_196 : vector<16xf32>
        %parallel_loop3A_403 = arith.maximumf %parallel_loop3A_188, %parallel_loop3A_196 : vector<16xf32>
        %parallel_loop3A_404 = arith.constant dense<true> : vector<16xi1>
        %parallel_loop3A_405, %parallel_loop3A_406, %parallel_loop3A_407 = tpu.sort %parallel_loop3A_402, %parallel_loop3A_402 masked %parallel_loop3A_404 : (vector<16xf32>, vector<16xf32>, vector<16xi1>) -> (vector<16xi1>, vector<16xf32>, vector<16xf32>)
        %parallel_loop3A_408 = arith.constant dense<true> : vector<16xi1>
        %parallel_loop3A_409, %parallel_loop3A_410, %parallel_loop3A_411 = tpu.sort %parallel_loop3A_403, %parallel_loop3A_403 masked %parallel_loop3A_408 : (vector<16xf32>, vector<16xf32>, vector<16xi1>) -> (vector<16xi1>, vector<16xf32>, vector<16xf32>)
        %parallel_loop3A_412 = arith.minimumf %parallel_loop3A_204, %parallel_loop3A_212 : vector<16xf32>
        %parallel_loop3A_413 = arith.maximumf %parallel_loop3A_204, %parallel_loop3A_212 : vector<16xf32>
        %parallel_loop3A_414 = arith.constant dense<true> : vector<16xi1>
        %parallel_loop3A_415, %parallel_loop3A_416, %parallel_loop3A_417 = tpu.sort %parallel_loop3A_413, %parallel_loop3A_413 masked %parallel_loop3A_414 {descending = true} : (vector<16xf32>, vector<16xf32>, vector<16xi1>) -> (vector<16xi1>, vector<16xf32>, vector<16xf32>)
        %parallel_loop3A_418 = arith.constant dense<true> : vector<16xi1>
        %parallel_loop3A_419, %parallel_loop3A_420, %parallel_loop3A_421 = tpu.sort %parallel_loop3A_412, %parallel_loop3A_412 masked %parallel_loop3A_418 {descending = true} : (vector<16xf32>, vector<16xf32>, vector<16xi1>) -> (vector<16xi1>, vector<16xf32>, vector<16xf32>)
        %parallel_loop3A_422 = arith.minimumf %parallel_loop3A_220, %parallel_loop3A_228 : vector<16xf32>
        %parallel_loop3A_423 = arith.maximumf %parallel_loop3A_220, %parallel_loop3A_228 : vector<16xf32>
        %parallel_loop3A_424 = arith.constant dense<true> : vector<16xi1>
        %parallel_loop3A_425, %parallel_loop3A_426, %parallel_loop3A_427 = tpu.sort %parallel_loop3A_422, %parallel_loop3A_422 masked %parallel_loop3A_424 : (vector<16xf32>, vector<16xf32>, vector<16xi1>) -> (vector<16xi1>, vector<16xf32>, vector<16xf32>)
        %parallel_loop3A_428 = arith.constant dense<true> : vector<16xi1>
        %parallel_loop3A_429, %parallel_loop3A_430, %parallel_loop3A_431 = tpu.sort %parallel_loop3A_423, %parallel_loop3A_423 masked %parallel_loop3A_428 : (vector<16xf32>, vector<16xf32>, vector<16xi1>) -> (vector<16xi1>, vector<16xf32>, vector<16xf32>)
        %parallel_loop3A_432 = arith.minimumf %parallel_loop3A_236, %parallel_loop3A_244 : vector<16xf32>
        %parallel_loop3A_433 = arith.maximumf %parallel_loop3A_236, %parallel_loop3A_244 : vector<16xf32>
        %parallel_loop3A_434 = arith.constant dense<true> : vector<16xi1>
        %parallel_loop3A_435, %parallel_loop3A_436, %parallel_loop3A_437 = tpu.sort %parallel_loop3A_433, %parallel_loop3A_433 masked %parallel_loop3A_434 {descending = true} : (vector<16xf32>, vector<16xf32>, vector<16xi1>) -> (vector<16xi1>, vector<16xf32>, vector<16xf32>)
        %parallel_loop3A_438 = arith.constant dense<true> : vector<16xi1>
        %parallel_loop3A_439, %parallel_loop3A_440, %parallel_loop3A_441 = tpu.sort %parallel_loop3A_432, %parallel_loop3A_432 masked %parallel_loop3A_438 {descending = true} : (vector<16xf32>, vector<16xf32>, vector<16xi1>) -> (vector<16xi1>, vector<16xf32>, vector<16xf32>)
        %parallel_loop3A_442 = arith.minimumf %parallel_loop3A_252, %parallel_loop3A_260 : vector<16xf32>
        %parallel_loop3A_443 = arith.maximumf %parallel_loop3A_252, %parallel_loop3A_260 : vector<16xf32>
        %parallel_loop3A_444 = arith.constant dense<true> : vector<16xi1>
        %parallel_loop3A_445, %parallel_loop3A_446, %parallel_loop3A_447 = tpu.sort %parallel_loop3A_442, %parallel_loop3A_442 masked %parallel_loop3A_444 : (vector<16xf32>, vector<16xf32>, vector<16xi1>) -> (vector<16xi1>, vector<16xf32>, vector<16xf32>)
        %parallel_loop3A_448 = arith.constant dense<true> : vector<16xi1>
        %parallel_loop3A_449, %parallel_loop3A_450, %parallel_loop3A_451 = tpu.sort %parallel_loop3A_443, %parallel_loop3A_443 masked %parallel_loop3A_448 : (vector<16xf32>, vector<16xf32>, vector<16xi1>) -> (vector<16xi1>, vector<16xf32>, vector<16xf32>)
        %parallel_loop3A_452 = arith.minimumf %parallel_loop3A_268, %parallel_loop3A_276 : vector<16xf32>
        %parallel_loop3A_453 = arith.maximumf %parallel_loop3A_268, %parallel_loop3A_276 : vector<16xf32>
        %parallel_loop3A_454 = arith.constant dense<true> : vector<16xi1>
        %parallel_loop3A_455, %parallel_loop3A_456, %parallel_loop3A_457 = tpu.sort %parallel_loop3A_453, %parallel_loop3A_453 masked %parallel_loop3A_454 {descending = true} : (vector<16xf32>, vector<16xf32>, vector<16xi1>) -> (vector<16xi1>, vector<16xf32>, vector<16xf32>)
        %parallel_loop3A_458 = arith.constant dense<true> : vector<16xi1>
        %parallel_loop3A_459, %parallel_loop3A_460, %parallel_loop3A_461 = tpu.sort %parallel_loop3A_452, %parallel_loop3A_452 masked %parallel_loop3A_458 {descending = true} : (vector<16xf32>, vector<16xf32>, vector<16xi1>) -> (vector<16xi1>, vector<16xf32>, vector<16xf32>)
        %parallel_loop3A_462 = arith.minimumf %parallel_loop3A_284, %parallel_loop3A_292 : vector<16xf32>
        %parallel_loop3A_463 = arith.maximumf %parallel_loop3A_284, %parallel_loop3A_292 : vector<16xf32>
        %parallel_loop3A_464 = arith.constant dense<true> : vector<16xi1>
        %parallel_loop3A_465, %parallel_loop3A_466, %parallel_loop3A_467 = tpu.sort %parallel_loop3A_462, %parallel_loop3A_462 masked %parallel_loop3A_464 : (vector<16xf32>, vector<16xf32>, vector<16xi1>) -> (vector<16xi1>, vector<16xf32>, vector<16xf32>)
        %parallel_loop3A_468 = arith.constant dense<true> : vector<16xi1>
        %parallel_loop3A_469, %parallel_loop3A_470, %parallel_loop3A_471 = tpu.sort %parallel_loop3A_463, %parallel_loop3A_463 masked %parallel_loop3A_468 : (vector<16xf32>, vector<16xf32>, vector<16xi1>) -> (vector<16xi1>, vector<16xf32>, vector<16xf32>)
        %parallel_loop3A_472 = arith.minimumf %parallel_loop3A_300, %parallel_loop3A_308 : vector<16xf32>
        %parallel_loop3A_473 = arith.maximumf %parallel_loop3A_300, %parallel_loop3A_308 : vector<16xf32>
        %parallel_loop3A_474 = arith.constant dense<true> : vector<16xi1>
        %parallel_loop3A_475, %parallel_loop3A_476, %parallel_loop3A_477 = tpu.sort %parallel_loop3A_473, %parallel_loop3A_473 masked %parallel_loop3A_474 {descending = true} : (vector<16xf32>, vector<16xf32>, vector<16xi1>) -> (vector<16xi1>, vector<16xf32>, vector<16xf32>)
        %parallel_loop3A_478 = arith.constant dense<true> : vector<16xi1>
        %parallel_loop3A_479, %parallel_loop3A_480, %parallel_loop3A_481 = tpu.sort %parallel_loop3A_472, %parallel_loop3A_472 masked %parallel_loop3A_478 {descending = true} : (vector<16xf32>, vector<16xf32>, vector<16xi1>) -> (vector<16xi1>, vector<16xf32>, vector<16xf32>)
        %parallel_loop3A_482 = arith.minimumf %parallel_loop3A_316, %parallel_loop3A_324 : vector<16xf32>
        %parallel_loop3A_483 = arith.maximumf %parallel_loop3A_316, %parallel_loop3A_324 : vector<16xf32>
        %parallel_loop3A_484 = arith.constant dense<true> : vector<16xi1>
        %parallel_loop3A_485, %parallel_loop3A_486, %parallel_loop3A_487 = tpu.sort %parallel_loop3A_482, %parallel_loop3A_482 masked %parallel_loop3A_484 : (vector<16xf32>, vector<16xf32>, vector<16xi1>) -> (vector<16xi1>, vector<16xf32>, vector<16xf32>)
        %parallel_loop3A_488 = arith.constant dense<true> : vector<16xi1>
        %parallel_loop3A_489, %parallel_loop3A_490, %parallel_loop3A_491 = tpu.sort %parallel_loop3A_483, %parallel_loop3A_483 masked %parallel_loop3A_488 : (vector<16xf32>, vector<16xf32>, vector<16xi1>) -> (vector<16xi1>, vector<16xf32>, vector<16xf32>)
        %parallel_loop3A_492 = arith.minimumf %parallel_loop3A_332, %parallel_loop3A_340 : vector<16xf32>
        %parallel_loop3A_493 = arith.maximumf %parallel_loop3A_332, %parallel_loop3A_340 : vector<16xf32>
        %parallel_loop3A_494 = arith.constant dense<true> : vector<16xi1>
        %parallel_loop3A_495, %parallel_loop3A_496, %parallel_loop3A_497 = tpu.sort %parallel_loop3A_493, %parallel_loop3A_493 masked %parallel_loop3A_494 {descending = true} : (vector<16xf32>, vector<16xf32>, vector<16xi1>) -> (vector<16xi1>, vector<16xf32>, vector<16xf32>)
        %parallel_loop3A_498 = arith.constant dense<true> : vector<16xi1>
        %parallel_loop3A_499, %parallel_loop3A_500, %parallel_loop3A_501 = tpu.sort %parallel_loop3A_492, %parallel_loop3A_492 masked %parallel_loop3A_498 {descending = true} : (vector<16xf32>, vector<16xf32>, vector<16xi1>) -> (vector<16xi1>, vector<16xf32>, vector<16xf32>)
        %parallel_loop3A_502 = arith.minimumf %parallel_loop3A_346, %parallel_loop3A_356 : vector<16xf32>
        %parallel_loop3A_503 = arith.minimumf %parallel_loop3A_350, %parallel_loop3A_360 : vector<16xf32>
        %parallel_loop3A_504 = arith.maximumf %parallel_loop3A_346, %parallel_loop3A_356 : vector<16xf32>
        %parallel_loop3A_505 = arith.maximumf %parallel_loop3A_350, %parallel_loop3A_360 : vector<16xf32>
        %parallel_loop3A_506 = arith.minimumf %parallel_loop3A_502, %parallel_loop3A_503 : vector<16xf32>
        %parallel_loop3A_507 = arith.maximumf %parallel_loop3A_502, %parallel_loop3A_503 : vector<16xf32>
        %parallel_loop3A_508 = arith.constant dense<true> : vector<16xi1>
        %parallel_loop3A_509, %parallel_loop3A_510, %parallel_loop3A_511 = tpu.sort %parallel_loop3A_506, %parallel_loop3A_506 masked %parallel_loop3A_508 : (vector<16xf32>, vector<16xf32>, vector<16xi1>) -> (vector<16xi1>, vector<16xf32>, vector<16xf32>)
        %parallel_loop3A_512 = arith.constant dense<true> : vector<16xi1>
        %parallel_loop3A_513, %parallel_loop3A_514, %parallel_loop3A_515 = tpu.sort %parallel_loop3A_507, %parallel_loop3A_507 masked %parallel_loop3A_512 : (vector<16xf32>, vector<16xf32>, vector<16xi1>) -> (vector<16xi1>, vector<16xf32>, vector<16xf32>)
        %parallel_loop3A_516 = arith.minimumf %parallel_loop3A_504, %parallel_loop3A_505 : vector<16xf32>
        %parallel_loop3A_517 = arith.maximumf %parallel_loop3A_504, %parallel_loop3A_505 : vector<16xf32>
        %parallel_loop3A_518 = arith.constant dense<true> : vector<16xi1>
        %parallel_loop3A_519, %parallel_loop3A_520, %parallel_loop3A_521 = tpu.sort %parallel_loop3A_516, %parallel_loop3A_516 masked %parallel_loop3A_518 : (vector<16xf32>, vector<16xf32>, vector<16xi1>) -> (vector<16xi1>, vector<16xf32>, vector<16xf32>)
        %parallel_loop3A_522 = arith.constant dense<true> : vector<16xi1>
        %parallel_loop3A_523, %parallel_loop3A_524, %parallel_loop3A_525 = tpu.sort %parallel_loop3A_517, %parallel_loop3A_517 masked %parallel_loop3A_522 : (vector<16xf32>, vector<16xf32>, vector<16xi1>) -> (vector<16xi1>, vector<16xf32>, vector<16xf32>)
        %parallel_loop3A_526 = arith.minimumf %parallel_loop3A_366, %parallel_loop3A_376 : vector<16xf32>
        %parallel_loop3A_527 = arith.minimumf %parallel_loop3A_370, %parallel_loop3A_380 : vector<16xf32>
        %parallel_loop3A_528 = arith.maximumf %parallel_loop3A_366, %parallel_loop3A_376 : vector<16xf32>
        %parallel_loop3A_529 = arith.maximumf %parallel_loop3A_370, %parallel_loop3A_380 : vector<16xf32>
        %parallel_loop3A_530 = arith.minimumf %parallel_loop3A_528, %parallel_loop3A_529 : vector<16xf32>
        %parallel_loop3A_531 = arith.maximumf %parallel_loop3A_528, %parallel_loop3A_529 : vector<16xf32>
        %parallel_loop3A_532 = arith.constant dense<true> : vector<16xi1>
        %parallel_loop3A_533, %parallel_loop3A_534, %parallel_loop3A_535 = tpu.sort %parallel_loop3A_531, %parallel_loop3A_531 masked %parallel_loop3A_532 {descending = true} : (vector<16xf32>, vector<16xf32>, vector<16xi1>) -> (vector<16xi1>, vector<16xf32>, vector<16xf32>)
        %parallel_loop3A_536 = arith.constant dense<true> : vector<16xi1>
        %parallel_loop3A_537, %parallel_loop3A_538, %parallel_loop3A_539 = tpu.sort %parallel_loop3A_530, %parallel_loop3A_530 masked %parallel_loop3A_536 {descending = true} : (vector<16xf32>, vector<16xf32>, vector<16xi1>) -> (vector<16xi1>, vector<16xf32>, vector<16xf32>)
        %parallel_loop3A_540 = arith.minimumf %parallel_loop3A_526, %parallel_loop3A_527 : vector<16xf32>
        %parallel_loop3A_541 = arith.maximumf %parallel_loop3A_526, %parallel_loop3A_527 : vector<16xf32>
        %parallel_loop3A_542 = arith.constant dense<true> : vector<16xi1>
        %parallel_loop3A_543, %parallel_loop3A_544, %parallel_loop3A_545 = tpu.sort %parallel_loop3A_541, %parallel_loop3A_541 masked %parallel_loop3A_542 {descending = true} : (vector<16xf32>, vector<16xf32>, vector<16xi1>) -> (vector<16xi1>, vector<16xf32>, vector<16xf32>)
        %parallel_loop3A_546 = arith.constant dense<true> : vector<16xi1>
        %parallel_loop3A_547, %parallel_loop3A_548, %parallel_loop3A_549 = tpu.sort %parallel_loop3A_540, %parallel_loop3A_540 masked %parallel_loop3A_546 {descending = true} : (vector<16xf32>, vector<16xf32>, vector<16xi1>) -> (vector<16xi1>, vector<16xf32>, vector<16xf32>)
        %parallel_loop3A_550 = arith.minimumf %parallel_loop3A_386, %parallel_loop3A_396 : vector<16xf32>
        %parallel_loop3A_551 = arith.minimumf %parallel_loop3A_390, %parallel_loop3A_400 : vector<16xf32>
        %parallel_loop3A_552 = arith.maximumf %parallel_loop3A_386, %parallel_loop3A_396 : vector<16xf32>
        %parallel_loop3A_553 = arith.maximumf %parallel_loop3A_390, %parallel_loop3A_400 : vector<16xf32>
        %parallel_loop3A_554 = arith.minimumf %parallel_loop3A_550, %parallel_loop3A_551 : vector<16xf32>
        %parallel_loop3A_555 = arith.maximumf %parallel_loop3A_550, %parallel_loop3A_551 : vector<16xf32>
        %parallel_loop3A_556 = arith.constant dense<true> : vector<16xi1>
        %parallel_loop3A_557, %parallel_loop3A_558, %parallel_loop3A_559 = tpu.sort %parallel_loop3A_554, %parallel_loop3A_554 masked %parallel_loop3A_556 : (vector<16xf32>, vector<16xf32>, vector<16xi1>) -> (vector<16xi1>, vector<16xf32>, vector<16xf32>)
        %parallel_loop3A_560 = arith.constant dense<true> : vector<16xi1>
        %parallel_loop3A_561, %parallel_loop3A_562, %parallel_loop3A_563 = tpu.sort %parallel_loop3A_555, %parallel_loop3A_555 masked %parallel_loop3A_560 : (vector<16xf32>, vector<16xf32>, vector<16xi1>) -> (vector<16xi1>, vector<16xf32>, vector<16xf32>)
        %parallel_loop3A_564 = arith.minimumf %parallel_loop3A_552, %parallel_loop3A_553 : vector<16xf32>
        %parallel_loop3A_565 = arith.maximumf %parallel_loop3A_552, %parallel_loop3A_553 : vector<16xf32>
        %parallel_loop3A_566 = arith.constant dense<true> : vector<16xi1>
        %parallel_loop3A_567, %parallel_loop3A_568, %parallel_loop3A_569 = tpu.sort %parallel_loop3A_564, %parallel_loop3A_564 masked %parallel_loop3A_566 : (vector<16xf32>, vector<16xf32>, vector<16xi1>) -> (vector<16xi1>, vector<16xf32>, vector<16xf32>)
        %parallel_loop3A_570 = arith.constant dense<true> : vector<16xi1>
        %parallel_loop3A_571, %parallel_loop3A_572, %parallel_loop3A_573 = tpu.sort %parallel_loop3A_565, %parallel_loop3A_565 masked %parallel_loop3A_570 : (vector<16xf32>, vector<16xf32>, vector<16xi1>) -> (vector<16xi1>, vector<16xf32>, vector<16xf32>)
        %parallel_loop3A_574 = arith.minimumf %parallel_loop3A_406, %parallel_loop3A_416 : vector<16xf32>
        %parallel_loop3A_575 = arith.minimumf %parallel_loop3A_410, %parallel_loop3A_420 : vector<16xf32>
        %parallel_loop3A_576 = arith.maximumf %parallel_loop3A_406, %parallel_loop3A_416 : vector<16xf32>
        %parallel_loop3A_577 = arith.maximumf %parallel_loop3A_410, %parallel_loop3A_420 : vector<16xf32>
        %parallel_loop3A_578 = arith.minimumf %parallel_loop3A_576, %parallel_loop3A_577 : vector<16xf32>
        %parallel_loop3A_579 = arith.maximumf %parallel_loop3A_576, %parallel_loop3A_577 : vector<16xf32>
        %parallel_loop3A_580 = arith.constant dense<true> : vector<16xi1>
        %parallel_loop3A_581, %parallel_loop3A_582, %parallel_loop3A_583 = tpu.sort %parallel_loop3A_579, %parallel_loop3A_579 masked %parallel_loop3A_580 {descending = true} : (vector<16xf32>, vector<16xf32>, vector<16xi1>) -> (vector<16xi1>, vector<16xf32>, vector<16xf32>)
        %parallel_loop3A_584 = arith.constant dense<true> : vector<16xi1>
        %parallel_loop3A_585, %parallel_loop3A_586, %parallel_loop3A_587 = tpu.sort %parallel_loop3A_578, %parallel_loop3A_578 masked %parallel_loop3A_584 {descending = true} : (vector<16xf32>, vector<16xf32>, vector<16xi1>) -> (vector<16xi1>, vector<16xf32>, vector<16xf32>)
        %parallel_loop3A_588 = arith.minimumf %parallel_loop3A_574, %parallel_loop3A_575 : vector<16xf32>
        %parallel_loop3A_589 = arith.maximumf %parallel_loop3A_574, %parallel_loop3A_575 : vector<16xf32>
        %parallel_loop3A_590 = arith.constant dense<true> : vector<16xi1>
        %parallel_loop3A_591, %parallel_loop3A_592, %parallel_loop3A_593 = tpu.sort %parallel_loop3A_589, %parallel_loop3A_589 masked %parallel_loop3A_590 {descending = true} : (vector<16xf32>, vector<16xf32>, vector<16xi1>) -> (vector<16xi1>, vector<16xf32>, vector<16xf32>)
        %parallel_loop3A_594 = arith.constant dense<true> : vector<16xi1>
        %parallel_loop3A_595, %parallel_loop3A_596, %parallel_loop3A_597 = tpu.sort %parallel_loop3A_588, %parallel_loop3A_588 masked %parallel_loop3A_594 {descending = true} : (vector<16xf32>, vector<16xf32>, vector<16xi1>) -> (vector<16xi1>, vector<16xf32>, vector<16xf32>)
        %parallel_loop3A_598 = arith.minimumf %parallel_loop3A_426, %parallel_loop3A_436 : vector<16xf32>
        %parallel_loop3A_599 = arith.minimumf %parallel_loop3A_430, %parallel_loop3A_440 : vector<16xf32>
        %parallel_loop3A_600 = arith.maximumf %parallel_loop3A_426, %parallel_loop3A_436 : vector<16xf32>
        %parallel_loop3A_601 = arith.maximumf %parallel_loop3A_430, %parallel_loop3A_440 : vector<16xf32>
        %parallel_loop3A_602 = arith.minimumf %parallel_loop3A_598, %parallel_loop3A_599 : vector<16xf32>
        %parallel_loop3A_603 = arith.maximumf %parallel_loop3A_598, %parallel_loop3A_599 : vector<16xf32>
        %parallel_loop3A_604 = arith.constant dense<true> : vector<16xi1>
        %parallel_loop3A_605, %parallel_loop3A_606, %parallel_loop3A_607 = tpu.sort %parallel_loop3A_602, %parallel_loop3A_602 masked %parallel_loop3A_604 : (vector<16xf32>, vector<16xf32>, vector<16xi1>) -> (vector<16xi1>, vector<16xf32>, vector<16xf32>)
        %parallel_loop3A_608 = arith.constant dense<true> : vector<16xi1>
        %parallel_loop3A_609, %parallel_loop3A_610, %parallel_loop3A_611 = tpu.sort %parallel_loop3A_603, %parallel_loop3A_603 masked %parallel_loop3A_608 : (vector<16xf32>, vector<16xf32>, vector<16xi1>) -> (vector<16xi1>, vector<16xf32>, vector<16xf32>)
        %parallel_loop3A_612 = arith.minimumf %parallel_loop3A_600, %parallel_loop3A_601 : vector<16xf32>
        %parallel_loop3A_613 = arith.maximumf %parallel_loop3A_600, %parallel_loop3A_601 : vector<16xf32>
        %parallel_loop3A_614 = arith.constant dense<true> : vector<16xi1>
        %parallel_loop3A_615, %parallel_loop3A_616, %parallel_loop3A_617 = tpu.sort %parallel_loop3A_612, %parallel_loop3A_612 masked %parallel_loop3A_614 : (vector<16xf32>, vector<16xf32>, vector<16xi1>) -> (vector<16xi1>, vector<16xf32>, vector<16xf32>)
        %parallel_loop3A_618 = arith.constant dense<true> : vector<16xi1>
        %parallel_loop3A_619, %parallel_loop3A_620, %parallel_loop3A_621 = tpu.sort %parallel_loop3A_613, %parallel_loop3A_613 masked %parallel_loop3A_618 : (vector<16xf32>, vector<16xf32>, vector<16xi1>) -> (vector<16xi1>, vector<16xf32>, vector<16xf32>)
        %parallel_loop3A_622 = arith.minimumf %parallel_loop3A_446, %parallel_loop3A_456 : vector<16xf32>
        %parallel_loop3A_623 = arith.minimumf %parallel_loop3A_450, %parallel_loop3A_460 : vector<16xf32>
        %parallel_loop3A_624 = arith.maximumf %parallel_loop3A_446, %parallel_loop3A_456 : vector<16xf32>
        %parallel_loop3A_625 = arith.maximumf %parallel_loop3A_450, %parallel_loop3A_460 : vector<16xf32>
        %parallel_loop3A_626 = arith.minimumf %parallel_loop3A_624, %parallel_loop3A_625 : vector<16xf32>
        %parallel_loop3A_627 = arith.maximumf %parallel_loop3A_624, %parallel_loop3A_625 : vector<16xf32>
        %parallel_loop3A_628 = arith.constant dense<true> : vector<16xi1>
        %parallel_loop3A_629, %parallel_loop3A_630, %parallel_loop3A_631 = tpu.sort %parallel_loop3A_627, %parallel_loop3A_627 masked %parallel_loop3A_628 {descending = true} : (vector<16xf32>, vector<16xf32>, vector<16xi1>) -> (vector<16xi1>, vector<16xf32>, vector<16xf32>)
        %parallel_loop3A_632 = arith.constant dense<true> : vector<16xi1>
        %parallel_loop3A_633, %parallel_loop3A_634, %parallel_loop3A_635 = tpu.sort %parallel_loop3A_626, %parallel_loop3A_626 masked %parallel_loop3A_632 {descending = true} : (vector<16xf32>, vector<16xf32>, vector<16xi1>) -> (vector<16xi1>, vector<16xf32>, vector<16xf32>)
        %parallel_loop3A_636 = arith.minimumf %parallel_loop3A_622, %parallel_loop3A_623 : vector<16xf32>
        %parallel_loop3A_637 = arith.maximumf %parallel_loop3A_622, %parallel_loop3A_623 : vector<16xf32>
        %parallel_loop3A_638 = arith.constant dense<true> : vector<16xi1>
        %parallel_loop3A_639, %parallel_loop3A_640, %parallel_loop3A_641 = tpu.sort %parallel_loop3A_637, %parallel_loop3A_637 masked %parallel_loop3A_638 {descending = true} : (vector<16xf32>, vector<16xf32>, vector<16xi1>) -> (vector<16xi1>, vector<16xf32>, vector<16xf32>)
        %parallel_loop3A_642 = arith.constant dense<true> : vector<16xi1>
        %parallel_loop3A_643, %parallel_loop3A_644, %parallel_loop3A_645 = tpu.sort %parallel_loop3A_636, %parallel_loop3A_636 masked %parallel_loop3A_642 {descending = true} : (vector<16xf32>, vector<16xf32>, vector<16xi1>) -> (vector<16xi1>, vector<16xf32>, vector<16xf32>)
        %parallel_loop3A_646 = arith.minimumf %parallel_loop3A_466, %parallel_loop3A_476 : vector<16xf32>
        %parallel_loop3A_647 = arith.minimumf %parallel_loop3A_470, %parallel_loop3A_480 : vector<16xf32>
        %parallel_loop3A_648 = arith.maximumf %parallel_loop3A_466, %parallel_loop3A_476 : vector<16xf32>
        %parallel_loop3A_649 = arith.maximumf %parallel_loop3A_470, %parallel_loop3A_480 : vector<16xf32>
        %parallel_loop3A_650 = arith.minimumf %parallel_loop3A_646, %parallel_loop3A_647 : vector<16xf32>
        %parallel_loop3A_651 = arith.maximumf %parallel_loop3A_646, %parallel_loop3A_647 : vector<16xf32>
        %parallel_loop3A_652 = arith.constant dense<true> : vector<16xi1>
        %parallel_loop3A_653, %parallel_loop3A_654, %parallel_loop3A_655 = tpu.sort %parallel_loop3A_650, %parallel_loop3A_650 masked %parallel_loop3A_652 : (vector<16xf32>, vector<16xf32>, vector<16xi1>) -> (vector<16xi1>, vector<16xf32>, vector<16xf32>)
        %parallel_loop3A_656 = arith.constant dense<true> : vector<16xi1>
        %parallel_loop3A_657, %parallel_loop3A_658, %parallel_loop3A_659 = tpu.sort %parallel_loop3A_651, %parallel_loop3A_651 masked %parallel_loop3A_656 : (vector<16xf32>, vector<16xf32>, vector<16xi1>) -> (vector<16xi1>, vector<16xf32>, vector<16xf32>)
        %parallel_loop3A_660 = arith.minimumf %parallel_loop3A_648, %parallel_loop3A_649 : vector<16xf32>
        %parallel_loop3A_661 = arith.maximumf %parallel_loop3A_648, %parallel_loop3A_649 : vector<16xf32>
        %parallel_loop3A_662 = arith.constant dense<true> : vector<16xi1>
        %parallel_loop3A_663, %parallel_loop3A_664, %parallel_loop3A_665 = tpu.sort %parallel_loop3A_660, %parallel_loop3A_660 masked %parallel_loop3A_662 : (vector<16xf32>, vector<16xf32>, vector<16xi1>) -> (vector<16xi1>, vector<16xf32>, vector<16xf32>)
        %parallel_loop3A_666 = arith.constant dense<true> : vector<16xi1>
        %parallel_loop3A_667, %parallel_loop3A_668, %parallel_loop3A_669 = tpu.sort %parallel_loop3A_661, %parallel_loop3A_661 masked %parallel_loop3A_666 : (vector<16xf32>, vector<16xf32>, vector<16xi1>) -> (vector<16xi1>, vector<16xf32>, vector<16xf32>)
        %parallel_loop3A_670 = arith.minimumf %parallel_loop3A_486, %parallel_loop3A_496 : vector<16xf32>
        %parallel_loop3A_671 = arith.minimumf %parallel_loop3A_490, %parallel_loop3A_500 : vector<16xf32>
        %parallel_loop3A_672 = arith.maximumf %parallel_loop3A_486, %parallel_loop3A_496 : vector<16xf32>
        %parallel_loop3A_673 = arith.maximumf %parallel_loop3A_490, %parallel_loop3A_500 : vector<16xf32>
        %parallel_loop3A_674 = arith.minimumf %parallel_loop3A_672, %parallel_loop3A_673 : vector<16xf32>
        %parallel_loop3A_675 = arith.maximumf %parallel_loop3A_672, %parallel_loop3A_673 : vector<16xf32>
        %parallel_loop3A_676 = arith.constant dense<true> : vector<16xi1>
        %parallel_loop3A_677, %parallel_loop3A_678, %parallel_loop3A_679 = tpu.sort %parallel_loop3A_675, %parallel_loop3A_675 masked %parallel_loop3A_676 {descending = true} : (vector<16xf32>, vector<16xf32>, vector<16xi1>) -> (vector<16xi1>, vector<16xf32>, vector<16xf32>)
        %parallel_loop3A_680 = arith.constant dense<true> : vector<16xi1>
        %parallel_loop3A_681, %parallel_loop3A_682, %parallel_loop3A_683 = tpu.sort %parallel_loop3A_674, %parallel_loop3A_674 masked %parallel_loop3A_680 {descending = true} : (vector<16xf32>, vector<16xf32>, vector<16xi1>) -> (vector<16xi1>, vector<16xf32>, vector<16xf32>)
        %parallel_loop3A_684 = arith.minimumf %parallel_loop3A_670, %parallel_loop3A_671 : vector<16xf32>
        %parallel_loop3A_685 = arith.maximumf %parallel_loop3A_670, %parallel_loop3A_671 : vector<16xf32>
        %parallel_loop3A_686 = arith.constant dense<true> : vector<16xi1>
        %parallel_loop3A_687, %parallel_loop3A_688, %parallel_loop3A_689 = tpu.sort %parallel_loop3A_685, %parallel_loop3A_685 masked %parallel_loop3A_686 {descending = true} : (vector<16xf32>, vector<16xf32>, vector<16xi1>) -> (vector<16xi1>, vector<16xf32>, vector<16xf32>)
        %parallel_loop3A_690 = arith.constant dense<true> : vector<16xi1>
        %parallel_loop3A_691, %parallel_loop3A_692, %parallel_loop3A_693 = tpu.sort %parallel_loop3A_684, %parallel_loop3A_684 masked %parallel_loop3A_690 {descending = true} : (vector<16xf32>, vector<16xf32>, vector<16xi1>) -> (vector<16xi1>, vector<16xf32>, vector<16xf32>)
        %parallel_loop3A_694 = arith.minimumf %parallel_loop3A_510, %parallel_loop3A_534 : vector<16xf32>
        %parallel_loop3A_695 = arith.minimumf %parallel_loop3A_514, %parallel_loop3A_538 : vector<16xf32>
        %parallel_loop3A_696 = arith.minimumf %parallel_loop3A_520, %parallel_loop3A_544 : vector<16xf32>
        %parallel_loop3A_697 = arith.minimumf %parallel_loop3A_524, %parallel_loop3A_548 : vector<16xf32>
        %parallel_loop3A_698 = arith.maximumf %parallel_loop3A_510, %parallel_loop3A_534 : vector<16xf32>
        %parallel_loop3A_699 = arith.maximumf %parallel_loop3A_514, %parallel_loop3A_538 : vector<16xf32>
        %parallel_loop3A_700 = arith.maximumf %parallel_loop3A_520, %parallel_loop3A_544 : vector<16xf32>
        %parallel_loop3A_701 = arith.maximumf %parallel_loop3A_524, %parallel_loop3A_548 : vector<16xf32>
        %parallel_loop3A_702 = arith.minimumf %parallel_loop3A_698, %parallel_loop3A_700 : vector<16xf32>
        %parallel_loop3A_703 = arith.minimumf %parallel_loop3A_699, %parallel_loop3A_701 : vector<16xf32>
        %parallel_loop3A_704 = arith.maximumf %parallel_loop3A_698, %parallel_loop3A_700 : vector<16xf32>
        %parallel_loop3A_705 = arith.maximumf %parallel_loop3A_699, %parallel_loop3A_701 : vector<16xf32>
        %parallel_loop3A_706 = arith.minimumf %parallel_loop3A_702, %parallel_loop3A_703 : vector<16xf32>
        %parallel_loop3A_707 = arith.maximumf %parallel_loop3A_702, %parallel_loop3A_703 : vector<16xf32>
        %parallel_loop3A_708 = arith.constant dense<true> : vector<16xi1>
        %parallel_loop3A_709, %parallel_loop3A_710, %parallel_loop3A_711 = tpu.sort %parallel_loop3A_706, %parallel_loop3A_706 masked %parallel_loop3A_708 : (vector<16xf32>, vector<16xf32>, vector<16xi1>) -> (vector<16xi1>, vector<16xf32>, vector<16xf32>)
        %parallel_loop3A_712 = arith.constant dense<true> : vector<16xi1>
        %parallel_loop3A_713, %parallel_loop3A_714, %parallel_loop3A_715 = tpu.sort %parallel_loop3A_707, %parallel_loop3A_707 masked %parallel_loop3A_712 : (vector<16xf32>, vector<16xf32>, vector<16xi1>) -> (vector<16xi1>, vector<16xf32>, vector<16xf32>)
        %parallel_loop3A_716 = arith.minimumf %parallel_loop3A_704, %parallel_loop3A_705 : vector<16xf32>
        %parallel_loop3A_717 = arith.maximumf %parallel_loop3A_704, %parallel_loop3A_705 : vector<16xf32>
        %parallel_loop3A_718 = arith.constant dense<true> : vector<16xi1>
        %parallel_loop3A_719, %parallel_loop3A_720, %parallel_loop3A_721 = tpu.sort %parallel_loop3A_716, %parallel_loop3A_716 masked %parallel_loop3A_718 : (vector<16xf32>, vector<16xf32>, vector<16xi1>) -> (vector<16xi1>, vector<16xf32>, vector<16xf32>)
        %parallel_loop3A_722 = arith.constant dense<true> : vector<16xi1>
        %parallel_loop3A_723, %parallel_loop3A_724, %parallel_loop3A_725 = tpu.sort %parallel_loop3A_717, %parallel_loop3A_717 masked %parallel_loop3A_722 : (vector<16xf32>, vector<16xf32>, vector<16xi1>) -> (vector<16xi1>, vector<16xf32>, vector<16xf32>)
        %parallel_loop3A_726 = arith.minimumf %parallel_loop3A_558, %parallel_loop3A_582 : vector<16xf32>
        %parallel_loop3A_727 = arith.minimumf %parallel_loop3A_562, %parallel_loop3A_586 : vector<16xf32>
        %parallel_loop3A_728 = arith.minimumf %parallel_loop3A_568, %parallel_loop3A_592 : vector<16xf32>
        %parallel_loop3A_729 = arith.minimumf %parallel_loop3A_572, %parallel_loop3A_596 : vector<16xf32>
        %parallel_loop3A_730 = arith.maximumf %parallel_loop3A_558, %parallel_loop3A_582 : vector<16xf32>
        %parallel_loop3A_731 = arith.maximumf %parallel_loop3A_562, %parallel_loop3A_586 : vector<16xf32>
        %parallel_loop3A_732 = arith.maximumf %parallel_loop3A_568, %parallel_loop3A_592 : vector<16xf32>
        %parallel_loop3A_733 = arith.maximumf %parallel_loop3A_572, %parallel_loop3A_596 : vector<16xf32>
        %parallel_loop3A_734 = arith.minimumf %parallel_loop3A_730, %parallel_loop3A_732 : vector<16xf32>
        %parallel_loop3A_735 = arith.minimumf %parallel_loop3A_731, %parallel_loop3A_733 : vector<16xf32>
        %parallel_loop3A_736 = arith.maximumf %parallel_loop3A_730, %parallel_loop3A_732 : vector<16xf32>
        %parallel_loop3A_737 = arith.maximumf %parallel_loop3A_731, %parallel_loop3A_733 : vector<16xf32>
        %parallel_loop3A_738 = arith.minimumf %parallel_loop3A_736, %parallel_loop3A_737 : vector<16xf32>
        %parallel_loop3A_739 = arith.maximumf %parallel_loop3A_736, %parallel_loop3A_737 : vector<16xf32>
        %parallel_loop3A_740 = arith.constant dense<true> : vector<16xi1>
        %parallel_loop3A_741, %parallel_loop3A_742, %parallel_loop3A_743 = tpu.sort %parallel_loop3A_739, %parallel_loop3A_739 masked %parallel_loop3A_740 {descending = true} : (vector<16xf32>, vector<16xf32>, vector<16xi1>) -> (vector<16xi1>, vector<16xf32>, vector<16xf32>)
        %parallel_loop3A_744 = arith.constant dense<true> : vector<16xi1>
        %parallel_loop3A_745, %parallel_loop3A_746, %parallel_loop3A_747 = tpu.sort %parallel_loop3A_738, %parallel_loop3A_738 masked %parallel_loop3A_744 {descending = true} : (vector<16xf32>, vector<16xf32>, vector<16xi1>) -> (vector<16xi1>, vector<16xf32>, vector<16xf32>)
        %parallel_loop3A_748 = arith.minimumf %parallel_loop3A_734, %parallel_loop3A_735 : vector<16xf32>
        %parallel_loop3A_749 = arith.maximumf %parallel_loop3A_734, %parallel_loop3A_735 : vector<16xf32>
        %parallel_loop3A_750 = arith.constant dense<true> : vector<16xi1>
        %parallel_loop3A_751, %parallel_loop3A_752, %parallel_loop3A_753 = tpu.sort %parallel_loop3A_749, %parallel_loop3A_749 masked %parallel_loop3A_750 {descending = true} : (vector<16xf32>, vector<16xf32>, vector<16xi1>) -> (vector<16xi1>, vector<16xf32>, vector<16xf32>)
        %parallel_loop3A_754 = arith.constant dense<true> : vector<16xi1>
        %parallel_loop3A_755, %parallel_loop3A_756, %parallel_loop3A_757 = tpu.sort %parallel_loop3A_748, %parallel_loop3A_748 masked %parallel_loop3A_754 {descending = true} : (vector<16xf32>, vector<16xf32>, vector<16xi1>) -> (vector<16xi1>, vector<16xf32>, vector<16xf32>)
        %parallel_loop3A_758 = arith.minimumf %parallel_loop3A_606, %parallel_loop3A_630 : vector<16xf32>
        %parallel_loop3A_759 = arith.minimumf %parallel_loop3A_610, %parallel_loop3A_634 : vector<16xf32>
        %parallel_loop3A_760 = arith.minimumf %parallel_loop3A_616, %parallel_loop3A_640 : vector<16xf32>
        %parallel_loop3A_761 = arith.minimumf %parallel_loop3A_620, %parallel_loop3A_644 : vector<16xf32>
        %parallel_loop3A_762 = arith.maximumf %parallel_loop3A_606, %parallel_loop3A_630 : vector<16xf32>
        %parallel_loop3A_763 = arith.maximumf %parallel_loop3A_610, %parallel_loop3A_634 : vector<16xf32>
        %parallel_loop3A_764 = arith.maximumf %parallel_loop3A_616, %parallel_loop3A_640 : vector<16xf32>
        %parallel_loop3A_765 = arith.maximumf %parallel_loop3A_620, %parallel_loop3A_644 : vector<16xf32>
        %parallel_loop3A_766 = arith.minimumf %parallel_loop3A_762, %parallel_loop3A_764 : vector<16xf32>
        %parallel_loop3A_767 = arith.minimumf %parallel_loop3A_763, %parallel_loop3A_765 : vector<16xf32>
        %parallel_loop3A_768 = arith.maximumf %parallel_loop3A_762, %parallel_loop3A_764 : vector<16xf32>
        %parallel_loop3A_769 = arith.maximumf %parallel_loop3A_763, %parallel_loop3A_765 : vector<16xf32>
        %parallel_loop3A_770 = arith.minimumf %parallel_loop3A_766, %parallel_loop3A_767 : vector<16xf32>
        %parallel_loop3A_771 = arith.maximumf %parallel_loop3A_766, %parallel_loop3A_767 : vector<16xf32>
        %parallel_loop3A_772 = arith.constant dense<true> : vector<16xi1>
        %parallel_loop3A_773, %parallel_loop3A_774, %parallel_loop3A_775 = tpu.sort %parallel_loop3A_770, %parallel_loop3A_770 masked %parallel_loop3A_772 : (vector<16xf32>, vector<16xf32>, vector<16xi1>) -> (vector<16xi1>, vector<16xf32>, vector<16xf32>)
        %parallel_loop3A_776 = arith.constant dense<true> : vector<16xi1>
        %parallel_loop3A_777, %parallel_loop3A_778, %parallel_loop3A_779 = tpu.sort %parallel_loop3A_771, %parallel_loop3A_771 masked %parallel_loop3A_776 : (vector<16xf32>, vector<16xf32>, vector<16xi1>) -> (vector<16xi1>, vector<16xf32>, vector<16xf32>)
        %parallel_loop3A_780 = arith.minimumf %parallel_loop3A_768, %parallel_loop3A_769 : vector<16xf32>
        %parallel_loop3A_781 = arith.maximumf %parallel_loop3A_768, %parallel_loop3A_769 : vector<16xf32>
        %parallel_loop3A_782 = arith.constant dense<true> : vector<16xi1>
        %parallel_loop3A_783, %parallel_loop3A_784, %parallel_loop3A_785 = tpu.sort %parallel_loop3A_780, %parallel_loop3A_780 masked %parallel_loop3A_782 : (vector<16xf32>, vector<16xf32>, vector<16xi1>) -> (vector<16xi1>, vector<16xf32>, vector<16xf32>)
        %parallel_loop3A_786 = arith.constant dense<true> : vector<16xi1>
        %parallel_loop3A_787, %parallel_loop3A_788, %parallel_loop3A_789 = tpu.sort %parallel_loop3A_781, %parallel_loop3A_781 masked %parallel_loop3A_786 : (vector<16xf32>, vector<16xf32>, vector<16xi1>) -> (vector<16xi1>, vector<16xf32>, vector<16xf32>)
        %parallel_loop3A_790 = arith.minimumf %parallel_loop3A_654, %parallel_loop3A_678 : vector<16xf32>
        %parallel_loop3A_791 = arith.minimumf %parallel_loop3A_658, %parallel_loop3A_682 : vector<16xf32>
        %parallel_loop3A_792 = arith.minimumf %parallel_loop3A_664, %parallel_loop3A_688 : vector<16xf32>
        %parallel_loop3A_793 = arith.minimumf %parallel_loop3A_668, %parallel_loop3A_692 : vector<16xf32>
        %parallel_loop3A_794 = arith.maximumf %parallel_loop3A_654, %parallel_loop3A_678 : vector<16xf32>
        %parallel_loop3A_795 = arith.maximumf %parallel_loop3A_658, %parallel_loop3A_682 : vector<16xf32>
        %parallel_loop3A_796 = arith.maximumf %parallel_loop3A_664, %parallel_loop3A_688 : vector<16xf32>
        %parallel_loop3A_797 = arith.maximumf %parallel_loop3A_668, %parallel_loop3A_692 : vector<16xf32>
        %parallel_loop3A_798 = arith.minimumf %parallel_loop3A_794, %parallel_loop3A_796 : vector<16xf32>
        %parallel_loop3A_799 = arith.minimumf %parallel_loop3A_795, %parallel_loop3A_797 : vector<16xf32>
        %parallel_loop3A_800 = arith.maximumf %parallel_loop3A_794, %parallel_loop3A_796 : vector<16xf32>
        %parallel_loop3A_801 = arith.maximumf %parallel_loop3A_795, %parallel_loop3A_797 : vector<16xf32>
        %parallel_loop3A_802 = arith.minimumf %parallel_loop3A_800, %parallel_loop3A_801 : vector<16xf32>
        %parallel_loop3A_803 = arith.maximumf %parallel_loop3A_800, %parallel_loop3A_801 : vector<16xf32>
        %parallel_loop3A_804 = arith.constant dense<true> : vector<16xi1>
        %parallel_loop3A_805, %parallel_loop3A_806, %parallel_loop3A_807 = tpu.sort %parallel_loop3A_803, %parallel_loop3A_803 masked %parallel_loop3A_804 {descending = true} : (vector<16xf32>, vector<16xf32>, vector<16xi1>) -> (vector<16xi1>, vector<16xf32>, vector<16xf32>)
        %parallel_loop3A_808 = arith.constant dense<true> : vector<16xi1>
        %parallel_loop3A_809, %parallel_loop3A_810, %parallel_loop3A_811 = tpu.sort %parallel_loop3A_802, %parallel_loop3A_802 masked %parallel_loop3A_808 {descending = true} : (vector<16xf32>, vector<16xf32>, vector<16xi1>) -> (vector<16xi1>, vector<16xf32>, vector<16xf32>)
        %parallel_loop3A_812 = arith.minimumf %parallel_loop3A_798, %parallel_loop3A_799 : vector<16xf32>
        %parallel_loop3A_813 = arith.maximumf %parallel_loop3A_798, %parallel_loop3A_799 : vector<16xf32>
        %parallel_loop3A_814 = arith.constant dense<true> : vector<16xi1>
        %parallel_loop3A_815, %parallel_loop3A_816, %parallel_loop3A_817 = tpu.sort %parallel_loop3A_813, %parallel_loop3A_813 masked %parallel_loop3A_814 {descending = true} : (vector<16xf32>, vector<16xf32>, vector<16xi1>) -> (vector<16xi1>, vector<16xf32>, vector<16xf32>)
        %parallel_loop3A_818 = arith.constant dense<true> : vector<16xi1>
        %parallel_loop3A_819, %parallel_loop3A_820, %parallel_loop3A_821 = tpu.sort %parallel_loop3A_812, %parallel_loop3A_812 masked %parallel_loop3A_818 {descending = true} : (vector<16xf32>, vector<16xf32>, vector<16xi1>) -> (vector<16xi1>, vector<16xf32>, vector<16xf32>)
        %parallel_loop3A_822 = arith.minimumf %parallel_loop3A_710, %parallel_loop3A_742 : vector<16xf32>
        %parallel_loop3A_823 = arith.minimumf %parallel_loop3A_714, %parallel_loop3A_746 : vector<16xf32>
        %parallel_loop3A_824 = arith.minimumf %parallel_loop3A_720, %parallel_loop3A_752 : vector<16xf32>
        %parallel_loop3A_825 = arith.minimumf %parallel_loop3A_724, %parallel_loop3A_756 : vector<16xf32>
        %parallel_loop3A_826 = arith.maximumf %parallel_loop3A_710, %parallel_loop3A_742 : vector<16xf32>
        %parallel_loop3A_827 = arith.maximumf %parallel_loop3A_714, %parallel_loop3A_746 : vector<16xf32>
        %parallel_loop3A_828 = arith.maximumf %parallel_loop3A_720, %parallel_loop3A_752 : vector<16xf32>
        %parallel_loop3A_829 = arith.maximumf %parallel_loop3A_724, %parallel_loop3A_756 : vector<16xf32>
        %parallel_loop3A_830 = arith.minimumf %parallel_loop3A_826, %parallel_loop3A_828 : vector<16xf32>
        %parallel_loop3A_831 = arith.minimumf %parallel_loop3A_827, %parallel_loop3A_829 : vector<16xf32>
        %parallel_loop3A_832 = arith.maximumf %parallel_loop3A_826, %parallel_loop3A_828 : vector<16xf32>
        %parallel_loop3A_833 = arith.maximumf %parallel_loop3A_827, %parallel_loop3A_829 : vector<16xf32>
        %parallel_loop3A_834 = arith.minimumf %parallel_loop3A_830, %parallel_loop3A_831 : vector<16xf32>
        %parallel_loop3A_835 = arith.maximumf %parallel_loop3A_830, %parallel_loop3A_831 : vector<16xf32>
        %parallel_loop3A_836 = arith.constant dense<true> : vector<16xi1>
        %parallel_loop3A_837, %parallel_loop3A_838, %parallel_loop3A_839 = tpu.sort %parallel_loop3A_834, %parallel_loop3A_834 masked %parallel_loop3A_836 : (vector<16xf32>, vector<16xf32>, vector<16xi1>) -> (vector<16xi1>, vector<16xf32>, vector<16xf32>)
        %parallel_loop3A_840 = arith.constant dense<true> : vector<16xi1>
        %parallel_loop3A_841, %parallel_loop3A_842, %parallel_loop3A_843 = tpu.sort %parallel_loop3A_835, %parallel_loop3A_835 masked %parallel_loop3A_840 : (vector<16xf32>, vector<16xf32>, vector<16xi1>) -> (vector<16xi1>, vector<16xf32>, vector<16xf32>)
        %parallel_loop3A_844 = arith.minimumf %parallel_loop3A_832, %parallel_loop3A_833 : vector<16xf32>
        %parallel_loop3A_845 = arith.maximumf %parallel_loop3A_832, %parallel_loop3A_833 : vector<16xf32>
        %parallel_loop3A_846 = arith.constant dense<true> : vector<16xi1>
        %parallel_loop3A_847, %parallel_loop3A_848, %parallel_loop3A_849 = tpu.sort %parallel_loop3A_844, %parallel_loop3A_844 masked %parallel_loop3A_846 : (vector<16xf32>, vector<16xf32>, vector<16xi1>) -> (vector<16xi1>, vector<16xf32>, vector<16xf32>)
        %parallel_loop3A_850 = arith.constant dense<true> : vector<16xi1>
        %parallel_loop3A_851, %parallel_loop3A_852, %parallel_loop3A_853 = tpu.sort %parallel_loop3A_845, %parallel_loop3A_845 masked %parallel_loop3A_850 : (vector<16xf32>, vector<16xf32>, vector<16xi1>) -> (vector<16xi1>, vector<16xf32>, vector<16xf32>)
        %parallel_loop3A_854 = arith.minimumf %parallel_loop3A_774, %parallel_loop3A_806 : vector<16xf32>
        %parallel_loop3A_855 = arith.minimumf %parallel_loop3A_778, %parallel_loop3A_810 : vector<16xf32>
        %parallel_loop3A_856 = arith.minimumf %parallel_loop3A_784, %parallel_loop3A_816 : vector<16xf32>
        %parallel_loop3A_857 = arith.minimumf %parallel_loop3A_788, %parallel_loop3A_820 : vector<16xf32>
        %parallel_loop3A_858 = arith.maximumf %parallel_loop3A_774, %parallel_loop3A_806 : vector<16xf32>
        %parallel_loop3A_859 = arith.maximumf %parallel_loop3A_778, %parallel_loop3A_810 : vector<16xf32>
        %parallel_loop3A_860 = arith.maximumf %parallel_loop3A_784, %parallel_loop3A_816 : vector<16xf32>
        %parallel_loop3A_861 = arith.maximumf %parallel_loop3A_788, %parallel_loop3A_820 : vector<16xf32>
        %parallel_loop3A_862 = arith.minimumf %parallel_loop3A_858, %parallel_loop3A_860 : vector<16xf32>
        %parallel_loop3A_863 = arith.minimumf %parallel_loop3A_859, %parallel_loop3A_861 : vector<16xf32>
        %parallel_loop3A_864 = arith.maximumf %parallel_loop3A_858, %parallel_loop3A_860 : vector<16xf32>
        %parallel_loop3A_865 = arith.maximumf %parallel_loop3A_859, %parallel_loop3A_861 : vector<16xf32>
        %parallel_loop3A_866 = arith.minimumf %parallel_loop3A_864, %parallel_loop3A_865 : vector<16xf32>
        %parallel_loop3A_867 = arith.maximumf %parallel_loop3A_864, %parallel_loop3A_865 : vector<16xf32>
        %parallel_loop3A_868 = arith.constant dense<true> : vector<16xi1>
        %parallel_loop3A_869, %parallel_loop3A_870, %parallel_loop3A_871 = tpu.sort %parallel_loop3A_867, %parallel_loop3A_867 masked %parallel_loop3A_868 {descending = true} : (vector<16xf32>, vector<16xf32>, vector<16xi1>) -> (vector<16xi1>, vector<16xf32>, vector<16xf32>)
        %parallel_loop3A_872 = arith.constant dense<true> : vector<16xi1>
        %parallel_loop3A_873, %parallel_loop3A_874, %parallel_loop3A_875 = tpu.sort %parallel_loop3A_866, %parallel_loop3A_866 masked %parallel_loop3A_872 {descending = true} : (vector<16xf32>, vector<16xf32>, vector<16xi1>) -> (vector<16xi1>, vector<16xf32>, vector<16xf32>)
        %parallel_loop3A_876 = arith.minimumf %parallel_loop3A_862, %parallel_loop3A_863 : vector<16xf32>
        %parallel_loop3A_877 = arith.maximumf %parallel_loop3A_862, %parallel_loop3A_863 : vector<16xf32>
        %parallel_loop3A_878 = arith.constant dense<true> : vector<16xi1>
        %parallel_loop3A_879, %parallel_loop3A_880, %parallel_loop3A_881 = tpu.sort %parallel_loop3A_877, %parallel_loop3A_877 masked %parallel_loop3A_878 {descending = true} : (vector<16xf32>, vector<16xf32>, vector<16xi1>) -> (vector<16xi1>, vector<16xf32>, vector<16xf32>)
        %parallel_loop3A_882 = arith.constant dense<true> : vector<16xi1>
        %parallel_loop3A_883, %parallel_loop3A_884, %parallel_loop3A_885 = tpu.sort %parallel_loop3A_876, %parallel_loop3A_876 masked %parallel_loop3A_882 {descending = true} : (vector<16xf32>, vector<16xf32>, vector<16xi1>) -> (vector<16xi1>, vector<16xf32>, vector<16xf32>)
        %parallel_loop3A_886 = arith.maximumf %parallel_loop3A_838, %parallel_loop3A_870 : vector<16xf32>
        %parallel_loop3A_887 = arith.maximumf %parallel_loop3A_842, %parallel_loop3A_874 : vector<16xf32>
        %parallel_loop3A_888 = arith.maximumf %parallel_loop3A_848, %parallel_loop3A_880 : vector<16xf32>
        %parallel_loop3A_889 = arith.maximumf %parallel_loop3A_852, %parallel_loop3A_884 : vector<16xf32>
        %parallel_loop3A_890 = arith.minimumf %parallel_loop3A_886, %parallel_loop3A_888 : vector<16xf32>
        %parallel_loop3A_891 = arith.minimumf %parallel_loop3A_887, %parallel_loop3A_889 : vector<16xf32>
        %parallel_loop3A_892 = arith.minimumf %parallel_loop3A_890, %parallel_loop3A_891 : vector<16xf32>
        %parallel_loop3A_893 = arith.constant dense<true> : vector<16xi1>
        %parallel_loop3A_894, %parallel_loop3A_895, %parallel_loop3A_896 = tpu.sort %parallel_loop3A_892, %parallel_loop3A_892 masked %parallel_loop3A_893 : (vector<16xf32>, vector<16xf32>, vector<16xi1>) -> (vector<16xi1>, vector<16xf32>, vector<16xf32>)
        %parallel_loop3A_897 = arith.index_cast %parallel_loop3A_85 : i32 to index
        %parallel_loop3A_898 = arith.constant 0 : index
        %parallel_loop3A_899 = tpu.vector_load %arg9[%parallel_loop3A_897, %parallel_loop3A_898] {strides = array<i32>} : memref<64x16xf32, #tpu.memory_space<vmem>>, vector<16xf32>,
        tpu.vector_store %arg9[%parallel_loop3A_897, %parallel_loop3A_898], %parallel_loop3A_895 {strides = array<i32>} : memref<64x16xf32, #tpu.memory_space<vmem>>, vector<16xf32>,
      } {sc.loop_unroll_factor = 1 : i64, sc.parallel_access}
      %scan3A_48 = arith.constant 0 : i32
      %scan3A_49 = arith.constant 0 : i32
      %scan3A_50 = arith.constant 4 : i32
      %scan3A_51 = arith.addi %scan3A_49, %scan3A_50 : i32
      %scan3A_52 = arith.constant 1 : i32
      %scan3A_53 = scf.for %scan3A_85 = %scan3A_49 to %scan3A_51 step %scan3A_52 iter_args(%scan3A_86 = %scan3A_48) -> (i32)  : i32 {
        %mul3A_87 = arith.constant 16 : i32
        %mul3A_88 = arith.muli %scan3A_85, %mul3A_87 : i32
        %multiple_of3A_89 = tpu.assume_multiple %mul3A_88, 16 : i32
        %gather3A = arith.constant 0 : i32
        %gather3A_90 = tpu.memref_slice %arg9[%multiple_of3A_89, %gather3A] : memref<64x16xf32, #tpu.memory_space<vmem>> -> memref<16x16xf32, #tpu.memory_space<vmem>>
        %gather3A_91 = tpu.vector_load_idx %gather3A_90[%iota3A, %broadcast_in_dim3A_7] : memref<16x16xf32, #tpu.memory_space<vmem>>[vector<16xi32>, vector<16xi32>], vector<16xf32>,
        %swap3A = arith.index_cast %multiple_of3A_89 : i32 to index
        %swap3A_92 = tpu.vector_load %arg8[%swap3A] {strides = array<i32>} : memref<64xf32, #tpu.memory_space<vmem>>, vector<16xf32>,
        tpu.vector_store %arg8[%swap3A], %gather3A_91 {strides = array<i32>} : memref<64xf32, #tpu.memory_space<vmem>>, vector<16xf32>,
        %scan3A_93 = arith.constant 0 : i32
        scf.yield %scan3A_93 : i32
      }
      %scan3A_54 = arith.constant 4 : i32
      "tpu.region"() ({
        %run_scoped3A = tpu.sem_alloc : memref<!tpu.dma_semaphore, #tpu.memory_space<semaphore_mem>>
        %dma_start3A_85 = tpu.memref_slice %arg5[%multiple_of3A_45] : memref<16384xf32, #tpu.memory_space<hbm>> -> memref<64xf32, #tpu.memory_space<hbm>>
        %dma_start3A_86 = tpu.memref_slice %arg5[%multiple_of3A_45] : memref<16384xf32, #tpu.memory_space<hbm>> -> memref<64xf32, #tpu.memory_space<hbm>>
        tpu.enqueue_dma source(%arg8 : memref<64xf32, #tpu.memory_space<vmem>>) target(%dma_start3A_86 : memref<64xf32, #tpu.memory_space<hbm>>) target_semaphore(%run_scoped3A : memref<!tpu.dma_semaphore, #tpu.memory_space<semaphore_mem>>)
        %dma_wait3A_87 = tpu.memref_slice %arg5[%multiple_of3A_45] : memref<16384xf32, #tpu.memory_space<hbm>> -> memref<64xf32, #tpu.memory_space<hbm>>
        %dma_wait3A_88 = tpu.memref_slice %arg5[%multiple_of3A_45] : memref<16384xf32, #tpu.memory_space<hbm>> -> memref<64xf32, #tpu.memory_space<hbm>>
        tpu.wait_dma2 semaphore(%run_scoped3A : memref<!tpu.dma_semaphore, #tpu.memory_space<semaphore_mem>>) src(%arg8 : memref<64xf32, #tpu.memory_space<vmem>>) dst(%dma_wait3A_88 : memref<64xf32, #tpu.memory_space<hbm>>)
        tpu.yield
      }) : () -> ()
      %mul3A_55 = arith.constant 2 : i32
      %mul3A_56 = arith.muli %scan3A_29, %mul3A_55 : i32
      %add3A_57 = arith.constant 1 : i32
      %add3A_58 = arith.addi %mul3A_56, %add3A_57 : i32
      %dma_wait3A_59 = arith.constant 0 : i32
      %dma_wait3A_60 = arith.constant 0 : i32
      %dma_wait3A_61 = tpu.memref_slice %arg3[%dma_wait3A_59, %dma_wait3A_60] : memref<16384x512xf32, #tpu.memory_space<hbm>> -> memref<64x512xf32, #tpu.memory_space<hbm>>
      %dma_wait3A_62 = arith.constant 0 : i32
      %dma_wait3A_63 = arith.constant 0 : i32
      %dma_wait3A_64 = tpu.memref_slice %arg3[%dma_wait3A_62, %dma_wait3A_63] : memref<16384x512xf32, #tpu.memory_space<hbm>> -> memref<64x512xf32, #tpu.memory_space<hbm>>
      tpu.wait_dma2 semaphore(%arg11 : memref<!tpu.dma_semaphore, #tpu.memory_space<semaphore_mem>>) src(%dma_wait3A_64 : memref<64x512xf32, #tpu.memory_space<hbm>>) dst(%arg7 : memref<64x512xf32, #tpu.memory_space<vmem>>)
      %lt3A_65 = arith.constant 7 : i32
      %lt3A_66 = arith.cmpi slt, %add3A_58, %lt3A_65 : i32
      %convert_element_type3A_67 = arith.extui %lt3A_66 : i1 to i32
      %cond3A_68 = arith.constant 0 : i32
      %cond3A_69 = arith.cmpi ne, %convert_element_type3A_67, %cond3A_68 : i32
      scf.if %cond3A_69 {
        %add3A_85 = arith.constant 1 : i32
        %add3A_86 = arith.addi %add3A_58, %add3A_85 : i32
        %mul3A_87 = arith.constant 64 : i32
        %mul3A_88 = arith.muli %add3A_86, %mul3A_87 : i32
        %add3A_89 = arith.addi %add3A_4, %mul3A_88 : i32
        %multiple_of3A_90 = tpu.assume_multiple %add3A_89, 64 : i32
        %dma_start3A_91 = arith.constant 0 : i32
        %dma_start3A_92 = tpu.memref_slice %arg3[%multiple_of3A_90, %dma_start3A_91] : memref<16384x512xf32, #tpu.memory_space<hbm>> -> memref<64x512xf32, #tpu.memory_space<hbm>>
        %dma_start3A_93 = arith.constant 0 : i32
        %dma_start3A_94 = tpu.memref_slice %arg3[%multiple_of3A_90, %dma_start3A_93] : memref<16384x512xf32, #tpu.memory_space<hbm>> -> memref<64x512xf32, #tpu.memory_space<hbm>>
        tpu.enqueue_dma source(%dma_start3A_94 : memref<64x512xf32, #tpu.memory_space<hbm>>) target(%arg6 : memref<64x512xf32, #tpu.memory_space<vmem>>) target_semaphore(%arg10 : memref<!tpu.dma_semaphore, #tpu.memory_space<semaphore_mem>>)
      } else {
      }
      %mul3A_70 = arith.constant 64 : i32
      %mul3A_71 = arith.muli %add3A_58, %mul3A_70 : i32
      %add3A_72 = arith.addi %mul3A_6, %mul3A_71 : i32
      %multiple_of3A_73 = tpu.assume_multiple %add3A_72, 64 : i32
      %parallel_loop3A_74 = arith.constant 0 : i32
      %parallel_loop3A_75 = arith.constant 64 : i32
      %parallel_loop3A_76 = arith.constant 1 : i32
      scf.for %parallel_loop3A_85 = %parallel_loop3A_74 to %parallel_loop3A_75 step %parallel_loop3A_76  : i32 {
        %parallel_loop3A_86 = arith.index_cast %parallel_loop3A_85 : i32 to index
        %parallel_loop3A_87 = arith.constant 0 : index
        %parallel_loop3A_88 = tpu.vector_load %arg7[%parallel_loop3A_86, %parallel_loop3A_87] {strides = array<i32>} : memref<64x512xf32, #tpu.memory_space<vmem>>, vector<16xf32>,
        %parallel_loop3A_89 = math.absf %parallel_loop3A_88 : vector<16xf32>
        %parallel_loop3A_90 = arith.constant dense<true> : vector<16xi1>
        %parallel_loop3A_91, %parallel_loop3A_92, %parallel_loop3A_93 = tpu.sort %parallel_loop3A_89, %parallel_loop3A_89 masked %parallel_loop3A_90 : (vector<16xf32>, vector<16xf32>, vector<16xi1>) -> (vector<16xi1>, vector<16xf32>, vector<16xf32>)
        %parallel_loop3A_94 = arith.index_cast %parallel_loop3A_85 : i32 to index
        %parallel_loop3A_95 = arith.constant 16 : index
        %parallel_loop3A_96 = tpu.vector_load %arg7[%parallel_loop3A_94, %parallel_loop3A_95] {strides = array<i32>} : memref<64x512xf32, #tpu.memory_space<vmem>>, vector<16xf32>,
        %parallel_loop3A_97 = math.absf %parallel_loop3A_96 : vector<16xf32>
        %parallel_loop3A_98 = arith.constant dense<true> : vector<16xi1>
        %parallel_loop3A_99, %parallel_loop3A_100, %parallel_loop3A_101 = tpu.sort %parallel_loop3A_97, %parallel_loop3A_97 masked %parallel_loop3A_98 {descending = true} : (vector<16xf32>, vector<16xf32>, vector<16xi1>) -> (vector<16xi1>, vector<16xf32>, vector<16xf32>)
        %parallel_loop3A_102 = arith.index_cast %parallel_loop3A_85 : i32 to index
        %parallel_loop3A_103 = arith.constant 32 : index
        %parallel_loop3A_104 = tpu.vector_load %arg7[%parallel_loop3A_102, %parallel_loop3A_103] {strides = array<i32>} : memref<64x512xf32, #tpu.memory_space<vmem>>, vector<16xf32>,
        %parallel_loop3A_105 = math.absf %parallel_loop3A_104 : vector<16xf32>
        %parallel_loop3A_106 = arith.constant dense<true> : vector<16xi1>
        %parallel_loop3A_107, %parallel_loop3A_108, %parallel_loop3A_109 = tpu.sort %parallel_loop3A_105, %parallel_loop3A_105 masked %parallel_loop3A_106 : (vector<16xf32>, vector<16xf32>, vector<16xi1>) -> (vector<16xi1>, vector<16xf32>, vector<16xf32>)
        %parallel_loop3A_110 = arith.index_cast %parallel_loop3A_85 : i32 to index
        %parallel_loop3A_111 = arith.constant 48 : index
        %parallel_loop3A_112 = tpu.vector_load %arg7[%parallel_loop3A_110, %parallel_loop3A_111] {strides = array<i32>} : memref<64x512xf32, #tpu.memory_space<vmem>>, vector<16xf32>,
        %parallel_loop3A_113 = math.absf %parallel_loop3A_112 : vector<16xf32>
        %parallel_loop3A_114 = arith.constant dense<true> : vector<16xi1>
        %parallel_loop3A_115, %parallel_loop3A_116, %parallel_loop3A_117 = tpu.sort %parallel_loop3A_113, %parallel_loop3A_113 masked %parallel_loop3A_114 {descending = true} : (vector<16xf32>, vector<16xf32>, vector<16xi1>) -> (vector<16xi1>, vector<16xf32>, vector<16xf32>)
        %parallel_loop3A_118 = arith.index_cast %parallel_loop3A_85 : i32 to index
        %parallel_loop3A_119 = arith.constant 64 : index
        %parallel_loop3A_120 = tpu.vector_load %arg7[%parallel_loop3A_118, %parallel_loop3A_119] {strides = array<i32>} : memref<64x512xf32, #tpu.memory_space<vmem>>, vector<16xf32>,
        %parallel_loop3A_121 = math.absf %parallel_loop3A_120 : vector<16xf32>
        %parallel_loop3A_122 = arith.constant dense<true> : vector<16xi1>
        %parallel_loop3A_123, %parallel_loop3A_124, %parallel_loop3A_125 = tpu.sort %parallel_loop3A_121, %parallel_loop3A_121 masked %parallel_loop3A_122 : (vector<16xf32>, vector<16xf32>, vector<16xi1>) -> (vector<16xi1>, vector<16xf32>, vector<16xf32>)
        %parallel_loop3A_126 = arith.index_cast %parallel_loop3A_85 : i32 to index
        %parallel_loop3A_127 = arith.constant 80 : index
        %parallel_loop3A_128 = tpu.vector_load %arg7[%parallel_loop3A_126, %parallel_loop3A_127] {strides = array<i32>} : memref<64x512xf32, #tpu.memory_space<vmem>>, vector<16xf32>,
        %parallel_loop3A_129 = math.absf %parallel_loop3A_128 : vector<16xf32>
        %parallel_loop3A_130 = arith.constant dense<true> : vector<16xi1>
        %parallel_loop3A_131, %parallel_loop3A_132, %parallel_loop3A_133 = tpu.sort %parallel_loop3A_129, %parallel_loop3A_129 masked %parallel_loop3A_130 {descending = true} : (vector<16xf32>, vector<16xf32>, vector<16xi1>) -> (vector<16xi1>, vector<16xf32>, vector<16xf32>)
        %parallel_loop3A_134 = arith.index_cast %parallel_loop3A_85 : i32 to index
        %parallel_loop3A_135 = arith.constant 96 : index
        %parallel_loop3A_136 = tpu.vector_load %arg7[%parallel_loop3A_134, %parallel_loop3A_135] {strides = array<i32>} : memref<64x512xf32, #tpu.memory_space<vmem>>, vector<16xf32>,
        %parallel_loop3A_137 = math.absf %parallel_loop3A_136 : vector<16xf32>
        %parallel_loop3A_138 = arith.constant dense<true> : vector<16xi1>
        %parallel_loop3A_139, %parallel_loop3A_140, %parallel_loop3A_141 = tpu.sort %parallel_loop3A_137, %parallel_loop3A_137 masked %parallel_loop3A_138 : (vector<16xf32>, vector<16xf32>, vector<16xi1>) -> (vector<16xi1>, vector<16xf32>, vector<16xf32>)
        %parallel_loop3A_142 = arith.index_cast %parallel_loop3A_85 : i32 to index
        %parallel_loop3A_143 = arith.constant 112 : index
        %parallel_loop3A_144 = tpu.vector_load %arg7[%parallel_loop3A_142, %parallel_loop3A_143] {strides = array<i32>} : memref<64x512xf32, #tpu.memory_space<vmem>>, vector<16xf32>,
        %parallel_loop3A_145 = math.absf %parallel_loop3A_144 : vector<16xf32>
        %parallel_loop3A_146 = arith.constant dense<true> : vector<16xi1>
        %parallel_loop3A_147, %parallel_loop3A_148, %parallel_loop3A_149 = tpu.sort %parallel_loop3A_145, %parallel_loop3A_145 masked %parallel_loop3A_146 {descending = true} : (vector<16xf32>, vector<16xf32>, vector<16xi1>) -> (vector<16xi1>, vector<16xf32>, vector<16xf32>)
        %parallel_loop3A_150 = arith.index_cast %parallel_loop3A_85 : i32 to index
        %parallel_loop3A_151 = arith.constant 128 : index
        %parallel_loop3A_152 = tpu.vector_load %arg7[%parallel_loop3A_150, %parallel_loop3A_151] {strides = array<i32>} : memref<64x512xf32, #tpu.memory_space<vmem>>, vector<16xf32>,
        %parallel_loop3A_153 = math.absf %parallel_loop3A_152 : vector<16xf32>
        %parallel_loop3A_154 = arith.constant dense<true> : vector<16xi1>
        %parallel_loop3A_155, %parallel_loop3A_156, %parallel_loop3A_157 = tpu.sort %parallel_loop3A_153, %parallel_loop3A_153 masked %parallel_loop3A_154 : (vector<16xf32>, vector<16xf32>, vector<16xi1>) -> (vector<16xi1>, vector<16xf32>, vector<16xf32>)
        %parallel_loop3A_158 = arith.index_cast %parallel_loop3A_85 : i32 to index
        %parallel_loop3A_159 = arith.constant 144 : index
        %parallel_loop3A_160 = tpu.vector_load %arg7[%parallel_loop3A_158, %parallel_loop3A_159] {strides = array<i32>} : memref<64x512xf32, #tpu.memory_space<vmem>>, vector<16xf32>,
        %parallel_loop3A_161 = math.absf %parallel_loop3A_160 : vector<16xf32>
        %parallel_loop3A_162 = arith.constant dense<true> : vector<16xi1>
        %parallel_loop3A_163, %parallel_loop3A_164, %parallel_loop3A_165 = tpu.sort %parallel_loop3A_161, %parallel_loop3A_161 masked %parallel_loop3A_162 {descending = true} : (vector<16xf32>, vector<16xf32>, vector<16xi1>) -> (vector<16xi1>, vector<16xf32>, vector<16xf32>)
        %parallel_loop3A_166 = arith.index_cast %parallel_loop3A_85 : i32 to index
        %parallel_loop3A_167 = arith.constant 160 : index
        %parallel_loop3A_168 = tpu.vector_load %arg7[%parallel_loop3A_166, %parallel_loop3A_167] {strides = array<i32>} : memref<64x512xf32, #tpu.memory_space<vmem>>, vector<16xf32>,
        %parallel_loop3A_169 = math.absf %parallel_loop3A_168 : vector<16xf32>
        %parallel_loop3A_170 = arith.constant dense<true> : vector<16xi1>
        %parallel_loop3A_171, %parallel_loop3A_172, %parallel_loop3A_173 = tpu.sort %parallel_loop3A_169, %parallel_loop3A_169 masked %parallel_loop3A_170 : (vector<16xf32>, vector<16xf32>, vector<16xi1>) -> (vector<16xi1>, vector<16xf32>, vector<16xf32>)
        %parallel_loop3A_174 = arith.index_cast %parallel_loop3A_85 : i32 to index
        %parallel_loop3A_175 = arith.constant 176 : index
        %parallel_loop3A_176 = tpu.vector_load %arg7[%parallel_loop3A_174, %parallel_loop3A_175] {strides = array<i32>} : memref<64x512xf32, #tpu.memory_space<vmem>>, vector<16xf32>,
        %parallel_loop3A_177 = math.absf %parallel_loop3A_176 : vector<16xf32>
        %parallel_loop3A_178 = arith.constant dense<true> : vector<16xi1>
        %parallel_loop3A_179, %parallel_loop3A_180, %parallel_loop3A_181 = tpu.sort %parallel_loop3A_177, %parallel_loop3A_177 masked %parallel_loop3A_178 {descending = true} : (vector<16xf32>, vector<16xf32>, vector<16xi1>) -> (vector<16xi1>, vector<16xf32>, vector<16xf32>)
        %parallel_loop3A_182 = arith.index_cast %parallel_loop3A_85 : i32 to index
        %parallel_loop3A_183 = arith.constant 192 : index
        %parallel_loop3A_184 = tpu.vector_load %arg7[%parallel_loop3A_182, %parallel_loop3A_183] {strides = array<i32>} : memref<64x512xf32, #tpu.memory_space<vmem>>, vector<16xf32>,
        %parallel_loop3A_185 = math.absf %parallel_loop3A_184 : vector<16xf32>
        %parallel_loop3A_186 = arith.constant dense<true> : vector<16xi1>
        %parallel_loop3A_187, %parallel_loop3A_188, %parallel_loop3A_189 = tpu.sort %parallel_loop3A_185, %parallel_loop3A_185 masked %parallel_loop3A_186 : (vector<16xf32>, vector<16xf32>, vector<16xi1>) -> (vector<16xi1>, vector<16xf32>, vector<16xf32>)
        %parallel_loop3A_190 = arith.index_cast %parallel_loop3A_85 : i32 to index
        %parallel_loop3A_191 = arith.constant 208 : index
        %parallel_loop3A_192 = tpu.vector_load %arg7[%parallel_loop3A_190, %parallel_loop3A_191] {strides = array<i32>} : memref<64x512xf32, #tpu.memory_space<vmem>>, vector<16xf32>,
        %parallel_loop3A_193 = math.absf %parallel_loop3A_192 : vector<16xf32>
        %parallel_loop3A_194 = arith.constant dense<true> : vector<16xi1>
        %parallel_loop3A_195, %parallel_loop3A_196, %parallel_loop3A_197 = tpu.sort %parallel_loop3A_193, %parallel_loop3A_193 masked %parallel_loop3A_194 {descending = true} : (vector<16xf32>, vector<16xf32>, vector<16xi1>) -> (vector<16xi1>, vector<16xf32>, vector<16xf32>)
        %parallel_loop3A_198 = arith.index_cast %parallel_loop3A_85 : i32 to index
        %parallel_loop3A_199 = arith.constant 224 : index
        %parallel_loop3A_200 = tpu.vector_load %arg7[%parallel_loop3A_198, %parallel_loop3A_199] {strides = array<i32>} : memref<64x512xf32, #tpu.memory_space<vmem>>, vector<16xf32>,
        %parallel_loop3A_201 = math.absf %parallel_loop3A_200 : vector<16xf32>
        %parallel_loop3A_202 = arith.constant dense<true> : vector<16xi1>
        %parallel_loop3A_203, %parallel_loop3A_204, %parallel_loop3A_205 = tpu.sort %parallel_loop3A_201, %parallel_loop3A_201 masked %parallel_loop3A_202 : (vector<16xf32>, vector<16xf32>, vector<16xi1>) -> (vector<16xi1>, vector<16xf32>, vector<16xf32>)
        %parallel_loop3A_206 = arith.index_cast %parallel_loop3A_85 : i32 to index
        %parallel_loop3A_207 = arith.constant 240 : index
        %parallel_loop3A_208 = tpu.vector_load %arg7[%parallel_loop3A_206, %parallel_loop3A_207] {strides = array<i32>} : memref<64x512xf32, #tpu.memory_space<vmem>>, vector<16xf32>,
        %parallel_loop3A_209 = math.absf %parallel_loop3A_208 : vector<16xf32>
        %parallel_loop3A_210 = arith.constant dense<true> : vector<16xi1>
        %parallel_loop3A_211, %parallel_loop3A_212, %parallel_loop3A_213 = tpu.sort %parallel_loop3A_209, %parallel_loop3A_209 masked %parallel_loop3A_210 {descending = true} : (vector<16xf32>, vector<16xf32>, vector<16xi1>) -> (vector<16xi1>, vector<16xf32>, vector<16xf32>)
        %parallel_loop3A_214 = arith.index_cast %parallel_loop3A_85 : i32 to index
        %parallel_loop3A_215 = arith.constant 256 : index
        %parallel_loop3A_216 = tpu.vector_load %arg7[%parallel_loop3A_214, %parallel_loop3A_215] {strides = array<i32>} : memref<64x512xf32, #tpu.memory_space<vmem>>, vector<16xf32>,
        %parallel_loop3A_217 = math.absf %parallel_loop3A_216 : vector<16xf32>
        %parallel_loop3A_218 = arith.constant dense<true> : vector<16xi1>
        %parallel_loop3A_219, %parallel_loop3A_220, %parallel_loop3A_221 = tpu.sort %parallel_loop3A_217, %parallel_loop3A_217 masked %parallel_loop3A_218 : (vector<16xf32>, vector<16xf32>, vector<16xi1>) -> (vector<16xi1>, vector<16xf32>, vector<16xf32>)
        %parallel_loop3A_222 = arith.index_cast %parallel_loop3A_85 : i32 to index
        %parallel_loop3A_223 = arith.constant 272 : index
        %parallel_loop3A_224 = tpu.vector_load %arg7[%parallel_loop3A_222, %parallel_loop3A_223] {strides = array<i32>} : memref<64x512xf32, #tpu.memory_space<vmem>>, vector<16xf32>,
        %parallel_loop3A_225 = math.absf %parallel_loop3A_224 : vector<16xf32>
        %parallel_loop3A_226 = arith.constant dense<true> : vector<16xi1>
        %parallel_loop3A_227, %parallel_loop3A_228, %parallel_loop3A_229 = tpu.sort %parallel_loop3A_225, %parallel_loop3A_225 masked %parallel_loop3A_226 {descending = true} : (vector<16xf32>, vector<16xf32>, vector<16xi1>) -> (vector<16xi1>, vector<16xf32>, vector<16xf32>)
        %parallel_loop3A_230 = arith.index_cast %parallel_loop3A_85 : i32 to index
        %parallel_loop3A_231 = arith.constant 288 : index
        %parallel_loop3A_232 = tpu.vector_load %arg7[%parallel_loop3A_230, %parallel_loop3A_231] {strides = array<i32>} : memref<64x512xf32, #tpu.memory_space<vmem>>, vector<16xf32>,
        %parallel_loop3A_233 = math.absf %parallel_loop3A_232 : vector<16xf32>
        %parallel_loop3A_234 = arith.constant dense<true> : vector<16xi1>
        %parallel_loop3A_235, %parallel_loop3A_236, %parallel_loop3A_237 = tpu.sort %parallel_loop3A_233, %parallel_loop3A_233 masked %parallel_loop3A_234 : (vector<16xf32>, vector<16xf32>, vector<16xi1>) -> (vector<16xi1>, vector<16xf32>, vector<16xf32>)
        %parallel_loop3A_238 = arith.index_cast %parallel_loop3A_85 : i32 to index
        %parallel_loop3A_239 = arith.constant 304 : index
        %parallel_loop3A_240 = tpu.vector_load %arg7[%parallel_loop3A_238, %parallel_loop3A_239] {strides = array<i32>} : memref<64x512xf32, #tpu.memory_space<vmem>>, vector<16xf32>,
        %parallel_loop3A_241 = math.absf %parallel_loop3A_240 : vector<16xf32>
        %parallel_loop3A_242 = arith.constant dense<true> : vector<16xi1>
        %parallel_loop3A_243, %parallel_loop3A_244, %parallel_loop3A_245 = tpu.sort %parallel_loop3A_241, %parallel_loop3A_241 masked %parallel_loop3A_242 {descending = true} : (vector<16xf32>, vector<16xf32>, vector<16xi1>) -> (vector<16xi1>, vector<16xf32>, vector<16xf32>)
        %parallel_loop3A_246 = arith.index_cast %parallel_loop3A_85 : i32 to index
        %parallel_loop3A_247 = arith.constant 320 : index
        %parallel_loop3A_248 = tpu.vector_load %arg7[%parallel_loop3A_246, %parallel_loop3A_247] {strides = array<i32>} : memref<64x512xf32, #tpu.memory_space<vmem>>, vector<16xf32>,
        %parallel_loop3A_249 = math.absf %parallel_loop3A_248 : vector<16xf32>
        %parallel_loop3A_250 = arith.constant dense<true> : vector<16xi1>
        %parallel_loop3A_251, %parallel_loop3A_252, %parallel_loop3A_253 = tpu.sort %parallel_loop3A_249, %parallel_loop3A_249 masked %parallel_loop3A_250 : (vector<16xf32>, vector<16xf32>, vector<16xi1>) -> (vector<16xi1>, vector<16xf32>, vector<16xf32>)
        %parallel_loop3A_254 = arith.index_cast %parallel_loop3A_85 : i32 to index
        %parallel_loop3A_255 = arith.constant 336 : index
        %parallel_loop3A_256 = tpu.vector_load %arg7[%parallel_loop3A_254, %parallel_loop3A_255] {strides = array<i32>} : memref<64x512xf32, #tpu.memory_space<vmem>>, vector<16xf32>,
        %parallel_loop3A_257 = math.absf %parallel_loop3A_256 : vector<16xf32>
        %parallel_loop3A_258 = arith.constant dense<true> : vector<16xi1>
        %parallel_loop3A_259, %parallel_loop3A_260, %parallel_loop3A_261 = tpu.sort %parallel_loop3A_257, %parallel_loop3A_257 masked %parallel_loop3A_258 {descending = true} : (vector<16xf32>, vector<16xf32>, vector<16xi1>) -> (vector<16xi1>, vector<16xf32>, vector<16xf32>)
        %parallel_loop3A_262 = arith.index_cast %parallel_loop3A_85 : i32 to index
        %parallel_loop3A_263 = arith.constant 352 : index
        %parallel_loop3A_264 = tpu.vector_load %arg7[%parallel_loop3A_262, %parallel_loop3A_263] {strides = array<i32>} : memref<64x512xf32, #tpu.memory_space<vmem>>, vector<16xf32>,
        %parallel_loop3A_265 = math.absf %parallel_loop3A_264 : vector<16xf32>
        %parallel_loop3A_266 = arith.constant dense<true> : vector<16xi1>
        %parallel_loop3A_267, %parallel_loop3A_268, %parallel_loop3A_269 = tpu.sort %parallel_loop3A_265, %parallel_loop3A_265 masked %parallel_loop3A_266 : (vector<16xf32>, vector<16xf32>, vector<16xi1>) -> (vector<16xi1>, vector<16xf32>, vector<16xf32>)
        %parallel_loop3A_270 = arith.index_cast %parallel_loop3A_85 : i32 to index
        %parallel_loop3A_271 = arith.constant 368 : index
        %parallel_loop3A_272 = tpu.vector_load %arg7[%parallel_loop3A_270, %parallel_loop3A_271] {strides = array<i32>} : memref<64x512xf32, #tpu.memory_space<vmem>>, vector<16xf32>,
        %parallel_loop3A_273 = math.absf %parallel_loop3A_272 : vector<16xf32>
        %parallel_loop3A_274 = arith.constant dense<true> : vector<16xi1>
        %parallel_loop3A_275, %parallel_loop3A_276, %parallel_loop3A_277 = tpu.sort %parallel_loop3A_273, %parallel_loop3A_273 masked %parallel_loop3A_274 {descending = true} : (vector<16xf32>, vector<16xf32>, vector<16xi1>) -> (vector<16xi1>, vector<16xf32>, vector<16xf32>)
        %parallel_loop3A_278 = arith.index_cast %parallel_loop3A_85 : i32 to index
        %parallel_loop3A_279 = arith.constant 384 : index
        %parallel_loop3A_280 = tpu.vector_load %arg7[%parallel_loop3A_278, %parallel_loop3A_279] {strides = array<i32>} : memref<64x512xf32, #tpu.memory_space<vmem>>, vector<16xf32>,
        %parallel_loop3A_281 = math.absf %parallel_loop3A_280 : vector<16xf32>
        %parallel_loop3A_282 = arith.constant dense<true> : vector<16xi1>
        %parallel_loop3A_283, %parallel_loop3A_284, %parallel_loop3A_285 = tpu.sort %parallel_loop3A_281, %parallel_loop3A_281 masked %parallel_loop3A_282 : (vector<16xf32>, vector<16xf32>, vector<16xi1>) -> (vector<16xi1>, vector<16xf32>, vector<16xf32>)
        %parallel_loop3A_286 = arith.index_cast %parallel_loop3A_85 : i32 to index
        %parallel_loop3A_287 = arith.constant 400 : index
        %parallel_loop3A_288 = tpu.vector_load %arg7[%parallel_loop3A_286, %parallel_loop3A_287] {strides = array<i32>} : memref<64x512xf32, #tpu.memory_space<vmem>>, vector<16xf32>,
        %parallel_loop3A_289 = math.absf %parallel_loop3A_288 : vector<16xf32>
        %parallel_loop3A_290 = arith.constant dense<true> : vector<16xi1>
        %parallel_loop3A_291, %parallel_loop3A_292, %parallel_loop3A_293 = tpu.sort %parallel_loop3A_289, %parallel_loop3A_289 masked %parallel_loop3A_290 {descending = true} : (vector<16xf32>, vector<16xf32>, vector<16xi1>) -> (vector<16xi1>, vector<16xf32>, vector<16xf32>)
        %parallel_loop3A_294 = arith.index_cast %parallel_loop3A_85 : i32 to index
        %parallel_loop3A_295 = arith.constant 416 : index
        %parallel_loop3A_296 = tpu.vector_load %arg7[%parallel_loop3A_294, %parallel_loop3A_295] {strides = array<i32>} : memref<64x512xf32, #tpu.memory_space<vmem>>, vector<16xf32>,
        %parallel_loop3A_297 = math.absf %parallel_loop3A_296 : vector<16xf32>
        %parallel_loop3A_298 = arith.constant dense<true> : vector<16xi1>
        %parallel_loop3A_299, %parallel_loop3A_300, %parallel_loop3A_301 = tpu.sort %parallel_loop3A_297, %parallel_loop3A_297 masked %parallel_loop3A_298 : (vector<16xf32>, vector<16xf32>, vector<16xi1>) -> (vector<16xi1>, vector<16xf32>, vector<16xf32>)
        %parallel_loop3A_302 = arith.index_cast %parallel_loop3A_85 : i32 to index
        %parallel_loop3A_303 = arith.constant 432 : index
        %parallel_loop3A_304 = tpu.vector_load %arg7[%parallel_loop3A_302, %parallel_loop3A_303] {strides = array<i32>} : memref<64x512xf32, #tpu.memory_space<vmem>>, vector<16xf32>,
        %parallel_loop3A_305 = math.absf %parallel_loop3A_304 : vector<16xf32>
        %parallel_loop3A_306 = arith.constant dense<true> : vector<16xi1>
        %parallel_loop3A_307, %parallel_loop3A_308, %parallel_loop3A_309 = tpu.sort %parallel_loop3A_305, %parallel_loop3A_305 masked %parallel_loop3A_306 {descending = true} : (vector<16xf32>, vector<16xf32>, vector<16xi1>) -> (vector<16xi1>, vector<16xf32>, vector<16xf32>)
        %parallel_loop3A_310 = arith.index_cast %parallel_loop3A_85 : i32 to index
        %parallel_loop3A_311 = arith.constant 448 : index
        %parallel_loop3A_312 = tpu.vector_load %arg7[%parallel_loop3A_310, %parallel_loop3A_311] {strides = array<i32>} : memref<64x512xf32, #tpu.memory_space<vmem>>, vector<16xf32>,
        %parallel_loop3A_313 = math.absf %parallel_loop3A_312 : vector<16xf32>
        %parallel_loop3A_314 = arith.constant dense<true> : vector<16xi1>
        %parallel_loop3A_315, %parallel_loop3A_316, %parallel_loop3A_317 = tpu.sort %parallel_loop3A_313, %parallel_loop3A_313 masked %parallel_loop3A_314 : (vector<16xf32>, vector<16xf32>, vector<16xi1>) -> (vector<16xi1>, vector<16xf32>, vector<16xf32>)
        %parallel_loop3A_318 = arith.index_cast %parallel_loop3A_85 : i32 to index
        %parallel_loop3A_319 = arith.constant 464 : index
        %parallel_loop3A_320 = tpu.vector_load %arg7[%parallel_loop3A_318, %parallel_loop3A_319] {strides = array<i32>} : memref<64x512xf32, #tpu.memory_space<vmem>>, vector<16xf32>,
        %parallel_loop3A_321 = math.absf %parallel_loop3A_320 : vector<16xf32>
        %parallel_loop3A_322 = arith.constant dense<true> : vector<16xi1>
        %parallel_loop3A_323, %parallel_loop3A_324, %parallel_loop3A_325 = tpu.sort %parallel_loop3A_321, %parallel_loop3A_321 masked %parallel_loop3A_322 {descending = true} : (vector<16xf32>, vector<16xf32>, vector<16xi1>) -> (vector<16xi1>, vector<16xf32>, vector<16xf32>)
        %parallel_loop3A_326 = arith.index_cast %parallel_loop3A_85 : i32 to index
        %parallel_loop3A_327 = arith.constant 480 : index
        %parallel_loop3A_328 = tpu.vector_load %arg7[%parallel_loop3A_326, %parallel_loop3A_327] {strides = array<i32>} : memref<64x512xf32, #tpu.memory_space<vmem>>, vector<16xf32>,
        %parallel_loop3A_329 = math.absf %parallel_loop3A_328 : vector<16xf32>
        %parallel_loop3A_330 = arith.constant dense<true> : vector<16xi1>
        %parallel_loop3A_331, %parallel_loop3A_332, %parallel_loop3A_333 = tpu.sort %parallel_loop3A_329, %parallel_loop3A_329 masked %parallel_loop3A_330 : (vector<16xf32>, vector<16xf32>, vector<16xi1>) -> (vector<16xi1>, vector<16xf32>, vector<16xf32>)
        %parallel_loop3A_334 = arith.index_cast %parallel_loop3A_85 : i32 to index
        %parallel_loop3A_335 = arith.constant 496 : index
        %parallel_loop3A_336 = tpu.vector_load %arg7[%parallel_loop3A_334, %parallel_loop3A_335] {strides = array<i32>} : memref<64x512xf32, #tpu.memory_space<vmem>>, vector<16xf32>,
        %parallel_loop3A_337 = math.absf %parallel_loop3A_336 : vector<16xf32>
        %parallel_loop3A_338 = arith.constant dense<true> : vector<16xi1>
        %parallel_loop3A_339, %parallel_loop3A_340, %parallel_loop3A_341 = tpu.sort %parallel_loop3A_337, %parallel_loop3A_337 masked %parallel_loop3A_338 {descending = true} : (vector<16xf32>, vector<16xf32>, vector<16xi1>) -> (vector<16xi1>, vector<16xf32>, vector<16xf32>)
        %parallel_loop3A_342 = arith.minimumf %parallel_loop3A_92, %parallel_loop3A_100 : vector<16xf32>
        %parallel_loop3A_343 = arith.maximumf %parallel_loop3A_92, %parallel_loop3A_100 : vector<16xf32>
        %parallel_loop3A_344 = arith.constant dense<true> : vector<16xi1>
        %parallel_loop3A_345, %parallel_loop3A_346, %parallel_loop3A_347 = tpu.sort %parallel_loop3A_342, %parallel_loop3A_342 masked %parallel_loop3A_344 : (vector<16xf32>, vector<16xf32>, vector<16xi1>) -> (vector<16xi1>, vector<16xf32>, vector<16xf32>)
        %parallel_loop3A_348 = arith.constant dense<true> : vector<16xi1>
        %parallel_loop3A_349, %parallel_loop3A_350, %parallel_loop3A_351 = tpu.sort %parallel_loop3A_343, %parallel_loop3A_343 masked %parallel_loop3A_348 : (vector<16xf32>, vector<16xf32>, vector<16xi1>) -> (vector<16xi1>, vector<16xf32>, vector<16xf32>)
        %parallel_loop3A_352 = arith.minimumf %parallel_loop3A_108, %parallel_loop3A_116 : vector<16xf32>
        %parallel_loop3A_353 = arith.maximumf %parallel_loop3A_108, %parallel_loop3A_116 : vector<16xf32>
        %parallel_loop3A_354 = arith.constant dense<true> : vector<16xi1>
        %parallel_loop3A_355, %parallel_loop3A_356, %parallel_loop3A_357 = tpu.sort %parallel_loop3A_353, %parallel_loop3A_353 masked %parallel_loop3A_354 {descending = true} : (vector<16xf32>, vector<16xf32>, vector<16xi1>) -> (vector<16xi1>, vector<16xf32>, vector<16xf32>)
        %parallel_loop3A_358 = arith.constant dense<true> : vector<16xi1>
        %parallel_loop3A_359, %parallel_loop3A_360, %parallel_loop3A_361 = tpu.sort %parallel_loop3A_352, %parallel_loop3A_352 masked %parallel_loop3A_358 {descending = true} : (vector<16xf32>, vector<16xf32>, vector<16xi1>) -> (vector<16xi1>, vector<16xf32>, vector<16xf32>)
        %parallel_loop3A_362 = arith.minimumf %parallel_loop3A_124, %parallel_loop3A_132 : vector<16xf32>
        %parallel_loop3A_363 = arith.maximumf %parallel_loop3A_124, %parallel_loop3A_132 : vector<16xf32>
        %parallel_loop3A_364 = arith.constant dense<true> : vector<16xi1>
        %parallel_loop3A_365, %parallel_loop3A_366, %parallel_loop3A_367 = tpu.sort %parallel_loop3A_362, %parallel_loop3A_362 masked %parallel_loop3A_364 : (vector<16xf32>, vector<16xf32>, vector<16xi1>) -> (vector<16xi1>, vector<16xf32>, vector<16xf32>)
        %parallel_loop3A_368 = arith.constant dense<true> : vector<16xi1>
        %parallel_loop3A_369, %parallel_loop3A_370, %parallel_loop3A_371 = tpu.sort %parallel_loop3A_363, %parallel_loop3A_363 masked %parallel_loop3A_368 : (vector<16xf32>, vector<16xf32>, vector<16xi1>) -> (vector<16xi1>, vector<16xf32>, vector<16xf32>)
        %parallel_loop3A_372 = arith.minimumf %parallel_loop3A_140, %parallel_loop3A_148 : vector<16xf32>
        %parallel_loop3A_373 = arith.maximumf %parallel_loop3A_140, %parallel_loop3A_148 : vector<16xf32>
        %parallel_loop3A_374 = arith.constant dense<true> : vector<16xi1>
        %parallel_loop3A_375, %parallel_loop3A_376, %parallel_loop3A_377 = tpu.sort %parallel_loop3A_373, %parallel_loop3A_373 masked %parallel_loop3A_374 {descending = true} : (vector<16xf32>, vector<16xf32>, vector<16xi1>) -> (vector<16xi1>, vector<16xf32>, vector<16xf32>)
        %parallel_loop3A_378 = arith.constant dense<true> : vector<16xi1>
        %parallel_loop3A_379, %parallel_loop3A_380, %parallel_loop3A_381 = tpu.sort %parallel_loop3A_372, %parallel_loop3A_372 masked %parallel_loop3A_378 {descending = true} : (vector<16xf32>, vector<16xf32>, vector<16xi1>) -> (vector<16xi1>, vector<16xf32>, vector<16xf32>)
        %parallel_loop3A_382 = arith.minimumf %parallel_loop3A_156, %parallel_loop3A_164 : vector<16xf32>
        %parallel_loop3A_383 = arith.maximumf %parallel_loop3A_156, %parallel_loop3A_164 : vector<16xf32>
        %parallel_loop3A_384 = arith.constant dense<true> : vector<16xi1>
        %parallel_loop3A_385, %parallel_loop3A_386, %parallel_loop3A_387 = tpu.sort %parallel_loop3A_382, %parallel_loop3A_382 masked %parallel_loop3A_384 : (vector<16xf32>, vector<16xf32>, vector<16xi1>) -> (vector<16xi1>, vector<16xf32>, vector<16xf32>)
        %parallel_loop3A_388 = arith.constant dense<true> : vector<16xi1>
        %parallel_loop3A_389, %parallel_loop3A_390, %parallel_loop3A_391 = tpu.sort %parallel_loop3A_383, %parallel_loop3A_383 masked %parallel_loop3A_388 : (vector<16xf32>, vector<16xf32>, vector<16xi1>) -> (vector<16xi1>, vector<16xf32>, vector<16xf32>)
        %parallel_loop3A_392 = arith.minimumf %parallel_loop3A_172, %parallel_loop3A_180 : vector<16xf32>
        %parallel_loop3A_393 = arith.maximumf %parallel_loop3A_172, %parallel_loop3A_180 : vector<16xf32>
        %parallel_loop3A_394 = arith.constant dense<true> : vector<16xi1>
        %parallel_loop3A_395, %parallel_loop3A_396, %parallel_loop3A_397 = tpu.sort %parallel_loop3A_393, %parallel_loop3A_393 masked %parallel_loop3A_394 {descending = true} : (vector<16xf32>, vector<16xf32>, vector<16xi1>) -> (vector<16xi1>, vector<16xf32>, vector<16xf32>)
        %parallel_loop3A_398 = arith.constant dense<true> : vector<16xi1>
        %parallel_loop3A_399, %parallel_loop3A_400, %parallel_loop3A_401 = tpu.sort %parallel_loop3A_392, %parallel_loop3A_392 masked %parallel_loop3A_398 {descending = true} : (vector<16xf32>, vector<16xf32>, vector<16xi1>) -> (vector<16xi1>, vector<16xf32>, vector<16xf32>)
        %parallel_loop3A_402 = arith.minimumf %parallel_loop3A_188, %parallel_loop3A_196 : vector<16xf32>
        %parallel_loop3A_403 = arith.maximumf %parallel_loop3A_188, %parallel_loop3A_196 : vector<16xf32>
        %parallel_loop3A_404 = arith.constant dense<true> : vector<16xi1>
        %parallel_loop3A_405, %parallel_loop3A_406, %parallel_loop3A_407 = tpu.sort %parallel_loop3A_402, %parallel_loop3A_402 masked %parallel_loop3A_404 : (vector<16xf32>, vector<16xf32>, vector<16xi1>) -> (vector<16xi1>, vector<16xf32>, vector<16xf32>)
        %parallel_loop3A_408 = arith.constant dense<true> : vector<16xi1>
        %parallel_loop3A_409, %parallel_loop3A_410, %parallel_loop3A_411 = tpu.sort %parallel_loop3A_403, %parallel_loop3A_403 masked %parallel_loop3A_408 : (vector<16xf32>, vector<16xf32>, vector<16xi1>) -> (vector<16xi1>, vector<16xf32>, vector<16xf32>)
        %parallel_loop3A_412 = arith.minimumf %parallel_loop3A_204, %parallel_loop3A_212 : vector<16xf32>
        %parallel_loop3A_413 = arith.maximumf %parallel_loop3A_204, %parallel_loop3A_212 : vector<16xf32>
        %parallel_loop3A_414 = arith.constant dense<true> : vector<16xi1>
        %parallel_loop3A_415, %parallel_loop3A_416, %parallel_loop3A_417 = tpu.sort %parallel_loop3A_413, %parallel_loop3A_413 masked %parallel_loop3A_414 {descending = true} : (vector<16xf32>, vector<16xf32>, vector<16xi1>) -> (vector<16xi1>, vector<16xf32>, vector<16xf32>)
        %parallel_loop3A_418 = arith.constant dense<true> : vector<16xi1>
        %parallel_loop3A_419, %parallel_loop3A_420, %parallel_loop3A_421 = tpu.sort %parallel_loop3A_412, %parallel_loop3A_412 masked %parallel_loop3A_418 {descending = true} : (vector<16xf32>, vector<16xf32>, vector<16xi1>) -> (vector<16xi1>, vector<16xf32>, vector<16xf32>)
        %parallel_loop3A_422 = arith.minimumf %parallel_loop3A_220, %parallel_loop3A_228 : vector<16xf32>
        %parallel_loop3A_423 = arith.maximumf %parallel_loop3A_220, %parallel_loop3A_228 : vector<16xf32>
        %parallel_loop3A_424 = arith.constant dense<true> : vector<16xi1>
        %parallel_loop3A_425, %parallel_loop3A_426, %parallel_loop3A_427 = tpu.sort %parallel_loop3A_422, %parallel_loop3A_422 masked %parallel_loop3A_424 : (vector<16xf32>, vector<16xf32>, vector<16xi1>) -> (vector<16xi1>, vector<16xf32>, vector<16xf32>)
        %parallel_loop3A_428 = arith.constant dense<true> : vector<16xi1>
        %parallel_loop3A_429, %parallel_loop3A_430, %parallel_loop3A_431 = tpu.sort %parallel_loop3A_423, %parallel_loop3A_423 masked %parallel_loop3A_428 : (vector<16xf32>, vector<16xf32>, vector<16xi1>) -> (vector<16xi1>, vector<16xf32>, vector<16xf32>)
        %parallel_loop3A_432 = arith.minimumf %parallel_loop3A_236, %parallel_loop3A_244 : vector<16xf32>
        %parallel_loop3A_433 = arith.maximumf %parallel_loop3A_236, %parallel_loop3A_244 : vector<16xf32>
        %parallel_loop3A_434 = arith.constant dense<true> : vector<16xi1>
        %parallel_loop3A_435, %parallel_loop3A_436, %parallel_loop3A_437 = tpu.sort %parallel_loop3A_433, %parallel_loop3A_433 masked %parallel_loop3A_434 {descending = true} : (vector<16xf32>, vector<16xf32>, vector<16xi1>) -> (vector<16xi1>, vector<16xf32>, vector<16xf32>)
        %parallel_loop3A_438 = arith.constant dense<true> : vector<16xi1>
        %parallel_loop3A_439, %parallel_loop3A_440, %parallel_loop3A_441 = tpu.sort %parallel_loop3A_432, %parallel_loop3A_432 masked %parallel_loop3A_438 {descending = true} : (vector<16xf32>, vector<16xf32>, vector<16xi1>) -> (vector<16xi1>, vector<16xf32>, vector<16xf32>)
        %parallel_loop3A_442 = arith.minimumf %parallel_loop3A_252, %parallel_loop3A_260 : vector<16xf32>
        %parallel_loop3A_443 = arith.maximumf %parallel_loop3A_252, %parallel_loop3A_260 : vector<16xf32>
        %parallel_loop3A_444 = arith.constant dense<true> : vector<16xi1>
        %parallel_loop3A_445, %parallel_loop3A_446, %parallel_loop3A_447 = tpu.sort %parallel_loop3A_442, %parallel_loop3A_442 masked %parallel_loop3A_444 : (vector<16xf32>, vector<16xf32>, vector<16xi1>) -> (vector<16xi1>, vector<16xf32>, vector<16xf32>)
        %parallel_loop3A_448 = arith.constant dense<true> : vector<16xi1>
        %parallel_loop3A_449, %parallel_loop3A_450, %parallel_loop3A_451 = tpu.sort %parallel_loop3A_443, %parallel_loop3A_443 masked %parallel_loop3A_448 : (vector<16xf32>, vector<16xf32>, vector<16xi1>) -> (vector<16xi1>, vector<16xf32>, vector<16xf32>)
        %parallel_loop3A_452 = arith.minimumf %parallel_loop3A_268, %parallel_loop3A_276 : vector<16xf32>
        %parallel_loop3A_453 = arith.maximumf %parallel_loop3A_268, %parallel_loop3A_276 : vector<16xf32>
        %parallel_loop3A_454 = arith.constant dense<true> : vector<16xi1>
        %parallel_loop3A_455, %parallel_loop3A_456, %parallel_loop3A_457 = tpu.sort %parallel_loop3A_453, %parallel_loop3A_453 masked %parallel_loop3A_454 {descending = true} : (vector<16xf32>, vector<16xf32>, vector<16xi1>) -> (vector<16xi1>, vector<16xf32>, vector<16xf32>)
        %parallel_loop3A_458 = arith.constant dense<true> : vector<16xi1>
        %parallel_loop3A_459, %parallel_loop3A_460, %parallel_loop3A_461 = tpu.sort %parallel_loop3A_452, %parallel_loop3A_452 masked %parallel_loop3A_458 {descending = true} : (vector<16xf32>, vector<16xf32>, vector<16xi1>) -> (vector<16xi1>, vector<16xf32>, vector<16xf32>)
        %parallel_loop3A_462 = arith.minimumf %parallel_loop3A_284, %parallel_loop3A_292 : vector<16xf32>
        %parallel_loop3A_463 = arith.maximumf %parallel_loop3A_284, %parallel_loop3A_292 : vector<16xf32>
        %parallel_loop3A_464 = arith.constant dense<true> : vector<16xi1>
        %parallel_loop3A_465, %parallel_loop3A_466, %parallel_loop3A_467 = tpu.sort %parallel_loop3A_462, %parallel_loop3A_462 masked %parallel_loop3A_464 : (vector<16xf32>, vector<16xf32>, vector<16xi1>) -> (vector<16xi1>, vector<16xf32>, vector<16xf32>)
        %parallel_loop3A_468 = arith.constant dense<true> : vector<16xi1>
        %parallel_loop3A_469, %parallel_loop3A_470, %parallel_loop3A_471 = tpu.sort %parallel_loop3A_463, %parallel_loop3A_463 masked %parallel_loop3A_468 : (vector<16xf32>, vector<16xf32>, vector<16xi1>) -> (vector<16xi1>, vector<16xf32>, vector<16xf32>)
        %parallel_loop3A_472 = arith.minimumf %parallel_loop3A_300, %parallel_loop3A_308 : vector<16xf32>
        %parallel_loop3A_473 = arith.maximumf %parallel_loop3A_300, %parallel_loop3A_308 : vector<16xf32>
        %parallel_loop3A_474 = arith.constant dense<true> : vector<16xi1>
        %parallel_loop3A_475, %parallel_loop3A_476, %parallel_loop3A_477 = tpu.sort %parallel_loop3A_473, %parallel_loop3A_473 masked %parallel_loop3A_474 {descending = true} : (vector<16xf32>, vector<16xf32>, vector<16xi1>) -> (vector<16xi1>, vector<16xf32>, vector<16xf32>)
        %parallel_loop3A_478 = arith.constant dense<true> : vector<16xi1>
        %parallel_loop3A_479, %parallel_loop3A_480, %parallel_loop3A_481 = tpu.sort %parallel_loop3A_472, %parallel_loop3A_472 masked %parallel_loop3A_478 {descending = true} : (vector<16xf32>, vector<16xf32>, vector<16xi1>) -> (vector<16xi1>, vector<16xf32>, vector<16xf32>)
        %parallel_loop3A_482 = arith.minimumf %parallel_loop3A_316, %parallel_loop3A_324 : vector<16xf32>
        %parallel_loop3A_483 = arith.maximumf %parallel_loop3A_316, %parallel_loop3A_324 : vector<16xf32>
        %parallel_loop3A_484 = arith.constant dense<true> : vector<16xi1>
        %parallel_loop3A_485, %parallel_loop3A_486, %parallel_loop3A_487 = tpu.sort %parallel_loop3A_482, %parallel_loop3A_482 masked %parallel_loop3A_484 : (vector<16xf32>, vector<16xf32>, vector<16xi1>) -> (vector<16xi1>, vector<16xf32>, vector<16xf32>)
        %parallel_loop3A_488 = arith.constant dense<true> : vector<16xi1>
        %parallel_loop3A_489, %parallel_loop3A_490, %parallel_loop3A_491 = tpu.sort %parallel_loop3A_483, %parallel_loop3A_483 masked %parallel_loop3A_488 : (vector<16xf32>, vector<16xf32>, vector<16xi1>) -> (vector<16xi1>, vector<16xf32>, vector<16xf32>)
        %parallel_loop3A_492 = arith.minimumf %parallel_loop3A_332, %parallel_loop3A_340 : vector<16xf32>
        %parallel_loop3A_493 = arith.maximumf %parallel_loop3A_332, %parallel_loop3A_340 : vector<16xf32>
        %parallel_loop3A_494 = arith.constant dense<true> : vector<16xi1>
        %parallel_loop3A_495, %parallel_loop3A_496, %parallel_loop3A_497 = tpu.sort %parallel_loop3A_493, %parallel_loop3A_493 masked %parallel_loop3A_494 {descending = true} : (vector<16xf32>, vector<16xf32>, vector<16xi1>) -> (vector<16xi1>, vector<16xf32>, vector<16xf32>)
        %parallel_loop3A_498 = arith.constant dense<true> : vector<16xi1>
        %parallel_loop3A_499, %parallel_loop3A_500, %parallel_loop3A_501 = tpu.sort %parallel_loop3A_492, %parallel_loop3A_492 masked %parallel_loop3A_498 {descending = true} : (vector<16xf32>, vector<16xf32>, vector<16xi1>) -> (vector<16xi1>, vector<16xf32>, vector<16xf32>)
        %parallel_loop3A_502 = arith.minimumf %parallel_loop3A_346, %parallel_loop3A_356 : vector<16xf32>
        %parallel_loop3A_503 = arith.minimumf %parallel_loop3A_350, %parallel_loop3A_360 : vector<16xf32>
        %parallel_loop3A_504 = arith.maximumf %parallel_loop3A_346, %parallel_loop3A_356 : vector<16xf32>
        %parallel_loop3A_505 = arith.maximumf %parallel_loop3A_350, %parallel_loop3A_360 : vector<16xf32>
        %parallel_loop3A_506 = arith.minimumf %parallel_loop3A_502, %parallel_loop3A_503 : vector<16xf32>
        %parallel_loop3A_507 = arith.maximumf %parallel_loop3A_502, %parallel_loop3A_503 : vector<16xf32>
        %parallel_loop3A_508 = arith.constant dense<true> : vector<16xi1>
        %parallel_loop3A_509, %parallel_loop3A_510, %parallel_loop3A_511 = tpu.sort %parallel_loop3A_506, %parallel_loop3A_506 masked %parallel_loop3A_508 : (vector<16xf32>, vector<16xf32>, vector<16xi1>) -> (vector<16xi1>, vector<16xf32>, vector<16xf32>)
        %parallel_loop3A_512 = arith.constant dense<true> : vector<16xi1>
        %parallel_loop3A_513, %parallel_loop3A_514, %parallel_loop3A_515 = tpu.sort %parallel_loop3A_507, %parallel_loop3A_507 masked %parallel_loop3A_512 : (vector<16xf32>, vector<16xf32>, vector<16xi1>) -> (vector<16xi1>, vector<16xf32>, vector<16xf32>)
        %parallel_loop3A_516 = arith.minimumf %parallel_loop3A_504, %parallel_loop3A_505 : vector<16xf32>
        %parallel_loop3A_517 = arith.maximumf %parallel_loop3A_504, %parallel_loop3A_505 : vector<16xf32>
        %parallel_loop3A_518 = arith.constant dense<true> : vector<16xi1>
        %parallel_loop3A_519, %parallel_loop3A_520, %parallel_loop3A_521 = tpu.sort %parallel_loop3A_516, %parallel_loop3A_516 masked %parallel_loop3A_518 : (vector<16xf32>, vector<16xf32>, vector<16xi1>) -> (vector<16xi1>, vector<16xf32>, vector<16xf32>)
        %parallel_loop3A_522 = arith.constant dense<true> : vector<16xi1>
        %parallel_loop3A_523, %parallel_loop3A_524, %parallel_loop3A_525 = tpu.sort %parallel_loop3A_517, %parallel_loop3A_517 masked %parallel_loop3A_522 : (vector<16xf32>, vector<16xf32>, vector<16xi1>) -> (vector<16xi1>, vector<16xf32>, vector<16xf32>)
        %parallel_loop3A_526 = arith.minimumf %parallel_loop3A_366, %parallel_loop3A_376 : vector<16xf32>
        %parallel_loop3A_527 = arith.minimumf %parallel_loop3A_370, %parallel_loop3A_380 : vector<16xf32>
        %parallel_loop3A_528 = arith.maximumf %parallel_loop3A_366, %parallel_loop3A_376 : vector<16xf32>
        %parallel_loop3A_529 = arith.maximumf %parallel_loop3A_370, %parallel_loop3A_380 : vector<16xf32>
        %parallel_loop3A_530 = arith.minimumf %parallel_loop3A_528, %parallel_loop3A_529 : vector<16xf32>
        %parallel_loop3A_531 = arith.maximumf %parallel_loop3A_528, %parallel_loop3A_529 : vector<16xf32>
        %parallel_loop3A_532 = arith.constant dense<true> : vector<16xi1>
        %parallel_loop3A_533, %parallel_loop3A_534, %parallel_loop3A_535 = tpu.sort %parallel_loop3A_531, %parallel_loop3A_531 masked %parallel_loop3A_532 {descending = true} : (vector<16xf32>, vector<16xf32>, vector<16xi1>) -> (vector<16xi1>, vector<16xf32>, vector<16xf32>)
        %parallel_loop3A_536 = arith.constant dense<true> : vector<16xi1>
        %parallel_loop3A_537, %parallel_loop3A_538, %parallel_loop3A_539 = tpu.sort %parallel_loop3A_530, %parallel_loop3A_530 masked %parallel_loop3A_536 {descending = true} : (vector<16xf32>, vector<16xf32>, vector<16xi1>) -> (vector<16xi1>, vector<16xf32>, vector<16xf32>)
        %parallel_loop3A_540 = arith.minimumf %parallel_loop3A_526, %parallel_loop3A_527 : vector<16xf32>
        %parallel_loop3A_541 = arith.maximumf %parallel_loop3A_526, %parallel_loop3A_527 : vector<16xf32>
        %parallel_loop3A_542 = arith.constant dense<true> : vector<16xi1>
        %parallel_loop3A_543, %parallel_loop3A_544, %parallel_loop3A_545 = tpu.sort %parallel_loop3A_541, %parallel_loop3A_541 masked %parallel_loop3A_542 {descending = true} : (vector<16xf32>, vector<16xf32>, vector<16xi1>) -> (vector<16xi1>, vector<16xf32>, vector<16xf32>)
        %parallel_loop3A_546 = arith.constant dense<true> : vector<16xi1>
        %parallel_loop3A_547, %parallel_loop3A_548, %parallel_loop3A_549 = tpu.sort %parallel_loop3A_540, %parallel_loop3A_540 masked %parallel_loop3A_546 {descending = true} : (vector<16xf32>, vector<16xf32>, vector<16xi1>) -> (vector<16xi1>, vector<16xf32>, vector<16xf32>)
        %parallel_loop3A_550 = arith.minimumf %parallel_loop3A_386, %parallel_loop3A_396 : vector<16xf32>
        %parallel_loop3A_551 = arith.minimumf %parallel_loop3A_390, %parallel_loop3A_400 : vector<16xf32>
        %parallel_loop3A_552 = arith.maximumf %parallel_loop3A_386, %parallel_loop3A_396 : vector<16xf32>
        %parallel_loop3A_553 = arith.maximumf %parallel_loop3A_390, %parallel_loop3A_400 : vector<16xf32>
        %parallel_loop3A_554 = arith.minimumf %parallel_loop3A_550, %parallel_loop3A_551 : vector<16xf32>
        %parallel_loop3A_555 = arith.maximumf %parallel_loop3A_550, %parallel_loop3A_551 : vector<16xf32>
        %parallel_loop3A_556 = arith.constant dense<true> : vector<16xi1>
        %parallel_loop3A_557, %parallel_loop3A_558, %parallel_loop3A_559 = tpu.sort %parallel_loop3A_554, %parallel_loop3A_554 masked %parallel_loop3A_556 : (vector<16xf32>, vector<16xf32>, vector<16xi1>) -> (vector<16xi1>, vector<16xf32>, vector<16xf32>)
        %parallel_loop3A_560 = arith.constant dense<true> : vector<16xi1>
        %parallel_loop3A_561, %parallel_loop3A_562, %parallel_loop3A_563 = tpu.sort %parallel_loop3A_555, %parallel_loop3A_555 masked %parallel_loop3A_560 : (vector<16xf32>, vector<16xf32>, vector<16xi1>) -> (vector<16xi1>, vector<16xf32>, vector<16xf32>)
        %parallel_loop3A_564 = arith.minimumf %parallel_loop3A_552, %parallel_loop3A_553 : vector<16xf32>
        %parallel_loop3A_565 = arith.maximumf %parallel_loop3A_552, %parallel_loop3A_553 : vector<16xf32>
        %parallel_loop3A_566 = arith.constant dense<true> : vector<16xi1>
        %parallel_loop3A_567, %parallel_loop3A_568, %parallel_loop3A_569 = tpu.sort %parallel_loop3A_564, %parallel_loop3A_564 masked %parallel_loop3A_566 : (vector<16xf32>, vector<16xf32>, vector<16xi1>) -> (vector<16xi1>, vector<16xf32>, vector<16xf32>)
        %parallel_loop3A_570 = arith.constant dense<true> : vector<16xi1>
        %parallel_loop3A_571, %parallel_loop3A_572, %parallel_loop3A_573 = tpu.sort %parallel_loop3A_565, %parallel_loop3A_565 masked %parallel_loop3A_570 : (vector<16xf32>, vector<16xf32>, vector<16xi1>) -> (vector<16xi1>, vector<16xf32>, vector<16xf32>)
        %parallel_loop3A_574 = arith.minimumf %parallel_loop3A_406, %parallel_loop3A_416 : vector<16xf32>
        %parallel_loop3A_575 = arith.minimumf %parallel_loop3A_410, %parallel_loop3A_420 : vector<16xf32>
        %parallel_loop3A_576 = arith.maximumf %parallel_loop3A_406, %parallel_loop3A_416 : vector<16xf32>
        %parallel_loop3A_577 = arith.maximumf %parallel_loop3A_410, %parallel_loop3A_420 : vector<16xf32>
        %parallel_loop3A_578 = arith.minimumf %parallel_loop3A_576, %parallel_loop3A_577 : vector<16xf32>
        %parallel_loop3A_579 = arith.maximumf %parallel_loop3A_576, %parallel_loop3A_577 : vector<16xf32>
        %parallel_loop3A_580 = arith.constant dense<true> : vector<16xi1>
        %parallel_loop3A_581, %parallel_loop3A_582, %parallel_loop3A_583 = tpu.sort %parallel_loop3A_579, %parallel_loop3A_579 masked %parallel_loop3A_580 {descending = true} : (vector<16xf32>, vector<16xf32>, vector<16xi1>) -> (vector<16xi1>, vector<16xf32>, vector<16xf32>)
        %parallel_loop3A_584 = arith.constant dense<true> : vector<16xi1>
        %parallel_loop3A_585, %parallel_loop3A_586, %parallel_loop3A_587 = tpu.sort %parallel_loop3A_578, %parallel_loop3A_578 masked %parallel_loop3A_584 {descending = true} : (vector<16xf32>, vector<16xf32>, vector<16xi1>) -> (vector<16xi1>, vector<16xf32>, vector<16xf32>)
        %parallel_loop3A_588 = arith.minimumf %parallel_loop3A_574, %parallel_loop3A_575 : vector<16xf32>
        %parallel_loop3A_589 = arith.maximumf %parallel_loop3A_574, %parallel_loop3A_575 : vector<16xf32>
        %parallel_loop3A_590 = arith.constant dense<true> : vector<16xi1>
        %parallel_loop3A_591, %parallel_loop3A_592, %parallel_loop3A_593 = tpu.sort %parallel_loop3A_589, %parallel_loop3A_589 masked %parallel_loop3A_590 {descending = true} : (vector<16xf32>, vector<16xf32>, vector<16xi1>) -> (vector<16xi1>, vector<16xf32>, vector<16xf32>)
        %parallel_loop3A_594 = arith.constant dense<true> : vector<16xi1>
        %parallel_loop3A_595, %parallel_loop3A_596, %parallel_loop3A_597 = tpu.sort %parallel_loop3A_588, %parallel_loop3A_588 masked %parallel_loop3A_594 {descending = true} : (vector<16xf32>, vector<16xf32>, vector<16xi1>) -> (vector<16xi1>, vector<16xf32>, vector<16xf32>)
        %parallel_loop3A_598 = arith.minimumf %parallel_loop3A_426, %parallel_loop3A_436 : vector<16xf32>
        %parallel_loop3A_599 = arith.minimumf %parallel_loop3A_430, %parallel_loop3A_440 : vector<16xf32>
        %parallel_loop3A_600 = arith.maximumf %parallel_loop3A_426, %parallel_loop3A_436 : vector<16xf32>
        %parallel_loop3A_601 = arith.maximumf %parallel_loop3A_430, %parallel_loop3A_440 : vector<16xf32>
        %parallel_loop3A_602 = arith.minimumf %parallel_loop3A_598, %parallel_loop3A_599 : vector<16xf32>
        %parallel_loop3A_603 = arith.maximumf %parallel_loop3A_598, %parallel_loop3A_599 : vector<16xf32>
        %parallel_loop3A_604 = arith.constant dense<true> : vector<16xi1>
        %parallel_loop3A_605, %parallel_loop3A_606, %parallel_loop3A_607 = tpu.sort %parallel_loop3A_602, %parallel_loop3A_602 masked %parallel_loop3A_604 : (vector<16xf32>, vector<16xf32>, vector<16xi1>) -> (vector<16xi1>, vector<16xf32>, vector<16xf32>)
        %parallel_loop3A_608 = arith.constant dense<true> : vector<16xi1>
        %parallel_loop3A_609, %parallel_loop3A_610, %parallel_loop3A_611 = tpu.sort %parallel_loop3A_603, %parallel_loop3A_603 masked %parallel_loop3A_608 : (vector<16xf32>, vector<16xf32>, vector<16xi1>) -> (vector<16xi1>, vector<16xf32>, vector<16xf32>)
        %parallel_loop3A_612 = arith.minimumf %parallel_loop3A_600, %parallel_loop3A_601 : vector<16xf32>
        %parallel_loop3A_613 = arith.maximumf %parallel_loop3A_600, %parallel_loop3A_601 : vector<16xf32>
        %parallel_loop3A_614 = arith.constant dense<true> : vector<16xi1>
        %parallel_loop3A_615, %parallel_loop3A_616, %parallel_loop3A_617 = tpu.sort %parallel_loop3A_612, %parallel_loop3A_612 masked %parallel_loop3A_614 : (vector<16xf32>, vector<16xf32>, vector<16xi1>) -> (vector<16xi1>, vector<16xf32>, vector<16xf32>)
        %parallel_loop3A_618 = arith.constant dense<true> : vector<16xi1>
        %parallel_loop3A_619, %parallel_loop3A_620, %parallel_loop3A_621 = tpu.sort %parallel_loop3A_613, %parallel_loop3A_613 masked %parallel_loop3A_618 : (vector<16xf32>, vector<16xf32>, vector<16xi1>) -> (vector<16xi1>, vector<16xf32>, vector<16xf32>)
        %parallel_loop3A_622 = arith.minimumf %parallel_loop3A_446, %parallel_loop3A_456 : vector<16xf32>
        %parallel_loop3A_623 = arith.minimumf %parallel_loop3A_450, %parallel_loop3A_460 : vector<16xf32>
        %parallel_loop3A_624 = arith.maximumf %parallel_loop3A_446, %parallel_loop3A_456 : vector<16xf32>
        %parallel_loop3A_625 = arith.maximumf %parallel_loop3A_450, %parallel_loop3A_460 : vector<16xf32>
        %parallel_loop3A_626 = arith.minimumf %parallel_loop3A_624, %parallel_loop3A_625 : vector<16xf32>
        %parallel_loop3A_627 = arith.maximumf %parallel_loop3A_624, %parallel_loop3A_625 : vector<16xf32>
        %parallel_loop3A_628 = arith.constant dense<true> : vector<16xi1>
        %parallel_loop3A_629, %parallel_loop3A_630, %parallel_loop3A_631 = tpu.sort %parallel_loop3A_627, %parallel_loop3A_627 masked %parallel_loop3A_628 {descending = true} : (vector<16xf32>, vector<16xf32>, vector<16xi1>) -> (vector<16xi1>, vector<16xf32>, vector<16xf32>)
        %parallel_loop3A_632 = arith.constant dense<true> : vector<16xi1>
        %parallel_loop3A_633, %parallel_loop3A_634, %parallel_loop3A_635 = tpu.sort %parallel_loop3A_626, %parallel_loop3A_626 masked %parallel_loop3A_632 {descending = true} : (vector<16xf32>, vector<16xf32>, vector<16xi1>) -> (vector<16xi1>, vector<16xf32>, vector<16xf32>)
        %parallel_loop3A_636 = arith.minimumf %parallel_loop3A_622, %parallel_loop3A_623 : vector<16xf32>
        %parallel_loop3A_637 = arith.maximumf %parallel_loop3A_622, %parallel_loop3A_623 : vector<16xf32>
        %parallel_loop3A_638 = arith.constant dense<true> : vector<16xi1>
        %parallel_loop3A_639, %parallel_loop3A_640, %parallel_loop3A_641 = tpu.sort %parallel_loop3A_637, %parallel_loop3A_637 masked %parallel_loop3A_638 {descending = true} : (vector<16xf32>, vector<16xf32>, vector<16xi1>) -> (vector<16xi1>, vector<16xf32>, vector<16xf32>)
        %parallel_loop3A_642 = arith.constant dense<true> : vector<16xi1>
        %parallel_loop3A_643, %parallel_loop3A_644, %parallel_loop3A_645 = tpu.sort %parallel_loop3A_636, %parallel_loop3A_636 masked %parallel_loop3A_642 {descending = true} : (vector<16xf32>, vector<16xf32>, vector<16xi1>) -> (vector<16xi1>, vector<16xf32>, vector<16xf32>)
        %parallel_loop3A_646 = arith.minimumf %parallel_loop3A_466, %parallel_loop3A_476 : vector<16xf32>
        %parallel_loop3A_647 = arith.minimumf %parallel_loop3A_470, %parallel_loop3A_480 : vector<16xf32>
        %parallel_loop3A_648 = arith.maximumf %parallel_loop3A_466, %parallel_loop3A_476 : vector<16xf32>
        %parallel_loop3A_649 = arith.maximumf %parallel_loop3A_470, %parallel_loop3A_480 : vector<16xf32>
        %parallel_loop3A_650 = arith.minimumf %parallel_loop3A_646, %parallel_loop3A_647 : vector<16xf32>
        %parallel_loop3A_651 = arith.maximumf %parallel_loop3A_646, %parallel_loop3A_647 : vector<16xf32>
        %parallel_loop3A_652 = arith.constant dense<true> : vector<16xi1>
        %parallel_loop3A_653, %parallel_loop3A_654, %parallel_loop3A_655 = tpu.sort %parallel_loop3A_650, %parallel_loop3A_650 masked %parallel_loop3A_652 : (vector<16xf32>, vector<16xf32>, vector<16xi1>) -> (vector<16xi1>, vector<16xf32>, vector<16xf32>)
        %parallel_loop3A_656 = arith.constant dense<true> : vector<16xi1>
        %parallel_loop3A_657, %parallel_loop3A_658, %parallel_loop3A_659 = tpu.sort %parallel_loop3A_651, %parallel_loop3A_651 masked %parallel_loop3A_656 : (vector<16xf32>, vector<16xf32>, vector<16xi1>) -> (vector<16xi1>, vector<16xf32>, vector<16xf32>)
        %parallel_loop3A_660 = arith.minimumf %parallel_loop3A_648, %parallel_loop3A_649 : vector<16xf32>
        %parallel_loop3A_661 = arith.maximumf %parallel_loop3A_648, %parallel_loop3A_649 : vector<16xf32>
        %parallel_loop3A_662 = arith.constant dense<true> : vector<16xi1>
        %parallel_loop3A_663, %parallel_loop3A_664, %parallel_loop3A_665 = tpu.sort %parallel_loop3A_660, %parallel_loop3A_660 masked %parallel_loop3A_662 : (vector<16xf32>, vector<16xf32>, vector<16xi1>) -> (vector<16xi1>, vector<16xf32>, vector<16xf32>)
        %parallel_loop3A_666 = arith.constant dense<true> : vector<16xi1>
        %parallel_loop3A_667, %parallel_loop3A_668, %parallel_loop3A_669 = tpu.sort %parallel_loop3A_661, %parallel_loop3A_661 masked %parallel_loop3A_666 : (vector<16xf32>, vector<16xf32>, vector<16xi1>) -> (vector<16xi1>, vector<16xf32>, vector<16xf32>)
        %parallel_loop3A_670 = arith.minimumf %parallel_loop3A_486, %parallel_loop3A_496 : vector<16xf32>
        %parallel_loop3A_671 = arith.minimumf %parallel_loop3A_490, %parallel_loop3A_500 : vector<16xf32>
        %parallel_loop3A_672 = arith.maximumf %parallel_loop3A_486, %parallel_loop3A_496 : vector<16xf32>
        %parallel_loop3A_673 = arith.maximumf %parallel_loop3A_490, %parallel_loop3A_500 : vector<16xf32>
        %parallel_loop3A_674 = arith.minimumf %parallel_loop3A_672, %parallel_loop3A_673 : vector<16xf32>
        %parallel_loop3A_675 = arith.maximumf %parallel_loop3A_672, %parallel_loop3A_673 : vector<16xf32>
        %parallel_loop3A_676 = arith.constant dense<true> : vector<16xi1>
        %parallel_loop3A_677, %parallel_loop3A_678, %parallel_loop3A_679 = tpu.sort %parallel_loop3A_675, %parallel_loop3A_675 masked %parallel_loop3A_676 {descending = true} : (vector<16xf32>, vector<16xf32>, vector<16xi1>) -> (vector<16xi1>, vector<16xf32>, vector<16xf32>)
        %parallel_loop3A_680 = arith.constant dense<true> : vector<16xi1>
        %parallel_loop3A_681, %parallel_loop3A_682, %parallel_loop3A_683 = tpu.sort %parallel_loop3A_674, %parallel_loop3A_674 masked %parallel_loop3A_680 {descending = true} : (vector<16xf32>, vector<16xf32>, vector<16xi1>) -> (vector<16xi1>, vector<16xf32>, vector<16xf32>)
        %parallel_loop3A_684 = arith.minimumf %parallel_loop3A_670, %parallel_loop3A_671 : vector<16xf32>
        %parallel_loop3A_685 = arith.maximumf %parallel_loop3A_670, %parallel_loop3A_671 : vector<16xf32>
        %parallel_loop3A_686 = arith.constant dense<true> : vector<16xi1>
        %parallel_loop3A_687, %parallel_loop3A_688, %parallel_loop3A_689 = tpu.sort %parallel_loop3A_685, %parallel_loop3A_685 masked %parallel_loop3A_686 {descending = true} : (vector<16xf32>, vector<16xf32>, vector<16xi1>) -> (vector<16xi1>, vector<16xf32>, vector<16xf32>)
        %parallel_loop3A_690 = arith.constant dense<true> : vector<16xi1>
        %parallel_loop3A_691, %parallel_loop3A_692, %parallel_loop3A_693 = tpu.sort %parallel_loop3A_684, %parallel_loop3A_684 masked %parallel_loop3A_690 {descending = true} : (vector<16xf32>, vector<16xf32>, vector<16xi1>) -> (vector<16xi1>, vector<16xf32>, vector<16xf32>)
        %parallel_loop3A_694 = arith.minimumf %parallel_loop3A_510, %parallel_loop3A_534 : vector<16xf32>
        %parallel_loop3A_695 = arith.minimumf %parallel_loop3A_514, %parallel_loop3A_538 : vector<16xf32>
        %parallel_loop3A_696 = arith.minimumf %parallel_loop3A_520, %parallel_loop3A_544 : vector<16xf32>
        %parallel_loop3A_697 = arith.minimumf %parallel_loop3A_524, %parallel_loop3A_548 : vector<16xf32>
        %parallel_loop3A_698 = arith.maximumf %parallel_loop3A_510, %parallel_loop3A_534 : vector<16xf32>
        %parallel_loop3A_699 = arith.maximumf %parallel_loop3A_514, %parallel_loop3A_538 : vector<16xf32>
        %parallel_loop3A_700 = arith.maximumf %parallel_loop3A_520, %parallel_loop3A_544 : vector<16xf32>
        %parallel_loop3A_701 = arith.maximumf %parallel_loop3A_524, %parallel_loop3A_548 : vector<16xf32>
        %parallel_loop3A_702 = arith.minimumf %parallel_loop3A_698, %parallel_loop3A_700 : vector<16xf32>
        %parallel_loop3A_703 = arith.minimumf %parallel_loop3A_699, %parallel_loop3A_701 : vector<16xf32>
        %parallel_loop3A_704 = arith.maximumf %parallel_loop3A_698, %parallel_loop3A_700 : vector<16xf32>
        %parallel_loop3A_705 = arith.maximumf %parallel_loop3A_699, %parallel_loop3A_701 : vector<16xf32>
        %parallel_loop3A_706 = arith.minimumf %parallel_loop3A_702, %parallel_loop3A_703 : vector<16xf32>
        %parallel_loop3A_707 = arith.maximumf %parallel_loop3A_702, %parallel_loop3A_703 : vector<16xf32>
        %parallel_loop3A_708 = arith.constant dense<true> : vector<16xi1>
        %parallel_loop3A_709, %parallel_loop3A_710, %parallel_loop3A_711 = tpu.sort %parallel_loop3A_706, %parallel_loop3A_706 masked %parallel_loop3A_708 : (vector<16xf32>, vector<16xf32>, vector<16xi1>) -> (vector<16xi1>, vector<16xf32>, vector<16xf32>)
        %parallel_loop3A_712 = arith.constant dense<true> : vector<16xi1>
        %parallel_loop3A_713, %parallel_loop3A_714, %parallel_loop3A_715 = tpu.sort %parallel_loop3A_707, %parallel_loop3A_707 masked %parallel_loop3A_712 : (vector<16xf32>, vector<16xf32>, vector<16xi1>) -> (vector<16xi1>, vector<16xf32>, vector<16xf32>)
        %parallel_loop3A_716 = arith.minimumf %parallel_loop3A_704, %parallel_loop3A_705 : vector<16xf32>
        %parallel_loop3A_717 = arith.maximumf %parallel_loop3A_704, %parallel_loop3A_705 : vector<16xf32>
        %parallel_loop3A_718 = arith.constant dense<true> : vector<16xi1>
        %parallel_loop3A_719, %parallel_loop3A_720, %parallel_loop3A_721 = tpu.sort %parallel_loop3A_716, %parallel_loop3A_716 masked %parallel_loop3A_718 : (vector<16xf32>, vector<16xf32>, vector<16xi1>) -> (vector<16xi1>, vector<16xf32>, vector<16xf32>)
        %parallel_loop3A_722 = arith.constant dense<true> : vector<16xi1>
        %parallel_loop3A_723, %parallel_loop3A_724, %parallel_loop3A_725 = tpu.sort %parallel_loop3A_717, %parallel_loop3A_717 masked %parallel_loop3A_722 : (vector<16xf32>, vector<16xf32>, vector<16xi1>) -> (vector<16xi1>, vector<16xf32>, vector<16xf32>)
        %parallel_loop3A_726 = arith.minimumf %parallel_loop3A_558, %parallel_loop3A_582 : vector<16xf32>
        %parallel_loop3A_727 = arith.minimumf %parallel_loop3A_562, %parallel_loop3A_586 : vector<16xf32>
        %parallel_loop3A_728 = arith.minimumf %parallel_loop3A_568, %parallel_loop3A_592 : vector<16xf32>
        %parallel_loop3A_729 = arith.minimumf %parallel_loop3A_572, %parallel_loop3A_596 : vector<16xf32>
        %parallel_loop3A_730 = arith.maximumf %parallel_loop3A_558, %parallel_loop3A_582 : vector<16xf32>
        %parallel_loop3A_731 = arith.maximumf %parallel_loop3A_562, %parallel_loop3A_586 : vector<16xf32>
        %parallel_loop3A_732 = arith.maximumf %parallel_loop3A_568, %parallel_loop3A_592 : vector<16xf32>
        %parallel_loop3A_733 = arith.maximumf %parallel_loop3A_572, %parallel_loop3A_596 : vector<16xf32>
        %parallel_loop3A_734 = arith.minimumf %parallel_loop3A_730, %parallel_loop3A_732 : vector<16xf32>
        %parallel_loop3A_735 = arith.minimumf %parallel_loop3A_731, %parallel_loop3A_733 : vector<16xf32>
        %parallel_loop3A_736 = arith.maximumf %parallel_loop3A_730, %parallel_loop3A_732 : vector<16xf32>
        %parallel_loop3A_737 = arith.maximumf %parallel_loop3A_731, %parallel_loop3A_733 : vector<16xf32>
        %parallel_loop3A_738 = arith.minimumf %parallel_loop3A_736, %parallel_loop3A_737 : vector<16xf32>
        %parallel_loop3A_739 = arith.maximumf %parallel_loop3A_736, %parallel_loop3A_737 : vector<16xf32>
        %parallel_loop3A_740 = arith.constant dense<true> : vector<16xi1>
        %parallel_loop3A_741, %parallel_loop3A_742, %parallel_loop3A_743 = tpu.sort %parallel_loop3A_739, %parallel_loop3A_739 masked %parallel_loop3A_740 {descending = true} : (vector<16xf32>, vector<16xf32>, vector<16xi1>) -> (vector<16xi1>, vector<16xf32>, vector<16xf32>)
        %parallel_loop3A_744 = arith.constant dense<true> : vector<16xi1>
        %parallel_loop3A_745, %parallel_loop3A_746, %parallel_loop3A_747 = tpu.sort %parallel_loop3A_738, %parallel_loop3A_738 masked %parallel_loop3A_744 {descending = true} : (vector<16xf32>, vector<16xf32>, vector<16xi1>) -> (vector<16xi1>, vector<16xf32>, vector<16xf32>)
        %parallel_loop3A_748 = arith.minimumf %parallel_loop3A_734, %parallel_loop3A_735 : vector<16xf32>
        %parallel_loop3A_749 = arith.maximumf %parallel_loop3A_734, %parallel_loop3A_735 : vector<16xf32>
        %parallel_loop3A_750 = arith.constant dense<true> : vector<16xi1>
        %parallel_loop3A_751, %parallel_loop3A_752, %parallel_loop3A_753 = tpu.sort %parallel_loop3A_749, %parallel_loop3A_749 masked %parallel_loop3A_750 {descending = true} : (vector<16xf32>, vector<16xf32>, vector<16xi1>) -> (vector<16xi1>, vector<16xf32>, vector<16xf32>)
        %parallel_loop3A_754 = arith.constant dense<true> : vector<16xi1>
        %parallel_loop3A_755, %parallel_loop3A_756, %parallel_loop3A_757 = tpu.sort %parallel_loop3A_748, %parallel_loop3A_748 masked %parallel_loop3A_754 {descending = true} : (vector<16xf32>, vector<16xf32>, vector<16xi1>) -> (vector<16xi1>, vector<16xf32>, vector<16xf32>)
        %parallel_loop3A_758 = arith.minimumf %parallel_loop3A_606, %parallel_loop3A_630 : vector<16xf32>
        %parallel_loop3A_759 = arith.minimumf %parallel_loop3A_610, %parallel_loop3A_634 : vector<16xf32>
        %parallel_loop3A_760 = arith.minimumf %parallel_loop3A_616, %parallel_loop3A_640 : vector<16xf32>
        %parallel_loop3A_761 = arith.minimumf %parallel_loop3A_620, %parallel_loop3A_644 : vector<16xf32>
        %parallel_loop3A_762 = arith.maximumf %parallel_loop3A_606, %parallel_loop3A_630 : vector<16xf32>
        %parallel_loop3A_763 = arith.maximumf %parallel_loop3A_610, %parallel_loop3A_634 : vector<16xf32>
        %parallel_loop3A_764 = arith.maximumf %parallel_loop3A_616, %parallel_loop3A_640 : vector<16xf32>
        %parallel_loop3A_765 = arith.maximumf %parallel_loop3A_620, %parallel_loop3A_644 : vector<16xf32>
        %parallel_loop3A_766 = arith.minimumf %parallel_loop3A_762, %parallel_loop3A_764 : vector<16xf32>
        %parallel_loop3A_767 = arith.minimumf %parallel_loop3A_763, %parallel_loop3A_765 : vector<16xf32>
        %parallel_loop3A_768 = arith.maximumf %parallel_loop3A_762, %parallel_loop3A_764 : vector<16xf32>
        %parallel_loop3A_769 = arith.maximumf %parallel_loop3A_763, %parallel_loop3A_765 : vector<16xf32>
        %parallel_loop3A_770 = arith.minimumf %parallel_loop3A_766, %parallel_loop3A_767 : vector<16xf32>
        %parallel_loop3A_771 = arith.maximumf %parallel_loop3A_766, %parallel_loop3A_767 : vector<16xf32>
        %parallel_loop3A_772 = arith.constant dense<true> : vector<16xi1>
        %parallel_loop3A_773, %parallel_loop3A_774, %parallel_loop3A_775 = tpu.sort %parallel_loop3A_770, %parallel_loop3A_770 masked %parallel_loop3A_772 : (vector<16xf32>, vector<16xf32>, vector<16xi1>) -> (vector<16xi1>, vector<16xf32>, vector<16xf32>)
        %parallel_loop3A_776 = arith.constant dense<true> : vector<16xi1>
        %parallel_loop3A_777, %parallel_loop3A_778, %parallel_loop3A_779 = tpu.sort %parallel_loop3A_771, %parallel_loop3A_771 masked %parallel_loop3A_776 : (vector<16xf32>, vector<16xf32>, vector<16xi1>) -> (vector<16xi1>, vector<16xf32>, vector<16xf32>)
        %parallel_loop3A_780 = arith.minimumf %parallel_loop3A_768, %parallel_loop3A_769 : vector<16xf32>
        %parallel_loop3A_781 = arith.maximumf %parallel_loop3A_768, %parallel_loop3A_769 : vector<16xf32>
        %parallel_loop3A_782 = arith.constant dense<true> : vector<16xi1>
        %parallel_loop3A_783, %parallel_loop3A_784, %parallel_loop3A_785 = tpu.sort %parallel_loop3A_780, %parallel_loop3A_780 masked %parallel_loop3A_782 : (vector<16xf32>, vector<16xf32>, vector<16xi1>) -> (vector<16xi1>, vector<16xf32>, vector<16xf32>)
        %parallel_loop3A_786 = arith.constant dense<true> : vector<16xi1>
        %parallel_loop3A_787, %parallel_loop3A_788, %parallel_loop3A_789 = tpu.sort %parallel_loop3A_781, %parallel_loop3A_781 masked %parallel_loop3A_786 : (vector<16xf32>, vector<16xf32>, vector<16xi1>) -> (vector<16xi1>, vector<16xf32>, vector<16xf32>)
        %parallel_loop3A_790 = arith.minimumf %parallel_loop3A_654, %parallel_loop3A_678 : vector<16xf32>
        %parallel_loop3A_791 = arith.minimumf %parallel_loop3A_658, %parallel_loop3A_682 : vector<16xf32>
        %parallel_loop3A_792 = arith.minimumf %parallel_loop3A_664, %parallel_loop3A_688 : vector<16xf32>
        %parallel_loop3A_793 = arith.minimumf %parallel_loop3A_668, %parallel_loop3A_692 : vector<16xf32>
        %parallel_loop3A_794 = arith.maximumf %parallel_loop3A_654, %parallel_loop3A_678 : vector<16xf32>
        %parallel_loop3A_795 = arith.maximumf %parallel_loop3A_658, %parallel_loop3A_682 : vector<16xf32>
        %parallel_loop3A_796 = arith.maximumf %parallel_loop3A_664, %parallel_loop3A_688 : vector<16xf32>
        %parallel_loop3A_797 = arith.maximumf %parallel_loop3A_668, %parallel_loop3A_692 : vector<16xf32>
        %parallel_loop3A_798 = arith.minimumf %parallel_loop3A_794, %parallel_loop3A_796 : vector<16xf32>
        %parallel_loop3A_799 = arith.minimumf %parallel_loop3A_795, %parallel_loop3A_797 : vector<16xf32>
        %parallel_loop3A_800 = arith.maximumf %parallel_loop3A_794, %parallel_loop3A_796 : vector<16xf32>
        %parallel_loop3A_801 = arith.maximumf %parallel_loop3A_795, %parallel_loop3A_797 : vector<16xf32>
        %parallel_loop3A_802 = arith.minimumf %parallel_loop3A_800, %parallel_loop3A_801 : vector<16xf32>
        %parallel_loop3A_803 = arith.maximumf %parallel_loop3A_800, %parallel_loop3A_801 : vector<16xf32>
        %parallel_loop3A_804 = arith.constant dense<true> : vector<16xi1>
        %parallel_loop3A_805, %parallel_loop3A_806, %parallel_loop3A_807 = tpu.sort %parallel_loop3A_803, %parallel_loop3A_803 masked %parallel_loop3A_804 {descending = true} : (vector<16xf32>, vector<16xf32>, vector<16xi1>) -> (vector<16xi1>, vector<16xf32>, vector<16xf32>)
        %parallel_loop3A_808 = arith.constant dense<true> : vector<16xi1>
        %parallel_loop3A_809, %parallel_loop3A_810, %parallel_loop3A_811 = tpu.sort %parallel_loop3A_802, %parallel_loop3A_802 masked %parallel_loop3A_808 {descending = true} : (vector<16xf32>, vector<16xf32>, vector<16xi1>) -> (vector<16xi1>, vector<16xf32>, vector<16xf32>)
        %parallel_loop3A_812 = arith.minimumf %parallel_loop3A_798, %parallel_loop3A_799 : vector<16xf32>
        %parallel_loop3A_813 = arith.maximumf %parallel_loop3A_798, %parallel_loop3A_799 : vector<16xf32>
        %parallel_loop3A_814 = arith.constant dense<true> : vector<16xi1>
        %parallel_loop3A_815, %parallel_loop3A_816, %parallel_loop3A_817 = tpu.sort %parallel_loop3A_813, %parallel_loop3A_813 masked %parallel_loop3A_814 {descending = true} : (vector<16xf32>, vector<16xf32>, vector<16xi1>) -> (vector<16xi1>, vector<16xf32>, vector<16xf32>)
        %parallel_loop3A_818 = arith.constant dense<true> : vector<16xi1>
        %parallel_loop3A_819, %parallel_loop3A_820, %parallel_loop3A_821 = tpu.sort %parallel_loop3A_812, %parallel_loop3A_812 masked %parallel_loop3A_818 {descending = true} : (vector<16xf32>, vector<16xf32>, vector<16xi1>) -> (vector<16xi1>, vector<16xf32>, vector<16xf32>)
        %parallel_loop3A_822 = arith.minimumf %parallel_loop3A_710, %parallel_loop3A_742 : vector<16xf32>
        %parallel_loop3A_823 = arith.minimumf %parallel_loop3A_714, %parallel_loop3A_746 : vector<16xf32>
        %parallel_loop3A_824 = arith.minimumf %parallel_loop3A_720, %parallel_loop3A_752 : vector<16xf32>
        %parallel_loop3A_825 = arith.minimumf %parallel_loop3A_724, %parallel_loop3A_756 : vector<16xf32>
        %parallel_loop3A_826 = arith.maximumf %parallel_loop3A_710, %parallel_loop3A_742 : vector<16xf32>
        %parallel_loop3A_827 = arith.maximumf %parallel_loop3A_714, %parallel_loop3A_746 : vector<16xf32>
        %parallel_loop3A_828 = arith.maximumf %parallel_loop3A_720, %parallel_loop3A_752 : vector<16xf32>
        %parallel_loop3A_829 = arith.maximumf %parallel_loop3A_724, %parallel_loop3A_756 : vector<16xf32>
        %parallel_loop3A_830 = arith.minimumf %parallel_loop3A_826, %parallel_loop3A_828 : vector<16xf32>
        %parallel_loop3A_831 = arith.minimumf %parallel_loop3A_827, %parallel_loop3A_829 : vector<16xf32>
        %parallel_loop3A_832 = arith.maximumf %parallel_loop3A_826, %parallel_loop3A_828 : vector<16xf32>
        %parallel_loop3A_833 = arith.maximumf %parallel_loop3A_827, %parallel_loop3A_829 : vector<16xf32>
        %parallel_loop3A_834 = arith.minimumf %parallel_loop3A_830, %parallel_loop3A_831 : vector<16xf32>
        %parallel_loop3A_835 = arith.maximumf %parallel_loop3A_830, %parallel_loop3A_831 : vector<16xf32>
        %parallel_loop3A_836 = arith.constant dense<true> : vector<16xi1>
        %parallel_loop3A_837, %parallel_loop3A_838, %parallel_loop3A_839 = tpu.sort %parallel_loop3A_834, %parallel_loop3A_834 masked %parallel_loop3A_836 : (vector<16xf32>, vector<16xf32>, vector<16xi1>) -> (vector<16xi1>, vector<16xf32>, vector<16xf32>)
        %parallel_loop3A_840 = arith.constant dense<true> : vector<16xi1>
        %parallel_loop3A_841, %parallel_loop3A_842, %parallel_loop3A_843 = tpu.sort %parallel_loop3A_835, %parallel_loop3A_835 masked %parallel_loop3A_840 : (vector<16xf32>, vector<16xf32>, vector<16xi1>) -> (vector<16xi1>, vector<16xf32>, vector<16xf32>)
        %parallel_loop3A_844 = arith.minimumf %parallel_loop3A_832, %parallel_loop3A_833 : vector<16xf32>
        %parallel_loop3A_845 = arith.maximumf %parallel_loop3A_832, %parallel_loop3A_833 : vector<16xf32>
        %parallel_loop3A_846 = arith.constant dense<true> : vector<16xi1>
        %parallel_loop3A_847, %parallel_loop3A_848, %parallel_loop3A_849 = tpu.sort %parallel_loop3A_844, %parallel_loop3A_844 masked %parallel_loop3A_846 : (vector<16xf32>, vector<16xf32>, vector<16xi1>) -> (vector<16xi1>, vector<16xf32>, vector<16xf32>)
        %parallel_loop3A_850 = arith.constant dense<true> : vector<16xi1>
        %parallel_loop3A_851, %parallel_loop3A_852, %parallel_loop3A_853 = tpu.sort %parallel_loop3A_845, %parallel_loop3A_845 masked %parallel_loop3A_850 : (vector<16xf32>, vector<16xf32>, vector<16xi1>) -> (vector<16xi1>, vector<16xf32>, vector<16xf32>)
        %parallel_loop3A_854 = arith.minimumf %parallel_loop3A_774, %parallel_loop3A_806 : vector<16xf32>
        %parallel_loop3A_855 = arith.minimumf %parallel_loop3A_778, %parallel_loop3A_810 : vector<16xf32>
        %parallel_loop3A_856 = arith.minimumf %parallel_loop3A_784, %parallel_loop3A_816 : vector<16xf32>
        %parallel_loop3A_857 = arith.minimumf %parallel_loop3A_788, %parallel_loop3A_820 : vector<16xf32>
        %parallel_loop3A_858 = arith.maximumf %parallel_loop3A_774, %parallel_loop3A_806 : vector<16xf32>
        %parallel_loop3A_859 = arith.maximumf %parallel_loop3A_778, %parallel_loop3A_810 : vector<16xf32>
        %parallel_loop3A_860 = arith.maximumf %parallel_loop3A_784, %parallel_loop3A_816 : vector<16xf32>
        %parallel_loop3A_861 = arith.maximumf %parallel_loop3A_788, %parallel_loop3A_820 : vector<16xf32>
        %parallel_loop3A_862 = arith.minimumf %parallel_loop3A_858, %parallel_loop3A_860 : vector<16xf32>
        %parallel_loop3A_863 = arith.minimumf %parallel_loop3A_859, %parallel_loop3A_861 : vector<16xf32>
        %parallel_loop3A_864 = arith.maximumf %parallel_loop3A_858, %parallel_loop3A_860 : vector<16xf32>
        %parallel_loop3A_865 = arith.maximumf %parallel_loop3A_859, %parallel_loop3A_861 : vector<16xf32>
        %parallel_loop3A_866 = arith.minimumf %parallel_loop3A_864, %parallel_loop3A_865 : vector<16xf32>
        %parallel_loop3A_867 = arith.maximumf %parallel_loop3A_864, %parallel_loop3A_865 : vector<16xf32>
        %parallel_loop3A_868 = arith.constant dense<true> : vector<16xi1>
        %parallel_loop3A_869, %parallel_loop3A_870, %parallel_loop3A_871 = tpu.sort %parallel_loop3A_867, %parallel_loop3A_867 masked %parallel_loop3A_868 {descending = true} : (vector<16xf32>, vector<16xf32>, vector<16xi1>) -> (vector<16xi1>, vector<16xf32>, vector<16xf32>)
        %parallel_loop3A_872 = arith.constant dense<true> : vector<16xi1>
        %parallel_loop3A_873, %parallel_loop3A_874, %parallel_loop3A_875 = tpu.sort %parallel_loop3A_866, %parallel_loop3A_866 masked %parallel_loop3A_872 {descending = true} : (vector<16xf32>, vector<16xf32>, vector<16xi1>) -> (vector<16xi1>, vector<16xf32>, vector<16xf32>)
        %parallel_loop3A_876 = arith.minimumf %parallel_loop3A_862, %parallel_loop3A_863 : vector<16xf32>
        %parallel_loop3A_877 = arith.maximumf %parallel_loop3A_862, %parallel_loop3A_863 : vector<16xf32>
        %parallel_loop3A_878 = arith.constant dense<true> : vector<16xi1>
        %parallel_loop3A_879, %parallel_loop3A_880, %parallel_loop3A_881 = tpu.sort %parallel_loop3A_877, %parallel_loop3A_877 masked %parallel_loop3A_878 {descending = true} : (vector<16xf32>, vector<16xf32>, vector<16xi1>) -> (vector<16xi1>, vector<16xf32>, vector<16xf32>)
        %parallel_loop3A_882 = arith.constant dense<true> : vector<16xi1>
        %parallel_loop3A_883, %parallel_loop3A_884, %parallel_loop3A_885 = tpu.sort %parallel_loop3A_876, %parallel_loop3A_876 masked %parallel_loop3A_882 {descending = true} : (vector<16xf32>, vector<16xf32>, vector<16xi1>) -> (vector<16xi1>, vector<16xf32>, vector<16xf32>)
        %parallel_loop3A_886 = arith.maximumf %parallel_loop3A_838, %parallel_loop3A_870 : vector<16xf32>
        %parallel_loop3A_887 = arith.maximumf %parallel_loop3A_842, %parallel_loop3A_874 : vector<16xf32>
        %parallel_loop3A_888 = arith.maximumf %parallel_loop3A_848, %parallel_loop3A_880 : vector<16xf32>
        %parallel_loop3A_889 = arith.maximumf %parallel_loop3A_852, %parallel_loop3A_884 : vector<16xf32>
        %parallel_loop3A_890 = arith.minimumf %parallel_loop3A_886, %parallel_loop3A_888 : vector<16xf32>
        %parallel_loop3A_891 = arith.minimumf %parallel_loop3A_887, %parallel_loop3A_889 : vector<16xf32>
        %parallel_loop3A_892 = arith.minimumf %parallel_loop3A_890, %parallel_loop3A_891 : vector<16xf32>
        %parallel_loop3A_893 = arith.constant dense<true> : vector<16xi1>
        %parallel_loop3A_894, %parallel_loop3A_895, %parallel_loop3A_896 = tpu.sort %parallel_loop3A_892, %parallel_loop3A_892 masked %parallel_loop3A_893 : (vector<16xf32>, vector<16xf32>, vector<16xi1>) -> (vector<16xi1>, vector<16xf32>, vector<16xf32>)
        %parallel_loop3A_897 = arith.index_cast %parallel_loop3A_85 : i32 to index
        %parallel_loop3A_898 = arith.constant 0 : index
        %parallel_loop3A_899 = tpu.vector_load %arg9[%parallel_loop3A_897, %parallel_loop3A_898] {strides = array<i32>} : memref<64x16xf32, #tpu.memory_space<vmem>>, vector<16xf32>,
        tpu.vector_store %arg9[%parallel_loop3A_897, %parallel_loop3A_898], %parallel_loop3A_895 {strides = array<i32>} : memref<64x16xf32, #tpu.memory_space<vmem>>, vector<16xf32>,
      } {sc.loop_unroll_factor = 1 : i64, sc.parallel_access}
      %scan3A_77 = arith.constant 0 : i32
      %scan3A_78 = arith.constant 0 : i32
      %scan3A_79 = arith.constant 4 : i32
      %scan3A_80 = arith.addi %scan3A_78, %scan3A_79 : i32
      %scan3A_81 = arith.constant 1 : i32
      %scan3A_82 = scf.for %scan3A_85 = %scan3A_78 to %scan3A_80 step %scan3A_81 iter_args(%scan3A_86 = %scan3A_77) -> (i32)  : i32 {
        %mul3A_87 = arith.constant 16 : i32
        %mul3A_88 = arith.muli %scan3A_85, %mul3A_87 : i32
        %multiple_of3A_89 = tpu.assume_multiple %mul3A_88, 16 : i32
        %gather3A = arith.constant 0 : i32
        %gather3A_90 = tpu.memref_slice %arg9[%multiple_of3A_89, %gather3A] : memref<64x16xf32, #tpu.memory_space<vmem>> -> memref<16x16xf32, #tpu.memory_space<vmem>>
        %gather3A_91 = tpu.vector_load_idx %gather3A_90[%iota3A, %broadcast_in_dim3A_7] : memref<16x16xf32, #tpu.memory_space<vmem>>[vector<16xi32>, vector<16xi32>], vector<16xf32>,
        %swap3A = arith.index_cast %multiple_of3A_89 : i32 to index
        %swap3A_92 = tpu.vector_load %arg8[%swap3A] {strides = array<i32>} : memref<64xf32, #tpu.memory_space<vmem>>, vector<16xf32>,
        tpu.vector_store %arg8[%swap3A], %gather3A_91 {strides = array<i32>} : memref<64xf32, #tpu.memory_space<vmem>>, vector<16xf32>,
        %scan3A_93 = arith.constant 0 : i32
        scf.yield %scan3A_93 : i32
      }
      %scan3A_83 = arith.constant 4 : i32
      "tpu.region"() ({
        %run_scoped3A = tpu.sem_alloc : memref<!tpu.dma_semaphore, #tpu.memory_space<semaphore_mem>>
        %dma_start3A_85 = tpu.memref_slice %arg5[%multiple_of3A_73] : memref<16384xf32, #tpu.memory_space<hbm>> -> memref<64xf32, #tpu.memory_space<hbm>>
        %dma_start3A_86 = tpu.memref_slice %arg5[%multiple_of3A_73] : memref<16384xf32, #tpu.memory_space<hbm>> -> memref<64xf32, #tpu.memory_space<hbm>>
        tpu.enqueue_dma source(%arg8 : memref<64xf32, #tpu.memory_space<vmem>>) target(%dma_start3A_86 : memref<64xf32, #tpu.memory_space<hbm>>) target_semaphore(%run_scoped3A : memref<!tpu.dma_semaphore, #tpu.memory_space<semaphore_mem>>)
        %dma_wait3A_87 = tpu.memref_slice %arg5[%multiple_of3A_73] : memref<16384xf32, #tpu.memory_space<hbm>> -> memref<64xf32, #tpu.memory_space<hbm>>
        %dma_wait3A_88 = tpu.memref_slice %arg5[%multiple_of3A_73] : memref<16384xf32, #tpu.memory_space<hbm>> -> memref<64xf32, #tpu.memory_space<hbm>>
        tpu.wait_dma2 semaphore(%run_scoped3A : memref<!tpu.dma_semaphore, #tpu.memory_space<semaphore_mem>>) src(%arg8 : memref<64xf32, #tpu.memory_space<vmem>>) dst(%dma_wait3A_88 : memref<64xf32, #tpu.memory_space<hbm>>)
        tpu.yield
      }) : () -> ()
      %scan3A_84 = arith.constant 0 : i32
      scf.yield %scan3A_84 : i32
    }
    %scan3A_28 = arith.constant 4 : i32
    return
  }
}

module attributes {stable_mosaic.version = 14 : i64} {
  func.func @_tc_body(%arg0: i32, %arg1: memref<2048x512xf32, #tpu.memory_space<vmem>>, %arg2: memref<2048x512xf32, #tpu.memory_space<vmem>>, %arg3: memref<2048x1xf32, #tpu.memory_space<vmem>>, %arg4: memref<2048x1xf32, #tpu.memory_space<vmem>>, %arg5: memref<1x1x2048xf32, #tpu.memory_space<vmem>>, %arg6: memref<1x1xf32, #tpu.memory_space<vmem>>, %arg7: memref<1x1xf32, #tpu.memory_space<vmem>>) attributes {dimension_semantics = [#tpu.dimension_semantics<arbitrary>], iteration_bounds = array<i64: 8>, scalar_prefetch = 0 : i64, scratch_operands = 0 : i64, tpu.core_type = #tpu.core_type<tc>, window_params = [{transform_indices = @transform_0, window_bounds = array<i64: 2048, 512>}, {transform_indices = @transform_1, window_bounds = array<i64: 2048, 512>}, {transform_indices = @transform_2, window_bounds = array<i64: 2048, 1>}, {transform_indices = @transform_3, window_bounds = array<i64: 2048, 1>}, {transform_indices = @transform_4, window_bounds = array<i64: 1, 1, 2048>}, {pipeline_mode = #tpu.pipeline_mode<synchronous>, transform_indices = @transform_5, window_bounds = array<i64: 1, 1>}, {pipeline_mode = #tpu.pipeline_mode<synchronous>, transform_indices = @transform_6, window_bounds = array<i64: 1, 1>}]} {
    %get3A = arith.constant 0 : index
    %get3A_0 = arith.constant 0 : index
    %get3A_1 = vector.load %arg1[%get3A, %get3A_0] : memref<2048x512xf32, #tpu.memory_space<vmem>>, vector<2048x512xf32>
    %get3A_2 = arith.constant 0 : index
    %get3A_3 = arith.constant 0 : index
    %get3A_4 = vector.load %arg2[%get3A_2, %get3A_3] : memref<2048x512xf32, #tpu.memory_space<vmem>>, vector<2048x512xf32>
    %abs3A = math.absf %get3A_1 : vector<2048x512xf32>
    %get3A_5 = arith.constant 0 : index
    %get3A_6 = arith.constant 0 : index
    %get3A_7 = vector.load %arg3[%get3A_5, %get3A_6] : memref<2048x1xf32, #tpu.memory_space<vmem>>, vector<2048x1xf32>
    %ge3A = vector.broadcast %get3A_7 : vector<2048x1xf32> to vector<2048x512xf32>
    %ge3A_8 = arith.cmpf oge, %abs3A, %ge3A : vector<2048x512xf32>
    %jit3A = arith.constant 1.000000e+00 : f32
    %jit3A_9 = arith.constant 0.00999999977 : f32
    %broadcast_in_dim3A = vector.broadcast %jit3A : f32 to vector<2048x512xf32>
    %broadcast_in_dim3A_10 = vector.broadcast %jit3A_9 : f32 to vector<2048x512xf32>
    %select_n3A = arith.select %ge3A_8, %broadcast_in_dim3A, %broadcast_in_dim3A_10 : vector<2048x512xi1>, vector<2048x512xf32>
    %abs3A_11 = math.absf %get3A_4 : vector<2048x512xf32>
    %get3A_12 = arith.constant 0 : index
    %get3A_13 = arith.constant 0 : index
    %get3A_14 = vector.load %arg4[%get3A_12, %get3A_13] : memref<2048x1xf32, #tpu.memory_space<vmem>>, vector<2048x1xf32>
    %ge3A_15 = vector.broadcast %get3A_14 : vector<2048x1xf32> to vector<2048x512xf32>
    %ge3A_16 = arith.cmpf oge, %abs3A_11, %ge3A_15 : vector<2048x512xf32>
    %jit3A_17 = arith.constant 1.000000e+00 : f32
    %jit3A_18 = arith.constant 0.00999999977 : f32
    %broadcast_in_dim3A_19 = vector.broadcast %jit3A_17 : f32 to vector<2048x512xf32>
    %broadcast_in_dim3A_20 = vector.broadcast %jit3A_18 : f32 to vector<2048x512xf32>
    %select_n3A_21 = arith.select %ge3A_16, %broadcast_in_dim3A_19, %broadcast_in_dim3A_20 : vector<2048x512xi1>, vector<2048x512xf32>
    %mul3A = arith.mulf %get3A_1, %select_n3A : vector<2048x512xf32>
    %mul3A_22 = arith.mulf %get3A_4, %select_n3A_21 : vector<2048x512xf32>
    %broadcast_in_dim3A_23 = arith.constant 1.000000e+00 : f32
    %broadcast_in_dim3A_24 = vector.broadcast %broadcast_in_dim3A_23 : f32 to vector<512x1xf32>
    %mul3A_25 = arith.mulf %mul3A, %mul3A_22 : vector<2048x512xf32>
    %dot_general3A = arith.constant dense<0.000000e+00> : vector<2048x1xf32>
    %dot_general3A_26 = tpu.matmul %mul3A_25, %broadcast_in_dim3A_24, %dot_general3A {dimension_numbers = #tpu.dot_dimension_numbers<[1], [0], [0], [1], [0, 0, 1, 1], [], []>, transpose_lhs_hint = false} : vector<2048x512xf32>, vector<512x1xf32>, vector<2048x1xf32> -> vector<2048x1xf32>
    %mul3A_27 = arith.mulf %mul3A, %mul3A : vector<2048x512xf32>
    %dot_general3A_28 = arith.constant dense<0.000000e+00> : vector<2048x1xf32>
    %dot_general3A_29 = tpu.matmul %mul3A_27, %broadcast_in_dim3A_24, %dot_general3A_28 {dimension_numbers = #tpu.dot_dimension_numbers<[1], [0], [0], [1], [0, 0, 1, 1], [], []>, transpose_lhs_hint = false} : vector<2048x512xf32>, vector<512x1xf32>, vector<2048x1xf32> -> vector<2048x1xf32>
    %mul3A_30 = arith.mulf %mul3A_22, %mul3A_22 : vector<2048x512xf32>
    %dot_general3A_31 = arith.constant dense<0.000000e+00> : vector<2048x1xf32>
    %dot_general3A_32 = tpu.matmul %mul3A_30, %broadcast_in_dim3A_24, %dot_general3A_31 {dimension_numbers = #tpu.dot_dimension_numbers<[1], [0], [0], [1], [0, 0, 1, 1], [], []>, transpose_lhs_hint = false} : vector<2048x512xf32>, vector<512x1xf32>, vector<2048x1xf32> -> vector<2048x1xf32>
    %sqrt3A = math.sqrt %dot_general3A_29 : vector<2048x1xf32>
    %add3A = arith.constant 9.99999993E-9 : f32
    %add3A_33 = vector.broadcast %add3A : f32 to vector<2048x1xf32>
    %add3A_34 = arith.addf %sqrt3A, %add3A_33 : vector<2048x1xf32>
    %sqrt3A_35 = math.sqrt %dot_general3A_32 : vector<2048x1xf32>
    %add3A_36 = arith.constant 9.99999993E-9 : f32
    %add3A_37 = vector.broadcast %add3A_36 : f32 to vector<2048x1xf32>
    %add3A_38 = arith.addf %sqrt3A_35, %add3A_37 : vector<2048x1xf32>
    %mul3A_39 = arith.mulf %add3A_34, %add3A_38 : vector<2048x1xf32>
    %div3A = arith.divf %dot_general3A_26, %mul3A_39 : vector<2048x1xf32>
    %sub3A = arith.constant 1.000000e+00 : f32
    %sub3A_40 = vector.broadcast %sub3A : f32 to vector<2048x1xf32>
    %sub3A_41 = arith.subf %sub3A_40, %div3A : vector<2048x1xf32>
    %div3A_42 = arith.constant 1.000000e-01 : f32
    %div3A_43 = vector.broadcast %div3A_42 : f32 to vector<2048x1xf32>
    %div3A_44 = arith.divf %sub3A_41, %div3A_43 : vector<2048x1xf32>
    %get3A_45 = arith.constant 0 : index
    %get3A_46 = arith.constant 0 : index
    %get3A_47 = arith.constant 0 : index
    %get3A_48 = vector.load %arg5[%get3A_45, %get3A_46, %get3A_47] : memref<1x1x2048xf32, #tpu.memory_space<vmem>>, vector<1x1x2048xf32>
    %get3A_49 = vector.shape_cast %get3A_48 : vector<1x1x2048xf32> to vector<1x2048xf32>
    %dot_general3A_50 = arith.constant dense<0.000000e+00> : vector<1x1xf32>
    %dot_general3A_51 = tpu.matmul %get3A_49, %div3A_44, %dot_general3A_50 {dimension_numbers = #tpu.dot_dimension_numbers<[1], [0], [0], [1], [0, 0, 1, 1], [], []>, transpose_lhs_hint = false} : vector<1x2048xf32>, vector<2048x1xf32>, vector<1x1xf32> -> vector<1x1xf32>
    %reduce_sum3A = arith.constant dense<0.000000e+00> : vector<1xf32>
    %reduce_sum3A_52 = vector.multi_reduction <add>, %get3A_49, %reduce_sum3A [1] : vector<1x2048xf32> to vector<1xf32>
    %broadcast_in_dim3A_53 = vector.shape_cast %reduce_sum3A_52 : vector<1xf32> to vector<1x1xf32>
    %eq3A = arith.constant 0 : i32
    %eq3A_54 = arith.cmpi eq, %arg0, %eq3A : i32
    %convert_element_type3A = arith.extui %eq3A_54 : i1 to i32
    %cond3A = arith.constant 0 : i32
    %cond3A_55 = arith.cmpi ne, %convert_element_type3A, %cond3A : i32
    scf.if %cond3A_55 {
      %swap3A = arith.constant 0 : index
      %swap3A_60 = arith.constant 0 : index
      %swap3A_61 = vector.load %arg6[%swap3A, %swap3A_60] : memref<1x1xf32, #tpu.memory_space<vmem>>, vector<1x1xf32>
      tpu.vector_store %arg6[%swap3A, %swap3A_60], %dot_general3A_51 {strides = array<i32>} : memref<1x1xf32, #tpu.memory_space<vmem>>, vector<1x1xf32>,
      %swap3A_62 = arith.constant 0 : index
      %swap3A_63 = arith.constant 0 : index
      %swap3A_64 = vector.load %arg7[%swap3A_62, %swap3A_63] : memref<1x1xf32, #tpu.memory_space<vmem>>, vector<1x1xf32>
      tpu.vector_store %arg7[%swap3A_62, %swap3A_63], %broadcast_in_dim3A_53 {strides = array<i32>} : memref<1x1xf32, #tpu.memory_space<vmem>>, vector<1x1xf32>,
    } else {
    }
    %gt3A = arith.constant 0 : i32
    %gt3A_56 = arith.cmpi sgt, %arg0, %gt3A : i32
    %convert_element_type3A_57 = arith.extui %gt3A_56 : i1 to i32
    %cond3A_58 = arith.constant 0 : i32
    %cond3A_59 = arith.cmpi ne, %convert_element_type3A_57, %cond3A_58 : i32
    scf.if %cond3A_59 {
      %get3A_60 = arith.constant 0 : index
      %get3A_61 = arith.constant 0 : index
      %get3A_62 = vector.load %arg6[%get3A_60, %get3A_61] : memref<1x1xf32, #tpu.memory_space<vmem>>, vector<1x1xf32>
      %add3A_63 = arith.addf %get3A_62, %dot_general3A_51 : vector<1x1xf32>
      %swap3A = arith.constant 0 : index
      %swap3A_64 = arith.constant 0 : index
      %swap3A_65 = vector.load %arg6[%swap3A, %swap3A_64] : memref<1x1xf32, #tpu.memory_space<vmem>>, vector<1x1xf32>
      tpu.vector_store %arg6[%swap3A, %swap3A_64], %add3A_63 {strides = array<i32>} : memref<1x1xf32, #tpu.memory_space<vmem>>, vector<1x1xf32>,
      %get3A_66 = arith.constant 0 : index
      %get3A_67 = arith.constant 0 : index
      %get3A_68 = vector.load %arg7[%get3A_66, %get3A_67] : memref<1x1xf32, #tpu.memory_space<vmem>>, vector<1x1xf32>
      %add3A_69 = arith.addf %get3A_68, %broadcast_in_dim3A_53 : vector<1x1xf32>
      %swap3A_70 = arith.constant 0 : index
      %swap3A_71 = arith.constant 0 : index
      %swap3A_72 = vector.load %arg7[%swap3A_70, %swap3A_71] : memref<1x1xf32, #tpu.memory_space<vmem>>, vector<1x1xf32>
      tpu.vector_store %arg7[%swap3A_70, %swap3A_71], %add3A_69 {strides = array<i32>} : memref<1x1xf32, #tpu.memory_space<vmem>>, vector<1x1xf32>,
    } else {
    }
    return
  }
  func.func @transform_0(%arg0: i32) -> (i32, i32) {
    %add3A = arith.constant 0 : i32
    %add3A_0 = arith.addi %arg0, %add3A : i32
    %c0_i32 = arith.constant 0 : i32
    %c0_i32_1 = arith.constant 0 : i32
    return %add3A_0, %c0_i32 : i32, i32
  }
  func.func @transform_1(%arg0: i32) -> (i32, i32) {
    %add3A = arith.constant 0 : i32
    %add3A_0 = arith.addi %arg0, %add3A : i32
    %c0_i32 = arith.constant 0 : i32
    %c0_i32_1 = arith.constant 0 : i32
    return %add3A_0, %c0_i32 : i32, i32
  }
  func.func @transform_2(%arg0: i32) -> (i32, i32) {
    %c0_i32 = arith.constant 0 : i32
    %c0_i32_0 = arith.constant 0 : i32
    return %arg0, %c0_i32 : i32, i32
  }
  func.func @transform_3(%arg0: i32) -> (i32, i32) {
    %c0_i32 = arith.constant 0 : i32
    %c0_i32_0 = arith.constant 0 : i32
    return %arg0, %c0_i32 : i32, i32
  }
  func.func @transform_4(%arg0: i32) -> (i32, i32, i32) {
    %add3A = arith.constant 0 : i32
    %add3A_0 = arith.addi %arg0, %add3A : i32
    %c0_i32 = arith.constant 0 : i32
    %c0_i32_1 = arith.constant 0 : i32
    %c0_i32_2 = arith.constant 0 : i32
    return %add3A_0, %c0_i32, %c0_i32_1 : i32, i32, i32
  }
  func.func @transform_5(%arg0: i32) -> (i32, i32) {
    %c0_i32 = arith.constant 0 : i32
    %c0_i32_0 = arith.constant 0 : i32
    %c0_i32_1 = arith.constant 0 : i32
    return %c0_i32, %c0_i32_0 : i32, i32
  }
  func.func @transform_6(%arg0: i32) -> (i32, i32) {
    %c0_i32 = arith.constant 0 : i32
    %c0_i32_0 = arith.constant 0 : i32
    %c0_i32_1 = arith.constant 0 : i32
    return %c0_i32, %c0_i32_0 : i32, i32
  }
}

</mosaic_0001>

<sc_bundles>
// kernel: kernel.4.cloned.1.call-start
scs
__scs_entry_jumppad:
0x0: {  	(pc) =	sbr.rel $0x88, $3  }
0x1: {  	(tag) =	ssettag $0x0;
	lr =	simm.s32 $0x1  }
0x2: {  	[smem:$0x3F9D] =	sst lr;
	_ =	strace $0xD0000000  }
0x3: {  	_ = 	snop  }
0x4: {  	_ = 	snop  }
0x5: {  	_ = 	snop  }
0x6: {  	_ = 	snop  }
0x7: {  	_ = 	snop  }
__scs_overlays_trampoline_lowered:
0x8: {  	[smem:$0x3FAC] =	sst s0  }
0x9: {  	[smem:$0x3FAD] =	sst s1  }
0xa: {  	[smem:$0x3FAE] =	sst s2  }
0xb: {  	[smem:$0x3FAF] =	sst s3  }
0xc: {  	[smem:$0x3FB0] =	sst s4  }
0xd: {  	[smem:$0x3FB1] =	sst s5  }
0xe: {  	[smem:$0x3FB2] =	sst s6  }
0xf: {  	[smem:$0x3FB3] =	sst s7  }
0x10: {  	[smem:$0x3FB4] =	sst s8  }
0x11: {  	[smem:$0x3FB5] =	sst s9;
	s0 =	simm.s32 @!p0 $0x0  }
0x12: {  	s1 =	sld [smem:$0x3F9B];
	s0 =	simm.s32 @p0 $0x1  }
0x13: {  	[smem:$0x3FB6] =	sst s0;
	s0 =	simm.s32 @!p1 $0x0  }
0x14: {  	s2 =	sld [smem:$0x3F9A];
	s0 =	simm.s32 @p1 $0x1  }
0x15: {  	[smem:$0x3FB7] =	sst s0;
	s0 =	simm.s32 @!p2 $0x0  }
0x16: {  	s3 =	sld [smem:$0x3FDB];
	s0 =	simm.s32 @p2 $0x1  }
0x17: {  	s4 =	simm.s32 $0x1BF5;
	[smem:$0x3FB9] =	sst s0  }
0x18: {  	s0 =	sld [smem:$0x3F9C];
	_ =	swait.ge [sflag:s4], $0x0  }
0x19: {  	s7 =	sld [smem:$0x3F9D]  }
0x1a: {  	s8 =	sadd.s32 $0xFFFFE003, lr  }
0x1b: {  	s9 =	sadd.s32 $0xFFFFFEF7, lr;
	s5 =	simm.s32 $0xFFFFFFFF;
	p2 =	slt.u32 s8, $0xFFFFF086  }
0x1c: {  	p1 =	slt.u32 s9, $0xF7A;
	s5 =	simm.s32 @!p2 $0x0  }
0x1d: {  	s5 =	simm.s32 @p1 $0x1;
	p0 =	seq.s32 s7, s2  }
0x1e: {  	s7 =	smul.u32 @!p0 $0xF7A, s2;
	p2 =	seq.s32 @!p0 s5, $0x0  }
0x1f: {  	s9 =	smul.u32 $0xF7A, s1;
	s8 =	simm.s32 @!p0 $0x1BF5;
	p2 =	por !p2, p0  }
0x20: {  	[sflag:s8] =	ssyncset.s32 @!p0 $0xFFFFF086;
	s6 =	sadd.s32 @!p0 s3, s7;
	s7 =	simm.s32 @!p0 $0x108  }
0x21: {  	s3 =	sadd.s32 s3, s9;
	s6 =	sadd.s32 @!p0 $0x88, s6;
	s7 =	simm.s32 @p2 $0x1082  }
0x22: {  	[simem:s7], [sflag:s8] =	dma.local @!p0 [hbm:s6], $0xF7A  }
0x23: {  	s9 =	sor.u32 $0xD0000000, s2;
	s6 =	simm.s32 $0x108;
	_ =	swait.ge @!p0 [sflag:s8], $0x0  }
0x24: {  	s3 =	sadd.s32 $0x88, s3;
	s6 =	simm.s32 @!p1 $0x1082;
	[sflag:s4] =	ssyncset.s32 $0xFFFFF086  }
0x25: {  	[simem:s6], [sflag:s4] =	dma.local [hbm:s3], $0xF7A  }
0x26: {  	[smem:$0x3F9D] =	sst s1;
	(tag) =	ssettag s2;
	_ =	strace s9  }
0x27: {  	s1 =	sld [smem:$0x3FAD]  }
0x28: {  	s2 =	sld [smem:$0x3FAE]  }
0x29: {  	s4 =	sld [smem:$0x3FB0]  }
0x2a: {  	p0 =	seq.s32 s5, $0x0;
	s5 =	sld [smem:$0x3FB1]  }
0x2b: {  	s6 =	sld [smem:$0x3FB2]  }
0x2c: {  	s7 =	sld [smem:$0x3FB3]  }
0x2d: {  	s3 =	simm.s32 $0x108;
	s8 =	sld [smem:$0x3FB4]  }
0x2e: {  	s3 =	simm.s32 @!p0 $0x1082;
	s9 =	sld [smem:$0x3FB5]  }
0x2f: {  	lr =	sadd.s32 s0, s3;
	s0 =	sld [smem:$0x3FAC]  }
0x30: {  	s3 =	sld [smem:$0x3FAF]  }
0x31: {  	[smem:$0x3FB8] =	sst s10  }
0x32: {  	s10 =	sld [smem:$0x3FB6];
	_ =	sdelay $0x3  }
0x33: {  	p0 =	seq.s32 s10, $0x1;
	s10 =	sld [smem:$0x3FB8];
	_ =	sdelay $0x3  }
0x34: {  	[smem:$0x3FB8] =	sst s10  }
0x35: {  	s10 =	sld [smem:$0x3FB7];
	_ =	sdelay $0x3  }
0x36: {  	p1 =	seq.s32 s10, $0x1;
	s10 =	sld [smem:$0x3FB8];
	_ =	sdelay $0x3  }
0x37: {  	[smem:$0x3FB8] =	sst s10  }
0x38: {  	s10 =	sld [smem:$0x3FB9]  }
0x39: {  	_ = 	snop;
	(pc) =	sbr.ind lr, $3  }
0x3a: {  	_ = 	snop  }
0x3b: {  	_ = 	snop  }
0x3c: {  	p2 =	seq.s32 s10, $0x1;
	s10 =	sld [smem:$0x3FB8]  }
0x3d: {  	_ =	shalt  }
0x3e: {  	_ =	shalt  }
0x3f: {  	_ =	shalt  }
0x40: {  	_ =	shalt  }
0x41: {  	_ =	shalt  }
0x42: {  	_ =	shalt  }
0x43: {  	_ =	shalt  }
0x44: {  	_ =	shalt  }
0x45: {  	_ =	shalt  }
0x46: {  	_ =	shalt  }
0x47: {  	_ =	shalt  }
0x48: {  	_ =	shalt  }
0x49: {  	_ =	shalt  }
0x4a: {  	_ =	shalt  }
0x4b: {  	_ =	shalt  }
0x4c: {  	_ =	shalt  }
0x4d: {  	_ =	shalt  }
0x4e: {  	_ =	shalt  }
0x4f: {  	_ =	shalt  }
0x50: {  	_ =	shalt  }
0x51: {  	_ =	shalt  }
0x52: {  	_ =	shalt  }
0x53: {  	_ =	shalt  }
0x54: {  	_ =	shalt  }
0x55: {  	_ =	shalt  }
0x56: {  	_ =	shalt  }
0x57: {  	_ =	shalt  }
0x58: {  	_ =	shalt  }
0x59: {  	_ =	shalt  }
0x5a: {  	_ =	shalt  }
0x5b: {  	_ =	shalt  }
0x5c: {  	_ =	shalt  }
0x5d: {  	_ =	shalt  }
0x5e: {  	_ =	shalt  }
0x5f: {  	_ =	shalt  }
0x60: {  	_ =	shalt  }
0x61: {  	_ =	shalt  }
0x62: {  	_ =	shalt  }
0x63: {  	_ =	shalt  }
0x64: {  	_ =	shalt  }
0x65: {  	_ =	shalt  }
0x66: {  	_ =	shalt  }
0x67: {  	_ =	shalt  }
0x68: {  	_ =	shalt  }
0x69: {  	_ =	shalt  }
0x6a: {  	_ =	shalt  }
0x6b: {  	_ =	shalt  }
0x6c: {  	_ =	shalt  }
0x6d: {  	_ =	shalt  }
0x6e: {  	_ =	shalt  }
0x6f: {  	_ =	shalt  }
0x70: {  	_ =	shalt  }
0x71: {  	_ =	shalt  }
0x72: {  	_ =	shalt  }
0x73: {  	_ =	shalt  }
0x74: {  	_ =	shalt  }
0x75: {  	_ =	shalt  }
0x76: {  	_ =	shalt  }
0x77: {  	_ =	shalt  }
0x78: {  	_ =	shalt  }
0x79: {  	_ =	shalt  }
0x7a: {  	_ =	shalt  }
0x7b: {  	_ =	shalt  }
0x7c: {  	_ =	shalt  }
0x7d: {  	_ =	shalt  }
0x7e: {  	_ =	shalt  }
0x7f: {  	_ =	shalt  }
0x80: {  	_ =	shalt  }
0x81: {  	_ =	shalt  }
0x82: {  	_ =	shalt  }
0x83: {  	_ =	shalt  }
0x84: {  	_ =	shalt  }
0x85: {  	_ =	shalt  }
0x86: {  	_ =	shalt  }
0x87: {  	_ =	shalt  }
.Lfunc_end0:
.L_simem_size_0:
called_computation_lowered:
.L_overlay_start_0:
0x88: {  	s2 =	sld [smem:$0x3FD9]  }
0x89: {  	s3 =	sld [smem:$0x3FFE];
	_ =	sdelay $0x1  }
0x8a: {  	s1 =	srdreg.scid  }
0x8b: {  	s0 =	sand.u32 $0x1, s1  }
0x8c: {  	s17 =	sshll.u32 s0, $0xA;
	s2 =	sadd.s32 s3, s2  }
0x8d: {  	s2 =	sadd.s32 s2, s17  }
0x8e: {  	[smem:$0x3FC4] =	sst s2  }
0x8f: {  	_ = 	snop  }
0x90: {  	s2 =	sld [smem:$0x3FC9]  }
0x91: {  	s18 =	sld [smem:$0x3FC8];
	(tm) =	ssettm $0x1  }
0x92: {  	s4 =	sld [smem:$0x3FFB];
	_ =	sdelay $0x3  }
0x93: {  	_ =	strace s4  }
0x94: {  	s4 =	sld [smem:$0x3FFC];
	_ =	sdelay $0x3  }
0x95: {  	_ =	strace s4  }
0x96: {  	s4 =	sld [smem:$0x3FFD];
	_ =	sdelay $0x3  }
0x97: {  	_ =	strace s4  }
0x98: {  	_ =	strace $0x8FFFFFFF  }
0x99: {  	s19 =	sld [smem:$0x3FDB];
	_ =	sdelay $0x1  }
0x9a: {  	s5 =	simm.s32 $_scs_section_size  }
0x9b: {  	s6 =	simm.s32 $_size__tile_overlayer_lowered;
	s7 =	simm.s32 $_tile_overlayer_lowered  }
0x9c: {  	s22 =	simm.s32 $0x1BFF;
	s21 =	sshll.u32 s7, $0x1;
	s4 =	sadd.s32 s5, s19  }
0x9d: {  	s8 =	simm.s32 $0x0;
	s20 =	sshll.u32 s6, $0x1;
	s6 =	sadd.s32 s21, s4  }
0x9e: {  	[timem:s8], [sflag:s22] =	dma.local [hbm:s6], s20  }
0x9f: {  	_ =	swait.ge [sflag:s22], s20  }
0xa0: {  	s5 =	ssub.s32 $0x0, s20;
	[sflag:s22] =	ssyncset.done $0x0  }
0xa1: {  	[sflag:s22] =	ssyncadd.s32 s5;
	_ =	sdelay $0x1  }
0xa2: {  	s23 =	simm.s32 $0x1B8B  }
0xa3: {  	_ =	swait.ge [sflag:s23], $0x1  }
0xa4: {  	[sflag:s23] =	ssyncset.done $0x0  }
0xa5: {  	s25 =	simm.s32 $0x1B8E;
	s24 =	sld [smem:$0x3FFE];
	[sflag:s23] =	ssyncadd.s32 $0xFFFFFFFF  }
0xa6: {  	s26 =	simm.s32 $execute0_lowered;
	[smem:$0x3FD2] =	sst s25  }
0xa7: {  	s6 =	sshll.u32 s26, $0x1;
	_ =	strace $0x80000046;
	[dreg:$0x1] =	wrdreg $0xFFFFFFFF  }
0xa8: {  	s28 =	simm.s32 $_size_execute0_lowered;
	s4 =	sadd.s32 s4, s6;
	[dreg:$0x0] =	wrdreg $0x0  }
0xa9: {  	s6 =	sshll.u32 s28, $0x1;
	[dreg:$0x2] =	wrdreg s4  }
0xaa: {  	[dreg:$0x3] =	wrdreg s6  }
0xab: {  	[dreg:$0x4] =	wrdreg $0xC0  }
0xac: {  	_ =	task [dreg:s8], $0x5FFFF  }
0xad: {  	[dreg:$0x1] =	wrdreg $0xFFFFFFFF  }
0xae: {  	[dreg:$0x0] =	wrdreg $0x60  }
0xaf: {  	[dreg:$0x2] =	wrdreg s2  }
0xb0: {  	[dreg:$0x3] =	wrdreg s18  }
0xb1: {  	[dreg:$0x4] =	wrdreg s24  }
0xb2: {  	[dreg:$0x5] =	wrdreg $0x9  }
0xb3: {  	_ =	task.clear_ibuf [dreg:s8], $0x6FFFF;
	_ =	strace $0x90000046  }
0xb4: {  	s29 =	simm.s32 $0x9;
	_ =	strace $0x80000048  }
0xb5: {  	_ =	swait.ge [sflag:s29], $0x1  }
0xb6: {  	[sflag:s29] =	ssyncadd.s32 $0xFFFFFFFF  }
0xb7: {  	_ =	strace $0x90000048  }
0xb8: {  	_ =	sfence  }
0xb9: {  	s30 =	sld [smem:$0x0];
	_ =	sdelay $0x2  }
0xba: {  	s31 =	sshll.u32 s1, $0xD;
	s1 =	sshrl.u32 s1, $0x2  }
0xbb: {  	s3 =	sand.u32 $0x4000, s31;
	s1 =	sadd.s32 s1, s30  }
0xbc: {  	s0 =	sor.u32 s3, s0;
	s1 =	sshll.u32 s1, $0x11  }
0xbd: {  	s0 =	sor.u32 s1, s0  }
0xbe: {  	s0 =	sadd.s32 $0x8F2B, s0  }
0xbf: {  	[sflag:s0] =	ssyncadd.remote.s32 $0x1  }
0xc0: {  	_ =	sfence.sel $0xFFFF  }
0xc1: {  	[dreg:$0x0] =	wrdreg $0xFFFFFFFF;
	(pc) =	sbr.abs _section_cstart, $3  }
0xc2: {  	[dreg:$0x1] =	wrdreg $0xFFFFFFFF  }
0xc3: {  	_ =	task.clear_ibuf [dreg:s8], $0x2FFFF;
	_ =	strace $0x9FFFFFFF  }
0xc4: {  	(tm) =	ssettm $0x7FFFFFFF  }
0xc5: {  	_ =	shalt  }
tec
execute0_lowered:
.L_overlay_start_1:
0x0: {  	(tag) =	ssettag $0x1  }
0x1: {  	s1 =	rddreg [dreg:$0x0]  }
0x2: {  	s2 =	rddreg [dreg:$0x1]  }
0x3: {  	s7 =	rddreg [dreg:$0x2]  }
0x4: {  	s0 =	rddreg [dreg:$0x3];
	s4 =	simm.s32 $0x0;
	s5 =	srdreg.scid  }
0x5: {  	s3 =	stileid.u32;
	s13 =	simm.s32 $0x8000;
	s14 =	simm.s32 $0x10080  }
0x6: {  	s15 =	simm.s32 $0x10880;
	s16 =	simm.s32 $0x11080;
	s17 =	simm.s32 $0x11880  }
0x7: {  	s18 =	simm.s32 $0x10000;
	s19 =	simm.s32 $0x3;
	s20 =	simm.s32 $0x2  }
0x8: {  	s21 =	simm.s32 $0x0;
	[smem:$0x7FF] =	sst s4;
	s6 =	sand.u32 $0x1, s5  }
0x9: {  	s8 =	sshll.u32 s3, $0xA;
	s5 =	sadd.s32 $0xC00, s7;
	s9 =	sshll.u32 s6, $0x9  }
0xa: {  	v0 =	vlaneseq.u32;
	s7 =	sadd.s32 $0x1400, s7;
	s10 =	ssub.s32 $0x2, s6;
	s6 =	sor.u32 s9, s8  }
0xb: {  	v0 =	vmul.u32 $0x80, v0;
	_ =	strace $0x80000047;
	s31 =	sshrl.u32 s10, $0x1;
	s11 =	sshll.u32 s6, $0x6  }
0xc: {  	s12 =	ssub.s32 s10, s31;
	s9 =	sor.u32 $0x80, s6;
	s8 =	sadd.s32 s1, s11  }
0xd: {  	v0 =	vor.u32 $0xE, v0;
	s10 =	sadd.s32 s2, s11;
	s11 =	smax.u32 s12, $0x1;
	s12 =	simm.s32 $0x1  }
.LBB2_1:
0xe: {  	[tilespmem:s4], [sflag:$0x1] =	stream.linear.gather [hbm4b:s8+s4], $0x8000, $0x38;
	[tilespmem:$0x12080] =	vst v63  }
0xf: {  	s22 =	simm.s32 $0x0  }
.LBB2_2:
0x10: {  	s23 =	sshll.u32 s22, $0x7  }
0x11: {  	s24 =	sadd.s32 s23, s6  }
0x12: {  	_ =	swait.ge [sflag:s12], $0x8000;
	s24 =	sshll.u32 s24, $0x6  }
0x13: {  	[sflag:s12] =	ssyncset.done $0x0;
	s24 =	sadd.s32 s1, s24  }
0x14: {  	[sflag:s12] =	ssyncadd.s32 $0xFFFF8000;
	s25 =	sadd.s32 $0x1000, s24;
	s24 =	simm.s32 $0x0  }
0x15: {  	[tilespmem:s13], [sflag:$0x2] =	stream.linear.gather [hbm4b:s25+s24], $0x8000, $0x38;
	[tilespmem:$0x12080] =	vst v63  }
0x16: {  	s31 =	sand.u32 $0x7000, s24;
	s26 =	sand.u32 $0x380, s24  }
0x17: {  	s25 =	sor.u32 s26, s31  }
0x18: {  	v1 =	vld [tilespmem:s25+$0x0]  }
0x19: {  	v2 =	vld [tilespmem:s25+$0x10]  }
0x1a: {  	v3 =	vld [tilespmem:s25+$0x20]  }
0x1b: {  	v4 =	vld [tilespmem:s25+$0x30]  }
0x1c: {  	v5 =	vld [tilespmem:s25+$0x40]  }
0x1d: {  	v6 =	vld [tilespmem:s25+$0x50];
	v1 =	vand.u32 $0x7FFFFFFF, v1  }
0x1e: {  	v7 =	vld [tilespmem:s25+$0x60];
	v2 =	vand.u32 $0x7FFFFFFF, v2;
	(xrf1) =	vsort.ascd.msk.f32 $0xffff, v1, v1  }
0x1f: {  	v1 =	vand.u32 $0x7FFFFFFF, v3;
	v3 =	vld [tilespmem:s25+$0x70];
	(xrf1) =	vsort.dscd.msk.f32 $0xffff, v2, v2  }
0x20: {  	v2 =	vand.u32 $0x7FFFFFFF, v4;
	v4 =	vld [tilespmem:s25+$0x400];
	(xrf1) =	vsort.ascd.msk.f32 $0xffff, v1, v1  }
0x21: {  	v1 =	vand.u32 $0x7FFFFFFF, v5;
	(xrf1) =	vsort.dscd.msk.f32 $0xffff, v2, v2;
	v2 =	vld [tilespmem:s25+$0x410]  }
0x22: {  	v5 =	vand.u32 $0x7FFFFFFF, v6;
	(xrf1) =	vsort.ascd.msk.f32 $0xffff, v1, v1;
	v1 =	vld [tilespmem:s25+$0x420]  }
0x23: {  	v6 =	vand.u32 $0x7FFFFFFF, v7;
	(xrf1) =	vsort.dscd.msk.f32 $0xffff, v5, v5;
	v5 =	vld [tilespmem:s25+$0x430]  }
0x24: {  	v3 =	vand.u32 $0x7FFFFFFF, v3;
	(xrf1) =	vsort.ascd.msk.f32 $0xffff, v6, v6;
	v6 =	vld [tilespmem:s25+$0x440]  }
0x25: {  	(xrf1) =	vsort.dscd.msk.f32 $0xffff, v3, v3;
	v3 =	vld [tilespmem:s25+$0x450]  }
0x26: {  	v4 =	vand.u32 $0x7FFFFFFF, v4  }
0x27: {  	(xrf1) =	vsort.ascd.msk.f32 $0xffff, v4, v4;
	v2 =	vand.u32 $0x7FFFFFFF, v2;
	v4 =	vld [tilespmem:s25+$0x460]  }
0x28: {  	v7 =	vld [tilespmem:s25+$0x470];
	v1 =	vand.u32 $0x7FFFFFFF, v1;
	(xrf1) =	vsort.dscd.msk.f32 $0xffff, v2, v2  }
0x29: {  	v2 =	vand.u32 $0x7FFFFFFF, v5;
	v5 =	vld [tilespmem:s25+$0x800];
	(xrf1) =	vsort.ascd.msk.f32 $0xffff, v1, v1  }
0x2a: {  	v1 =	vand.u32 $0x7FFFFFFF, v6;
	v6 =	vld [tilespmem:s25+$0x810];
	(xrf1) =	vsort.dscd.msk.f32 $0xffff, v2, v2;
	v2 =	vand.u32 $0x7FFFFFFF, v3  }
0x2b: {  	v3 =	vld [tilespmem:s25+$0x820];
	(xrf1) =	vsort.ascd.msk.f32 $0xffff, v1, v1  }
0x2c: {  	v1 =	vand.u32 $0x7FFFFFFF, v4;
	v4 =	vld [tilespmem:s25+$0x830];
	(xrf1) =	vsort.dscd.msk.f32 $0xffff, v2, v2  }
0x2d: {  	v7 =	vand.u32 $0x7FFFFFFF, v7;
	(xrf1) =	vsort.ascd.msk.f32 $0xffff, v1, v1;
	v1 =	vld [tilespmem:s25+$0x840];
	v2, _, _ =	vpop (xrf1)  }
0x2e: {  	v5 =	vand.u32 $0x7FFFFFFF, v5;
	(xrf1) =	vsort.dscd.msk.f32 $0xffff, v7, v7;
	v7 =	vld [tilespmem:s25+$0x850];
	v8, _, _ =	vpop (xrf1)  }
0x2f: {  	v6 =	vand.u32 $0x7FFFFFFF, v6;
	(xrf1) =	vsort.ascd.msk.f32 $0xffff, v5, v5;
	v5 =	vld [tilespmem:s25+$0x860];
	v9, _, _ =	vpop (xrf1)  }
0x30: {  	v3 =	vand.u32 $0x7FFFFFFF, v3;
	v10, _, _ =	vpop (xrf1);
	(xrf1) =	vsort.dscd.msk.f32 $0xffff, v6, v6;
	v6 =	vld [tilespmem:s25+$0x870]  }
0x31: {  	v4 =	vand.u32 $0x7FFFFFFF, v4;
	v11, _, _ =	vpop (xrf1);
	(xrf1) =	vsort.ascd.msk.f32 $0xffff, v3, v3;
	v3 =	vld [tilespmem:s25+$0xC00]  }
0x32: {  	v1 =	vand.u32 $0x7FFFFFFF, v1;
	v12, _, _ =	vpop (xrf1);
	(xrf1) =	vsort.dscd.msk.f32 $0xffff, v4, v4;
	v4 =	vld [tilespmem:s25+$0xC10]  }
0x33: {  	v14 =	vld [tilespmem:s25+$0xC20];
	v7 =	vand.u32 $0x7FFFFFFF, v7  }
0x34: {  	v15 =	vld [tilespmem:s25+$0xC30];
	v13, _, _ =	vpop (xrf1);
	(xrf1) =	vsort.ascd.msk.f32 $0xffff, v1, v1;
	v5 =	vand.u32 $0x7FFFFFFF, v5  }
0x35: {  	v16 =	vld [tilespmem:s25+$0xC40];
	v1, _, _ =	vpop (xrf1);
	(xrf1) =	vsort.dscd.msk.f32 $0xffff, v7, v7;
	v6 =	vand.u32 $0x7FFFFFFF, v6  }
0x36: {  	v17 =	vld [tilespmem:s25+$0xC50];
	v7, _, _ =	vpop (xrf1);
	(xrf1) =	vsort.ascd.msk.f32 $0xffff, v5, v5;
	v3 =	vand.u32 $0x7FFFFFFF, v3  }
0x37: {  	v18 =	vld [tilespmem:s25+$0xC60];
	v5, _, _ =	vpop (xrf1);
	(xrf1) =	vsort.dscd.msk.f32 $0xffff, v6, v6;
	v4 =	vand.u32 $0x7FFFFFFF, v4  }
0x38: {  	v19 =	vld [tilespmem:s25+$0xC70];
	v14 =	vand.u32 $0x7FFFFFFF, v14;
	v6, _, _ =	vpop (xrf1);
	(xrf1) =	vsort.ascd.msk.f32 $0xffff, v3, v3  }
0x39: {  	v15 =	vand.u32 $0x7FFFFFFF, v15;
	v3, _, _ =	vpop (xrf1);
	(xrf1) =	vsort.dscd.msk.f32 $0xffff, v4, v4  }
0x3a: {  	v16 =	vand.u32 $0x7FFFFFFF, v16;
	v4, _, _ =	vpop (xrf1);
	(xrf1) =	vsort.ascd.msk.f32 $0xffff, v14, v14  }
0x3b: {  	v17 =	vand.u32 $0x7FFFFFFF, v17;
	v14, _, _ =	vpop (xrf1);
	(xrf1) =	vsort.dscd.msk.f32 $0xffff, v15, v15  }
0x3c: {  	v18 =	vand.u32 $0x7FFFFFFF, v18;
	v15, _, _ =	vpop (xrf1);
	(xrf1) =	vsort.ascd.msk.f32 $0xffff, v16, v16  }
0x3d: {  	v19 =	vand.u32 $0x7FFFFFFF, v19;
	v16, _, _ =	vpop (xrf1);
	(xrf1) =	vsort.dscd.msk.f32 $0xffff, v17, v17  }
0x3e: {  	v17, _, _ =	vpop (xrf1);
	(xrf1) =	vsort.ascd.msk.f32 $0xffff, v18, v18  }
0x3f: {  	v20 =	vmin.f32 v2, v8;
	v18, _, _ =	vpop (xrf1);
	(xrf1) =	vsort.dscd.msk.f32 $0xffff, v19, v19  }
0x40: {  	v2 =	vmax.f32 v2, v8;
	v19, _, _ =	vpop (xrf1);
	(xrf1) =	vsort.ascd.msk.f32 $0xffff, v20, v20  }
0x41: {  	v20 =	vmax.f32 v9, v10;
	v8, _, _ =	vpop (xrf1);
	(xrf1) =	vsort.ascd.msk.f32 $0xffff, v2, v2  }
0x42: {  	v2 =	vmin.f32 v9, v10;
	v9, _, _ =	vpop (xrf1);
	(xrf1) =	vsort.dscd.msk.f32 $0xffff, v20, v20  }
0x43: {  	v10, _, _ =	vpop (xrf1);
	(xrf1) =	vsort.dscd.msk.f32 $0xffff, v2, v2;
	v2 =	vmin.f32 v11, v12  }
0x44: {  	v11 =	vmax.f32 v11, v12  }
0x45: {  	v12 =	vmax.f32 v13, v1;
	v20, _, _ =	vpop (xrf1);
	(xrf1) =	vsort.ascd.msk.f32 $0xffff, v2, v2  }
0x46: {  	v1 =	vmin.f32 v13, v1;
	v2, _, _ =	vpop (xrf1);
	(xrf1) =	vsort.ascd.msk.f32 $0xffff, v11, v11  }
0x47: {  	v11, _, _ =	vpop (xrf1);
	(xrf1) =	vsort.dscd.msk.f32 $0xffff, v12, v12  }
0x48: {  	v13 =	vmin.f32 v7, v5;
	v5 =	vmax.f32 v7, v5;
	v12, _, _ =	vpop (xrf1);
	(xrf1) =	vsort.dscd.msk.f32 $0xffff, v1, v1  }
0x49: {  	v1, _, _ =	vpop (xrf1);
	(xrf1) =	vsort.ascd.msk.f32 $0xffff, v13, v13  }
0x4a: {  	v13 =	vmax.f32 v6, v3;
	v3 =	vmin.f32 v6, v3;
	v7, _, _ =	vpop (xrf1);
	(xrf1) =	vsort.ascd.msk.f32 $0xffff, v5, v5  }
0x4b: {  	v5, _, _ =	vpop (xrf1);
	(xrf1) =	vsort.dscd.msk.f32 $0xffff, v13, v13;
	v13 =	vmin.f32 v4, v14  }
0x4c: {  	v4 =	vmax.f32 v4, v14;
	v6, _, _ =	vpop (xrf1);
	(xrf1) =	vsort.dscd.msk.f32 $0xffff, v3, v3  }
0x4d: {  	v14 =	vmax.f32 v15, v16;
	v3, _, _ =	vpop (xrf1);
	(xrf1) =	vsort.ascd.msk.f32 $0xffff, v13, v13  }
0x4e: {  	v15 =	vmin.f32 v15, v16;
	v13, _, _ =	vpop (xrf1);
	(xrf1) =	vsort.ascd.msk.f32 $0xffff, v4, v4  }
0x4f: {  	v16 =	vmin.f32 v17, v18;
	v4, _, _ =	vpop (xrf1);
	(xrf1) =	vsort.dscd.msk.f32 $0xffff, v14, v14  }
0x50: {  	v17 =	vmax.f32 v17, v18;
	v14, _, _ =	vpop (xrf1);
	(xrf1) =	vsort.dscd.msk.f32 $0xffff, v15, v15  }
0x51: {  	v15, _, _ =	vpop (xrf1);
	(xrf1) =	vsort.ascd.msk.f32 $0xffff, v16, v16  }
0x52: {  	v18 =	vmax.f32 v19, v8;
	v16, _, _ =	vpop (xrf1);
	(xrf1) =	vsort.ascd.msk.f32 $0xffff, v17, v17  }
0x53: {  	v8 =	vmin.f32 v19, v8;
	v17, _, _ =	vpop (xrf1);
	(xrf1) =	vsort.dscd.msk.f32 $0xffff, v18, v18;
	v18 =	vmin.f32 v9, v10  }
0x54: {  	v19, _, _ =	vpop (xrf1);
	(xrf1) =	vsort.dscd.msk.f32 $0xffff, v8, v8  }
0x55: {  	v8 =	vmax.f32 v9, v10;
	v21, _, _ =	vpop (xrf1);
	(xrf1) =	vsort.ascd.msk.f32 $0xffff, v18, v18  }
0x56: {  	v9 =	vmax.f32 v20, v2;
	v18, _, _ =	vpop (xrf1);
	(xrf1) =	vsort.ascd.msk.f32 $0xffff, v8, v8  }
0x57: {  	v2 =	vmin.f32 v20, v2;
	v20, _, _ =	vpop (xrf1);
	(xrf1) =	vsort.dscd.msk.f32 $0xffff, v9, v9  }
0x58: {  	v8 =	vmin.f32 v11, v12;
	v22, _, _ =	vpop (xrf1);
	(xrf1) =	vsort.dscd.msk.f32 $0xffff, v2, v2  }
0x59: {  	v2 =	vmax.f32 v11, v12;
	v23, _, _ =	vpop (xrf1);
	(xrf1) =	vsort.ascd.msk.f32 $0xffff, v8, v8  }
0x5a: {  	v9 =	vmax.f32 v1, v7;
	v24, _, _ =	vpop (xrf1);
	(xrf1) =	vsort.ascd.msk.f32 $0xffff, v2, v2  }
0x5b: {  	v1 =	vmin.f32 v1, v7;
	v8, _, _ =	vpop (xrf1);
	(xrf1) =	vsort.dscd.msk.f32 $0xffff, v9, v9  }
0x5c: {  	v2 =	vmin.f32 v5, v6;
	v7, _, _ =	vpop (xrf1);
	(xrf1) =	vsort.dscd.msk.f32 $0xffff, v1, v1;
	v1 =	vmax.f32 v5, v6  }
0x5d: {  	v5 =	vmin.f32 v3, v13;
	v3 =	vmax.f32 v3, v13;
	v9, _, _ =	vpop (xrf1);
	(xrf1) =	vsort.ascd.msk.f32 $0xffff, v2, v2  }
0x5e: {  	v6 =	vmin.f32 v14, v16;
	v10, _, _ =	vpop (xrf1);
	(xrf1) =	vsort.ascd.msk.f32 $0xffff, v1, v1;
	v1 =	vmin.f32 v4, v15  }
0x5f: {  	v2, _, _ =	vpop (xrf1);
	(xrf1) =	vsort.dscd.msk.f32 $0xffff, v3, v3;
	v12 =	vmin.f32 v1, v6  }
0x60: {  	v4 =	vmax.f32 v4, v15;
	v3, _, _ =	vpop (xrf1);
	(xrf1) =	vsort.dscd.msk.f32 $0xffff, v5, v5  }
0x61: {  	v1 =	vmax.f32 v1, v6;
	v5 =	vmax.f32 v14, v16;
	v11, _, _ =	vpop (xrf1);
	(xrf1) =	vsort.ascd.msk.f32 $0xffff, v12, v12  }
0x62: {  	v13 =	vmax.f32 v17, v21;
	v6 =	vmin.f32 v4, v5;
	v12, _, _ =	vpop (xrf1);
	(xrf1) =	vsort.ascd.msk.f32 $0xffff, v1, v1  }
0x63: {  	v14 =	vmax.f32 v19, v18;
	v1 =	vmax.f32 v4, v5;
	v4, _, _ =	vpop (xrf1);
	(xrf1) =	vsort.ascd.msk.f32 $0xffff, v6, v6  }
0x64: {  	v15 =	vmax.f32 v13, v14;
	v6 =	vmin.f32 v17, v21;
	v5, _, _ =	vpop (xrf1);
	(xrf1) =	vsort.ascd.msk.f32 $0xffff, v1, v1  }
0x65: {  	v16 =	vmin.f32 v13, v14;
	v1 =	vmin.f32 v19, v18;
	v13, _, _ =	vpop (xrf1);
	(xrf1) =	vsort.dscd.msk.f32 $0xffff, v15, v15  }
0x66: {  	v18 =	vmin.f32 v20, v23;
	v15 =	vmax.f32 v6, v1;
	v14, _, _ =	vpop (xrf1);
	(xrf1) =	vsort.dscd.msk.f32 $0xffff, v16, v16  }
0x67: {  	v19 =	vmin.f32 v22, v24;
	v17 =	vmin.f32 v6, v1;
	v6, _, _ =	vpop (xrf1);
	(xrf1) =	vsort.dscd.msk.f32 $0xffff, v15, v15  }
0x68: {  	v16 =	vmax.f32 v20, v23;
	v20 =	vmin.f32 v18, v19;
	v1, _, _ =	vpop (xrf1);
	(xrf1) =	vsort.dscd.msk.f32 $0xffff, v17, v17  }
0x69: {  	s26 =	simm.s32 $0x200;
	s25 =	simm.s32 $0x0;
	v18 =	vmax.f32 v18, v19;
	v17 =	vmax.f32 v22, v24;
	v15, _, _ =	vpop (xrf1);
	(xrf1) =	vsort.ascd.msk.f32 $0xffff, v20, v20  }
.LBB2_3:
0x6a: {  	p0 =	sne.s32 s26, $0x7E00;
	v22 =	vmin.f32 v16, v17;
	v20 =	vmax.f32 v8, v9;
	v21, _, _ =	vpop (xrf1);
	(xrf1) =	vsort.ascd.msk.f32 $0xffff, v18, v18  }
0x6b: {  	v23 =	vmax.f32 v16, v17;
	v17 =	vmax.f32 v7, v10;
	v18, _, _ =	vpop (xrf1);
	(xrf1) =	vsort.ascd.msk.f32 $0xffff, v22, v22  }
0x6c: {  	v8 =	vmin.f32 v8, v9;
	v9 =	vmax.f32 v20, v17;
	v19, _, _ =	vpop (xrf1);
	(xrf1) =	vsort.ascd.msk.f32 $0xffff, v23, v23  }
0x6d: {  	v22 =	vmin.f32 v7, v10;
	v10 =	vmin.f32 v20, v17;
	v16, _, _ =	vpop (xrf1);
	(xrf1) =	vsort.dscd.msk.f32 $0xffff, v9, v9  }
0x6e: {  	v17 =	vmin.f32 v2, v11;
	v9 =	vmax.f32 v8, v22;
	v20, _, _ =	vpop (xrf1);
	(xrf1) =	vsort.dscd.msk.f32 $0xffff, v10, v10  }
0x6f: {  	v8 =	vmin.f32 v8, v22;
	v22 =	vmin.f32 v3, v12;
	v7, _, _ =	vpop (xrf1);
	(xrf1) =	vsort.dscd.msk.f32 $0xffff, v9, v9  }
0x70: {  	v2 =	vmax.f32 v2, v11;
	v9 =	vmin.f32 v17, v22;
	v11, _, _ =	vpop (xrf1);
	(xrf1) =	vsort.dscd.msk.f32 $0xffff, v8, v8  }
0x71: {  	v3 =	vmax.f32 v3, v12;
	v22 =	vmax.f32 v17, v22;
	v10, _, _ =	vpop (xrf1);
	(xrf1) =	vsort.ascd.msk.f32 $0xffff, v9, v9  }
0x72: {  	v12 =	vmax.f32 v4, v13;
	v9 =	vmin.f32 v2, v3;
	v17, _, _ =	vpop (xrf1);
	(xrf1) =	vsort.ascd.msk.f32 $0xffff, v22, v22  }
0x73: {  	v2 =	vmax.f32 v2, v3;
	v3 =	vmax.f32 v5, v14;
	v8, _, _ =	vpop (xrf1);
	(xrf1) =	vsort.ascd.msk.f32 $0xffff, v9, v9  }
0x74: {  	v4 =	vmin.f32 v4, v13;
	v9 =	vmax.f32 v12, v3;
	v13, _, _ =	vpop (xrf1);
	(xrf1) =	vsort.ascd.msk.f32 $0xffff, v2, v2  }
0x75: {  	v3 =	vmin.f32 v12, v3;
	v2 =	vmin.f32 v5, v14;
	v5, _, _ =	vpop (xrf1);
	(xrf1) =	vsort.dscd.msk.f32 $0xffff, v9, v9  }
0x76: {  	v12 =	vmin.f32 v6, v15;
	v9 =	vmax.f32 v4, v2;
	v14, _, _ =	vpop (xrf1);
	(xrf1) =	vsort.dscd.msk.f32 $0xffff, v3, v3  }
0x77: {  	v22 =	vmin.f32 v1, v21;
	v2 =	vmin.f32 v4, v2;
	v4, _, _ =	vpop (xrf1);
	(xrf1) =	vsort.dscd.msk.f32 $0xffff, v9, v9  }
0x78: {  	s24 =	sadd.s32 $0x80, s24;
	v6 =	vmax.f32 v6, v15;
	v9 =	vmin.f32 v12, v22;
	v15, _, _ =	vpop (xrf1);
	(xrf1) =	vsort.dscd.msk.f32 $0xffff, v2, v2  }
0x79: {  	s28 =	sand.u32 $0x7000, s26;
	s29 =	sand.u32 $0x380, s24;
	v1 =	vmax.f32 v1, v21;
	v2 =	vmax.f32 v12, v22;
	v3, _, _ =	vpop (xrf1);
	(xrf1) =	vsort.ascd.msk.f32 $0xffff, v9, v9  }
0x7a: {  	s28 =	sor.u32 s29, s28;
	v12 =	vmax.f32 v18, v16;
	v9 =	vmin.f32 v6, v1;
	v21, _, _ =	vpop (xrf1);
	(xrf1) =	vsort.ascd.msk.f32 $0xffff, v2, v2  }
0x7b: {  	v1 =	vmax.f32 v6, v1;
	v6 =	vmax.f32 v19, v20;
	v2 =	vld [tilespmem:s28+$0x0];
	v22, _, _ =	vpop (xrf1);
	(xrf1) =	vsort.ascd.msk.f32 $0xffff, v9, v9  }
0x7c: {  	v16 =	vmin.f32 v18, v16;
	v18 =	vmax.f32 v12, v6;
	v9 =	vld [tilespmem:s28+$0x10];
	v23, _, _ =	vpop (xrf1);
	(xrf1) =	vsort.ascd.msk.f32 $0xffff, v1, v1  }
0x7d: {  	v25 =	vmin.f32 v19, v20;
	v6 =	vmin.f32 v12, v6;
	v1 =	vld [tilespmem:s28+$0x20];
	v12, _, _ =	vpop (xrf1);
	(xrf1) =	vsort.dscd.msk.f32 $0xffff, v18, v18  }
0x7e: {  	v20 =	vmax.f32 v16, v25;
	v18 =	vld [tilespmem:s28+$0x30];
	v24, _, _ =	vpop (xrf1);
	(xrf1) =	vsort.dscd.msk.f32 $0xffff, v6, v6  }
0x7f: {  	v16 =	vmin.f32 v16, v25;
	v6 =	vld [tilespmem:s28+$0x40];
	v19, _, _ =	vpop (xrf1);
	(xrf1) =	vsort.dscd.msk.f32 $0xffff, v20, v20  }
0x80: {  	v26 =	vand.u32 $0x7FFFFFFF, v2;
	v20 =	vld [tilespmem:s28+$0x50];
	v25, _, _ =	vpop (xrf1);
	(xrf1) =	vsort.dscd.msk.f32 $0xffff, v16, v16  }
0x81: {  	v27 =	vand.u32 $0x7FFFFFFF, v9;
	v16 =	vld [tilespmem:s28+$0x60];
	(xrf1) =	vsort.ascd.msk.f32 $0xffff, v26, v26;
	v2, _, _ =	vpop (xrf1)  }
0x82: {  	v28 =	vand.u32 $0x7FFFFFFF, v1;
	v26 =	vld [tilespmem:s28+$0x70];
	(xrf1) =	vsort.dscd.msk.f32 $0xffff, v27, v27;
	v9, _, _ =	vpop (xrf1)  }
0x83: {  	v29 =	vand.u32 $0x7FFFFFFF, v18;
	v27 =	vld [tilespmem:s28+$0x400];
	(xrf1) =	vsort.ascd.msk.f32 $0xffff, v28, v28;
	v1, _, _ =	vpop (xrf1)  }
0x84: {  	v28 =	vand.u32 $0x7FFFFFFF, v6;
	(xrf1) =	vsort.dscd.msk.f32 $0xffff, v29, v29;
	v18, _, _ =	vpop (xrf1)  }
0x85: {  	v29 =	vand.u32 $0x7FFFFFFF, v20;
	(xrf1) =	vsort.ascd.msk.f32 $0xffff, v28, v28;
	v6, _, _ =	vpop (xrf1)  }
0x86: {  	v28 =	vand.u32 $0x7FFFFFFF, v16;
	(xrf1) =	vsort.dscd.msk.f32 $0xffff, v29, v29;
	v20, _, _ =	vpop (xrf1)  }
0x87: {  	v29 =	vand.u32 $0x7FFFFFFF, v26;
	(xrf1) =	vsort.ascd.msk.f32 $0xffff, v28, v28;
	v16, _, _ =	vpop (xrf1)  }
0x88: {  	v27 =	vand.u32 $0x7FFFFFFF, v27;
	(xrf1) =	vsort.dscd.msk.f32 $0xffff, v29, v29;
	v26, _, _ =	vpop (xrf1)  }
0x89: {  	v7 =	vmax.f32 v7, v8;
	v8 =	vmax.f32 v11, v13;
	(xrf1) =	vsort.ascd.msk.f32 $0xffff, v27, v27;
	v11, _, _ =	vpop (xrf1)  }
0x8a: {  	v5 =	vmax.f32 v10, v5;
	v10 =	vmax.f32 v17, v14;
	v4 =	vmax.f32 v4, v22;
	v13, _, _ =	vpop (xrf1)  }
0x8b: {  	v14 =	vmax.f32 v15, v23;
	v3 =	vmax.f32 v3, v12;
	v12 =	vmax.f32 v21, v24;
	v15, _, _ =	vpop (xrf1)  }
0x8c: {  	v17 =	vmax.f32 v19, v1;
	v18 =	vmax.f32 v25, v18;
	v19 =	vmax.f32 v2, v6;
	v1, _, _ =	vpop (xrf1)  }
0x8d: {  	v20 =	vmax.f32 v9, v20;
	v15 =	vmax.f32 v16, v15;
	v16 =	vmax.f32 v26, v1;
	v1, _, _ =	vpop (xrf1)  }
0x8e: {  	v2 =	vmin.f32 v7, v5;
	v9 =	vmin.f32 v8, v10;
	v11 =	vmax.f32 v11, v1;
	v1, _, _ =	vpop (xrf1)  }
0x8f: {  	v5 =	vmax.f32 v7, v5;
	v21 =	vmin.f32 v2, v9;
	v6, _, _ =	vpop (xrf1);
	v13 =	vmax.f32 v13, v1  }
0x90: {  	v2 =	vmax.f32 v2, v9;
	v1 =	vmax.f32 v8, v10;
	v7, _, _ =	vpop (xrf1);
	(xrf1) =	vsort.ascd.msk.f32 $0xffff, v21, v21  }
0x91: {  	v10 =	vmin.f32 v5, v1;
	v21 =	vmax.f32 v4, v3;
	v8, _, _ =	vpop (xrf1);
	(xrf1) =	vsort.ascd.msk.f32 $0xffff, v2, v2  }
0x92: {  	v2 =	vmax.f32 v5, v1;
	v5 =	vmax.f32 v14, v12;
	v9, _, _ =	vpop (xrf1);
	(xrf1) =	vsort.ascd.msk.f32 $0xffff, v10, v10  }
0x93: {  	v3 =	vmin.f32 v4, v3;
	v10 =	vmax.f32 v21, v5;
	v1, _, _ =	vpop (xrf1);
	(xrf1) =	vsort.ascd.msk.f32 $0xffff, v2, v2  }
0x94: {  	v12 =	vmin.f32 v14, v12;
	v21 =	vmin.f32 v21, v5;
	v4, _, _ =	vpop (xrf1);
	(xrf1) =	vsort.dscd.msk.f32 $0xffff, v10, v10  }
0x95: {  	v14 =	vmin.f32 v17, v19;
	v10 =	vmax.f32 v3, v12;
	v2, _, _ =	vpop (xrf1);
	(xrf1) =	vsort.dscd.msk.f32 $0xffff, v21, v21  }
0x96: {  	v12 =	vmin.f32 v3, v12;
	v21 =	vmin.f32 v18, v20;
	v5, _, _ =	vpop (xrf1);
	(xrf1) =	vsort.dscd.msk.f32 $0xffff, v10, v10  }
0x97: {  	v10 =	vmax.f32 v17, v19;
	v17 =	vmin.f32 v14, v21;
	v3, _, _ =	vpop (xrf1);
	(xrf1) =	vsort.dscd.msk.f32 $0xffff, v12, v12  }
0x98: {  	v14 =	vmax.f32 v14, v21;
	v12 =	vmax.f32 v18, v20;
	(xrf1) =	vsort.ascd.msk.f32 $0xffff, v17, v17  }
0x99: {  	v18 =	vmax.f32 v15, v11;
	v17 =	vmin.f32 v10, v12;
	(xrf1) =	vsort.ascd.msk.f32 $0xffff, v14, v14  }
0x9a: {  	v10 =	vmax.f32 v10, v12;
	v12 =	vmax.f32 v16, v13;
	v14 =	vld [tilespmem:s28+$0x410];
	(xrf1) =	vsort.ascd.msk.f32 $0xffff, v17, v17  }
0x9b: {  	v11 =	vmin.f32 v15, v11;
	v15 =	vmax.f32 v18, v12;
	v17 =	vld [tilespmem:s28+$0x420];
	(xrf1) =	vsort.ascd.msk.f32 $0xffff, v10, v10  }
0x9c: {  	v19 =	vmin.f32 v16, v13;
	v12 =	vmin.f32 v18, v12;
	v10 =	vld [tilespmem:s28+$0x430];
	(xrf1) =	vsort.dscd.msk.f32 $0xffff, v15, v15  }
0x9d: {  	v16 =	vmax.f32 v11, v19;
	v15 =	vld [tilespmem:s28+$0x440];
	(xrf1) =	vsort.dscd.msk.f32 $0xffff, v12, v12  }
0x9e: {  	v11 =	vmin.f32 v11, v19;
	v12 =	vld [tilespmem:s28+$0x450];
	v13, _, _ =	vpop (xrf1);
	(xrf1) =	vsort.dscd.msk.f32 $0xffff, v16, v16  }
0x9f: {  	v19 =	vand.u32 $0x7FFFFFFF, v14;
	v16 =	vld [tilespmem:s28+$0x460];
	v18, _, _ =	vpop (xrf1);
	(xrf1) =	vsort.dscd.msk.f32 $0xffff, v11, v11  }
0xa0: {  	v20 =	vand.u32 $0x7FFFFFFF, v17;
	v17 =	vld [tilespmem:s28+$0x470];
	(xrf1) =	vsort.dscd.msk.f32 $0xffff, v19, v19;
	v14, _, _ =	vpop (xrf1)  }
0xa1: {  	v21 =	vand.u32 $0x7FFFFFFF, v10;
	v19 =	vld [tilespmem:s28+$0x800];
	(xrf1) =	vsort.ascd.msk.f32 $0xffff, v20, v20;
	v11, _, _ =	vpop (xrf1)  }
0xa2: {  	v22 =	vand.u32 $0x7FFFFFFF, v15;
	v20 =	vld [tilespmem:s28+$0x810];
	(xrf1) =	vsort.dscd.msk.f32 $0xffff, v21, v21;
	v10, _, _ =	vpop (xrf1)  }
0xa3: {  	v23 =	vand.u32 $0x7FFFFFFF, v12;
	v21 =	vld [tilespmem:s28+$0x820];
	(xrf1) =	vsort.ascd.msk.f32 $0xffff, v22, v22;
	v15, _, _ =	vpop (xrf1)  }
0xa4: {  	v24 =	vand.u32 $0x7FFFFFFF, v16;
	v22 =	vld [tilespmem:s28+$0x830];
	(xrf1) =	vsort.dscd.msk.f32 $0xffff, v23, v23;
	v12, _, _ =	vpop (xrf1)  }
0xa5: {  	v23 =	vand.u32 $0x7FFFFFFF, v17;
	(xrf1) =	vsort.ascd.msk.f32 $0xffff, v24, v24;
	v16, _, _ =	vpop (xrf1)  }
0xa6: {  	v24 =	vand.u32 $0x7FFFFFFF, v19;
	(xrf1) =	vsort.dscd.msk.f32 $0xffff, v23, v23;
	v17, _, _ =	vpop (xrf1)  }
0xa7: {  	v23 =	vand.u32 $0x7FFFFFFF, v20;
	(xrf1) =	vsort.ascd.msk.f32 $0xffff, v24, v24;
	v19, _, _ =	vpop (xrf1)  }
0xa8: {  	v24 =	vand.u32 $0x7FFFFFFF, v21;
	(xrf1) =	vsort.dscd.msk.f32 $0xffff, v23, v23;
	v20, _, _ =	vpop (xrf1)  }
0xa9: {  	v23 =	vand.u32 $0x7FFFFFFF, v22;
	(xrf1) =	vsort.ascd.msk.f32 $0xffff, v24, v24;
	v21, _, _ =	vpop (xrf1)  }
0xaa: {  	(xrf1) =	vsort.dscd.msk.f32 $0xffff, v23, v23;
	v22, _, _ =	vpop (xrf1)  }
0xab: {  	v10 =	vmax.f32 v13, v10;
	v13 =	vmax.f32 v18, v15;
	v12 =	vmax.f32 v14, v12;
	v14, _, _ =	vpop (xrf1)  }
0xac: {  	v15 =	vmax.f32 v11, v16;
	v16 =	vmax.f32 v17, v22;
	v17 =	vmax.f32 v19, v14;
	v11, _, _ =	vpop (xrf1)  }
0xad: {  	v18 =	vmin.f32 v13, v15;
	v14 =	vmin.f32 v10, v12;
	v19 =	vmax.f32 v20, v11;
	v20, _, _ =	vpop (xrf1)  }
0xae: {  	v22 =	vmax.f32 v10, v12;
	v12 =	vmin.f32 v14, v18;
	v11, _, _ =	vpop (xrf1);
	v20 =	vmax.f32 v21, v20  }
0xaf: {  	v15 =	vmax.f32 v13, v15;
	v14 =	vmax.f32 v14, v18;
	v10, _, _ =	vpop (xrf1);
	(xrf1) =	vsort.ascd.msk.f32 $0xffff, v12, v12  }
0xb0: {  	v18 =	vmin.f32 v22, v15;
	v21 =	vmax.f32 v16, v19;
	v13, _, _ =	vpop (xrf1);
	(xrf1) =	vsort.ascd.msk.f32 $0xffff, v14, v14  }
0xb1: {  	v26 =	vmax.f32 v22, v15;
	v22 =	vmax.f32 v17, v20;
	v23 =	vld [tilespmem:s28+$0x840];
	v12, _, _ =	vpop (xrf1);
	(xrf1) =	vsort.ascd.msk.f32 $0xffff, v18, v18  }
0xb2: {  	v19 =	vmin.f32 v16, v19;
	v16 =	vmax.f32 v21, v22;
	v24 =	vld [tilespmem:s28+$0x850];
	v15, _, _ =	vpop (xrf1);
	(xrf1) =	vsort.ascd.msk.f32 $0xffff, v26, v26  }
0xb3: {  	v17 =	vmin.f32 v17, v20;
	v20 =	vmin.f32 v21, v22;
	v25 =	vld [tilespmem:s28+$0x860];
	v14, _, _ =	vpop (xrf1);
	(xrf1) =	vsort.dscd.msk.f32 $0xffff, v16, v16  }
0xb4: {  	v22 =	vmax.f32 v19, v17;
	v21 =	vld [tilespmem:s28+$0x870];
	v18, _, _ =	vpop (xrf1);
	(xrf1) =	vsort.dscd.msk.f32 $0xffff, v20, v20  }
0xb5: {  	v27 =	vmin.f32 v19, v17;
	v20 =	vld [tilespmem:s28+$0xC00];
	v16, _, _ =	vpop (xrf1);
	(xrf1) =	vsort.dscd.msk.f32 $0xffff, v22, v22  }
0xb6: {  	v19 =	vand.u32 $0x7FFFFFFF, v23;
	v22 =	vld [tilespmem:s28+$0xC10];
	v23, _, _ =	vpop (xrf1);
	(xrf1) =	vsort.dscd.msk.f32 $0xffff, v27, v27  }
0xb7: {  	v24 =	vand.u32 $0x7FFFFFFF, v24;
	v26 =	vld [tilespmem:s28+$0xC20];
	v17, _, _ =	vpop (xrf1);
	(xrf1) =	vsort.ascd.msk.f32 $0xffff, v19, v19  }
0xb8: {  	v19 =	vand.u32 $0x7FFFFFFF, v25;
	v25 =	vld [tilespmem:s28+$0xC30];
	v27, _, _ =	vpop (xrf1);
	(xrf1) =	vsort.dscd.msk.f32 $0xffff, v24, v24  }
0xb9: {  	v21 =	vand.u32 $0x7FFFFFFF, v21;
	v24 =	vld [tilespmem:s28+$0xC40];
	(xrf1) =	vsort.ascd.msk.f32 $0xffff, v19, v19  }
0xba: {  	v19 =	vand.u32 $0x7FFFFFFF, v20;
	v20 =	vld [tilespmem:s28+$0xC50];
	(xrf1) =	vsort.dscd.msk.f32 $0xffff, v21, v21  }
0xbb: {  	v21 =	vand.u32 $0x7FFFFFFF, v22;
	v22 =	vld [tilespmem:s28+$0xC60];
	(xrf1) =	vsort.ascd.msk.f32 $0xffff, v19, v19  }
0xbc: {  	v28 =	vand.u32 $0x7FFFFFFF, v26;
	v26 =	vld [tilespmem:s28+$0xC70];
	(xrf1) =	vsort.dscd.msk.f32 $0xffff, v21, v21  }
0xbd: {  	v25 =	vand.u32 $0x7FFFFFFF, v25;
	(xrf1) =	vsort.ascd.msk.f32 $0xffff, v28, v28;
	v19, _, _ =	vpop (xrf1)  }
0xbe: {  	v28 =	vand.u32 $0x7FFFFFFF, v24;
	(xrf1) =	vsort.dscd.msk.f32 $0xffff, v25, v25;
	v21, _, _ =	vpop (xrf1)  }
0xbf: {  	v25 =	vand.u32 $0x7FFFFFFF, v20;
	(xrf1) =	vsort.ascd.msk.f32 $0xffff, v28, v28;
	v24, _, _ =	vpop (xrf1)  }
0xc0: {  	v28 =	vand.u32 $0x7FFFFFFF, v22;
	(xrf1) =	vsort.dscd.msk.f32 $0xffff, v25, v25;
	v20, _, _ =	vpop (xrf1)  }
0xc1: {  	v29 =	vand.u32 $0x7FFFFFFF, v26;
	(xrf1) =	vsort.ascd.msk.f32 $0xffff, v28, v28;
	v22, _, _ =	vpop (xrf1)  }
0xc2: {  	v28 =	vmin.f32 v6, v7;
	(xrf1) =	vsort.dscd.msk.f32 $0xffff, v29, v29;
	v25, _, _ =	vpop (xrf1)  }
0xc3: {  	v6 =	vmax.f32 v6, v7;
	v7 =	vmin.f32 v8, v9;
	(xrf1) =	vsort.ascd.msk.f32 $0xffff, v28, v28;
	v26, _, _ =	vpop (xrf1)  }
0xc4: {  	v8 =	vmax.f32 v8, v9;
	(xrf1) =	vsort.ascd.msk.f32 $0xffff, v6, v6;
	v6 =	vmax.f32 v19, v22;
	v9, _, _ =	vpop (xrf1)  }
0xc5: {  	v21 =	vmax.f32 v21, v25;
	v22 =	vmax.f32 v24, v26;
	v19, _, _ =	vpop (xrf1);
	v24 =	vmax.f32 v20, v9  }
0xc6: {  	v6 =	vmin.f32 v6, v22;
	v20, _, _ =	vpop (xrf1);
	(xrf1) =	vsort.dscd.msk.f32 $0xffff, v8, v8;
	v21 =	vmin.f32 v21, v24  }
0xc7: {  	v9, _, _ =	vpop (xrf1);
	(xrf1) =	vsort.dscd.msk.f32 $0xffff, v7, v7;
	v6 =	vmin.f32 v6, v21  }
0xc8: {  	v21 =	vmin.f32 v1, v4;
	v8, _, _ =	vpop (xrf1);
	(xrf1) =	vsort.ascd.msk.f32 $0xffff, v6, v6  }
0xc9: {  	v1 =	vmax.f32 v1, v4;
	v4, _, _ =	vpop (xrf1);
	(xrf1) =	vsort.ascd.msk.f32 $0xffff, v21, v21  }
0xca: {  	v21 =	vmax.f32 v2, v5;
	v7, _, _ =	vpop (xrf1);
	(xrf1) =	vsort.ascd.msk.f32 $0xffff, v1, v1  }
0xcb: {  	v1 =	vmin.f32 v2, v5;
	v2, _, _ =	vpop (xrf1);
	(xrf1) =	vsort.dscd.msk.f32 $0xffff, v21, v21  }
0xcc: {  	v5 =	vmin.f32 v3, v11;
	v6, _, _ =	vpop (xrf1);
	(xrf1) =	vsort.dscd.msk.f32 $0xffff, v1, v1  }
0xcd: {  	v1 =	vmax.f32 v3, v11;
	v3, _, _ =	vpop (xrf1);
	(xrf1) =	vsort.ascd.msk.f32 $0xffff, v5, v5  }
0xce: {  	v5 =	vmax.f32 v10, v13;
	v11, _, _ =	vpop (xrf1);
	(xrf1) =	vsort.ascd.msk.f32 $0xffff, v1, v1  }
0xcf: {  	v1 =	vmin.f32 v10, v13;
	v10, _, _ =	vpop (xrf1);
	(xrf1) =	vsort.dscd.msk.f32 $0xffff, v5, v5  }
0xd0: {  	v5 =	vmin.f32 v12, v15;
	v13, _, _ =	vpop (xrf1);
	(xrf1) =	vsort.dscd.msk.f32 $0xffff, v1, v1  }
0xd1: {  	v1 =	vmax.f32 v12, v15;
	v12, _, _ =	vpop (xrf1);
	(xrf1) =	vsort.ascd.msk.f32 $0xffff, v5, v5  }
0xd2: {  	v5 =	vmax.f32 v14, v18;
	v15, _, _ =	vpop (xrf1);
	(xrf1) =	vsort.ascd.msk.f32 $0xffff, v1, v1  }
0xd3: {  	v1 =	vmin.f32 v14, v18;
	(xrf1) =	vsort.dscd.msk.f32 $0xffff, v5, v5  }
0xd4: {  	v5 =	vmin.f32 v16, v23;
	v14, _, _ =	vpop (xrf1);
	(xrf1) =	vsort.dscd.msk.f32 $0xffff, v1, v1  }
0xd5: {  	v21 =	vmax.f32 v16, v23;
	v16, _, _ =	vpop (xrf1);
	(xrf1) =	vsort.ascd.msk.f32 $0xffff, v5, v5  }
0xd6: {  	s28 =	sshra.s32 s25, $0x2;
	s25 =	smov.u32 s26;
	v5 =	vmax.f32 v17, v27;
	(xrf1) =	vsort.ascd.msk.f32 $0xffff, v21, v21;
	v1, _, _ =	vpop (xrf1)  }
0xd7: {  	v22 =	vmin.f32 v17, v27;
	v18, _, _ =	vpop (xrf1);
	(xrf1) =	vsort.dscd.msk.f32 $0xffff, v5, v5;
	[tilespmem:s28+$0x10080] =	vst v1  }
0xd8: {  	v1 =	vmin.f32 v19, v20;
	v21, _, _ =	vpop (xrf1);
	(xrf1) =	vsort.dscd.msk.f32 $0xffff, v22, v22  }
0xd9: {  	v5 =	vmax.f32 v19, v20;
	v17, _, _ =	vpop (xrf1);
	(xrf1) =	vsort.ascd.msk.f32 $0xffff, v1, v1  }
0xda: {  	v1 =	vmax.f32 v9, v8;
	v19, _, _ =	vpop (xrf1);
	(xrf1) =	vsort.ascd.msk.f32 $0xffff, v5, v5  }
0xdb: {  	v5 =	vmin.f32 v9, v8;
	v20, _, _ =	vpop (xrf1);
	(xrf1) =	vsort.dscd.msk.f32 $0xffff, v1, v1  }
0xdc: {  	v1 =	vmin.f32 v4, v7;
	v22, _, _ =	vpop (xrf1);
	(xrf1) =	vsort.dscd.msk.f32 $0xffff, v5, v5  }
0xdd: {  	v4 =	vmax.f32 v4, v7;
	v23, _, _ =	vpop (xrf1);
	(xrf1) =	vsort.ascd.msk.f32 $0xffff, v1, v1  }
0xde: {  	v1 =	vmax.f32 v2, v6;
	v24, _, _ =	vpop (xrf1);
	(xrf1) =	vsort.ascd.msk.f32 $0xffff, v4, v4  }
0xdf: {  	v2 =	vmin.f32 v2, v6;
	v8, _, _ =	vpop (xrf1);
	(xrf1) =	vsort.dscd.msk.f32 $0xffff, v1, v1  }
0xe0: {  	v1 =	vmin.f32 v3, v11;
	v7, _, _ =	vpop (xrf1);
	(xrf1) =	vsort.dscd.msk.f32 $0xffff, v2, v2  }
0xe1: {  	v6 =	vmax.f32 v3, v11;
	v9, _, _ =	vpop (xrf1);
	(xrf1) =	vsort.ascd.msk.f32 $0xffff, v1, v1  }
0xe2: {  	v11 =	vmax.f32 v10, v13;
	v1 =	vmin.f32 v10, v13;
	v10, _, _ =	vpop (xrf1);
	(xrf1) =	vsort.ascd.msk.f32 $0xffff, v6, v6  }
0xe3: {  	v5 =	vmin.f32 v15, v16;
	v4 =	vmin.f32 v12, v14;
	v2, _, _ =	vpop (xrf1);
	(xrf1) =	vsort.dscd.msk.f32 $0xffff, v11, v11  }
0xe4: {  	v6 =	vmax.f32 v12, v14;
	v14 =	vmin.f32 v4, v5;
	v3, _, _ =	vpop (xrf1);
	(xrf1) =	vsort.dscd.msk.f32 $0xffff, v1, v1  }
0xe5: {  	v1 =	vmax.f32 v15, v16;
	v15 =	vmax.f32 v4, v5;
	v11, _, _ =	vpop (xrf1);
	(xrf1) =	vsort.ascd.msk.f32 $0xffff, v14, v14  }
0xe6: {  	v13 =	vmax.f32 v18, v17;
	v16 =	vmin.f32 v6, v1;
	v12, _, _ =	vpop (xrf1);
	(xrf1) =	vsort.ascd.msk.f32 $0xffff, v15, v15  }
0xe7: {  	v1 =	vmax.f32 v6, v1;
	v6 =	vmax.f32 v21, v19;
	v4, _, _ =	vpop (xrf1);
	(xrf1) =	vsort.ascd.msk.f32 $0xffff, v16, v16  }
0xe8: {  	v15 =	vmin.f32 v18, v17;
	v17 =	vmax.f32 v13, v6;
	v5, _, _ =	vpop (xrf1);
	(xrf1) =	vsort.ascd.msk.f32 $0xffff, v1, v1  }
.Ltmp0:
0xe9: {  	v1 =	vmin.f32 v21, v19;
	v21 =	vmin.f32 v13, v6;
	v13, _, _ =	vpop (xrf1);
	(xrf1) =	vsort.dscd.msk.f32 $0xffff, v17, v17;
	(pc) =	sbr.rel @p0 .LBB2_3-.Ltmp0, $4  }
0xea: {  	v18 =	vmin.f32 v20, v23;
	v16 =	vmax.f32 v15, v1;
	v14, _, _ =	vpop (xrf1);
	(xrf1) =	vsort.dscd.msk.f32 $0xffff, v21, v21  }
0xeb: {  	v19 =	vmin.f32 v22, v24;
	v21 =	vmin.f32 v15, v1;
	v6, _, _ =	vpop (xrf1);
	(xrf1) =	vsort.dscd.msk.f32 $0xffff, v16, v16  }
0xec: {  	v16 =	vmax.f32 v20, v23;
	v20 =	vmin.f32 v18, v19;
	v1, _, _ =	vpop (xrf1);
	(xrf1) =	vsort.dscd.msk.f32 $0xffff, v21, v21  }
0xed: {  	s26 =	sadd.s32 $0x200, s26;
	v17 =	vmax.f32 v22, v24;
	v18 =	vmax.f32 v18, v19;
	v15, _, _ =	vpop (xrf1);
	(xrf1) =	vsort.ascd.msk.f32 $0xffff, v20, v20  }
0xee: {  	v19 =	vmin.f32 v16, v17;
	v20 =	vmax.f32 v8, v9  }
0xef: {  	v21, _, _ =	vpop (xrf1);
	(xrf1) =	vsort.ascd.msk.f32 $0xffff, v18, v18;
	v16 =	vmax.f32 v16, v17;
	v17 =	vmax.f32 v7, v10  }
0xf0: {  	v8 =	vmin.f32 v8, v9;
	v7 =	vmin.f32 v7, v10;
	v18, _, _ =	vpop (xrf1);
	(xrf1) =	vsort.ascd.msk.f32 $0xffff, v19, v19  }
0xf1: {  	v9 =	vmax.f32 v20, v17;
	v10 =	vmin.f32 v20, v17;
	v19, _, _ =	vpop (xrf1);
	(xrf1) =	vsort.ascd.msk.f32 $0xffff, v16, v16  }
0xf2: {  	v16, _, _ =	vpop (xrf1);
	(xrf1) =	vsort.dscd.msk.f32 $0xffff, v9, v9;
	v9 =	vmax.f32 v8, v7  }
0xf3: {  	v7 =	vmin.f32 v8, v7;
	v8 =	vmin.f32 v3, v12;
	v20, _, _ =	vpop (xrf1);
	(xrf1) =	vsort.dscd.msk.f32 $0xffff, v10, v10  }
0xf4: {  	v17 =	vmin.f32 v2, v11;
	v2 =	vmax.f32 v2, v11;
	v10, _, _ =	vpop (xrf1);
	(xrf1) =	vsort.dscd.msk.f32 $0xffff, v9, v9  }
0xf5: {  	v9 =	vmin.f32 v17, v8;
	v11, _, _ =	vpop (xrf1);
	(xrf1) =	vsort.dscd.msk.f32 $0xffff, v7, v7;
	v7 =	vmax.f32 v17, v8  }
0xf6: {  	v3 =	vmax.f32 v3, v12;
	v12 =	vmax.f32 v4, v13;
	v8, _, _ =	vpop (xrf1);
	(xrf1) =	vsort.ascd.msk.f32 $0xffff, v9, v9  }
0xf7: {  	v4 =	vmin.f32 v4, v13;
	v9 =	vmin.f32 v2, v3;
	v17, _, _ =	vpop (xrf1);
	(xrf1) =	vsort.ascd.msk.f32 $0xffff, v7, v7  }
0xf8: {  	v2 =	vmax.f32 v2, v3;
	v3 =	vmax.f32 v5, v14;
	v7, _, _ =	vpop (xrf1);
	(xrf1) =	vsort.ascd.msk.f32 $0xffff, v9, v9  }
0xf9: {  	v9 =	vmax.f32 v12, v3;
	v3 =	vmin.f32 v12, v3;
	v13, _, _ =	vpop (xrf1);
	(xrf1) =	vsort.ascd.msk.f32 $0xffff, v2, v2  }
0xfa: {  	v12 =	vmin.f32 v6, v15;
	v2 =	vmin.f32 v5, v14;
	v5, _, _ =	vpop (xrf1);
	(xrf1) =	vsort.dscd.msk.f32 $0xffff, v9, v9  }
0xfb: {  	v9 =	vmax.f32 v4, v2;
	v14, _, _ =	vpop (xrf1);
	(xrf1) =	vsort.dscd.msk.f32 $0xffff, v3, v3;
	v3 =	vmin.f32 v1, v21  }
0xfc: {  	v6 =	vmax.f32 v6, v15;
	v2 =	vmin.f32 v4, v2;
	v4, _, _ =	vpop (xrf1);
	(xrf1) =	vsort.dscd.msk.f32 $0xffff, v9, v9  }
0xfd: {  	v1 =	vmax.f32 v1, v21;
	v9 =	vmin.f32 v12, v3;
	v15, _, _ =	vpop (xrf1);
	(xrf1) =	vsort.dscd.msk.f32 $0xffff, v2, v2  }
0xfe: {  	v2 =	vmax.f32 v12, v3;
	v12 =	vmax.f32 v18, v16;
	v3, _, _ =	vpop (xrf1);
	(xrf1) =	vsort.ascd.msk.f32 $0xffff, v9, v9  }
0xff: {  	v9 =	vmin.f32 v6, v1;
	v1 =	vmax.f32 v6, v1;
	v59, _, _ =	vpop (xrf1);
	(xrf1) =	vsort.ascd.msk.f32 $0xffff, v2, v2  }
0x100: {  	v2 =	vmax.f32 v19, v20;
	v6, _, _ =	vpop (xrf1);
	(xrf1) =	vsort.ascd.msk.f32 $0xffff, v9, v9;
	v9 =	vmin.f32 v18, v16  }
0x101: {  	v16 =	vmax.f32 v12, v2;
	v2 =	vmin.f32 v12, v2;
	v18, _, _ =	vpop (xrf1);
	(xrf1) =	vsort.ascd.msk.f32 $0xffff, v1, v1  }
0x102: {  	v1 =	vmin.f32 v19, v20;
	v12, _, _ =	vpop (xrf1);
	(xrf1) =	vsort.dscd.msk.f32 $0xffff, v16, v16  }
0x103: {  	v16 =	vmax.f32 v9, v1;
	v1 =	vmin.f32 v9, v1;
	v19, _, _ =	vpop (xrf1);
	(xrf1) =	vsort.dscd.msk.f32 $0xffff, v2, v2  }
0x104: {  	v2, _, _ =	vpop (xrf1);
	(xrf1) =	vsort.dscd.msk.f32 $0xffff, v16, v16  }
0x105: {  	v9, _, _ =	vpop (xrf1);
	(xrf1) =	vsort.dscd.msk.f32 $0xffff, v1, v1  }
0x106: {  	v1, _, _ =	vpop (xrf1)  }
0x107: {  	v16, _, _ =	vpop (xrf1)  }
0x108: {  	v20, _, _ =	vpop (xrf1)  }
0x109: {  	v22, _, _ =	vpop (xrf1)  }
0x10a: {  	v23, _, _ =	vpop (xrf1)  }
0x10b: {  	v7 =	vmax.f32 v10, v7;
	v10 =	vmax.f32 v11, v13;
	v24, _, _ =	vpop (xrf1)  }
0x10c: {  	v5 =	vmax.f32 v8, v5;
	v8 =	vmax.f32 v17, v14;
	v4 =	vmax.f32 v4, v6;
	v25, _, _ =	vpop (xrf1)  }
0x10d: {  	v13 =	vmax.f32 v15, v18;
	v18 =	vmin.f32 v7, v5;
	v5 =	vmax.f32 v7, v5;
	v26, _, _ =	vpop (xrf1)  }
0x10e: {  	v3 =	vmax.f32 v3, v12;
	v12 =	vmax.f32 v59, v19;
	v19 =	vmin.f32 v10, v8;
	v11, _, _ =	vpop (xrf1)  }
0x10f: {  	v8 =	vmax.f32 v10, v8;
	v7 =	vmin.f32 v18, v19;
	v10 =	vmax.f32 v18, v19;
	v6, _, _ =	vpop (xrf1)  }
0x110: {  	v2 =	vmax.f32 v2, v20;
	v9 =	vmax.f32 v9, v22;
	v1 =	vmax.f32 v1, v23;
	v14, _, _ =	vpop (xrf1)  }
0x111: {  	v16 =	vmax.f32 v16, v24;
	(xrf1) =	vsort.ascd.msk.f32 $0xffff, v7, v7;
	v7 =	vmin.f32 v5, v8;
	v15, _, _ =	vpop (xrf1)  }
0x112: {  	v5 =	vmax.f32 v5, v8;
	v8 =	vmax.f32 v13, v12;
	(xrf1) =	vsort.ascd.msk.f32 $0xffff, v10, v10;
	v17, _, _ =	vpop (xrf1)  }
0x113: {  	(xrf1) =	vsort.ascd.msk.f32 $0xffff, v7, v7;
	v14 =	vmax.f32 v25, v14;
	v11 =	vmax.f32 v11, v17;
	v17, _, _ =	vpop (xrf1)  }
0x114: {  	(xrf1) =	vsort.ascd.msk.f32 $0xffff, v5, v5;
	v6 =	vmax.f32 v6, v17;
	v17 =	vmax.f32 v4, v3  }
0x115: {  	v5 =	vmin.f32 v13, v12;
	v3 =	vmin.f32 v4, v3;
	v4 =	vmax.f32 v17, v8  }
0x116: {  	v15 =	vmax.f32 v26, v15;
	v7 =	vmin.f32 v17, v8;
	(xrf1) =	vsort.dscd.msk.f32 $0xffff, v4, v4  }
0x117: {  	v8 =	vmin.f32 v2, v1;
	v4 =	vmax.f32 v3, v5;
	(xrf1) =	vsort.dscd.msk.f32 $0xffff, v7, v7  }
0x118: {  	v3 =	vmin.f32 v3, v5;
	v5 =	vmin.f32 v9, v16;
	(xrf1) =	vsort.dscd.msk.f32 $0xffff, v4, v4  }
0x119: {  	v1 =	vmax.f32 v2, v1;
	v2 =	vmin.f32 v8, v5;
	(xrf1) =	vsort.dscd.msk.f32 $0xffff, v3, v3  }
0x11a: {  	v4 =	vmax.f32 v8, v5;
	v3 =	vmax.f32 v9, v16;
	(xrf1) =	vsort.ascd.msk.f32 $0xffff, v2, v2  }
0x11b: {  	v5 =	vmax.f32 v14, v11;
	v2 =	vmin.f32 v1, v3;
	(xrf1) =	vsort.ascd.msk.f32 $0xffff, v4, v4  }
0x11c: {  	v1 =	vmax.f32 v1, v3;
	v3 =	vmax.f32 v15, v6;
	(xrf1) =	vsort.ascd.msk.f32 $0xffff, v2, v2  }
0x11d: {  	v4 =	vmax.f32 v5, v3;
	v2 =	vmin.f32 v14, v11;
	(xrf1) =	vsort.ascd.msk.f32 $0xffff, v1, v1  }
0x11e: {  	v3 =	vmin.f32 v5, v3;
	v1 =	vmin.f32 v15, v6;
	(xrf1) =	vsort.dscd.msk.f32 $0xffff, v4, v4  }
0x11f: {  	v4 =	vmax.f32 v2, v1;
	v1 =	vmin.f32 v2, v1;
	(xrf1) =	vsort.dscd.msk.f32 $0xffff, v3, v3  }
0x120: {  	v2, _, _ =	vpop (xrf1);
	(xrf1) =	vsort.dscd.msk.f32 $0xffff, v4, v4  }
0x121: {  	v3, _, _ =	vpop (xrf1);
	(xrf1) =	vsort.dscd.msk.f32 $0xffff, v1, v1  }
0x122: {  	v1, _, _ =	vpop (xrf1)  }
0x123: {  	v4, _, _ =	vpop (xrf1)  }
0x124: {  	v5, _, _ =	vpop (xrf1)  }
0x125: {  	v6, _, _ =	vpop (xrf1)  }
0x126: {  	v7, _, _ =	vpop (xrf1)  }
0x127: {  	v8, _, _ =	vpop (xrf1)  }
0x128: {  	v9, _, _ =	vpop (xrf1)  }
0x129: {  	v10, _, _ =	vpop (xrf1)  }
0x12a: {  	v11, _, _ =	vpop (xrf1)  }
0x12b: {  	v2 =	vmax.f32 v2, v5;
	v3 =	vmax.f32 v3, v6;
	v1 =	vmax.f32 v1, v7;
	v12, _, _ =	vpop (xrf1)  }
0x12c: {  	v4 =	vmax.f32 v4, v8;
	v8 =	vmin.f32 v2, v1;
	v1 =	vmax.f32 v2, v1;
	v13, _, _ =	vpop (xrf1)  }
0x12d: {  	v5, _, _ =	vpop (xrf1);
	v6 =	vmax.f32 v9, v13;
	v9 =	vmin.f32 v3, v4;
	v3 =	vmax.f32 v3, v4  }
0x12e: {  	v5 =	vmax.f32 v10, v5;
	v7, _, _ =	vpop (xrf1);
	v2 =	vmin.f32 v8, v9;
	v4 =	vmax.f32 v8, v9  }
0x12f: {  	v7 =	vmax.f32 v11, v7;
	v10, _, _ =	vpop (xrf1);
	(xrf1) =	vsort.ascd.msk.f32 $0xffff, v2, v2;
	v2 =	vmin.f32 v1, v3  }
0x130: {  	v1 =	vmax.f32 v1, v3;
	v10 =	vmax.f32 v12, v10;
	(xrf1) =	vsort.ascd.msk.f32 $0xffff, v4, v4  }
0x131: {  	v8 =	vmax.f32 v6, v7;
	v3 =	vmax.f32 v5, v10;
	(xrf1) =	vsort.ascd.msk.f32 $0xffff, v2, v2  }
0x132: {  	v2 =	vmin.f32 v6, v7;
	v4 =	vmax.f32 v8, v3;
	(xrf1) =	vsort.ascd.msk.f32 $0xffff, v1, v1  }
0x133: {  	v1 =	vmin.f32 v5, v10;
	v3 =	vmin.f32 v8, v3;
	(xrf1) =	vsort.dscd.msk.f32 $0xffff, v4, v4  }
0x134: {  	v4 =	vmax.f32 v2, v1;
	(xrf1) =	vsort.dscd.msk.f32 $0xffff, v3, v3  }
0x135: {  	v1 =	vmin.f32 v2, v1;
	(xrf1) =	vsort.dscd.msk.f32 $0xffff, v4, v4  }
0x136: {  	(xrf1) =	vsort.dscd.msk.f32 $0xffff, v1, v1;
	_ =	sdelay $0x6  }
0x137: {  	v1, _, _ =	vpop (xrf1)  }
0x138: {  	v2, _, _ =	vpop (xrf1)  }
0x139: {  	v3, _, _ =	vpop (xrf1)  }
0x13a: {  	v4, _, _ =	vpop (xrf1)  }
0x13b: {  	v5, _, _ =	vpop (xrf1)  }
0x13c: {  	v6, _, _ =	vpop (xrf1)  }
0x13d: {  	v7, _, _ =	vpop (xrf1)  }
0x13e: {  	v1 =	vmax.f32 v1, v5;
	v5, _, _ =	vpop (xrf1)  }
0x13f: {  	v2 =	vmax.f32 v2, v6;
	v3 =	vmax.f32 v3, v7;
	v4 =	vmax.f32 v4, v5  }
0x140: {  	v1 =	vmin.f32 v1, v3;
	v2 =	vmin.f32 v2, v4  }
0x141: {  	v1 =	vmin.f32 v1, v2  }
0x142: {  	(xrf1) =	vsort.ascd.msk.f32 $0xffff, v1, v1;
	_ =	sdelay $0xd  }
0x143: {  	s24 =	sshra.s32 s25, $0x2;
	v1, _, _ =	vpop (xrf1)  }
0x144: {  	[tilespmem:s24+$0x10080] =	vst v1  }
0x145: {  	v1 =	vld.idx.msk [tilespmem:v0+s14+$0x0], $0xffff;
	_ =	sdelay $0x4  }
0x146: {  	[tilespmem:$0x10000] =	vst v1  }
0x147: {  	v1 =	vld.idx.msk [tilespmem:v0+s15+$0x0], $0xffff;
	_ =	sdelay $0x4  }
0x148: {  	[tilespmem:$0x10010] =	vst v1  }
0x149: {  	v1 =	vld.idx.msk [tilespmem:v0+s16+$0x0], $0xffff;
	_ =	sdelay $0x4  }
0x14a: {  	[tilespmem:$0x10020] =	vst v1  }
0x14b: {  	v1 =	vld.idx.msk [tilespmem:v0+s17+$0x0], $0xffff;
	_ =	sdelay $0x2  }
0x14c: {  	s30 =	sor.u32 s6, s23  }
0x14d: {  	s24 =	sshrl.u32 s30, $0x3  }
0x14e: {  	s24 =	sadd.s32 s5, s24;
	[tilespmem:$0x10030] =	vst v1  }
0x14f: {  	[hbm4b:s24+s4] =	stream.linear.scatter [tilespmem:s18], [sflag:$0x3], $0x40, $0x38;
	[tilespmem:$0x12080] =	vst v63  }
0x150: {  	_ =	swait.ge [sflag:s19], $0x40  }
0x151: {  	s24 =	sshllo.u32 s22, $0x1;
	[sflag:s19] =	ssyncset.done $0x0  }
0x152: {  	p0 =	sgt.u32 s24, $0x6;
	[sflag:s19] =	ssyncadd.s32 $0xFFFFFFC0  }
0x153: {  	s23 =	sadd.s32 @!p0 s23, s9;
	_ =	swait.ge [sflag:s20], $0x8000  }
0x154: {  	s23 =	sshll.u32 @!p0 s23, $0x6;
	[sflag:s20] =	ssyncset.done $0x0  }
0x155: {  	s25 =	simm.s32 @!p0 $0x0;
	s23 =	sadd.s32 @!p0 s1, s23;
	[sflag:s20] =	ssyncadd.s32 $0xFFFF8000  }
0x156: {  	[tilespmem:s25], [sflag:$0x1] =	stream.linear.gather @!p0 [hbm4b:s23+s25], $0x8000, $0x38;
	[tilespmem:$0x12080] =	vst v63  }
0x157: {  	s23 =	simm.s32 $0x0  }
0x158: {  	s31 =	sand.u32 $0x7000, s23;
	s26 =	sand.u32 $0x380, s23  }
0x159: {  	s25 =	sor.u32 s26, s31  }
0x15a: {  	v1 =	vld [tilespmem:s25+$0x8000]  }
0x15b: {  	v2 =	vld [tilespmem:s25+$0x8010]  }
0x15c: {  	v3 =	vld [tilespmem:s25+$0x8020]  }
0x15d: {  	v4 =	vld [tilespmem:s25+$0x8030]  }
0x15e: {  	v5 =	vld [tilespmem:s25+$0x8040]  }
0x15f: {  	v6 =	vld [tilespmem:s25+$0x8050];
	v1 =	vand.u32 $0x7FFFFFFF, v1  }
0x160: {  	v7 =	vld [tilespmem:s25+$0x8060];
	v2 =	vand.u32 $0x7FFFFFFF, v2;
	(xrf1) =	vsort.ascd.msk.f32 $0xffff, v1, v1  }
0x161: {  	v1 =	vand.u32 $0x7FFFFFFF, v3;
	v3 =	vld [tilespmem:s25+$0x8070];
	(xrf1) =	vsort.dscd.msk.f32 $0xffff, v2, v2  }
0x162: {  	v2 =	vand.u32 $0x7FFFFFFF, v4;
	v4 =	vld [tilespmem:s25+$0x8400];
	(xrf1) =	vsort.ascd.msk.f32 $0xffff, v1, v1  }
0x163: {  	v1 =	vand.u32 $0x7FFFFFFF, v5;
	(xrf1) =	vsort.dscd.msk.f32 $0xffff, v2, v2;
	v2 =	vld [tilespmem:s25+$0x8410]  }
0x164: {  	v5 =	vand.u32 $0x7FFFFFFF, v6;
	(xrf1) =	vsort.ascd.msk.f32 $0xffff, v1, v1;
	v1 =	vld [tilespmem:s25+$0x8420]  }
0x165: {  	v6 =	vand.u32 $0x7FFFFFFF, v7;
	(xrf1) =	vsort.dscd.msk.f32 $0xffff, v5, v5;
	v5 =	vld [tilespmem:s25+$0x8430]  }
0x166: {  	v3 =	vand.u32 $0x7FFFFFFF, v3;
	(xrf1) =	vsort.ascd.msk.f32 $0xffff, v6, v6;
	v6 =	vld [tilespmem:s25+$0x8440]  }
0x167: {  	v4 =	vand.u32 $0x7FFFFFFF, v4;
	(xrf1) =	vsort.dscd.msk.f32 $0xffff, v3, v3;
	v3 =	vld [tilespmem:s25+$0x8450]  }
0x168: {  	(xrf1) =	vsort.ascd.msk.f32 $0xffff, v4, v4;
	v2 =	vand.u32 $0x7FFFFFFF, v2;
	v4 =	vld [tilespmem:s25+$0x8460]  }
0x169: {  	v7 =	vld [tilespmem:s25+$0x8470];
	v1 =	vand.u32 $0x7FFFFFFF, v1;
	(xrf1) =	vsort.dscd.msk.f32 $0xffff, v2, v2  }
0x16a: {  	v2 =	vand.u32 $0x7FFFFFFF, v5;
	v5 =	vld [tilespmem:s25+$0x8800];
	(xrf1) =	vsort.ascd.msk.f32 $0xffff, v1, v1  }
0x16b: {  	v1 =	vand.u32 $0x7FFFFFFF, v6;
	v6 =	vld [tilespmem:s25+$0x8810];
	(xrf1) =	vsort.dscd.msk.f32 $0xffff, v2, v2  }
0x16c: {  	v2 =	vand.u32 $0x7FFFFFFF, v3;
	v3 =	vld [tilespmem:s25+$0x8820];
	(xrf1) =	vsort.ascd.msk.f32 $0xffff, v1, v1  }
0x16d: {  	v1 =	vand.u32 $0x7FFFFFFF, v4;
	v4 =	vld [tilespmem:s25+$0x8830];
	(xrf1) =	vsort.dscd.msk.f32 $0xffff, v2, v2  }
0x16e: {  	v7 =	vand.u32 $0x7FFFFFFF, v7;
	(xrf1) =	vsort.ascd.msk.f32 $0xffff, v1, v1;
	v1 =	vld [tilespmem:s25+$0x8840]  }
0x16f: {  	v2, _, _ =	vpop (xrf1);
	v5 =	vand.u32 $0x7FFFFFFF, v5;
	(xrf1) =	vsort.dscd.msk.f32 $0xffff, v7, v7;
	v7 =	vld [tilespmem:s25+$0x8850]  }
0x170: {  	v8, _, _ =	vpop (xrf1);
	v6 =	vand.u32 $0x7FFFFFFF, v6;
	(xrf1) =	vsort.ascd.msk.f32 $0xffff, v5, v5;
	v5 =	vld [tilespmem:s25+$0x8860]  }
0x171: {  	v9, _, _ =	vpop (xrf1);
	v3 =	vand.u32 $0x7FFFFFFF, v3;
	(xrf1) =	vsort.dscd.msk.f32 $0xffff, v6, v6;
	v6 =	vld [tilespmem:s25+$0x8870]  }
0x172: {  	v10, _, _ =	vpop (xrf1);
	v4 =	vand.u32 $0x7FFFFFFF, v4;
	(xrf1) =	vsort.ascd.msk.f32 $0xffff, v3, v3;
	v3 =	vld [tilespmem:s25+$0x8C00]  }
0x173: {  	v11, _, _ =	vpop (xrf1);
	(xrf1) =	vsort.dscd.msk.f32 $0xffff, v4, v4;
	v1 =	vand.u32 $0x7FFFFFFF, v1;
	v4 =	vld [tilespmem:s25+$0x8C10]  }
0x174: {  	v14 =	vld [tilespmem:s25+$0x8C20];
	v12, _, _ =	vpop (xrf1);
	v7 =	vand.u32 $0x7FFFFFFF, v7  }
0x175: {  	v15 =	vld [tilespmem:s25+$0x8C30];
	(xrf1) =	vsort.ascd.msk.f32 $0xffff, v1, v1;
	v13, _, _ =	vpop (xrf1);
	v5 =	vand.u32 $0x7FFFFFFF, v5  }
0x176: {  	v16 =	vld [tilespmem:s25+$0x8C40];
	(xrf1) =	vsort.dscd.msk.f32 $0xffff, v7, v7;
	v1, _, _ =	vpop (xrf1);
	v6 =	vand.u32 $0x7FFFFFFF, v6  }
0x177: {  	v17 =	vld [tilespmem:s25+$0x8C50];
	(xrf1) =	vsort.ascd.msk.f32 $0xffff, v5, v5;
	v7, _, _ =	vpop (xrf1);
	v3 =	vand.u32 $0x7FFFFFFF, v3  }
0x178: {  	v18 =	vld [tilespmem:s25+$0x8C60];
	(xrf1) =	vsort.dscd.msk.f32 $0xffff, v6, v6;
	v5, _, _ =	vpop (xrf1);
	v4 =	vand.u32 $0x7FFFFFFF, v4  }
0x179: {  	v19 =	vld [tilespmem:s25+$0x8C70];
	v14 =	vand.u32 $0x7FFFFFFF, v14;
	(xrf1) =	vsort.ascd.msk.f32 $0xffff, v3, v3;
	v6, _, _ =	vpop (xrf1)  }
0x17a: {  	v15 =	vand.u32 $0x7FFFFFFF, v15;
	(xrf1) =	vsort.dscd.msk.f32 $0xffff, v4, v4;
	v3, _, _ =	vpop (xrf1)  }
0x17b: {  	v16 =	vand.u32 $0x7FFFFFFF, v16;
	v4, _, _ =	vpop (xrf1);
	(xrf1) =	vsort.ascd.msk.f32 $0xffff, v14, v14  }
0x17c: {  	v17 =	vand.u32 $0x7FFFFFFF, v17;
	v14, _, _ =	vpop (xrf1);
	(xrf1) =	vsort.dscd.msk.f32 $0xffff, v15, v15  }
0x17d: {  	v18 =	vand.u32 $0x7FFFFFFF, v18;
	v15, _, _ =	vpop (xrf1);
	(xrf1) =	vsort.ascd.msk.f32 $0xffff, v16, v16  }
0x17e: {  	v19 =	vand.u32 $0x7FFFFFFF, v19;
	v16, _, _ =	vpop (xrf1);
	(xrf1) =	vsort.dscd.msk.f32 $0xffff, v17, v17  }
0x17f: {  	v17, _, _ =	vpop (xrf1);
	(xrf1) =	vsort.ascd.msk.f32 $0xffff, v18, v18  }
0x180: {  	v20 =	vmin.f32 v2, v8;
	v18, _, _ =	vpop (xrf1);
	(xrf1) =	vsort.dscd.msk.f32 $0xffff, v19, v19  }
0x181: {  	v2 =	vmax.f32 v2, v8;
	v19, _, _ =	vpop (xrf1);
	(xrf1) =	vsort.ascd.msk.f32 $0xffff, v20, v20  }
0x182: {  	v20 =	vmax.f32 v9, v10;
	v8, _, _ =	vpop (xrf1);
	(xrf1) =	vsort.ascd.msk.f32 $0xffff, v2, v2  }
0x183: {  	v2 =	vmin.f32 v9, v10;
	v9, _, _ =	vpop (xrf1);
	(xrf1) =	vsort.dscd.msk.f32 $0xffff, v20, v20  }
0x184: {  	v10, _, _ =	vpop (xrf1);
	(xrf1) =	vsort.dscd.msk.f32 $0xffff, v2, v2;
	v2 =	vmin.f32 v11, v12  }
0x185: {  	v11 =	vmax.f32 v11, v12  }
0x186: {  	v12 =	vmax.f32 v13, v1;
	v20, _, _ =	vpop (xrf1);
	(xrf1) =	vsort.ascd.msk.f32 $0xffff, v2, v2  }
0x187: {  	v1 =	vmin.f32 v13, v1;
	v2, _, _ =	vpop (xrf1);
	(xrf1) =	vsort.ascd.msk.f32 $0xffff, v11, v11  }
0x188: {  	v11, _, _ =	vpop (xrf1);
	(xrf1) =	vsort.dscd.msk.f32 $0xffff, v12, v12  }
0x189: {  	v13 =	vmin.f32 v7, v5;
	v5 =	vmax.f32 v7, v5;
	v12, _, _ =	vpop (xrf1);
	(xrf1) =	vsort.dscd.msk.f32 $0xffff, v1, v1  }
0x18a: {  	v1, _, _ =	vpop (xrf1);
	(xrf1) =	vsort.ascd.msk.f32 $0xffff, v13, v13  }
0x18b: {  	v13 =	vmax.f32 v6, v3;
	v3 =	vmin.f32 v6, v3;
	v7, _, _ =	vpop (xrf1);
	(xrf1) =	vsort.ascd.msk.f32 $0xffff, v5, v5  }
0x18c: {  	v5, _, _ =	vpop (xrf1);
	(xrf1) =	vsort.dscd.msk.f32 $0xffff, v13, v13;
	v13 =	vmin.f32 v4, v14  }
0x18d: {  	v4 =	vmax.f32 v4, v14;
	v6, _, _ =	vpop (xrf1);
	(xrf1) =	vsort.dscd.msk.f32 $0xffff, v3, v3  }
0x18e: {  	v14 =	vmax.f32 v15, v16;
	v3, _, _ =	vpop (xrf1);
	(xrf1) =	vsort.ascd.msk.f32 $0xffff, v13, v13  }
0x18f: {  	v15 =	vmin.f32 v15, v16;
	v13, _, _ =	vpop (xrf1);
	(xrf1) =	vsort.ascd.msk.f32 $0xffff, v4, v4  }
0x190: {  	v16 =	vmin.f32 v17, v18;
	v4, _, _ =	vpop (xrf1);
	(xrf1) =	vsort.dscd.msk.f32 $0xffff, v14, v14  }
0x191: {  	v17 =	vmax.f32 v17, v18;
	v14, _, _ =	vpop (xrf1);
	(xrf1) =	vsort.dscd.msk.f32 $0xffff, v15, v15  }
0x192: {  	v15, _, _ =	vpop (xrf1);
	(xrf1) =	vsort.ascd.msk.f32 $0xffff, v16, v16  }
0x193: {  	v18 =	vmax.f32 v19, v8;
	v16, _, _ =	vpop (xrf1);
	(xrf1) =	vsort.ascd.msk.f32 $0xffff, v17, v17  }
0x194: {  	v8 =	vmin.f32 v19, v8;
	v17, _, _ =	vpop (xrf1);
	(xrf1) =	vsort.dscd.msk.f32 $0xffff, v18, v18;
	v18 =	vmin.f32 v9, v10  }
0x195: {  	v19, _, _ =	vpop (xrf1);
	(xrf1) =	vsort.dscd.msk.f32 $0xffff, v8, v8  }
0x196: {  	v8 =	vmax.f32 v9, v10;
	v60, _, _ =	vpop (xrf1);
	(xrf1) =	vsort.ascd.msk.f32 $0xffff, v18, v18  }
0x197: {  	v9 =	vmax.f32 v20, v2;
	v18, _, _ =	vpop (xrf1);
	(xrf1) =	vsort.ascd.msk.f32 $0xffff, v8, v8  }
0x198: {  	v2 =	vmin.f32 v20, v2;
	v20, _, _ =	vpop (xrf1);
	(xrf1) =	vsort.dscd.msk.f32 $0xffff, v9, v9  }
0x199: {  	v8 =	vmin.f32 v11, v12;
	v61, _, _ =	vpop (xrf1);
	(xrf1) =	vsort.dscd.msk.f32 $0xffff, v2, v2  }
0x19a: {  	v2 =	vmax.f32 v11, v12;
	v62, _, _ =	vpop (xrf1);
	(xrf1) =	vsort.ascd.msk.f32 $0xffff, v8, v8  }
0x19b: {  	v9 =	vmax.f32 v1, v7;
	v63, _, _ =	vpop (xrf1);
	(xrf1) =	vsort.ascd.msk.f32 $0xffff, v2, v2  }
0x19c: {  	v1 =	vmin.f32 v1, v7;
	v8, _, _ =	vpop (xrf1);
	(xrf1) =	vsort.dscd.msk.f32 $0xffff, v9, v9  }
0x19d: {  	v2 =	vmin.f32 v5, v6;
	v7, _, _ =	vpop (xrf1);
	(xrf1) =	vsort.dscd.msk.f32 $0xffff, v1, v1;
	v1 =	vmax.f32 v5, v6  }
0x19e: {  	v5 =	vmin.f32 v3, v13;
	v3 =	vmax.f32 v3, v13;
	v9, _, _ =	vpop (xrf1);
	(xrf1) =	vsort.ascd.msk.f32 $0xffff, v2, v2  }
0x19f: {  	v6 =	vmin.f32 v14, v16;
	v10, _, _ =	vpop (xrf1);
	(xrf1) =	vsort.ascd.msk.f32 $0xffff, v1, v1;
	v1 =	vmin.f32 v4, v15  }
0x1a0: {  	v2, _, _ =	vpop (xrf1);
	(xrf1) =	vsort.dscd.msk.f32 $0xffff, v3, v3;
	v12 =	vmin.f32 v1, v6  }
0x1a1: {  	v4 =	vmax.f32 v4, v15;
	v3, _, _ =	vpop (xrf1);
	(xrf1) =	vsort.dscd.msk.f32 $0xffff, v5, v5  }
0x1a2: {  	v1 =	vmax.f32 v1, v6;
	v5 =	vmax.f32 v14, v16;
	v11, _, _ =	vpop (xrf1);
	(xrf1) =	vsort.ascd.msk.f32 $0xffff, v12, v12  }
0x1a3: {  	v13 =	vmax.f32 v17, v60;
	v6 =	vmin.f32 v4, v5;
	v12, _, _ =	vpop (xrf1);
	(xrf1) =	vsort.ascd.msk.f32 $0xffff, v1, v1  }
0x1a4: {  	v14 =	vmax.f32 v19, v18;
	v1 =	vmax.f32 v4, v5;
	v4, _, _ =	vpop (xrf1);
	(xrf1) =	vsort.ascd.msk.f32 $0xffff, v6, v6  }
0x1a5: {  	v15 =	vmax.f32 v13, v14;
	v6 =	vmin.f32 v17, v60;
	v5, _, _ =	vpop (xrf1);
	(xrf1) =	vsort.ascd.msk.f32 $0xffff, v1, v1  }
0x1a6: {  	v16 =	vmin.f32 v13, v14;
	v1 =	vmin.f32 v19, v18;
	v13, _, _ =	vpop (xrf1);
	(xrf1) =	vsort.dscd.msk.f32 $0xffff, v15, v15  }
0x1a7: {  	v18 =	vmin.f32 v20, v62;
	v15 =	vmax.f32 v6, v1;
	v14, _, _ =	vpop (xrf1);
	(xrf1) =	vsort.dscd.msk.f32 $0xffff, v16, v16  }
0x1a8: {  	v19 =	vmin.f32 v61, v63;
	v17 =	vmin.f32 v6, v1;
	v6, _, _ =	vpop (xrf1);
	(xrf1) =	vsort.dscd.msk.f32 $0xffff, v15, v15  }
0x1a9: {  	v16 =	vmax.f32 v20, v62;
	v20 =	vmin.f32 v18, v19;
	v1, _, _ =	vpop (xrf1);
	(xrf1) =	vsort.dscd.msk.f32 $0xffff, v17, v17  }
0x1aa: {  	s26 =	simm.s32 $0x200;
	s25 =	simm.s32 $0x0;
	v18 =	vmax.f32 v18, v19;
	v17 =	vmax.f32 v61, v63;
	v15, _, _ =	vpop (xrf1);
	(xrf1) =	vsort.ascd.msk.f32 $0xffff, v20, v20  }
.LBB2_5:
0x1ab: {  	p0 =	sne.s32 s26, $0x7E00;
	v22 =	vmin.f32 v16, v17;
	v20 =	vmax.f32 v8, v9;
	v21, _, _ =	vpop (xrf1);
	(xrf1) =	vsort.ascd.msk.f32 $0xffff, v18, v18  }
0x1ac: {  	v23 =	vmax.f32 v16, v17;
	v17 =	vmax.f32 v7, v10;
	v18, _, _ =	vpop (xrf1);
	(xrf1) =	vsort.ascd.msk.f32 $0xffff, v22, v22  }
0x1ad: {  	v8 =	vmin.f32 v8, v9;
	v9 =	vmax.f32 v20, v17;
	v19, _, _ =	vpop (xrf1);
	(xrf1) =	vsort.ascd.msk.f32 $0xffff, v23, v23  }
0x1ae: {  	v22 =	vmin.f32 v7, v10;
	v10 =	vmin.f32 v20, v17;
	v16, _, _ =	vpop (xrf1);
	(xrf1) =	vsort.dscd.msk.f32 $0xffff, v9, v9  }
0x1af: {  	v17 =	vmin.f32 v2, v11;
	v9 =	vmax.f32 v8, v22;
	v20, _, _ =	vpop (xrf1);
	(xrf1) =	vsort.dscd.msk.f32 $0xffff, v10, v10  }
0x1b0: {  	v8 =	vmin.f32 v8, v22;
	v22 =	vmin.f32 v3, v12;
	v7, _, _ =	vpop (xrf1);
	(xrf1) =	vsort.dscd.msk.f32 $0xffff, v9, v9  }
0x1b1: {  	v2 =	vmax.f32 v2, v11;
	v9 =	vmin.f32 v17, v22;
	v11, _, _ =	vpop (xrf1);
	(xrf1) =	vsort.dscd.msk.f32 $0xffff, v8, v8  }
0x1b2: {  	v3 =	vmax.f32 v3, v12;
	v22 =	vmax.f32 v17, v22;
	v10, _, _ =	vpop (xrf1);
	(xrf1) =	vsort.ascd.msk.f32 $0xffff, v9, v9  }
0x1b3: {  	v12 =	vmax.f32 v4, v13;
	v9 =	vmin.f32 v2, v3;
	v17, _, _ =	vpop (xrf1);
	(xrf1) =	vsort.ascd.msk.f32 $0xffff, v22, v22  }
0x1b4: {  	v2 =	vmax.f32 v2, v3;
	v3 =	vmax.f32 v5, v14;
	v8, _, _ =	vpop (xrf1);
	(xrf1) =	vsort.ascd.msk.f32 $0xffff, v9, v9  }
0x1b5: {  	v4 =	vmin.f32 v4, v13;
	v9 =	vmax.f32 v12, v3;
	v13, _, _ =	vpop (xrf1);
	(xrf1) =	vsort.ascd.msk.f32 $0xffff, v2, v2  }
0x1b6: {  	v3 =	vmin.f32 v12, v3;
	v2 =	vmin.f32 v5, v14;
	v5, _, _ =	vpop (xrf1);
	(xrf1) =	vsort.dscd.msk.f32 $0xffff, v9, v9  }
0x1b7: {  	v12 =	vmin.f32 v6, v15;
	v9 =	vmax.f32 v4, v2;
	v14, _, _ =	vpop (xrf1);
	(xrf1) =	vsort.dscd.msk.f32 $0xffff, v3, v3  }
0x1b8: {  	v22 =	vmin.f32 v1, v21;
	v2 =	vmin.f32 v4, v2;
	v4, _, _ =	vpop (xrf1);
	(xrf1) =	vsort.dscd.msk.f32 $0xffff, v9, v9  }
0x1b9: {  	s23 =	sadd.s32 $0x80, s23;
	v6 =	vmax.f32 v6, v15;
	v9 =	vmin.f32 v12, v22;
	v15, _, _ =	vpop (xrf1);
	(xrf1) =	vsort.dscd.msk.f32 $0xffff, v2, v2  }
0x1ba: {  	s28 =	sand.u32 $0x7000, s26;
	s29 =	sand.u32 $0x380, s23;
	v1 =	vmax.f32 v1, v21;
	v2 =	vmax.f32 v12, v22;
	v3, _, _ =	vpop (xrf1);
	(xrf1) =	vsort.ascd.msk.f32 $0xffff, v9, v9  }
0x1bb: {  	s28 =	sor.u32 s29, s28;
	v12 =	vmax.f32 v18, v16;
	v9 =	vmin.f32 v6, v1;
	v21, _, _ =	vpop (xrf1);
	(xrf1) =	vsort.ascd.msk.f32 $0xffff, v2, v2  }
0x1bc: {  	v1 =	vmax.f32 v6, v1;
	v6 =	vmax.f32 v19, v20;
	v2 =	vld [tilespmem:s28+$0x8000];
	v22, _, _ =	vpop (xrf1);
	(xrf1) =	vsort.ascd.msk.f32 $0xffff, v9, v9  }
0x1bd: {  	v16 =	vmin.f32 v18, v16;
	v18 =	vmax.f32 v12, v6;
	v9 =	vld [tilespmem:s28+$0x8010];
	v23, _, _ =	vpop (xrf1);
	(xrf1) =	vsort.ascd.msk.f32 $0xffff, v1, v1  }
0x1be: {  	v25 =	vmin.f32 v19, v20;
	v6 =	vmin.f32 v12, v6;
	v1 =	vld [tilespmem:s28+$0x8020];
	v12, _, _ =	vpop (xrf1);
	(xrf1) =	vsort.dscd.msk.f32 $0xffff, v18, v18  }
0x1bf: {  	v20 =	vmax.f32 v16, v25;
	v18 =	vld [tilespmem:s28+$0x8030];
	v24, _, _ =	vpop (xrf1);
	(xrf1) =	vsort.dscd.msk.f32 $0xffff, v6, v6  }
0x1c0: {  	v16 =	vmin.f32 v16, v25;
	v6 =	vld [tilespmem:s28+$0x8040];
	v19, _, _ =	vpop (xrf1);
	(xrf1) =	vsort.dscd.msk.f32 $0xffff, v20, v20  }
0x1c1: {  	v26 =	vand.u32 $0x7FFFFFFF, v2;
	v20 =	vld [tilespmem:s28+$0x8050];
	v25, _, _ =	vpop (xrf1);
	(xrf1) =	vsort.dscd.msk.f32 $0xffff, v16, v16  }
0x1c2: {  	v27 =	vand.u32 $0x7FFFFFFF, v9;
	v16 =	vld [tilespmem:s28+$0x8060];
	(xrf1) =	vsort.ascd.msk.f32 $0xffff, v26, v26;
	v2, _, _ =	vpop (xrf1)  }
0x1c3: {  	v28 =	vand.u32 $0x7FFFFFFF, v1;
	v26 =	vld [tilespmem:s28+$0x8070];
	(xrf1) =	vsort.dscd.msk.f32 $0xffff, v27, v27;
	v9, _, _ =	vpop (xrf1)  }
0x1c4: {  	v29 =	vand.u32 $0x7FFFFFFF, v18;
	v27 =	vld [tilespmem:s28+$0x8400];
	(xrf1) =	vsort.ascd.msk.f32 $0xffff, v28, v28;
	v1, _, _ =	vpop (xrf1)  }
0x1c5: {  	v28 =	vand.u32 $0x7FFFFFFF, v6;
	(xrf1) =	vsort.dscd.msk.f32 $0xffff, v29, v29;
	v18, _, _ =	vpop (xrf1)  }
0x1c6: {  	v29 =	vand.u32 $0x7FFFFFFF, v20;
	(xrf1) =	vsort.ascd.msk.f32 $0xffff, v28, v28;
	v6, _, _ =	vpop (xrf1)  }
0x1c7: {  	v28 =	vand.u32 $0x7FFFFFFF, v16;
	(xrf1) =	vsort.dscd.msk.f32 $0xffff, v29, v29;
	v20, _, _ =	vpop (xrf1)  }
0x1c8: {  	v29 =	vand.u32 $0x7FFFFFFF, v26;
	(xrf1) =	vsort.ascd.msk.f32 $0xffff, v28, v28;
	v16, _, _ =	vpop (xrf1)  }
0x1c9: {  	v27 =	vand.u32 $0x7FFFFFFF, v27;
	(xrf1) =	vsort.dscd.msk.f32 $0xffff, v29, v29;
	v26, _, _ =	vpop (xrf1)  }
0x1ca: {  	v7 =	vmax.f32 v7, v8;
	v8 =	vmax.f32 v11, v13;
	(xrf1) =	vsort.ascd.msk.f32 $0xffff, v27, v27;
	v11, _, _ =	vpop (xrf1)  }
0x1cb: {  	v5 =	vmax.f32 v10, v5;
	v10 =	vmax.f32 v17, v14;
	v4 =	vmax.f32 v4, v22;
	v13, _, _ =	vpop (xrf1)  }
0x1cc: {  	v14 =	vmax.f32 v15, v23;
	v3 =	vmax.f32 v3, v12;
	v12 =	vmax.f32 v21, v24;
	v15, _, _ =	vpop (xrf1)  }
0x1cd: {  	v17 =	vmax.f32 v19, v1;
	v18 =	vmax.f32 v25, v18;
	v19 =	vmax.f32 v2, v6;
	v1, _, _ =	vpop (xrf1)  }
0x1ce: {  	v20 =	vmax.f32 v9, v20;
	v15 =	vmax.f32 v16, v15;
	v16 =	vmax.f32 v26, v1;
	v1, _, _ =	vpop (xrf1)  }
0x1cf: {  	v2 =	vmin.f32 v7, v5;
	v9 =	vmin.f32 v8, v10;
	v11 =	vmax.f32 v11, v1;
	v1, _, _ =	vpop (xrf1)  }
0x1d0: {  	v5 =	vmax.f32 v7, v5;
	v21 =	vmin.f32 v2, v9;
	v6, _, _ =	vpop (xrf1);
	v13 =	vmax.f32 v13, v1  }
0x1d1: {  	v2 =	vmax.f32 v2, v9;
	v1 =	vmax.f32 v8, v10;
	v7, _, _ =	vpop (xrf1);
	(xrf1) =	vsort.ascd.msk.f32 $0xffff, v21, v21  }
0x1d2: {  	v10 =	vmin.f32 v5, v1;
	v21 =	vmax.f32 v4, v3;
	v8, _, _ =	vpop (xrf1);
	(xrf1) =	vsort.ascd.msk.f32 $0xffff, v2, v2  }
0x1d3: {  	v2 =	vmax.f32 v5, v1;
	v5 =	vmax.f32 v14, v12;
	v9, _, _ =	vpop (xrf1);
	(xrf1) =	vsort.ascd.msk.f32 $0xffff, v10, v10  }
0x1d4: {  	v3 =	vmin.f32 v4, v3;
	v10 =	vmax.f32 v21, v5;
	v1, _, _ =	vpop (xrf1);
	(xrf1) =	vsort.ascd.msk.f32 $0xffff, v2, v2  }
0x1d5: {  	v12 =	vmin.f32 v14, v12;
	v21 =	vmin.f32 v21, v5;
	v4, _, _ =	vpop (xrf1);
	(xrf1) =	vsort.dscd.msk.f32 $0xffff, v10, v10  }
0x1d6: {  	v14 =	vmin.f32 v17, v19;
	v10 =	vmax.f32 v3, v12;
	v2, _, _ =	vpop (xrf1);
	(xrf1) =	vsort.dscd.msk.f32 $0xffff, v21, v21  }
0x1d7: {  	v12 =	vmin.f32 v3, v12;
	v21 =	vmin.f32 v18, v20;
	v5, _, _ =	vpop (xrf1);
	(xrf1) =	vsort.dscd.msk.f32 $0xffff, v10, v10  }
0x1d8: {  	v10 =	vmax.f32 v17, v19;
	v17 =	vmin.f32 v14, v21;
	v3, _, _ =	vpop (xrf1);
	(xrf1) =	vsort.dscd.msk.f32 $0xffff, v12, v12  }
0x1d9: {  	v14 =	vmax.f32 v14, v21;
	v12 =	vmax.f32 v18, v20;
	(xrf1) =	vsort.ascd.msk.f32 $0xffff, v17, v17  }
0x1da: {  	v18 =	vmax.f32 v15, v11;
	v17 =	vmin.f32 v10, v12;
	(xrf1) =	vsort.ascd.msk.f32 $0xffff, v14, v14  }
0x1db: {  	v10 =	vmax.f32 v10, v12;
	v12 =	vmax.f32 v16, v13;
	v14 =	vld [tilespmem:s28+$0x8410];
	(xrf1) =	vsort.ascd.msk.f32 $0xffff, v17, v17  }
0x1dc: {  	v11 =	vmin.f32 v15, v11;
	v15 =	vmax.f32 v18, v12;
	v17 =	vld [tilespmem:s28+$0x8420];
	(xrf1) =	vsort.ascd.msk.f32 $0xffff, v10, v10  }
0x1dd: {  	v19 =	vmin.f32 v16, v13;
	v12 =	vmin.f32 v18, v12;
	v10 =	vld [tilespmem:s28+$0x8430];
	(xrf1) =	vsort.dscd.msk.f32 $0xffff, v15, v15  }
0x1de: {  	v16 =	vmax.f32 v11, v19;
	v15 =	vld [tilespmem:s28+$0x8440];
	(xrf1) =	vsort.dscd.msk.f32 $0xffff, v12, v12  }
0x1df: {  	v11 =	vmin.f32 v11, v19;
	v12 =	vld [tilespmem:s28+$0x8450];
	v13, _, _ =	vpop (xrf1);
	(xrf1) =	vsort.dscd.msk.f32 $0xffff, v16, v16  }
0x1e0: {  	v19 =	vand.u32 $0x7FFFFFFF, v14;
	v16 =	vld [tilespmem:s28+$0x8460];
	v18, _, _ =	vpop (xrf1);
	(xrf1) =	vsort.dscd.msk.f32 $0xffff, v11, v11  }
0x1e1: {  	v20 =	vand.u32 $0x7FFFFFFF, v17;
	v17 =	vld [tilespmem:s28+$0x8470];
	(xrf1) =	vsort.dscd.msk.f32 $0xffff, v19, v19;
	v14, _, _ =	vpop (xrf1)  }
0x1e2: {  	v21 =	vand.u32 $0x7FFFFFFF, v10;
	v19 =	vld [tilespmem:s28+$0x8800];
	(xrf1) =	vsort.ascd.msk.f32 $0xffff, v20, v20;
	v11, _, _ =	vpop (xrf1)  }
0x1e3: {  	v22 =	vand.u32 $0x7FFFFFFF, v15;
	v20 =	vld [tilespmem:s28+$0x8810];
	(xrf1) =	vsort.dscd.msk.f32 $0xffff, v21, v21;
	v10, _, _ =	vpop (xrf1)  }
0x1e4: {  	v23 =	vand.u32 $0x7FFFFFFF, v12;
	v21 =	vld [tilespmem:s28+$0x8820];
	(xrf1) =	vsort.ascd.msk.f32 $0xffff, v22, v22;
	v15, _, _ =	vpop (xrf1)  }
0x1e5: {  	v24 =	vand.u32 $0x7FFFFFFF, v16;
	v22 =	vld [tilespmem:s28+$0x8830];
	(xrf1) =	vsort.dscd.msk.f32 $0xffff, v23, v23;
	v12, _, _ =	vpop (xrf1)  }
0x1e6: {  	v23 =	vand.u32 $0x7FFFFFFF, v17;
	(xrf1) =	vsort.ascd.msk.f32 $0xffff, v24, v24;
	v16, _, _ =	vpop (xrf1)  }
0x1e7: {  	v24 =	vand.u32 $0x7FFFFFFF, v19;
	(xrf1) =	vsort.dscd.msk.f32 $0xffff, v23, v23;
	v17, _, _ =	vpop (xrf1)  }
0x1e8: {  	v23 =	vand.u32 $0x7FFFFFFF, v20;
	(xrf1) =	vsort.ascd.msk.f32 $0xffff, v24, v24;
	v19, _, _ =	vpop (xrf1)  }
0x1e9: {  	v24 =	vand.u32 $0x7FFFFFFF, v21;
	(xrf1) =	vsort.dscd.msk.f32 $0xffff, v23, v23;
	v20, _, _ =	vpop (xrf1)  }
0x1ea: {  	v23 =	vand.u32 $0x7FFFFFFF, v22;
	(xrf1) =	vsort.ascd.msk.f32 $0xffff, v24, v24;
	v21, _, _ =	vpop (xrf1)  }
0x1eb: {  	(xrf1) =	vsort.dscd.msk.f32 $0xffff, v23, v23;
	v22, _, _ =	vpop (xrf1)  }
0x1ec: {  	v10 =	vmax.f32 v13, v10;
	v13 =	vmax.f32 v18, v15;
	v12 =	vmax.f32 v14, v12;
	v14, _, _ =	vpop (xrf1)  }
0x1ed: {  	v15 =	vmax.f32 v11, v16;
	v16 =	vmax.f32 v17, v22;
	v17 =	vmax.f32 v19, v14;
	v11, _, _ =	vpop (xrf1)  }
0x1ee: {  	v18 =	vmin.f32 v13, v15;
	v14 =	vmin.f32 v10, v12;
	v19 =	vmax.f32 v20, v11;
	v20, _, _ =	vpop (xrf1)  }
0x1ef: {  	v22 =	vmax.f32 v10, v12;
	v12 =	vmin.f32 v14, v18;
	v11, _, _ =	vpop (xrf1);
	v20 =	vmax.f32 v21, v20  }
0x1f0: {  	v15 =	vmax.f32 v13, v15;
	v14 =	vmax.f32 v14, v18;
	v10, _, _ =	vpop (xrf1);
	(xrf1) =	vsort.ascd.msk.f32 $0xffff, v12, v12  }
0x1f1: {  	v18 =	vmin.f32 v22, v15;
	v21 =	vmax.f32 v16, v19;
	v13, _, _ =	vpop (xrf1);
	(xrf1) =	vsort.ascd.msk.f32 $0xffff, v14, v14  }
0x1f2: {  	v26 =	vmax.f32 v22, v15;
	v22 =	vmax.f32 v17, v20;
	v23 =	vld [tilespmem:s28+$0x8840];
	v12, _, _ =	vpop (xrf1);
	(xrf1) =	vsort.ascd.msk.f32 $0xffff, v18, v18  }
0x1f3: {  	v19 =	vmin.f32 v16, v19;
	v16 =	vmax.f32 v21, v22;
	v24 =	vld [tilespmem:s28+$0x8850];
	v15, _, _ =	vpop (xrf1);
	(xrf1) =	vsort.ascd.msk.f32 $0xffff, v26, v26  }
0x1f4: {  	v17 =	vmin.f32 v17, v20;
	v20 =	vmin.f32 v21, v22;
	v25 =	vld [tilespmem:s28+$0x8860];
	v14, _, _ =	vpop (xrf1);
	(xrf1) =	vsort.dscd.msk.f32 $0xffff, v16, v16  }
0x1f5: {  	v22 =	vmax.f32 v19, v17;
	v21 =	vld [tilespmem:s28+$0x8870];
	v18, _, _ =	vpop (xrf1);
	(xrf1) =	vsort.dscd.msk.f32 $0xffff, v20, v20  }
0x1f6: {  	v27 =	vmin.f32 v19, v17;
	v20 =	vld [tilespmem:s28+$0x8C00];
	v16, _, _ =	vpop (xrf1);
	(xrf1) =	vsort.dscd.msk.f32 $0xffff, v22, v22  }
0x1f7: {  	v19 =	vand.u32 $0x7FFFFFFF, v23;
	v22 =	vld [tilespmem:s28+$0x8C10];
	v23, _, _ =	vpop (xrf1);
	(xrf1) =	vsort.dscd.msk.f32 $0xffff, v27, v27  }
0x1f8: {  	v24 =	vand.u32 $0x7FFFFFFF, v24;
	v26 =	vld [tilespmem:s28+$0x8C20];
	v17, _, _ =	vpop (xrf1);
	(xrf1) =	vsort.ascd.msk.f32 $0xffff, v19, v19  }
0x1f9: {  	v19 =	vand.u32 $0x7FFFFFFF, v25;
	v25 =	vld [tilespmem:s28+$0x8C30];
	v27, _, _ =	vpop (xrf1);
	(xrf1) =	vsort.dscd.msk.f32 $0xffff, v24, v24  }
0x1fa: {  	v21 =	vand.u32 $0x7FFFFFFF, v21;
	v24 =	vld [tilespmem:s28+$0x8C40];
	(xrf1) =	vsort.ascd.msk.f32 $0xffff, v19, v19  }
0x1fb: {  	v19 =	vand.u32 $0x7FFFFFFF, v20;
	v20 =	vld [tilespmem:s28+$0x8C50];
	(xrf1) =	vsort.dscd.msk.f32 $0xffff, v21, v21  }
0x1fc: {  	v21 =	vand.u32 $0x7FFFFFFF, v22;
	v22 =	vld [tilespmem:s28+$0x8C60];
	(xrf1) =	vsort.ascd.msk.f32 $0xffff, v19, v19  }
0x1fd: {  	v28 =	vand.u32 $0x7FFFFFFF, v26;
	v26 =	vld [tilespmem:s28+$0x8C70];
	(xrf1) =	vsort.dscd.msk.f32 $0xffff, v21, v21  }
0x1fe: {  	v25 =	vand.u32 $0x7FFFFFFF, v25;
	(xrf1) =	vsort.ascd.msk.f32 $0xffff, v28, v28;
	v19, _, _ =	vpop (xrf1)  }
0x1ff: {  	v28 =	vand.u32 $0x7FFFFFFF, v24;
	(xrf1) =	vsort.dscd.msk.f32 $0xffff, v25, v25;
	v21, _, _ =	vpop (xrf1)  }
0x200: {  	v25 =	vand.u32 $0x7FFFFFFF, v20;
	(xrf1) =	vsort.ascd.msk.f32 $0xffff, v28, v28;
	v24, _, _ =	vpop (xrf1)  }
0x201: {  	v28 =	vand.u32 $0x7FFFFFFF, v22;
	(xrf1) =	vsort.dscd.msk.f32 $0xffff, v25, v25;
	v20, _, _ =	vpop (xrf1)  }
0x202: {  	v29 =	vand.u32 $0x7FFFFFFF, v26;
	(xrf1) =	vsort.ascd.msk.f32 $0xffff, v28, v28;
	v22, _, _ =	vpop (xrf1)  }
0x203: {  	v28 =	vmin.f32 v6, v7;
	(xrf1) =	vsort.dscd.msk.f32 $0xffff, v29, v29;
	v25, _, _ =	vpop (xrf1)  }
0x204: {  	v6 =	vmax.f32 v6, v7;
	v7 =	vmin.f32 v8, v9;
	(xrf1) =	vsort.ascd.msk.f32 $0xffff, v28, v28;
	v26, _, _ =	vpop (xrf1)  }
0x205: {  	v8 =	vmax.f32 v8, v9;
	(xrf1) =	vsort.ascd.msk.f32 $0xffff, v6, v6;
	v6 =	vmax.f32 v19, v22;
	v9, _, _ =	vpop (xrf1)  }
0x206: {  	v21 =	vmax.f32 v21, v25;
	v22 =	vmax.f32 v24, v26;
	v19, _, _ =	vpop (xrf1);
	v24 =	vmax.f32 v20, v9  }
0x207: {  	v6 =	vmin.f32 v6, v22;
	v20, _, _ =	vpop (xrf1);
	(xrf1) =	vsort.dscd.msk.f32 $0xffff, v8, v8;
	v21 =	vmin.f32 v21, v24  }
0x208: {  	v9, _, _ =	vpop (xrf1);
	(xrf1) =	vsort.dscd.msk.f32 $0xffff, v7, v7;
	v6 =	vmin.f32 v6, v21  }
0x209: {  	v21 =	vmin.f32 v1, v4;
	v8, _, _ =	vpop (xrf1);
	(xrf1) =	vsort.ascd.msk.f32 $0xffff, v6, v6  }
0x20a: {  	v1 =	vmax.f32 v1, v4;
	v4, _, _ =	vpop (xrf1);
	(xrf1) =	vsort.ascd.msk.f32 $0xffff, v21, v21  }
0x20b: {  	v21 =	vmax.f32 v2, v5;
	v7, _, _ =	vpop (xrf1);
	(xrf1) =	vsort.ascd.msk.f32 $0xffff, v1, v1  }
0x20c: {  	v1 =	vmin.f32 v2, v5;
	v2, _, _ =	vpop (xrf1);
	(xrf1) =	vsort.dscd.msk.f32 $0xffff, v21, v21  }
0x20d: {  	v5 =	vmin.f32 v3, v11;
	v6, _, _ =	vpop (xrf1);
	(xrf1) =	vsort.dscd.msk.f32 $0xffff, v1, v1  }
0x20e: {  	v1 =	vmax.f32 v3, v11;
	v3, _, _ =	vpop (xrf1);
	(xrf1) =	vsort.ascd.msk.f32 $0xffff, v5, v5  }
0x20f: {  	v5 =	vmax.f32 v10, v13;
	v11, _, _ =	vpop (xrf1);
	(xrf1) =	vsort.ascd.msk.f32 $0xffff, v1, v1  }
0x210: {  	v1 =	vmin.f32 v10, v13;
	v10, _, _ =	vpop (xrf1);
	(xrf1) =	vsort.dscd.msk.f32 $0xffff, v5, v5  }
0x211: {  	v5 =	vmin.f32 v12, v15;
	v13, _, _ =	vpop (xrf1);
	(xrf1) =	vsort.dscd.msk.f32 $0xffff, v1, v1  }
0x212: {  	v1 =	vmax.f32 v12, v15;
	v12, _, _ =	vpop (xrf1);
	(xrf1) =	vsort.ascd.msk.f32 $0xffff, v5, v5  }
0x213: {  	v5 =	vmax.f32 v14, v18;
	v15, _, _ =	vpop (xrf1);
	(xrf1) =	vsort.ascd.msk.f32 $0xffff, v1, v1  }
0x214: {  	v1 =	vmin.f32 v14, v18;
	(xrf1) =	vsort.dscd.msk.f32 $0xffff, v5, v5  }
0x215: {  	v5 =	vmin.f32 v16, v23;
	v14, _, _ =	vpop (xrf1);
	(xrf1) =	vsort.dscd.msk.f32 $0xffff, v1, v1  }
0x216: {  	v21 =	vmax.f32 v16, v23;
	v16, _, _ =	vpop (xrf1);
	(xrf1) =	vsort.ascd.msk.f32 $0xffff, v5, v5  }
0x217: {  	s28 =	sshra.s32 s25, $0x2;
	s25 =	smov.u32 s26;
	v5 =	vmax.f32 v17, v27;
	(xrf1) =	vsort.ascd.msk.f32 $0xffff, v21, v21;
	v1, _, _ =	vpop (xrf1)  }
0x218: {  	v22 =	vmin.f32 v17, v27;
	v18, _, _ =	vpop (xrf1);
	(xrf1) =	vsort.dscd.msk.f32 $0xffff, v5, v5;
	[tilespmem:s28+$0x10080] =	vst v1  }
0x219: {  	v1 =	vmin.f32 v19, v20;
	v21, _, _ =	vpop (xrf1);
	(xrf1) =	vsort.dscd.msk.f32 $0xffff, v22, v22  }
0x21a: {  	v5 =	vmax.f32 v19, v20;
	v17, _, _ =	vpop (xrf1);
	(xrf1) =	vsort.ascd.msk.f32 $0xffff, v1, v1  }
0x21b: {  	v1 =	vmax.f32 v9, v8;
	v19, _, _ =	vpop (xrf1);
	(xrf1) =	vsort.ascd.msk.f32 $0xffff, v5, v5  }
0x21c: {  	v5 =	vmin.f32 v9, v8;
	v20, _, _ =	vpop (xrf1);
	(xrf1) =	vsort.dscd.msk.f32 $0xffff, v1, v1  }
0x21d: {  	v1 =	vmin.f32 v4, v7;
	v22, _, _ =	vpop (xrf1);
	(xrf1) =	vsort.dscd.msk.f32 $0xffff, v5, v5  }
0x21e: {  	v4 =	vmax.f32 v4, v7;
	v23, _, _ =	vpop (xrf1);
	(xrf1) =	vsort.ascd.msk.f32 $0xffff, v1, v1  }
0x21f: {  	v1 =	vmax.f32 v2, v6;
	v24, _, _ =	vpop (xrf1);
	(xrf1) =	vsort.ascd.msk.f32 $0xffff, v4, v4  }
0x220: {  	v2 =	vmin.f32 v2, v6;
	v8, _, _ =	vpop (xrf1);
	(xrf1) =	vsort.dscd.msk.f32 $0xffff, v1, v1  }
0x221: {  	v1 =	vmin.f32 v3, v11;
	v7, _, _ =	vpop (xrf1);
	(xrf1) =	vsort.dscd.msk.f32 $0xffff, v2, v2  }
0x222: {  	v6 =	vmax.f32 v3, v11;
	v9, _, _ =	vpop (xrf1);
	(xrf1) =	vsort.ascd.msk.f32 $0xffff, v1, v1  }
0x223: {  	v11 =	vmax.f32 v10, v13;
	v1 =	vmin.f32 v10, v13;
	v10, _, _ =	vpop (xrf1);
	(xrf1) =	vsort.ascd.msk.f32 $0xffff, v6, v6  }
0x224: {  	v5 =	vmin.f32 v15, v16;
	v4 =	vmin.f32 v12, v14;
	v2, _, _ =	vpop (xrf1);
	(xrf1) =	vsort.dscd.msk.f32 $0xffff, v11, v11  }
0x225: {  	v6 =	vmax.f32 v12, v14;
	v14 =	vmin.f32 v4, v5;
	v3, _, _ =	vpop (xrf1);
	(xrf1) =	vsort.dscd.msk.f32 $0xffff, v1, v1  }
0x226: {  	v1 =	vmax.f32 v15, v16;
	v15 =	vmax.f32 v4, v5;
	v11, _, _ =	vpop (xrf1);
	(xrf1) =	vsort.ascd.msk.f32 $0xffff, v14, v14  }
0x227: {  	v13 =	vmax.f32 v18, v17;
	v16 =	vmin.f32 v6, v1;
	v12, _, _ =	vpop (xrf1);
	(xrf1) =	vsort.ascd.msk.f32 $0xffff, v15, v15  }
0x228: {  	v1 =	vmax.f32 v6, v1;
	v6 =	vmax.f32 v21, v19;
	v4, _, _ =	vpop (xrf1);
	(xrf1) =	vsort.ascd.msk.f32 $0xffff, v16, v16  }
0x229: {  	v15 =	vmin.f32 v18, v17;
	v17 =	vmax.f32 v13, v6;
	v5, _, _ =	vpop (xrf1);
	(xrf1) =	vsort.ascd.msk.f32 $0xffff, v1, v1  }
.Ltmp1:
0x22a: {  	v1 =	vmin.f32 v21, v19;
	v21 =	vmin.f32 v13, v6;
	v13, _, _ =	vpop (xrf1);
	(xrf1) =	vsort.dscd.msk.f32 $0xffff, v17, v17;
	(pc) =	sbr.rel @p0 .LBB2_5-.Ltmp1, $4  }
0x22b: {  	v18 =	vmin.f32 v20, v23;
	v16 =	vmax.f32 v15, v1;
	v14, _, _ =	vpop (xrf1);
	(xrf1) =	vsort.dscd.msk.f32 $0xffff, v21, v21  }
0x22c: {  	v19 =	vmin.f32 v22, v24;
	v21 =	vmin.f32 v15, v1;
	v6, _, _ =	vpop (xrf1);
	(xrf1) =	vsort.dscd.msk.f32 $0xffff, v16, v16  }
0x22d: {  	v16 =	vmax.f32 v20, v23;
	v20 =	vmin.f32 v18, v19;
	v1, _, _ =	vpop (xrf1);
	(xrf1) =	vsort.dscd.msk.f32 $0xffff, v21, v21  }
0x22e: {  	s26 =	sadd.s32 $0x200, s26;
	v17 =	vmax.f32 v22, v24;
	v18 =	vmax.f32 v18, v19;
	v15, _, _ =	vpop (xrf1);
	(xrf1) =	vsort.ascd.msk.f32 $0xffff, v20, v20  }
0x22f: {  	v19 =	vmin.f32 v16, v17  }
0x230: {  	v20 =	vmax.f32 v8, v9;
	v21, _, _ =	vpop (xrf1);
	(xrf1) =	vsort.ascd.msk.f32 $0xffff, v18, v18;
	v46 =	vmax.f32 v16, v17  }
0x231: {  	v47 =	vmax.f32 v7, v10;
	v49 =	vmin.f32 v8, v9;
	v48, _, _ =	vpop (xrf1);
	(xrf1) =	vsort.ascd.msk.f32 $0xffff, v19, v19  }
0x232: {  	v52 =	vmin.f32 v7, v10;
	v50 =	vmax.f32 v20, v47;
	v51, _, _ =	vpop (xrf1);
	(xrf1) =	vsort.ascd.msk.f32 $0xffff, v46, v46  }
0x233: {  	v56 =	vmin.f32 v2, v11;
	v53 =	vmin.f32 v20, v47;
	v54, _, _ =	vpop (xrf1);
	(xrf1) =	vsort.dscd.msk.f32 $0xffff, v50, v50  }
0x234: {  	v58 =	vmin.f32 v3, v12;
	v55 =	vmax.f32 v49, v52;
	v57, _, _ =	vpop (xrf1);
	(xrf1) =	vsort.dscd.msk.f32 $0xffff, v53, v53  }
0x235: {  	v2 =	vmax.f32 v2, v11;
	v7 =	vmin.f32 v49, v52;
	v59, _, _ =	vpop (xrf1);
	(xrf1) =	vsort.dscd.msk.f32 $0xffff, v55, v55  }
0x236: {  	v3 =	vmax.f32 v3, v12;
	v60 =	vmin.f32 v56, v58;
	v61, _, _ =	vpop (xrf1);
	(xrf1) =	vsort.dscd.msk.f32 $0xffff, v7, v7  }
0x237: {  	v28 =	vmax.f32 v4, v13;
	v62 =	vmax.f32 v56, v58;
	v63, _, _ =	vpop (xrf1);
	(xrf1) =	vsort.ascd.msk.f32 $0xffff, v60, v60  }
0x238: {  	v31 =	vmin.f32 v4, v13;
	v27 =	vmin.f32 v2, v3;
	v29, _, _ =	vpop (xrf1);
	(xrf1) =	vsort.ascd.msk.f32 $0xffff, v62, v62  }
0x239: {  	v2 =	vmax.f32 v2, v3;
	v3 =	vmax.f32 v5, v14;
	v30, _, _ =	vpop (xrf1);
	(xrf1) =	vsort.ascd.msk.f32 $0xffff, v27, v27  }
0x23a: {  	v36 =	vmin.f32 v6, v15;
	v32 =	vmax.f32 v28, v3;
	v33, _, _ =	vpop (xrf1);
	(xrf1) =	vsort.ascd.msk.f32 $0xffff, v2, v2  }
0x23b: {  	v3 =	vmin.f32 v28, v3;
	v2 =	vmin.f32 v5, v14;
	v34, _, _ =	vpop (xrf1);
	(xrf1) =	vsort.dscd.msk.f32 $0xffff, v32, v32  }
0x23c: {  	v35 =	vmax.f32 v31, v2;
	v37, _, _ =	vpop (xrf1);
	(xrf1) =	vsort.dscd.msk.f32 $0xffff, v3, v3;
	v3 =	vmin.f32 v1, v21  }
0x23d: {  	v39 =	vmax.f32 v6, v15;
	v2 =	vmin.f32 v31, v2;
	v38, _, _ =	vpop (xrf1);
	(xrf1) =	vsort.dscd.msk.f32 $0xffff, v35, v35  }
0x23e: {  	v43 =	vmax.f32 v48, v54;
	v40 =	vmin.f32 v36, v3;
	v41, _, _ =	vpop (xrf1);
	(xrf1) =	vsort.dscd.msk.f32 $0xffff, v2, v2  }
0x23f: {  	v1 =	vmax.f32 v1, v21;
	v2 =	vmax.f32 v36, v3;
	v3, _, _ =	vpop (xrf1);
	(xrf1) =	vsort.ascd.msk.f32 $0xffff, v40, v40  }
0x240: {  	v46 =	vmin.f32 v48, v54;
	v42 =	vmin.f32 v39, v1;
	v44, _, _ =	vpop (xrf1);
	(xrf1) =	vsort.ascd.msk.f32 $0xffff, v2, v2  }
0x241: {  	v1 =	vmax.f32 v39, v1;
	v2 =	vmax.f32 v51, v57;
	v45, _, _ =	vpop (xrf1);
	(xrf1) =	vsort.ascd.msk.f32 $0xffff, v42, v42  }
0x242: {  	v47 =	vmax.f32 v43, v2;
	v2 =	vmin.f32 v43, v2;
	v48, _, _ =	vpop (xrf1);
	(xrf1) =	vsort.ascd.msk.f32 $0xffff, v1, v1  }
0x243: {  	v1 =	vmin.f32 v51, v57;
	v49, _, _ =	vpop (xrf1);
	(xrf1) =	vsort.dscd.msk.f32 $0xffff, v47, v47  }
0x244: {  	v50 =	vmax.f32 v46, v1;
	v1 =	vmin.f32 v46, v1;
	v51, _, _ =	vpop (xrf1);
	(xrf1) =	vsort.dscd.msk.f32 $0xffff, v2, v2  }
0x245: {  	v2, _, _ =	vpop (xrf1)  }
0x246: {  	(xrf1) =	vsort.dscd.msk.f32 $0xffff, v50, v50;
	v52, _, _ =	vpop (xrf1)  }
0x247: {  	(xrf1) =	vsort.dscd.msk.f32 $0xffff, v1, v1;
	v1, _, _ =	vpop (xrf1)  }
0x248: {  	v53, _, _ =	vpop (xrf1)  }
0x249: {  	v54, _, _ =	vpop (xrf1)  }
0x24a: {  	v22, _, _ =	vpop (xrf1)  }
0x24b: {  	v7 =	vmax.f32 v59, v30;
	v5 =	vmax.f32 v63, v34;
	v23, _, _ =	vpop (xrf1)  }
0x24c: {  	v55 =	vmax.f32 v61, v33;
	v21 =	vmin.f32 v7, v5;
	v5 =	vmax.f32 v7, v5;
	v24, _, _ =	vpop (xrf1)  }
0x24d: {  	v57 =	vmax.f32 v29, v37;
	v4 =	vmax.f32 v38, v45;
	v59 =	vmax.f32 v41, v48;
	v25, _, _ =	vpop (xrf1)  }
0x24e: {  	v8 =	vmax.f32 v55, v57;
	v3 =	vmax.f32 v3, v49;
	v60 =	vmax.f32 v44, v51;
	v26, _, _ =	vpop (xrf1)  }
0x24f: {  	v27 =	vmax.f32 v4, v3;
	v3 =	vmin.f32 v4, v3;
	v28 =	vmax.f32 v59, v60;
	v56, _, _ =	vpop (xrf1)  }
0x250: {  	v30 =	vmin.f32 v59, v60;
	v9 =	vmax.f32 v52, v22;
	v22 =	vmin.f32 v55, v57;
	v58, _, _ =	vpop (xrf1)  }
0x251: {  	v29 =	vmax.f32 v27, v28;
	v16 =	vmax.f32 v53, v24;
	v24 =	vmin.f32 v21, v22;
	v61, _, _ =	vpop (xrf1)  }
0x252: {  	(xrf1) =	vsort.ascd.msk.f32 $0xffff, v24, v24;
	v62, _, _ =	vpop (xrf1);
	v14 =	vmax.f32 v25, v61;
	v25 =	vmax.f32 v21, v22  }
0x253: {  	v15 =	vmax.f32 v26, v62;
	v26 =	vmin.f32 v5, v8;
	(xrf1) =	vsort.ascd.msk.f32 $0xffff, v25, v25  }
0x254: {  	v31 =	vmin.f32 v27, v28;
	v5 =	vmax.f32 v5, v8;
	(xrf1) =	vsort.ascd.msk.f32 $0xffff, v26, v26  }
0x255: {  	v32 =	vmax.f32 v3, v30;
	v3 =	vmin.f32 v3, v30;
	(xrf1) =	vsort.ascd.msk.f32 $0xffff, v5, v5  }
0x256: {  	v2 =	vmax.f32 v2, v54;
	v1 =	vmax.f32 v1, v23;
	(xrf1) =	vsort.dscd.msk.f32 $0xffff, v29, v29  }
0x257: {  	v33 =	vmin.f32 v2, v1;
	v34 =	vmin.f32 v9, v16;
	(xrf1) =	vsort.dscd.msk.f32 $0xffff, v31, v31  }
0x258: {  	v1 =	vmax.f32 v2, v1;
	v2 =	vmin.f32 v33, v34;
	v63, _, _ =	vpop (xrf1);
	(xrf1) =	vsort.dscd.msk.f32 $0xffff, v32, v32  }
0x259: {  	v35 =	vmax.f32 v33, v34;
	v11 =	vmax.f32 v56, v63;
	v23, _, _ =	vpop (xrf1);
	(xrf1) =	vsort.dscd.msk.f32 $0xffff, v3, v3  }
0x25a: {  	v6 =	vmax.f32 v58, v23;
	v3 =	vmax.f32 v9, v16;
	(xrf1) =	vsort.ascd.msk.f32 $0xffff, v2, v2  }
0x25b: {  	v36 =	vmax.f32 v14, v11;
	v2 =	vmin.f32 v1, v3;
	(xrf1) =	vsort.ascd.msk.f32 $0xffff, v35, v35  }
0x25c: {  	v1 =	vmax.f32 v1, v3;
	v3 =	vmax.f32 v15, v6;
	(xrf1) =	vsort.ascd.msk.f32 $0xffff, v2, v2  }
0x25d: {  	v37 =	vmax.f32 v36, v3;
	v2 =	vmin.f32 v14, v11;
	(xrf1) =	vsort.ascd.msk.f32 $0xffff, v1, v1  }
0x25e: {  	v3 =	vmin.f32 v36, v3;
	v1 =	vmin.f32 v15, v6;
	(xrf1) =	vsort.dscd.msk.f32 $0xffff, v37, v37  }
0x25f: {  	v38 =	vmax.f32 v2, v1;
	v1 =	vmin.f32 v2, v1;
	(xrf1) =	vsort.dscd.msk.f32 $0xffff, v3, v3  }
0x260: {  	v2, _, _ =	vpop (xrf1);
	(xrf1) =	vsort.dscd.msk.f32 $0xffff, v38, v38  }
0x261: {  	v3, _, _ =	vpop (xrf1);
	(xrf1) =	vsort.dscd.msk.f32 $0xffff, v1, v1  }
0x262: {  	v1, _, _ =	vpop (xrf1)  }
0x263: {  	v39, _, _ =	vpop (xrf1)  }
0x264: {  	v40, _, _ =	vpop (xrf1)  }
0x265: {  	v41, _, _ =	vpop (xrf1)  }
0x266: {  	v42, _, _ =	vpop (xrf1)  }
0x267: {  	v43, _, _ =	vpop (xrf1)  }
0x268: {  	v44, _, _ =	vpop (xrf1)  }
0x269: {  	v45, _, _ =	vpop (xrf1)  }
0x26a: {  	v2 =	vmax.f32 v2, v40;
	v46, _, _ =	vpop (xrf1)  }
0x26b: {  	v3 =	vmax.f32 v3, v41;
	v1 =	vmax.f32 v1, v42;
	v4 =	vmax.f32 v39, v43;
	v47, _, _ =	vpop (xrf1)  }
0x26c: {  	v52 =	vmin.f32 v2, v1;
	v53 =	vmin.f32 v3, v4;
	v48, _, _ =	vpop (xrf1)  }
0x26d: {  	v1 =	vmax.f32 v2, v1;
	v3 =	vmax.f32 v3, v4;
	v2 =	vmin.f32 v52, v53;
	v49, _, _ =	vpop (xrf1)  }
0x26e: {  	v55 =	vmax.f32 v52, v53;
	v50 =	vmax.f32 v44, v48;
	v5 =	vmax.f32 v45, v49;
	v51, _, _ =	vpop (xrf1)  }
0x26f: {  	(xrf1) =	vsort.ascd.msk.f32 $0xffff, v2, v2;
	v2 =	vmin.f32 v1, v3;
	v1 =	vmax.f32 v1, v3;
	v54, _, _ =	vpop (xrf1)  }
0x270: {  	v7 =	vmax.f32 v46, v51;
	(xrf1) =	vsort.ascd.msk.f32 $0xffff, v55, v55;
	v10 =	vmax.f32 v47, v54  }
0x271: {  	v56 =	vmax.f32 v50, v7;
	(xrf1) =	vsort.ascd.msk.f32 $0xffff, v2, v2;
	v3 =	vmax.f32 v5, v10  }
0x272: {  	v2 =	vmin.f32 v50, v7;
	(xrf1) =	vsort.ascd.msk.f32 $0xffff, v1, v1;
	v57 =	vmax.f32 v56, v3  }
0x273: {  	v1 =	vmin.f32 v5, v10;
	v3 =	vmin.f32 v56, v3;
	(xrf1) =	vsort.dscd.msk.f32 $0xffff, v57, v57  }
0x274: {  	v58 =	vmax.f32 v2, v1;
	(xrf1) =	vsort.dscd.msk.f32 $0xffff, v3, v3  }
0x275: {  	v1 =	vmin.f32 v2, v1;
	(xrf1) =	vsort.dscd.msk.f32 $0xffff, v58, v58  }
0x276: {  	(xrf1) =	vsort.dscd.msk.f32 $0xffff, v1, v1;
	_ =	sdelay $0x6  }
0x277: {  	v1, _, _ =	vpop (xrf1)  }
0x278: {  	v2, _, _ =	vpop (xrf1)  }
0x279: {  	v3, _, _ =	vpop (xrf1)  }
0x27a: {  	v59, _, _ =	vpop (xrf1)  }
0x27b: {  	v60, _, _ =	vpop (xrf1)  }
0x27c: {  	v61, _, _ =	vpop (xrf1)  }
0x27d: {  	v62, _, _ =	vpop (xrf1)  }
0x27e: {  	v1 =	vmax.f32 v1, v60;
	v63, _, _ =	vpop (xrf1)  }
0x27f: {  	v2 =	vmax.f32 v2, v61;
	v3 =	vmax.f32 v3, v62;
	v4 =	vmax.f32 v59, v63  }
0x280: {  	v1 =	vmin.f32 v1, v3;
	v2 =	vmin.f32 v2, v4  }
0x281: {  	v1 =	vmin.f32 v1, v2  }
0x282: {  	(xrf1) =	vsort.ascd.msk.f32 $0xffff, v1, v1;
	_ =	sdelay $0xd  }
0x283: {  	s23 =	sshra.s32 s25, $0x2;
	v1, _, _ =	vpop (xrf1)  }
0x284: {  	[tilespmem:s23+$0x10080] =	vst v1  }
0x285: {  	v1 =	vld.idx.msk [tilespmem:v0+s14+$0x0], $0xffff;
	_ =	sdelay $0x4  }
0x286: {  	[tilespmem:$0x10000] =	vst v1  }
0x287: {  	v1 =	vld.idx.msk [tilespmem:v0+s15+$0x0], $0xffff;
	_ =	sdelay $0x4  }
0x288: {  	[tilespmem:$0x10010] =	vst v1  }
0x289: {  	v1 =	vld.idx.msk [tilespmem:v0+s16+$0x0], $0xffff;
	_ =	sdelay $0x4  }
0x28a: {  	[tilespmem:$0x10020] =	vst v1  }
0x28b: {  	v1 =	vld.idx.msk [tilespmem:v0+s17+$0x0], $0xffff;
	_ =	sdelay $0x1  }
0x28c: {  	s31 =	sshll.u32 s24, $0x6  }
0x28d: {  	s22 =	sadd.s32 $0x1, s22;
	s23 =	sadd.s32 s6, s31  }
0x28e: {  	p0 =	sne.s32 s22, $0x4;
	s23 =	sshrl.u32 s23, $0x3  }
.Ltmp2:
0x28f: {  	s23 =	sadd.s32 s5, s23;
	[tilespmem:$0x10030] =	vst v1;
	(pc) =	sbr.rel @p0 .LBB2_2-.Ltmp2, $4  }
0x290: {  	[hbm4b:s23+s4] =	stream.linear.scatter [tilespmem:s18], [sflag:$0x3], $0x40, $0x38;
	[tilespmem:$0x12080] =	vst v63  }
0x291: {  	_ =	swait.ge [sflag:s19], $0x40  }
0x292: {  	[sflag:s19] =	ssyncset.done $0x0  }
0x293: {  	[sflag:s19] =	ssyncadd.s32 $0xFFFFFFC0  }
0x294: {  	s22 =	simm.s32 $0x0;
	s23 =	simm.s32 $0x0  }
0x295: {  	[tilespmem:s22], [sflag:$0x1] =	stream.linear.gather [hbm4b:s10+s22], $0x8000, $0x38;
	[tilespmem:$0x12080] =	vst v63  }
.LBB2_8:
0x296: {  	s24 =	sshll.u32 s23, $0x7  }
0x297: {  	s25 =	sadd.s32 s24, s6  }
0x298: {  	_ =	swait.ge [sflag:s12], $0x8000;
	s25 =	sshll.u32 s25, $0x6  }
0x299: {  	s31 =	sand.u32 $0x7000, s22;
	[sflag:s12] =	ssyncset.done $0x0;
	s25 =	sadd.s32 s2, s25  }
0x29a: {  	s26 =	sand.u32 $0x380, s22;
	[sflag:s12] =	ssyncadd.s32 $0xFFFF8000;
	s25 =	sadd.s32 $0x1000, s25  }
0x29b: {  	[tilespmem:s13], [sflag:$0x2] =	stream.linear.gather [hbm4b:s25+s22], $0x8000, $0x38;
	[tilespmem:$0x12080] =	vst v63  }
0x29c: {  	s25 =	sor.u32 s26, s31  }
0x29d: {  	v1 =	vld [tilespmem:s25+$0x0]  }
0x29e: {  	v2 =	vld [tilespmem:s25+$0x10]  }
0x29f: {  	v3 =	vld [tilespmem:s25+$0x20]  }
0x2a0: {  	v4 =	vld [tilespmem:s25+$0x30]  }
0x2a1: {  	v5 =	vld [tilespmem:s25+$0x40]  }
0x2a2: {  	v6 =	vld [tilespmem:s25+$0x50];
	v1 =	vand.u32 $0x7FFFFFFF, v1  }
0x2a3: {  	v7 =	vld [tilespmem:s25+$0x60];
	v2 =	vand.u32 $0x7FFFFFFF, v2;
	(xrf1) =	vsort.ascd.msk.f32 $0xffff, v1, v1  }
0x2a4: {  	v1 =	vand.u32 $0x7FFFFFFF, v3;
	v3 =	vld [tilespmem:s25+$0x70];
	(xrf1) =	vsort.dscd.msk.f32 $0xffff, v2, v2  }
0x2a5: {  	v2 =	vand.u32 $0x7FFFFFFF, v4;
	v4 =	vld [tilespmem:s25+$0x400];
	(xrf1) =	vsort.ascd.msk.f32 $0xffff, v1, v1  }
0x2a6: {  	v1 =	vand.u32 $0x7FFFFFFF, v5;
	(xrf1) =	vsort.dscd.msk.f32 $0xffff, v2, v2;
	v2 =	vld [tilespmem:s25+$0x410]  }
0x2a7: {  	v5 =	vand.u32 $0x7FFFFFFF, v6;
	(xrf1) =	vsort.ascd.msk.f32 $0xffff, v1, v1;
	v1 =	vld [tilespmem:s25+$0x420]  }
0x2a8: {  	v6 =	vand.u32 $0x7FFFFFFF, v7;
	(xrf1) =	vsort.dscd.msk.f32 $0xffff, v5, v5;
	v5 =	vld [tilespmem:s25+$0x430]  }
0x2a9: {  	v3 =	vand.u32 $0x7FFFFFFF, v3;
	(xrf1) =	vsort.ascd.msk.f32 $0xffff, v6, v6;
	v6 =	vld [tilespmem:s25+$0x440]  }
0x2aa: {  	(xrf1) =	vsort.dscd.msk.f32 $0xffff, v3, v3;
	v3 =	vld [tilespmem:s25+$0x450]  }
0x2ab: {  	v4 =	vand.u32 $0x7FFFFFFF, v4  }
0x2ac: {  	(xrf1) =	vsort.ascd.msk.f32 $0xffff, v4, v4;
	v2 =	vand.u32 $0x7FFFFFFF, v2;
	v4 =	vld [tilespmem:s25+$0x460]  }
0x2ad: {  	v7 =	vld [tilespmem:s25+$0x470];
	v1 =	vand.u32 $0x7FFFFFFF, v1;
	(xrf1) =	vsort.dscd.msk.f32 $0xffff, v2, v2  }
0x2ae: {  	v2 =	vand.u32 $0x7FFFFFFF, v5;
	v5 =	vld [tilespmem:s25+$0x800];
	(xrf1) =	vsort.ascd.msk.f32 $0xffff, v1, v1  }
0x2af: {  	v1 =	vand.u32 $0x7FFFFFFF, v6;
	v6 =	vld [tilespmem:s25+$0x810];
	(xrf1) =	vsort.dscd.msk.f32 $0xffff, v2, v2;
	v2 =	vand.u32 $0x7FFFFFFF, v3  }
0x2b0: {  	v3 =	vld [tilespmem:s25+$0x820];
	(xrf1) =	vsort.ascd.msk.f32 $0xffff, v1, v1  }
0x2b1: {  	v1 =	vand.u32 $0x7FFFFFFF, v4;
	v4 =	vld [tilespmem:s25+$0x830];
	(xrf1) =	vsort.dscd.msk.f32 $0xffff, v2, v2  }
0x2b2: {  	v7 =	vand.u32 $0x7FFFFFFF, v7;
	(xrf1) =	vsort.ascd.msk.f32 $0xffff, v1, v1;
	v1 =	vld [tilespmem:s25+$0x840];
	v2, _, _ =	vpop (xrf1)  }
0x2b3: {  	v5 =	vand.u32 $0x7FFFFFFF, v5;
	(xrf1) =	vsort.dscd.msk.f32 $0xffff, v7, v7;
	v7 =	vld [tilespmem:s25+$0x850];
	v8, _, _ =	vpop (xrf1)  }
0x2b4: {  	v6 =	vand.u32 $0x7FFFFFFF, v6;
	(xrf1) =	vsort.ascd.msk.f32 $0xffff, v5, v5;
	v5 =	vld [tilespmem:s25+$0x860];
	v9, _, _ =	vpop (xrf1)  }
0x2b5: {  	v3 =	vand.u32 $0x7FFFFFFF, v3;
	v10, _, _ =	vpop (xrf1);
	(xrf1) =	vsort.dscd.msk.f32 $0xffff, v6, v6;
	v6 =	vld [tilespmem:s25+$0x870]  }
0x2b6: {  	v4 =	vand.u32 $0x7FFFFFFF, v4;
	v11, _, _ =	vpop (xrf1);
	(xrf1) =	vsort.ascd.msk.f32 $0xffff, v3, v3;
	v3 =	vld [tilespmem:s25+$0xC00]  }
0x2b7: {  	v1 =	vand.u32 $0x7FFFFFFF, v1;
	v12, _, _ =	vpop (xrf1);
	(xrf1) =	vsort.dscd.msk.f32 $0xffff, v4, v4;
	v4 =	vld [tilespmem:s25+$0xC10]  }
0x2b8: {  	v14 =	vld [tilespmem:s25+$0xC20];
	v7 =	vand.u32 $0x7FFFFFFF, v7  }
0x2b9: {  	v15 =	vld [tilespmem:s25+$0xC30];
	v13, _, _ =	vpop (xrf1);
	(xrf1) =	vsort.ascd.msk.f32 $0xffff, v1, v1;
	v5 =	vand.u32 $0x7FFFFFFF, v5  }
0x2ba: {  	v16 =	vld [tilespmem:s25+$0xC40];
	v1, _, _ =	vpop (xrf1);
	(xrf1) =	vsort.dscd.msk.f32 $0xffff, v7, v7;
	v6 =	vand.u32 $0x7FFFFFFF, v6  }
0x2bb: {  	v17 =	vld [tilespmem:s25+$0xC50];
	v7, _, _ =	vpop (xrf1);
	(xrf1) =	vsort.ascd.msk.f32 $0xffff, v5, v5;
	v3 =	vand.u32 $0x7FFFFFFF, v3  }
0x2bc: {  	v18 =	vld [tilespmem:s25+$0xC60];
	v5, _, _ =	vpop (xrf1);
	(xrf1) =	vsort.dscd.msk.f32 $0xffff, v6, v6;
	v4 =	vand.u32 $0x7FFFFFFF, v4  }
0x2bd: {  	v19 =	vld [tilespmem:s25+$0xC70];
	v14 =	vand.u32 $0x7FFFFFFF, v14;
	v6, _, _ =	vpop (xrf1);
	(xrf1) =	vsort.ascd.msk.f32 $0xffff, v3, v3  }
0x2be: {  	v15 =	vand.u32 $0x7FFFFFFF, v15;
	v3, _, _ =	vpop (xrf1);
	(xrf1) =	vsort.dscd.msk.f32 $0xffff, v4, v4  }
0x2bf: {  	v16 =	vand.u32 $0x7FFFFFFF, v16;
	v4, _, _ =	vpop (xrf1);
	(xrf1) =	vsort.ascd.msk.f32 $0xffff, v14, v14  }
0x2c0: {  	v17 =	vand.u32 $0x7FFFFFFF, v17;
	v14, _, _ =	vpop (xrf1);
	(xrf1) =	vsort.dscd.msk.f32 $0xffff, v15, v15  }
0x2c1: {  	v18 =	vand.u32 $0x7FFFFFFF, v18;
	v15, _, _ =	vpop (xrf1);
	(xrf1) =	vsort.ascd.msk.f32 $0xffff, v16, v16  }
0x2c2: {  	v19 =	vand.u32 $0x7FFFFFFF, v19;
	v16, _, _ =	vpop (xrf1);
	(xrf1) =	vsort.dscd.msk.f32 $0xffff, v17, v17  }
0x2c3: {  	v17, _, _ =	vpop (xrf1);
	(xrf1) =	vsort.ascd.msk.f32 $0xffff, v18, v18  }
0x2c4: {  	v20 =	vmin.f32 v2, v8;
	v18, _, _ =	vpop (xrf1);
	(xrf1) =	vsort.dscd.msk.f32 $0xffff, v19, v19  }
0x2c5: {  	v2 =	vmax.f32 v2, v8;
	v19, _, _ =	vpop (xrf1);
	(xrf1) =	vsort.ascd.msk.f32 $0xffff, v20, v20  }
0x2c6: {  	v20 =	vmax.f32 v9, v10;
	v8, _, _ =	vpop (xrf1);
	(xrf1) =	vsort.ascd.msk.f32 $0xffff, v2, v2  }
0x2c7: {  	v2 =	vmin.f32 v9, v10;
	v9, _, _ =	vpop (xrf1);
	(xrf1) =	vsort.dscd.msk.f32 $0xffff, v20, v20  }
0x2c8: {  	v10, _, _ =	vpop (xrf1);
	(xrf1) =	vsort.dscd.msk.f32 $0xffff, v2, v2;
	v2 =	vmin.f32 v11, v12  }
0x2c9: {  	v11 =	vmax.f32 v11, v12  }
0x2ca: {  	v12 =	vmax.f32 v13, v1;
	v20, _, _ =	vpop (xrf1);
	(xrf1) =	vsort.ascd.msk.f32 $0xffff, v2, v2  }
0x2cb: {  	v1 =	vmin.f32 v13, v1;
	v2, _, _ =	vpop (xrf1);
	(xrf1) =	vsort.ascd.msk.f32 $0xffff, v11, v11  }
0x2cc: {  	v11, _, _ =	vpop (xrf1);
	(xrf1) =	vsort.dscd.msk.f32 $0xffff, v12, v12  }
0x2cd: {  	v13 =	vmin.f32 v7, v5;
	v5 =	vmax.f32 v7, v5;
	v12, _, _ =	vpop (xrf1);
	(xrf1) =	vsort.dscd.msk.f32 $0xffff, v1, v1  }
0x2ce: {  	v1, _, _ =	vpop (xrf1);
	(xrf1) =	vsort.ascd.msk.f32 $0xffff, v13, v13  }
0x2cf: {  	v13 =	vmax.f32 v6, v3;
	v3 =	vmin.f32 v6, v3;
	v7, _, _ =	vpop (xrf1);
	(xrf1) =	vsort.ascd.msk.f32 $0xffff, v5, v5  }
0x2d0: {  	v5, _, _ =	vpop (xrf1);
	(xrf1) =	vsort.dscd.msk.f32 $0xffff, v13, v13;
	v13 =	vmin.f32 v4, v14  }
0x2d1: {  	v4 =	vmax.f32 v4, v14;
	v6, _, _ =	vpop (xrf1);
	(xrf1) =	vsort.dscd.msk.f32 $0xffff, v3, v3  }
0x2d2: {  	v14 =	vmax.f32 v15, v16;
	v3, _, _ =	vpop (xrf1);
	(xrf1) =	vsort.ascd.msk.f32 $0xffff, v13, v13  }
0x2d3: {  	v15 =	vmin.f32 v15, v16;
	v13, _, _ =	vpop (xrf1);
	(xrf1) =	vsort.ascd.msk.f32 $0xffff, v4, v4  }
0x2d4: {  	v16 =	vmin.f32 v17, v18;
	v4, _, _ =	vpop (xrf1);
	(xrf1) =	vsort.dscd.msk.f32 $0xffff, v14, v14  }
0x2d5: {  	v17 =	vmax.f32 v17, v18;
	v14, _, _ =	vpop (xrf1);
	(xrf1) =	vsort.dscd.msk.f32 $0xffff, v15, v15  }
0x2d6: {  	v15, _, _ =	vpop (xrf1);
	(xrf1) =	vsort.ascd.msk.f32 $0xffff, v16, v16  }
0x2d7: {  	v18 =	vmax.f32 v19, v8;
	v16, _, _ =	vpop (xrf1);
	(xrf1) =	vsort.ascd.msk.f32 $0xffff, v17, v17  }
0x2d8: {  	v8 =	vmin.f32 v19, v8;
	v17, _, _ =	vpop (xrf1);
	(xrf1) =	vsort.dscd.msk.f32 $0xffff, v18, v18;
	v18 =	vmin.f32 v9, v10  }
0x2d9: {  	v19, _, _ =	vpop (xrf1);
	(xrf1) =	vsort.dscd.msk.f32 $0xffff, v8, v8  }
0x2da: {  	v8 =	vmax.f32 v9, v10;
	v21, _, _ =	vpop (xrf1);
	(xrf1) =	vsort.ascd.msk.f32 $0xffff, v18, v18  }
0x2db: {  	v9 =	vmax.f32 v20, v2;
	v18, _, _ =	vpop (xrf1);
	(xrf1) =	vsort.ascd.msk.f32 $0xffff, v8, v8  }
0x2dc: {  	v2 =	vmin.f32 v20, v2;
	v20, _, _ =	vpop (xrf1);
	(xrf1) =	vsort.dscd.msk.f32 $0xffff, v9, v9  }
0x2dd: {  	v8 =	vmin.f32 v11, v12;
	v22, _, _ =	vpop (xrf1);
	(xrf1) =	vsort.dscd.msk.f32 $0xffff, v2, v2  }
0x2de: {  	v2 =	vmax.f32 v11, v12;
	v23, _, _ =	vpop (xrf1);
	(xrf1) =	vsort.ascd.msk.f32 $0xffff, v8, v8  }
0x2df: {  	v9 =	vmax.f32 v1, v7;
	v24, _, _ =	vpop (xrf1);
	(xrf1) =	vsort.ascd.msk.f32 $0xffff, v2, v2  }
0x2e0: {  	v1 =	vmin.f32 v1, v7;
	v8, _, _ =	vpop (xrf1);
	(xrf1) =	vsort.dscd.msk.f32 $0xffff, v9, v9  }
0x2e1: {  	v2 =	vmin.f32 v5, v6;
	v7, _, _ =	vpop (xrf1);
	(xrf1) =	vsort.dscd.msk.f32 $0xffff, v1, v1;
	v1 =	vmax.f32 v5, v6  }
0x2e2: {  	v5 =	vmin.f32 v3, v13;
	v3 =	vmax.f32 v3, v13;
	v9, _, _ =	vpop (xrf1);
	(xrf1) =	vsort.ascd.msk.f32 $0xffff, v2, v2  }
0x2e3: {  	v6 =	vmin.f32 v14, v16;
	v10, _, _ =	vpop (xrf1);
	(xrf1) =	vsort.ascd.msk.f32 $0xffff, v1, v1;
	v1 =	vmin.f32 v4, v15  }
0x2e4: {  	v2, _, _ =	vpop (xrf1);
	(xrf1) =	vsort.dscd.msk.f32 $0xffff, v3, v3;
	v12 =	vmin.f32 v1, v6  }
0x2e5: {  	v4 =	vmax.f32 v4, v15;
	v3, _, _ =	vpop (xrf1);
	(xrf1) =	vsort.dscd.msk.f32 $0xffff, v5, v5  }
0x2e6: {  	v1 =	vmax.f32 v1, v6;
	v5 =	vmax.f32 v14, v16;
	v11, _, _ =	vpop (xrf1);
	(xrf1) =	vsort.ascd.msk.f32 $0xffff, v12, v12  }
0x2e7: {  	v13 =	vmax.f32 v17, v21;
	v6 =	vmin.f32 v4, v5;
	v12, _, _ =	vpop (xrf1);
	(xrf1) =	vsort.ascd.msk.f32 $0xffff, v1, v1  }
0x2e8: {  	v14 =	vmax.f32 v19, v18;
	v1 =	vmax.f32 v4, v5;
	v4, _, _ =	vpop (xrf1);
	(xrf1) =	vsort.ascd.msk.f32 $0xffff, v6, v6  }
0x2e9: {  	v15 =	vmax.f32 v13, v14;
	v6 =	vmin.f32 v17, v21;
	v5, _, _ =	vpop (xrf1);
	(xrf1) =	vsort.ascd.msk.f32 $0xffff, v1, v1  }
0x2ea: {  	v16 =	vmin.f32 v13, v14;
	v1 =	vmin.f32 v19, v18;
	v13, _, _ =	vpop (xrf1);
	(xrf1) =	vsort.dscd.msk.f32 $0xffff, v15, v15  }
0x2eb: {  	v18 =	vmin.f32 v20, v23;
	v15 =	vmax.f32 v6, v1;
	v14, _, _ =	vpop (xrf1);
	(xrf1) =	vsort.dscd.msk.f32 $0xffff, v16, v16  }
0x2ec: {  	v19 =	vmin.f32 v22, v24;
	v17 =	vmin.f32 v6, v1;
	v6, _, _ =	vpop (xrf1);
	(xrf1) =	vsort.dscd.msk.f32 $0xffff, v15, v15  }
0x2ed: {  	v16 =	vmax.f32 v20, v23;
	v20 =	vmin.f32 v18, v19;
	v1, _, _ =	vpop (xrf1);
	(xrf1) =	vsort.dscd.msk.f32 $0xffff, v17, v17  }
0x2ee: {  	s28 =	simm.s32 $0x0;
	s26 =	simm.s32 $0x200;
	s25 =	simm.s32 $0x0;
	v18 =	vmax.f32 v18, v19;
	v17 =	vmax.f32 v22, v24;
	v15, _, _ =	vpop (xrf1);
	(xrf1) =	vsort.ascd.msk.f32 $0xffff, v20, v20  }
.LBB2_9:
0x2ef: {  	p0 =	sne.s32 s26, $0x7E00;
	v22 =	vmin.f32 v16, v17;
	v20 =	vmax.f32 v8, v9;
	v21, _, _ =	vpop (xrf1);
	(xrf1) =	vsort.ascd.msk.f32 $0xffff, v18, v18  }
0x2f0: {  	v23 =	vmax.f32 v16, v17;
	v17 =	vmax.f32 v7, v10;
	v18, _, _ =	vpop (xrf1);
	(xrf1) =	vsort.ascd.msk.f32 $0xffff, v22, v22  }
0x2f1: {  	v8 =	vmin.f32 v8, v9;
	v9 =	vmax.f32 v20, v17;
	v19, _, _ =	vpop (xrf1);
	(xrf1) =	vsort.ascd.msk.f32 $0xffff, v23, v23  }
0x2f2: {  	v22 =	vmin.f32 v7, v10;
	v10 =	vmin.f32 v20, v17;
	v16, _, _ =	vpop (xrf1);
	(xrf1) =	vsort.dscd.msk.f32 $0xffff, v9, v9  }
0x2f3: {  	v17 =	vmin.f32 v2, v11;
	v9 =	vmax.f32 v8, v22;
	v20, _, _ =	vpop (xrf1);
	(xrf1) =	vsort.dscd.msk.f32 $0xffff, v10, v10  }
0x2f4: {  	v8 =	vmin.f32 v8, v22;
	v22 =	vmin.f32 v3, v12;
	v7, _, _ =	vpop (xrf1);
	(xrf1) =	vsort.dscd.msk.f32 $0xffff, v9, v9  }
0x2f5: {  	v2 =	vmax.f32 v2, v11;
	v9 =	vmin.f32 v17, v22;
	v11, _, _ =	vpop (xrf1);
	(xrf1) =	vsort.dscd.msk.f32 $0xffff, v8, v8  }
0x2f6: {  	v3 =	vmax.f32 v3, v12;
	v22 =	vmax.f32 v17, v22;
	v10, _, _ =	vpop (xrf1);
	(xrf1) =	vsort.ascd.msk.f32 $0xffff, v9, v9  }
0x2f7: {  	v12 =	vmax.f32 v4, v13;
	v9 =	vmin.f32 v2, v3;
	v17, _, _ =	vpop (xrf1);
	(xrf1) =	vsort.ascd.msk.f32 $0xffff, v22, v22  }
0x2f8: {  	v2 =	vmax.f32 v2, v3;
	v3 =	vmax.f32 v5, v14;
	v8, _, _ =	vpop (xrf1);
	(xrf1) =	vsort.ascd.msk.f32 $0xffff, v9, v9  }
0x2f9: {  	v4 =	vmin.f32 v4, v13;
	v9 =	vmax.f32 v12, v3;
	v13, _, _ =	vpop (xrf1);
	(xrf1) =	vsort.ascd.msk.f32 $0xffff, v2, v2  }
0x2fa: {  	v3 =	vmin.f32 v12, v3;
	v2 =	vmin.f32 v5, v14;
	v5, _, _ =	vpop (xrf1);
	(xrf1) =	vsort.dscd.msk.f32 $0xffff, v9, v9  }
0x2fb: {  	v12 =	vmin.f32 v6, v15;
	v9 =	vmax.f32 v4, v2;
	v14, _, _ =	vpop (xrf1);
	(xrf1) =	vsort.dscd.msk.f32 $0xffff, v3, v3  }
0x2fc: {  	v22 =	vmin.f32 v1, v21;
	v2 =	vmin.f32 v4, v2;
	v4, _, _ =	vpop (xrf1);
	(xrf1) =	vsort.dscd.msk.f32 $0xffff, v9, v9  }
0x2fd: {  	s28 =	sadd.s32 $0x80, s28;
	v6 =	vmax.f32 v6, v15;
	v9 =	vmin.f32 v12, v22;
	v15, _, _ =	vpop (xrf1);
	(xrf1) =	vsort.dscd.msk.f32 $0xffff, v2, v2  }
0x2fe: {  	s29 =	sand.u32 $0x7000, s26;
	s30 =	sand.u32 $0x380, s28;
	v1 =	vmax.f32 v1, v21;
	v2 =	vmax.f32 v12, v22;
	v3, _, _ =	vpop (xrf1);
	(xrf1) =	vsort.ascd.msk.f32 $0xffff, v9, v9  }
0x2ff: {  	s29 =	sor.u32 s30, s29;
	v12 =	vmax.f32 v18, v16;
	v9 =	vmin.f32 v6, v1;
	v21, _, _ =	vpop (xrf1);
	(xrf1) =	vsort.ascd.msk.f32 $0xffff, v2, v2  }
0x300: {  	v1 =	vmax.f32 v6, v1;
	v6 =	vmax.f32 v19, v20;
	v2 =	vld [tilespmem:s29+$0x0];
	v22, _, _ =	vpop (xrf1);
	(xrf1) =	vsort.ascd.msk.f32 $0xffff, v9, v9  }
0x301: {  	v16 =	vmin.f32 v18, v16;
	v18 =	vmax.f32 v12, v6;
	v9 =	vld [tilespmem:s29+$0x10];
	v23, _, _ =	vpop (xrf1);
	(xrf1) =	vsort.ascd.msk.f32 $0xffff, v1, v1  }
0x302: {  	v25 =	vmin.f32 v19, v20;
	v6 =	vmin.f32 v12, v6;
	v1 =	vld [tilespmem:s29+$0x20];
	v12, _, _ =	vpop (xrf1);
	(xrf1) =	vsort.dscd.msk.f32 $0xffff, v18, v18  }
0x303: {  	v20 =	vmax.f32 v16, v25;
	v18 =	vld [tilespmem:s29+$0x30];
	v24, _, _ =	vpop (xrf1);
	(xrf1) =	vsort.dscd.msk.f32 $0xffff, v6, v6  }
0x304: {  	v16 =	vmin.f32 v16, v25;
	v6 =	vld [tilespmem:s29+$0x40];
	v19, _, _ =	vpop (xrf1);
	(xrf1) =	vsort.dscd.msk.f32 $0xffff, v20, v20  }
0x305: {  	v26 =	vand.u32 $0x7FFFFFFF, v2;
	v20 =	vld [tilespmem:s29+$0x50];
	v25, _, _ =	vpop (xrf1);
	(xrf1) =	vsort.dscd.msk.f32 $0xffff, v16, v16  }
0x306: {  	v27 =	vand.u32 $0x7FFFFFFF, v9;
	v16 =	vld [tilespmem:s29+$0x60];
	(xrf1) =	vsort.ascd.msk.f32 $0xffff, v26, v26;
	v2, _, _ =	vpop (xrf1)  }
0x307: {  	v28 =	vand.u32 $0x7FFFFFFF, v1;
	v26 =	vld [tilespmem:s29+$0x70];
	(xrf1) =	vsort.dscd.msk.f32 $0xffff, v27, v27;
	v9, _, _ =	vpop (xrf1)  }
0x308: {  	v29 =	vand.u32 $0x7FFFFFFF, v18;
	v27 =	vld [tilespmem:s29+$0x400];
	(xrf1) =	vsort.ascd.msk.f32 $0xffff, v28, v28;
	v1, _, _ =	vpop (xrf1)  }
0x309: {  	v28 =	vand.u32 $0x7FFFFFFF, v6;
	(xrf1) =	vsort.dscd.msk.f32 $0xffff, v29, v29;
	v18, _, _ =	vpop (xrf1)  }
0x30a: {  	v29 =	vand.u32 $0x7FFFFFFF, v20;
	(xrf1) =	vsort.ascd.msk.f32 $0xffff, v28, v28;
	v6, _, _ =	vpop (xrf1)  }
0x30b: {  	v28 =	vand.u32 $0x7FFFFFFF, v16;
	(xrf1) =	vsort.dscd.msk.f32 $0xffff, v29, v29;
	v20, _, _ =	vpop (xrf1)  }
0x30c: {  	v29 =	vand.u32 $0x7FFFFFFF, v26;
	(xrf1) =	vsort.ascd.msk.f32 $0xffff, v28, v28;
	v16, _, _ =	vpop (xrf1)  }
0x30d: {  	v27 =	vand.u32 $0x7FFFFFFF, v27;
	(xrf1) =	vsort.dscd.msk.f32 $0xffff, v29, v29;
	v26, _, _ =	vpop (xrf1)  }
0x30e: {  	v7 =	vmax.f32 v7, v8;
	v8 =	vmax.f32 v11, v13;
	(xrf1) =	vsort.ascd.msk.f32 $0xffff, v27, v27;
	v11, _, _ =	vpop (xrf1)  }
0x30f: {  	v5 =	vmax.f32 v10, v5;
	v10 =	vmax.f32 v17, v14;
	v4 =	vmax.f32 v4, v22;
	v13, _, _ =	vpop (xrf1)  }
0x310: {  	v14 =	vmax.f32 v15, v23;
	v3 =	vmax.f32 v3, v12;
	v12 =	vmax.f32 v21, v24;
	v15, _, _ =	vpop (xrf1)  }
0x311: {  	v17 =	vmax.f32 v19, v1;
	v18 =	vmax.f32 v25, v18;
	v19 =	vmax.f32 v2, v6;
	v1, _, _ =	vpop (xrf1)  }
0x312: {  	v20 =	vmax.f32 v9, v20;
	v15 =	vmax.f32 v16, v15;
	v16 =	vmax.f32 v26, v1;
	v1, _, _ =	vpop (xrf1)  }
0x313: {  	v2 =	vmin.f32 v7, v5;
	v9 =	vmin.f32 v8, v10;
	v11 =	vmax.f32 v11, v1;
	v1, _, _ =	vpop (xrf1)  }
0x314: {  	v5 =	vmax.f32 v7, v5;
	v21 =	vmin.f32 v2, v9;
	v6, _, _ =	vpop (xrf1);
	v13 =	vmax.f32 v13, v1  }
0x315: {  	v2 =	vmax.f32 v2, v9;
	v1 =	vmax.f32 v8, v10;
	v7, _, _ =	vpop (xrf1);
	(xrf1) =	vsort.ascd.msk.f32 $0xffff, v21, v21  }
0x316: {  	v10 =	vmin.f32 v5, v1;
	v21 =	vmax.f32 v4, v3;
	v8, _, _ =	vpop (xrf1);
	(xrf1) =	vsort.ascd.msk.f32 $0xffff, v2, v2  }
0x317: {  	v2 =	vmax.f32 v5, v1;
	v5 =	vmax.f32 v14, v12;
	v9, _, _ =	vpop (xrf1);
	(xrf1) =	vsort.ascd.msk.f32 $0xffff, v10, v10  }
0x318: {  	v3 =	vmin.f32 v4, v3;
	v10 =	vmax.f32 v21, v5;
	v1, _, _ =	vpop (xrf1);
	(xrf1) =	vsort.ascd.msk.f32 $0xffff, v2, v2  }
0x319: {  	v12 =	vmin.f32 v14, v12;
	v21 =	vmin.f32 v21, v5;
	v4, _, _ =	vpop (xrf1);
	(xrf1) =	vsort.dscd.msk.f32 $0xffff, v10, v10  }
0x31a: {  	v14 =	vmin.f32 v17, v19;
	v10 =	vmax.f32 v3, v12;
	v2, _, _ =	vpop (xrf1);
	(xrf1) =	vsort.dscd.msk.f32 $0xffff, v21, v21  }
0x31b: {  	v12 =	vmin.f32 v3, v12;
	v21 =	vmin.f32 v18, v20;
	v5, _, _ =	vpop (xrf1);
	(xrf1) =	vsort.dscd.msk.f32 $0xffff, v10, v10  }
0x31c: {  	v10 =	vmax.f32 v17, v19;
	v17 =	vmin.f32 v14, v21;
	v3, _, _ =	vpop (xrf1);
	(xrf1) =	vsort.dscd.msk.f32 $0xffff, v12, v12  }
0x31d: {  	v14 =	vmax.f32 v14, v21;
	v12 =	vmax.f32 v18, v20;
	(xrf1) =	vsort.ascd.msk.f32 $0xffff, v17, v17  }
0x31e: {  	v18 =	vmax.f32 v15, v11;
	v17 =	vmin.f32 v10, v12;
	(xrf1) =	vsort.ascd.msk.f32 $0xffff, v14, v14  }
0x31f: {  	v10 =	vmax.f32 v10, v12;
	v12 =	vmax.f32 v16, v13;
	v14 =	vld [tilespmem:s29+$0x410];
	(xrf1) =	vsort.ascd.msk.f32 $0xffff, v17, v17  }
0x320: {  	v11 =	vmin.f32 v15, v11;
	v15 =	vmax.f32 v18, v12;
	v17 =	vld [tilespmem:s29+$0x420];
	(xrf1) =	vsort.ascd.msk.f32 $0xffff, v10, v10  }
0x321: {  	v19 =	vmin.f32 v16, v13;
	v12 =	vmin.f32 v18, v12;
	v10 =	vld [tilespmem:s29+$0x430];
	(xrf1) =	vsort.dscd.msk.f32 $0xffff, v15, v15  }
0x322: {  	v16 =	vmax.f32 v11, v19;
	v15 =	vld [tilespmem:s29+$0x440];
	(xrf1) =	vsort.dscd.msk.f32 $0xffff, v12, v12  }
0x323: {  	v11 =	vmin.f32 v11, v19;
	v12 =	vld [tilespmem:s29+$0x450];
	v13, _, _ =	vpop (xrf1);
	(xrf1) =	vsort.dscd.msk.f32 $0xffff, v16, v16  }
0x324: {  	v19 =	vand.u32 $0x7FFFFFFF, v14;
	v16 =	vld [tilespmem:s29+$0x460];
	v18, _, _ =	vpop (xrf1);
	(xrf1) =	vsort.dscd.msk.f32 $0xffff, v11, v11  }
0x325: {  	v20 =	vand.u32 $0x7FFFFFFF, v17;
	v17 =	vld [tilespmem:s29+$0x470];
	(xrf1) =	vsort.dscd.msk.f32 $0xffff, v19, v19;
	v14, _, _ =	vpop (xrf1)  }
0x326: {  	v21 =	vand.u32 $0x7FFFFFFF, v10;
	v19 =	vld [tilespmem:s29+$0x800];
	(xrf1) =	vsort.ascd.msk.f32 $0xffff, v20, v20;
	v11, _, _ =	vpop (xrf1)  }
0x327: {  	v22 =	vand.u32 $0x7FFFFFFF, v15;
	v20 =	vld [tilespmem:s29+$0x810];
	(xrf1) =	vsort.dscd.msk.f32 $0xffff, v21, v21;
	v10, _, _ =	vpop (xrf1)  }
0x328: {  	v23 =	vand.u32 $0x7FFFFFFF, v12;
	v21 =	vld [tilespmem:s29+$0x820];
	(xrf1) =	vsort.ascd.msk.f32 $0xffff, v22, v22;
	v15, _, _ =	vpop (xrf1)  }
0x329: {  	v24 =	vand.u32 $0x7FFFFFFF, v16;
	v22 =	vld [tilespmem:s29+$0x830];
	(xrf1) =	vsort.dscd.msk.f32 $0xffff, v23, v23;
	v12, _, _ =	vpop (xrf1)  }
0x32a: {  	v23 =	vand.u32 $0x7FFFFFFF, v17;
	(xrf1) =	vsort.ascd.msk.f32 $0xffff, v24, v24;
	v16, _, _ =	vpop (xrf1)  }
0x32b: {  	v24 =	vand.u32 $0x7FFFFFFF, v19;
	(xrf1) =	vsort.dscd.msk.f32 $0xffff, v23, v23;
	v17, _, _ =	vpop (xrf1)  }
0x32c: {  	v23 =	vand.u32 $0x7FFFFFFF, v20;
	(xrf1) =	vsort.ascd.msk.f32 $0xffff, v24, v24;
	v19, _, _ =	vpop (xrf1)  }
0x32d: {  	v24 =	vand.u32 $0x7FFFFFFF, v21;
	(xrf1) =	vsort.dscd.msk.f32 $0xffff, v23, v23;
	v20, _, _ =	vpop (xrf1)  }
0x32e: {  	v23 =	vand.u32 $0x7FFFFFFF, v22;
	(xrf1) =	vsort.ascd.msk.f32 $0xffff, v24, v24;
	v21, _, _ =	vpop (xrf1)  }
0x32f: {  	(xrf1) =	vsort.dscd.msk.f32 $0xffff, v23, v23;
	v22, _, _ =	vpop (xrf1)  }
0x330: {  	v10 =	vmax.f32 v13, v10;
	v13 =	vmax.f32 v18, v15;
	v12 =	vmax.f32 v14, v12;
	v14, _, _ =	vpop (xrf1)  }
0x331: {  	v15 =	vmax.f32 v11, v16;
	v16 =	vmax.f32 v17, v22;
	v17 =	vmax.f32 v19, v14;
	v11, _, _ =	vpop (xrf1)  }
0x332: {  	v18 =	vmin.f32 v13, v15;
	v14 =	vmin.f32 v10, v12;
	v19 =	vmax.f32 v20, v11;
	v20, _, _ =	vpop (xrf1)  }
0x333: {  	v22 =	vmax.f32 v10, v12;
	v12 =	vmin.f32 v14, v18;
	v11, _, _ =	vpop (xrf1);
	v20 =	vmax.f32 v21, v20  }
0x334: {  	v15 =	vmax.f32 v13, v15;
	v14 =	vmax.f32 v14, v18;
	v10, _, _ =	vpop (xrf1);
	(xrf1) =	vsort.ascd.msk.f32 $0xffff, v12, v12  }
0x335: {  	v18 =	vmin.f32 v22, v15;
	v21 =	vmax.f32 v16, v19;
	v13, _, _ =	vpop (xrf1);
	(xrf1) =	vsort.ascd.msk.f32 $0xffff, v14, v14  }
0x336: {  	v26 =	vmax.f32 v22, v15;
	v22 =	vmax.f32 v17, v20;
	v23 =	vld [tilespmem:s29+$0x840];
	v12, _, _ =	vpop (xrf1);
	(xrf1) =	vsort.ascd.msk.f32 $0xffff, v18, v18  }
0x337: {  	v19 =	vmin.f32 v16, v19;
	v16 =	vmax.f32 v21, v22;
	v24 =	vld [tilespmem:s29+$0x850];
	v15, _, _ =	vpop (xrf1);
	(xrf1) =	vsort.ascd.msk.f32 $0xffff, v26, v26  }
0x338: {  	v17 =	vmin.f32 v17, v20;
	v20 =	vmin.f32 v21, v22;
	v25 =	vld [tilespmem:s29+$0x860];
	v14, _, _ =	vpop (xrf1);
	(xrf1) =	vsort.dscd.msk.f32 $0xffff, v16, v16  }
0x339: {  	v22 =	vmax.f32 v19, v17;
	v21 =	vld [tilespmem:s29+$0x870];
	v18, _, _ =	vpop (xrf1);
	(xrf1) =	vsort.dscd.msk.f32 $0xffff, v20, v20  }
0x33a: {  	v27 =	vmin.f32 v19, v17;
	v20 =	vld [tilespmem:s29+$0xC00];
	v16, _, _ =	vpop (xrf1);
	(xrf1) =	vsort.dscd.msk.f32 $0xffff, v22, v22  }
0x33b: {  	v19 =	vand.u32 $0x7FFFFFFF, v23;
	v22 =	vld [tilespmem:s29+$0xC10];
	v23, _, _ =	vpop (xrf1);
	(xrf1) =	vsort.dscd.msk.f32 $0xffff, v27, v27  }
0x33c: {  	v24 =	vand.u32 $0x7FFFFFFF, v24;
	v26 =	vld [tilespmem:s29+$0xC20];
	v17, _, _ =	vpop (xrf1);
	(xrf1) =	vsort.ascd.msk.f32 $0xffff, v19, v19  }
0x33d: {  	v19 =	vand.u32 $0x7FFFFFFF, v25;
	v25 =	vld [tilespmem:s29+$0xC30];
	v27, _, _ =	vpop (xrf1);
	(xrf1) =	vsort.dscd.msk.f32 $0xffff, v24, v24  }
0x33e: {  	v21 =	vand.u32 $0x7FFFFFFF, v21;
	v24 =	vld [tilespmem:s29+$0xC40];
	(xrf1) =	vsort.ascd.msk.f32 $0xffff, v19, v19  }
0x33f: {  	v19 =	vand.u32 $0x7FFFFFFF, v20;
	v20 =	vld [tilespmem:s29+$0xC50];
	(xrf1) =	vsort.dscd.msk.f32 $0xffff, v21, v21  }
0x340: {  	v21 =	vand.u32 $0x7FFFFFFF, v22;
	v22 =	vld [tilespmem:s29+$0xC60];
	(xrf1) =	vsort.ascd.msk.f32 $0xffff, v19, v19  }
0x341: {  	v28 =	vand.u32 $0x7FFFFFFF, v26;
	v26 =	vld [tilespmem:s29+$0xC70];
	(xrf1) =	vsort.dscd.msk.f32 $0xffff, v21, v21  }
0x342: {  	v25 =	vand.u32 $0x7FFFFFFF, v25;
	(xrf1) =	vsort.ascd.msk.f32 $0xffff, v28, v28;
	v19, _, _ =	vpop (xrf1)  }
0x343: {  	v28 =	vand.u32 $0x7FFFFFFF, v24;
	(xrf1) =	vsort.dscd.msk.f32 $0xffff, v25, v25;
	v21, _, _ =	vpop (xrf1)  }
0x344: {  	v25 =	vand.u32 $0x7FFFFFFF, v20;
	(xrf1) =	vsort.ascd.msk.f32 $0xffff, v28, v28;
	v24, _, _ =	vpop (xrf1)  }
0x345: {  	v28 =	vand.u32 $0x7FFFFFFF, v22;
	(xrf1) =	vsort.dscd.msk.f32 $0xffff, v25, v25;
	v20, _, _ =	vpop (xrf1)  }
0x346: {  	v29 =	vand.u32 $0x7FFFFFFF, v26;
	(xrf1) =	vsort.ascd.msk.f32 $0xffff, v28, v28;
	v22, _, _ =	vpop (xrf1)  }
0x347: {  	v28 =	vmin.f32 v6, v7;
	(xrf1) =	vsort.dscd.msk.f32 $0xffff, v29, v29;
	v25, _, _ =	vpop (xrf1)  }
0x348: {  	v6 =	vmax.f32 v6, v7;
	v7 =	vmin.f32 v8, v9;
	(xrf1) =	vsort.ascd.msk.f32 $0xffff, v28, v28;
	v26, _, _ =	vpop (xrf1)  }
0x349: {  	v8 =	vmax.f32 v8, v9;
	(xrf1) =	vsort.ascd.msk.f32 $0xffff, v6, v6;
	v6 =	vmax.f32 v19, v22;
	v9, _, _ =	vpop (xrf1)  }
0x34a: {  	v21 =	vmax.f32 v21, v25;
	v22 =	vmax.f32 v24, v26;
	v19, _, _ =	vpop (xrf1);
	v24 =	vmax.f32 v20, v9  }
0x34b: {  	v6 =	vmin.f32 v6, v22;
	v20, _, _ =	vpop (xrf1);
	(xrf1) =	vsort.dscd.msk.f32 $0xffff, v8, v8;
	v21 =	vmin.f32 v21, v24  }
0x34c: {  	v9, _, _ =	vpop (xrf1);
	(xrf1) =	vsort.dscd.msk.f32 $0xffff, v7, v7;
	v6 =	vmin.f32 v6, v21  }
0x34d: {  	v21 =	vmin.f32 v1, v4;
	v8, _, _ =	vpop (xrf1);
	(xrf1) =	vsort.ascd.msk.f32 $0xffff, v6, v6  }
0x34e: {  	v1 =	vmax.f32 v1, v4;
	v4, _, _ =	vpop (xrf1);
	(xrf1) =	vsort.ascd.msk.f32 $0xffff, v21, v21  }
0x34f: {  	v21 =	vmax.f32 v2, v5;
	v7, _, _ =	vpop (xrf1);
	(xrf1) =	vsort.ascd.msk.f32 $0xffff, v1, v1  }
0x350: {  	v1 =	vmin.f32 v2, v5;
	v2, _, _ =	vpop (xrf1);
	(xrf1) =	vsort.dscd.msk.f32 $0xffff, v21, v21  }
0x351: {  	v5 =	vmin.f32 v3, v11;
	v6, _, _ =	vpop (xrf1);
	(xrf1) =	vsort.dscd.msk.f32 $0xffff, v1, v1  }
0x352: {  	v1 =	vmax.f32 v3, v11;
	v3, _, _ =	vpop (xrf1);
	(xrf1) =	vsort.ascd.msk.f32 $0xffff, v5, v5  }
0x353: {  	v5 =	vmax.f32 v10, v13;
	v11, _, _ =	vpop (xrf1);
	(xrf1) =	vsort.ascd.msk.f32 $0xffff, v1, v1  }
0x354: {  	v1 =	vmin.f32 v10, v13;
	v10, _, _ =	vpop (xrf1);
	(xrf1) =	vsort.dscd.msk.f32 $0xffff, v5, v5  }
0x355: {  	v5 =	vmin.f32 v12, v15;
	v13, _, _ =	vpop (xrf1);
	(xrf1) =	vsort.dscd.msk.f32 $0xffff, v1, v1  }
0x356: {  	v1 =	vmax.f32 v12, v15;
	v12, _, _ =	vpop (xrf1);
	(xrf1) =	vsort.ascd.msk.f32 $0xffff, v5, v5  }
0x357: {  	v5 =	vmax.f32 v14, v18;
	v15, _, _ =	vpop (xrf1);
	(xrf1) =	vsort.ascd.msk.f32 $0xffff, v1, v1  }
0x358: {  	v1 =	vmin.f32 v14, v18;
	(xrf1) =	vsort.dscd.msk.f32 $0xffff, v5, v5  }
0x359: {  	v5 =	vmin.f32 v16, v23;
	v14, _, _ =	vpop (xrf1);
	(xrf1) =	vsort.dscd.msk.f32 $0xffff, v1, v1  }
0x35a: {  	v21 =	vmax.f32 v16, v23;
	v16, _, _ =	vpop (xrf1);
	(xrf1) =	vsort.ascd.msk.f32 $0xffff, v5, v5  }
0x35b: {  	s29 =	sshra.s32 s25, $0x2;
	s25 =	smov.u32 s26;
	v5 =	vmax.f32 v17, v27;
	(xrf1) =	vsort.ascd.msk.f32 $0xffff, v21, v21;
	v1, _, _ =	vpop (xrf1)  }
0x35c: {  	v22 =	vmin.f32 v17, v27;
	v18, _, _ =	vpop (xrf1);
	(xrf1) =	vsort.dscd.msk.f32 $0xffff, v5, v5;
	[tilespmem:s29+$0x10080] =	vst v1  }
0x35d: {  	v1 =	vmin.f32 v19, v20;
	v21, _, _ =	vpop (xrf1);
	(xrf1) =	vsort.dscd.msk.f32 $0xffff, v22, v22  }
0x35e: {  	v5 =	vmax.f32 v19, v20;
	v17, _, _ =	vpop (xrf1);
	(xrf1) =	vsort.ascd.msk.f32 $0xffff, v1, v1  }
0x35f: {  	v1 =	vmax.f32 v9, v8;
	v19, _, _ =	vpop (xrf1);
	(xrf1) =	vsort.ascd.msk.f32 $0xffff, v5, v5  }
0x360: {  	v5 =	vmin.f32 v9, v8;
	v20, _, _ =	vpop (xrf1);
	(xrf1) =	vsort.dscd.msk.f32 $0xffff, v1, v1  }
0x361: {  	v1 =	vmin.f32 v4, v7;
	v22, _, _ =	vpop (xrf1);
	(xrf1) =	vsort.dscd.msk.f32 $0xffff, v5, v5  }
0x362: {  	v4 =	vmax.f32 v4, v7;
	v23, _, _ =	vpop (xrf1);
	(xrf1) =	vsort.ascd.msk.f32 $0xffff, v1, v1  }
0x363: {  	v1 =	vmax.f32 v2, v6;
	v24, _, _ =	vpop (xrf1);
	(xrf1) =	vsort.ascd.msk.f32 $0xffff, v4, v4  }
0x364: {  	v2 =	vmin.f32 v2, v6;
	v8, _, _ =	vpop (xrf1);
	(xrf1) =	vsort.dscd.msk.f32 $0xffff, v1, v1  }
0x365: {  	v1 =	vmin.f32 v3, v11;
	v7, _, _ =	vpop (xrf1);
	(xrf1) =	vsort.dscd.msk.f32 $0xffff, v2, v2  }
0x366: {  	v6 =	vmax.f32 v3, v11;
	v9, _, _ =	vpop (xrf1);
	(xrf1) =	vsort.ascd.msk.f32 $0xffff, v1, v1  }
0x367: {  	v11 =	vmax.f32 v10, v13;
	v1 =	vmin.f32 v10, v13;
	v10, _, _ =	vpop (xrf1);
	(xrf1) =	vsort.ascd.msk.f32 $0xffff, v6, v6  }
0x368: {  	v5 =	vmin.f32 v15, v16;
	v4 =	vmin.f32 v12, v14;
	v2, _, _ =	vpop (xrf1);
	(xrf1) =	vsort.dscd.msk.f32 $0xffff, v11, v11  }
0x369: {  	v6 =	vmax.f32 v12, v14;
	v14 =	vmin.f32 v4, v5;
	v3, _, _ =	vpop (xrf1);
	(xrf1) =	vsort.dscd.msk.f32 $0xffff, v1, v1  }
0x36a: {  	v1 =	vmax.f32 v15, v16;
	v15 =	vmax.f32 v4, v5;
	v11, _, _ =	vpop (xrf1);
	(xrf1) =	vsort.ascd.msk.f32 $0xffff, v14, v14  }
0x36b: {  	v13 =	vmax.f32 v18, v17;
	v16 =	vmin.f32 v6, v1;
	v12, _, _ =	vpop (xrf1);
	(xrf1) =	vsort.ascd.msk.f32 $0xffff, v15, v15  }
0x36c: {  	v1 =	vmax.f32 v6, v1;
	v6 =	vmax.f32 v21, v19;
	v4, _, _ =	vpop (xrf1);
	(xrf1) =	vsort.ascd.msk.f32 $0xffff, v16, v16  }
0x36d: {  	v15 =	vmin.f32 v18, v17;
	v17 =	vmax.f32 v13, v6;
	v5, _, _ =	vpop (xrf1);
	(xrf1) =	vsort.ascd.msk.f32 $0xffff, v1, v1  }
.Ltmp3:
0x36e: {  	v1 =	vmin.f32 v21, v19;
	v21 =	vmin.f32 v13, v6;
	v13, _, _ =	vpop (xrf1);
	(xrf1) =	vsort.dscd.msk.f32 $0xffff, v17, v17;
	(pc) =	sbr.rel @p0 .LBB2_9-.Ltmp3, $4  }
0x36f: {  	v18 =	vmin.f32 v20, v23;
	v16 =	vmax.f32 v15, v1;
	v14, _, _ =	vpop (xrf1);
	(xrf1) =	vsort.dscd.msk.f32 $0xffff, v21, v21  }
0x370: {  	v19 =	vmin.f32 v22, v24;
	v21 =	vmin.f32 v15, v1;
	v6, _, _ =	vpop (xrf1);
	(xrf1) =	vsort.dscd.msk.f32 $0xffff, v16, v16  }
0x371: {  	v16 =	vmax.f32 v20, v23;
	v20 =	vmin.f32 v18, v19;
	v1, _, _ =	vpop (xrf1);
	(xrf1) =	vsort.dscd.msk.f32 $0xffff, v21, v21  }
0x372: {  	s26 =	sadd.s32 $0x200, s26;
	v17 =	vmax.f32 v22, v24;
	v18 =	vmax.f32 v18, v19;
	v15, _, _ =	vpop (xrf1);
	(xrf1) =	vsort.ascd.msk.f32 $0xffff, v20, v20  }
0x373: {  	v19 =	vmin.f32 v16, v17;
	v20 =	vmax.f32 v8, v9  }
0x374: {  	v21, _, _ =	vpop (xrf1);
	(xrf1) =	vsort.ascd.msk.f32 $0xffff, v18, v18;
	v16 =	vmax.f32 v16, v17;
	v17 =	vmax.f32 v7, v10  }
0x375: {  	v8 =	vmin.f32 v8, v9;
	v7 =	vmin.f32 v7, v10;
	v18, _, _ =	vpop (xrf1);
	(xrf1) =	vsort.ascd.msk.f32 $0xffff, v19, v19  }
0x376: {  	v9 =	vmax.f32 v20, v17;
	v10 =	vmin.f32 v20, v17;
	v19, _, _ =	vpop (xrf1);
	(xrf1) =	vsort.ascd.msk.f32 $0xffff, v16, v16  }
0x377: {  	v16, _, _ =	vpop (xrf1);
	(xrf1) =	vsort.dscd.msk.f32 $0xffff, v9, v9;
	v9 =	vmax.f32 v8, v7  }
0x378: {  	v7 =	vmin.f32 v8, v7;
	v8 =	vmin.f32 v3, v12;
	v20, _, _ =	vpop (xrf1);
	(xrf1) =	vsort.dscd.msk.f32 $0xffff, v10, v10  }
0x379: {  	v17 =	vmin.f32 v2, v11;
	v2 =	vmax.f32 v2, v11;
	v10, _, _ =	vpop (xrf1);
	(xrf1) =	vsort.dscd.msk.f32 $0xffff, v9, v9  }
0x37a: {  	v9 =	vmin.f32 v17, v8;
	v11, _, _ =	vpop (xrf1);
	(xrf1) =	vsort.dscd.msk.f32 $0xffff, v7, v7;
	v7 =	vmax.f32 v17, v8  }
0x37b: {  	v3 =	vmax.f32 v3, v12;
	v12 =	vmax.f32 v4, v13;
	v8, _, _ =	vpop (xrf1);
	(xrf1) =	vsort.ascd.msk.f32 $0xffff, v9, v9  }
0x37c: {  	v4 =	vmin.f32 v4, v13;
	v9 =	vmin.f32 v2, v3;
	v17, _, _ =	vpop (xrf1);
	(xrf1) =	vsort.ascd.msk.f32 $0xffff, v7, v7  }
0x37d: {  	v2 =	vmax.f32 v2, v3;
	v3 =	vmax.f32 v5, v14;
	v7, _, _ =	vpop (xrf1);
	(xrf1) =	vsort.ascd.msk.f32 $0xffff, v9, v9  }
0x37e: {  	v9 =	vmax.f32 v12, v3;
	v3 =	vmin.f32 v12, v3;
	v13, _, _ =	vpop (xrf1);
	(xrf1) =	vsort.ascd.msk.f32 $0xffff, v2, v2  }
0x37f: {  	v12 =	vmin.f32 v6, v15;
	v2 =	vmin.f32 v5, v14;
	v5, _, _ =	vpop (xrf1);
	(xrf1) =	vsort.dscd.msk.f32 $0xffff, v9, v9  }
0x380: {  	v9 =	vmax.f32 v4, v2;
	v14, _, _ =	vpop (xrf1);
	(xrf1) =	vsort.dscd.msk.f32 $0xffff, v3, v3;
	v3 =	vmin.f32 v1, v21  }
0x381: {  	v6 =	vmax.f32 v6, v15;
	v2 =	vmin.f32 v4, v2;
	v4, _, _ =	vpop (xrf1);
	(xrf1) =	vsort.dscd.msk.f32 $0xffff, v9, v9  }
0x382: {  	v1 =	vmax.f32 v1, v21;
	v9 =	vmin.f32 v12, v3;
	v15, _, _ =	vpop (xrf1);
	(xrf1) =	vsort.dscd.msk.f32 $0xffff, v2, v2  }
0x383: {  	v2 =	vmax.f32 v12, v3;
	v12 =	vmax.f32 v18, v16;
	v3, _, _ =	vpop (xrf1);
	(xrf1) =	vsort.ascd.msk.f32 $0xffff, v9, v9  }
0x384: {  	v9 =	vmin.f32 v6, v1;
	v1 =	vmax.f32 v6, v1;
	v59, _, _ =	vpop (xrf1);
	(xrf1) =	vsort.ascd.msk.f32 $0xffff, v2, v2  }
0x385: {  	v2 =	vmax.f32 v19, v20;
	v6, _, _ =	vpop (xrf1);
	(xrf1) =	vsort.ascd.msk.f32 $0xffff, v9, v9;
	v9 =	vmin.f32 v18, v16  }
0x386: {  	v16 =	vmax.f32 v12, v2;
	v2 =	vmin.f32 v12, v2;
	v18, _, _ =	vpop (xrf1);
	(xrf1) =	vsort.ascd.msk.f32 $0xffff, v1, v1  }
0x387: {  	v1 =	vmin.f32 v19, v20;
	v12, _, _ =	vpop (xrf1);
	(xrf1) =	vsort.dscd.msk.f32 $0xffff, v16, v16  }
0x388: {  	v16 =	vmax.f32 v9, v1;
	v1 =	vmin.f32 v9, v1;
	v19, _, _ =	vpop (xrf1);
	(xrf1) =	vsort.dscd.msk.f32 $0xffff, v2, v2  }
0x389: {  	v2, _, _ =	vpop (xrf1);
	(xrf1) =	vsort.dscd.msk.f32 $0xffff, v16, v16  }
0x38a: {  	v9, _, _ =	vpop (xrf1);
	(xrf1) =	vsort.dscd.msk.f32 $0xffff, v1, v1  }
0x38b: {  	v1, _, _ =	vpop (xrf1)  }
0x38c: {  	v16, _, _ =	vpop (xrf1)  }
0x38d: {  	v20, _, _ =	vpop (xrf1)  }
0x38e: {  	v22, _, _ =	vpop (xrf1)  }
0x38f: {  	v23, _, _ =	vpop (xrf1)  }
0x390: {  	v7 =	vmax.f32 v10, v7;
	v10 =	vmax.f32 v11, v13;
	v24, _, _ =	vpop (xrf1)  }
0x391: {  	v5 =	vmax.f32 v8, v5;
	v8 =	vmax.f32 v17, v14;
	v4 =	vmax.f32 v4, v6;
	v25, _, _ =	vpop (xrf1)  }
0x392: {  	v13 =	vmax.f32 v15, v18;
	v18 =	vmin.f32 v7, v5;
	v5 =	vmax.f32 v7, v5;
	v26, _, _ =	vpop (xrf1)  }
0x393: {  	v3 =	vmax.f32 v3, v12;
	v12 =	vmax.f32 v59, v19;
	v19 =	vmin.f32 v10, v8;
	v11, _, _ =	vpop (xrf1)  }
0x394: {  	v8 =	vmax.f32 v10, v8;
	v7 =	vmin.f32 v18, v19;
	v10 =	vmax.f32 v18, v19;
	v6, _, _ =	vpop (xrf1)  }
0x395: {  	v2 =	vmax.f32 v2, v20;
	v9 =	vmax.f32 v9, v22;
	v1 =	vmax.f32 v1, v23;
	v14, _, _ =	vpop (xrf1)  }
0x396: {  	v16 =	vmax.f32 v16, v24;
	(xrf1) =	vsort.ascd.msk.f32 $0xffff, v7, v7;
	v7 =	vmin.f32 v5, v8;
	v15, _, _ =	vpop (xrf1)  }
0x397: {  	v5 =	vmax.f32 v5, v8;
	v8 =	vmax.f32 v13, v12;
	(xrf1) =	vsort.ascd.msk.f32 $0xffff, v10, v10;
	v17, _, _ =	vpop (xrf1)  }
0x398: {  	(xrf1) =	vsort.ascd.msk.f32 $0xffff, v7, v7;
	v14 =	vmax.f32 v25, v14;
	v11 =	vmax.f32 v11, v17;
	v17, _, _ =	vpop (xrf1)  }
0x399: {  	(xrf1) =	vsort.ascd.msk.f32 $0xffff, v5, v5;
	v6 =	vmax.f32 v6, v17;
	v17 =	vmax.f32 v4, v3  }
0x39a: {  	v5 =	vmin.f32 v13, v12;
	v3 =	vmin.f32 v4, v3;
	v4 =	vmax.f32 v17, v8  }
0x39b: {  	v15 =	vmax.f32 v26, v15;
	v7 =	vmin.f32 v17, v8;
	(xrf1) =	vsort.dscd.msk.f32 $0xffff, v4, v4  }
0x39c: {  	v8 =	vmin.f32 v2, v1;
	v4 =	vmax.f32 v3, v5;
	(xrf1) =	vsort.dscd.msk.f32 $0xffff, v7, v7  }
0x39d: {  	v3 =	vmin.f32 v3, v5;
	v5 =	vmin.f32 v9, v16;
	(xrf1) =	vsort.dscd.msk.f32 $0xffff, v4, v4  }
0x39e: {  	v1 =	vmax.f32 v2, v1;
	v2 =	vmin.f32 v8, v5;
	(xrf1) =	vsort.dscd.msk.f32 $0xffff, v3, v3  }
0x39f: {  	v4 =	vmax.f32 v8, v5;
	v3 =	vmax.f32 v9, v16;
	(xrf1) =	vsort.ascd.msk.f32 $0xffff, v2, v2  }
0x3a0: {  	v5 =	vmax.f32 v14, v11;
	v2 =	vmin.f32 v1, v3;
	(xrf1) =	vsort.ascd.msk.f32 $0xffff, v4, v4  }
0x3a1: {  	v1 =	vmax.f32 v1, v3;
	v3 =	vmax.f32 v15, v6;
	(xrf1) =	vsort.ascd.msk.f32 $0xffff, v2, v2  }
0x3a2: {  	v4 =	vmax.f32 v5, v3;
	v2 =	vmin.f32 v14, v11;
	(xrf1) =	vsort.ascd.msk.f32 $0xffff, v1, v1  }
0x3a3: {  	v3 =	vmin.f32 v5, v3;
	v1 =	vmin.f32 v15, v6;
	(xrf1) =	vsort.dscd.msk.f32 $0xffff, v4, v4  }
0x3a4: {  	v4 =	vmax.f32 v2, v1;
	v1 =	vmin.f32 v2, v1;
	(xrf1) =	vsort.dscd.msk.f32 $0xffff, v3, v3  }
0x3a5: {  	v2, _, _ =	vpop (xrf1);
	(xrf1) =	vsort.dscd.msk.f32 $0xffff, v4, v4  }
0x3a6: {  	v3, _, _ =	vpop (xrf1);
	(xrf1) =	vsort.dscd.msk.f32 $0xffff, v1, v1  }
0x3a7: {  	v1, _, _ =	vpop (xrf1)  }
0x3a8: {  	v4, _, _ =	vpop (xrf1)  }
0x3a9: {  	v5, _, _ =	vpop (xrf1)  }
0x3aa: {  	v6, _, _ =	vpop (xrf1)  }
0x3ab: {  	v7, _, _ =	vpop (xrf1)  }
0x3ac: {  	v8, _, _ =	vpop (xrf1)  }
0x3ad: {  	v9, _, _ =	vpop (xrf1)  }
0x3ae: {  	v10, _, _ =	vpop (xrf1)  }
0x3af: {  	v11, _, _ =	vpop (xrf1)  }
0x3b0: {  	v2 =	vmax.f32 v2, v5;
	v3 =	vmax.f32 v3, v6;
	v1 =	vmax.f32 v1, v7;
	v12, _, _ =	vpop (xrf1)  }
0x3b1: {  	v4 =	vmax.f32 v4, v8;
	v8 =	vmin.f32 v2, v1;
	v1 =	vmax.f32 v2, v1;
	v13, _, _ =	vpop (xrf1)  }
0x3b2: {  	v5, _, _ =	vpop (xrf1);
	v6 =	vmax.f32 v9, v13;
	v9 =	vmin.f32 v3, v4;
	v3 =	vmax.f32 v3, v4  }
0x3b3: {  	v5 =	vmax.f32 v10, v5;
	v7, _, _ =	vpop (xrf1);
	v2 =	vmin.f32 v8, v9;
	v4 =	vmax.f32 v8, v9  }
0x3b4: {  	v7 =	vmax.f32 v11, v7;
	v10, _, _ =	vpop (xrf1);
	(xrf1) =	vsort.ascd.msk.f32 $0xffff, v2, v2;
	v2 =	vmin.f32 v1, v3  }
0x3b5: {  	v1 =	vmax.f32 v1, v3;
	v10 =	vmax.f32 v12, v10;
	(xrf1) =	vsort.ascd.msk.f32 $0xffff, v4, v4  }
0x3b6: {  	v8 =	vmax.f32 v6, v7;
	v3 =	vmax.f32 v5, v10;
	(xrf1) =	vsort.ascd.msk.f32 $0xffff, v2, v2  }
0x3b7: {  	v2 =	vmin.f32 v6, v7;
	v4 =	vmax.f32 v8, v3;
	(xrf1) =	vsort.ascd.msk.f32 $0xffff, v1, v1  }
0x3b8: {  	v1 =	vmin.f32 v5, v10;
	v3 =	vmin.f32 v8, v3;
	(xrf1) =	vsort.dscd.msk.f32 $0xffff, v4, v4  }
0x3b9: {  	v4 =	vmax.f32 v2, v1;
	(xrf1) =	vsort.dscd.msk.f32 $0xffff, v3, v3  }
0x3ba: {  	v1 =	vmin.f32 v2, v1;
	(xrf1) =	vsort.dscd.msk.f32 $0xffff, v4, v4  }
0x3bb: {  	(xrf1) =	vsort.dscd.msk.f32 $0xffff, v1, v1;
	_ =	sdelay $0x6  }
0x3bc: {  	v1, _, _ =	vpop (xrf1)  }
0x3bd: {  	v2, _, _ =	vpop (xrf1)  }
0x3be: {  	v3, _, _ =	vpop (xrf1)  }
0x3bf: {  	v4, _, _ =	vpop (xrf1)  }
0x3c0: {  	v5, _, _ =	vpop (xrf1)  }
0x3c1: {  	v6, _, _ =	vpop (xrf1)  }
0x3c2: {  	v7, _, _ =	vpop (xrf1)  }
0x3c3: {  	v1 =	vmax.f32 v1, v5;
	v5, _, _ =	vpop (xrf1)  }
0x3c4: {  	v2 =	vmax.f32 v2, v6;
	v3 =	vmax.f32 v3, v7;
	v4 =	vmax.f32 v4, v5  }
0x3c5: {  	v1 =	vmin.f32 v1, v3;
	v2 =	vmin.f32 v2, v4  }
0x3c6: {  	v1 =	vmin.f32 v1, v2  }
0x3c7: {  	(xrf1) =	vsort.ascd.msk.f32 $0xffff, v1, v1;
	_ =	sdelay $0xd  }
0x3c8: {  	s25 =	sshra.s32 s25, $0x2;
	v1, _, _ =	vpop (xrf1)  }
0x3c9: {  	[tilespmem:s25+$0x10080] =	vst v1  }
0x3ca: {  	v1 =	vld.idx.msk [tilespmem:v0+s14+$0x0], $0xffff;
	_ =	sdelay $0x4  }
0x3cb: {  	[tilespmem:$0x10000] =	vst v1  }
0x3cc: {  	v1 =	vld.idx.msk [tilespmem:v0+s15+$0x0], $0xffff;
	_ =	sdelay $0x4  }
0x3cd: {  	[tilespmem:$0x10010] =	vst v1  }
0x3ce: {  	v1 =	vld.idx.msk [tilespmem:v0+s16+$0x0], $0xffff;
	_ =	sdelay $0x4  }
0x3cf: {  	[tilespmem:$0x10020] =	vst v1  }
0x3d0: {  	v1 =	vld.idx.msk [tilespmem:v0+s17+$0x0], $0xffff;
	_ =	sdelay $0x2  }
0x3d1: {  	s30 =	sor.u32 s6, s24  }
0x3d2: {  	s25 =	sshrl.u32 s30, $0x3  }
0x3d3: {  	s25 =	sadd.s32 s7, s25;
	[tilespmem:$0x10030] =	vst v1  }
0x3d4: {  	[hbm4b:s25+s4] =	stream.linear.scatter [tilespmem:s18], [sflag:$0x3], $0x40, $0x38;
	[tilespmem:$0x12080] =	vst v63  }
0x3d5: {  	_ =	swait.ge [sflag:s19], $0x40  }
0x3d6: {  	s25 =	sshllo.u32 s23, $0x1;
	[sflag:s19] =	ssyncset.done $0x0  }
0x3d7: {  	p0 =	sgt.u32 s25, $0x6;
	[sflag:s19] =	ssyncadd.s32 $0xFFFFFFC0  }
0x3d8: {  	s24 =	sadd.s32 @!p0 s24, s9;
	_ =	swait.ge [sflag:s20], $0x8000  }
0x3d9: {  	s24 =	sshll.u32 @!p0 s24, $0x6;
	[sflag:s20] =	ssyncset.done $0x0  }
0x3da: {  	s26 =	simm.s32 @!p0 $0x0;
	s24 =	sadd.s32 @!p0 s2, s24;
	[sflag:s20] =	ssyncadd.s32 $0xFFFF8000  }
0x3db: {  	[tilespmem:s26], [sflag:$0x1] =	stream.linear.gather @!p0 [hbm4b:s24+s26], $0x8000, $0x38;
	[tilespmem:$0x12080] =	vst v63  }
0x3dc: {  	s24 =	simm.s32 $0x0  }
0x3dd: {  	s31 =	sand.u32 $0x7000, s24;
	s28 =	sand.u32 $0x380, s24  }
0x3de: {  	s26 =	sor.u32 s28, s31  }
0x3df: {  	v1 =	vld [tilespmem:s26+$0x8000]  }
0x3e0: {  	v2 =	vld [tilespmem:s26+$0x8010]  }
0x3e1: {  	v3 =	vld [tilespmem:s26+$0x8020]  }
0x3e2: {  	v4 =	vld [tilespmem:s26+$0x8030]  }
0x3e3: {  	v5 =	vld [tilespmem:s26+$0x8040]  }
0x3e4: {  	v6 =	vld [tilespmem:s26+$0x8050];
	v1 =	vand.u32 $0x7FFFFFFF, v1  }
0x3e5: {  	v7 =	vld [tilespmem:s26+$0x8060];
	v2 =	vand.u32 $0x7FFFFFFF, v2;
	(xrf1) =	vsort.ascd.msk.f32 $0xffff, v1, v1  }
0x3e6: {  	v1 =	vand.u32 $0x7FFFFFFF, v3;
	v3 =	vld [tilespmem:s26+$0x8070];
	(xrf1) =	vsort.dscd.msk.f32 $0xffff, v2, v2  }
0x3e7: {  	v2 =	vand.u32 $0x7FFFFFFF, v4;
	v4 =	vld [tilespmem:s26+$0x8400];
	(xrf1) =	vsort.ascd.msk.f32 $0xffff, v1, v1  }
0x3e8: {  	v1 =	vand.u32 $0x7FFFFFFF, v5;
	(xrf1) =	vsort.dscd.msk.f32 $0xffff, v2, v2;
	v2 =	vld [tilespmem:s26+$0x8410]  }
0x3e9: {  	v5 =	vand.u32 $0x7FFFFFFF, v6;
	(xrf1) =	vsort.ascd.msk.f32 $0xffff, v1, v1;
	v1 =	vld [tilespmem:s26+$0x8420]  }
0x3ea: {  	v6 =	vand.u32 $0x7FFFFFFF, v7;
	(xrf1) =	vsort.dscd.msk.f32 $0xffff, v5, v5;
	v5 =	vld [tilespmem:s26+$0x8430]  }
0x3eb: {  	v3 =	vand.u32 $0x7FFFFFFF, v3;
	(xrf1) =	vsort.ascd.msk.f32 $0xffff, v6, v6;
	v6 =	vld [tilespmem:s26+$0x8440]  }
0x3ec: {  	v4 =	vand.u32 $0x7FFFFFFF, v4;
	(xrf1) =	vsort.dscd.msk.f32 $0xffff, v3, v3;
	v3 =	vld [tilespmem:s26+$0x8450]  }
0x3ed: {  	(xrf1) =	vsort.ascd.msk.f32 $0xffff, v4, v4;
	v2 =	vand.u32 $0x7FFFFFFF, v2;
	v4 =	vld [tilespmem:s26+$0x8460]  }
0x3ee: {  	v7 =	vld [tilespmem:s26+$0x8470];
	v1 =	vand.u32 $0x7FFFFFFF, v1;
	(xrf1) =	vsort.dscd.msk.f32 $0xffff, v2, v2  }
0x3ef: {  	v2 =	vand.u32 $0x7FFFFFFF, v5;
	v5 =	vld [tilespmem:s26+$0x8800];
	(xrf1) =	vsort.ascd.msk.f32 $0xffff, v1, v1  }
0x3f0: {  	v1 =	vand.u32 $0x7FFFFFFF, v6;
	v6 =	vld [tilespmem:s26+$0x8810];
	(xrf1) =	vsort.dscd.msk.f32 $0xffff, v2, v2  }
0x3f1: {  	v2 =	vand.u32 $0x7FFFFFFF, v3;
	v3 =	vld [tilespmem:s26+$0x8820];
	(xrf1) =	vsort.ascd.msk.f32 $0xffff, v1, v1  }
0x3f2: {  	v1 =	vand.u32 $0x7FFFFFFF, v4;
	v4 =	vld [tilespmem:s26+$0x8830];
	(xrf1) =	vsort.dscd.msk.f32 $0xffff, v2, v2  }
0x3f3: {  	v7 =	vand.u32 $0x7FFFFFFF, v7;
	(xrf1) =	vsort.ascd.msk.f32 $0xffff, v1, v1;
	v1 =	vld [tilespmem:s26+$0x8840]  }
0x3f4: {  	v2, _, _ =	vpop (xrf1);
	v5 =	vand.u32 $0x7FFFFFFF, v5;
	(xrf1) =	vsort.dscd.msk.f32 $0xffff, v7, v7;
	v7 =	vld [tilespmem:s26+$0x8850]  }
0x3f5: {  	v8, _, _ =	vpop (xrf1);
	v6 =	vand.u32 $0x7FFFFFFF, v6;
	(xrf1) =	vsort.ascd.msk.f32 $0xffff, v5, v5;
	v5 =	vld [tilespmem:s26+$0x8860]  }
0x3f6: {  	v9, _, _ =	vpop (xrf1);
	v3 =	vand.u32 $0x7FFFFFFF, v3;
	(xrf1) =	vsort.dscd.msk.f32 $0xffff, v6, v6;
	v6 =	vld [tilespmem:s26+$0x8870]  }
0x3f7: {  	v10, _, _ =	vpop (xrf1);
	v4 =	vand.u32 $0x7FFFFFFF, v4;
	(xrf1) =	vsort.ascd.msk.f32 $0xffff, v3, v3;
	v3 =	vld [tilespmem:s26+$0x8C00]  }
0x3f8: {  	v11, _, _ =	vpop (xrf1);
	(xrf1) =	vsort.dscd.msk.f32 $0xffff, v4, v4;
	v1 =	vand.u32 $0x7FFFFFFF, v1;
	v4 =	vld [tilespmem:s26+$0x8C10]  }
0x3f9: {  	v14 =	vld [tilespmem:s26+$0x8C20];
	v12, _, _ =	vpop (xrf1);
	v7 =	vand.u32 $0x7FFFFFFF, v7  }
0x3fa: {  	v15 =	vld [tilespmem:s26+$0x8C30];
	(xrf1) =	vsort.ascd.msk.f32 $0xffff, v1, v1;
	v13, _, _ =	vpop (xrf1);
	v5 =	vand.u32 $0x7FFFFFFF, v5  }
0x3fb: {  	v16 =	vld [tilespmem:s26+$0x8C40];
	(xrf1) =	vsort.dscd.msk.f32 $0xffff, v7, v7;
	v1, _, _ =	vpop (xrf1);
	v6 =	vand.u32 $0x7FFFFFFF, v6  }
0x3fc: {  	v17 =	vld [tilespmem:s26+$0x8C50];
	(xrf1) =	vsort.ascd.msk.f32 $0xffff, v5, v5;
	v7, _, _ =	vpop (xrf1);
	v3 =	vand.u32 $0x7FFFFFFF, v3  }
0x3fd: {  	v18 =	vld [tilespmem:s26+$0x8C60];
	(xrf1) =	vsort.dscd.msk.f32 $0xffff, v6, v6;
	v5, _, _ =	vpop (xrf1);
	v4 =	vand.u32 $0x7FFFFFFF, v4  }
0x3fe: {  	v19 =	vld [tilespmem:s26+$0x8C70];
	v14 =	vand.u32 $0x7FFFFFFF, v14;
	(xrf1) =	vsort.ascd.msk.f32 $0xffff, v3, v3;
	v6, _, _ =	vpop (xrf1)  }
0x3ff: {  	v15 =	vand.u32 $0x7FFFFFFF, v15;
	(xrf1) =	vsort.dscd.msk.f32 $0xffff, v4, v4;
	v3, _, _ =	vpop (xrf1)  }
0x400: {  	v16 =	vand.u32 $0x7FFFFFFF, v16;
	v4, _, _ =	vpop (xrf1);
	(xrf1) =	vsort.ascd.msk.f32 $0xffff, v14, v14  }
0x401: {  	v17 =	vand.u32 $0x7FFFFFFF, v17;
	v14, _, _ =	vpop (xrf1);
	(xrf1) =	vsort.dscd.msk.f32 $0xffff, v15, v15  }
0x402: {  	v18 =	vand.u32 $0x7FFFFFFF, v18;
	v15, _, _ =	vpop (xrf1);
	(xrf1) =	vsort.ascd.msk.f32 $0xffff, v16, v16  }
0x403: {  	v19 =	vand.u32 $0x7FFFFFFF, v19;
	v16, _, _ =	vpop (xrf1);
	(xrf1) =	vsort.dscd.msk.f32 $0xffff, v17, v17  }
0x404: {  	v17, _, _ =	vpop (xrf1);
	(xrf1) =	vsort.ascd.msk.f32 $0xffff, v18, v18  }
0x405: {  	v20 =	vmin.f32 v2, v8;
	v18, _, _ =	vpop (xrf1);
	(xrf1) =	vsort.dscd.msk.f32 $0xffff, v19, v19  }
0x406: {  	v2 =	vmax.f32 v2, v8;
	v19, _, _ =	vpop (xrf1);
	(xrf1) =	vsort.ascd.msk.f32 $0xffff, v20, v20  }
0x407: {  	v20 =	vmax.f32 v9, v10;
	v8, _, _ =	vpop (xrf1);
	(xrf1) =	vsort.ascd.msk.f32 $0xffff, v2, v2  }
0x408: {  	v2 =	vmin.f32 v9, v10;
	v9, _, _ =	vpop (xrf1);
	(xrf1) =	vsort.dscd.msk.f32 $0xffff, v20, v20  }
0x409: {  	v10, _, _ =	vpop (xrf1);
	(xrf1) =	vsort.dscd.msk.f32 $0xffff, v2, v2;
	v2 =	vmin.f32 v11, v12  }
0x40a: {  	v11 =	vmax.f32 v11, v12  }
0x40b: {  	v12 =	vmax.f32 v13, v1;
	v20, _, _ =	vpop (xrf1);
	(xrf1) =	vsort.ascd.msk.f32 $0xffff, v2, v2  }
0x40c: {  	v1 =	vmin.f32 v13, v1;
	v2, _, _ =	vpop (xrf1);
	(xrf1) =	vsort.ascd.msk.f32 $0xffff, v11, v11  }
0x40d: {  	v11, _, _ =	vpop (xrf1);
	(xrf1) =	vsort.dscd.msk.f32 $0xffff, v12, v12  }
0x40e: {  	v13 =	vmin.f32 v7, v5;
	v5 =	vmax.f32 v7, v5;
	v12, _, _ =	vpop (xrf1);
	(xrf1) =	vsort.dscd.msk.f32 $0xffff, v1, v1  }
0x40f: {  	v1, _, _ =	vpop (xrf1);
	(xrf1) =	vsort.ascd.msk.f32 $0xffff, v13, v13  }
0x410: {  	v13 =	vmax.f32 v6, v3;
	v3 =	vmin.f32 v6, v3;
	v7, _, _ =	vpop (xrf1);
	(xrf1) =	vsort.ascd.msk.f32 $0xffff, v5, v5  }
0x411: {  	v5, _, _ =	vpop (xrf1);
	(xrf1) =	vsort.dscd.msk.f32 $0xffff, v13, v13;
	v13 =	vmin.f32 v4, v14  }
0x412: {  	v4 =	vmax.f32 v4, v14;
	v6, _, _ =	vpop (xrf1);
	(xrf1) =	vsort.dscd.msk.f32 $0xffff, v3, v3  }
0x413: {  	v14 =	vmax.f32 v15, v16;
	v3, _, _ =	vpop (xrf1);
	(xrf1) =	vsort.ascd.msk.f32 $0xffff, v13, v13  }
0x414: {  	v15 =	vmin.f32 v15, v16;
	v13, _, _ =	vpop (xrf1);
	(xrf1) =	vsort.ascd.msk.f32 $0xffff, v4, v4  }
0x415: {  	v16 =	vmin.f32 v17, v18;
	v4, _, _ =	vpop (xrf1);
	(xrf1) =	vsort.dscd.msk.f32 $0xffff, v14, v14  }
0x416: {  	v17 =	vmax.f32 v17, v18;
	v14, _, _ =	vpop (xrf1);
	(xrf1) =	vsort.dscd.msk.f32 $0xffff, v15, v15  }
0x417: {  	v15, _, _ =	vpop (xrf1);
	(xrf1) =	vsort.ascd.msk.f32 $0xffff, v16, v16  }
0x418: {  	v18 =	vmax.f32 v19, v8;
	v16, _, _ =	vpop (xrf1);
	(xrf1) =	vsort.ascd.msk.f32 $0xffff, v17, v17  }
0x419: {  	v8 =	vmin.f32 v19, v8;
	v17, _, _ =	vpop (xrf1);
	(xrf1) =	vsort.dscd.msk.f32 $0xffff, v18, v18;
	v18 =	vmin.f32 v9, v10  }
0x41a: {  	v19, _, _ =	vpop (xrf1);
	(xrf1) =	vsort.dscd.msk.f32 $0xffff, v8, v8  }
0x41b: {  	v8 =	vmax.f32 v9, v10;
	v60, _, _ =	vpop (xrf1);
	(xrf1) =	vsort.ascd.msk.f32 $0xffff, v18, v18  }
0x41c: {  	v9 =	vmax.f32 v20, v2;
	v18, _, _ =	vpop (xrf1);
	(xrf1) =	vsort.ascd.msk.f32 $0xffff, v8, v8  }
0x41d: {  	v2 =	vmin.f32 v20, v2;
	v20, _, _ =	vpop (xrf1);
	(xrf1) =	vsort.dscd.msk.f32 $0xffff, v9, v9  }
0x41e: {  	v8 =	vmin.f32 v11, v12;
	v61, _, _ =	vpop (xrf1);
	(xrf1) =	vsort.dscd.msk.f32 $0xffff, v2, v2  }
0x41f: {  	v2 =	vmax.f32 v11, v12;
	v62, _, _ =	vpop (xrf1);
	(xrf1) =	vsort.ascd.msk.f32 $0xffff, v8, v8  }
0x420: {  	v9 =	vmax.f32 v1, v7;
	v63, _, _ =	vpop (xrf1);
	(xrf1) =	vsort.ascd.msk.f32 $0xffff, v2, v2  }
0x421: {  	v1 =	vmin.f32 v1, v7;
	v8, _, _ =	vpop (xrf1);
	(xrf1) =	vsort.dscd.msk.f32 $0xffff, v9, v9  }
0x422: {  	v2 =	vmin.f32 v5, v6;
	v7, _, _ =	vpop (xrf1);
	(xrf1) =	vsort.dscd.msk.f32 $0xffff, v1, v1;
	v1 =	vmax.f32 v5, v6  }
0x423: {  	v5 =	vmin.f32 v3, v13;
	v3 =	vmax.f32 v3, v13;
	v9, _, _ =	vpop (xrf1);
	(xrf1) =	vsort.ascd.msk.f32 $0xffff, v2, v2  }
0x424: {  	v6 =	vmin.f32 v14, v16;
	v10, _, _ =	vpop (xrf1);
	(xrf1) =	vsort.ascd.msk.f32 $0xffff, v1, v1;
	v1 =	vmin.f32 v4, v15  }
0x425: {  	v2, _, _ =	vpop (xrf1);
	(xrf1) =	vsort.dscd.msk.f32 $0xffff, v3, v3;
	v12 =	vmin.f32 v1, v6  }
0x426: {  	v4 =	vmax.f32 v4, v15;
	v3, _, _ =	vpop (xrf1);
	(xrf1) =	vsort.dscd.msk.f32 $0xffff, v5, v5  }
0x427: {  	v1 =	vmax.f32 v1, v6;
	v5 =	vmax.f32 v14, v16;
	v11, _, _ =	vpop (xrf1);
	(xrf1) =	vsort.ascd.msk.f32 $0xffff, v12, v12  }
0x428: {  	v13 =	vmax.f32 v17, v60;
	v6 =	vmin.f32 v4, v5;
	v12, _, _ =	vpop (xrf1);
	(xrf1) =	vsort.ascd.msk.f32 $0xffff, v1, v1  }
0x429: {  	v14 =	vmax.f32 v19, v18;
	v1 =	vmax.f32 v4, v5;
	v4, _, _ =	vpop (xrf1);
	(xrf1) =	vsort.ascd.msk.f32 $0xffff, v6, v6  }
0x42a: {  	v15 =	vmax.f32 v13, v14;
	v6 =	vmin.f32 v17, v60;
	v5, _, _ =	vpop (xrf1);
	(xrf1) =	vsort.ascd.msk.f32 $0xffff, v1, v1  }
0x42b: {  	v16 =	vmin.f32 v13, v14;
	v1 =	vmin.f32 v19, v18;
	v13, _, _ =	vpop (xrf1);
	(xrf1) =	vsort.dscd.msk.f32 $0xffff, v15, v15  }
0x42c: {  	v18 =	vmin.f32 v20, v62;
	v15 =	vmax.f32 v6, v1;
	v14, _, _ =	vpop (xrf1);
	(xrf1) =	vsort.dscd.msk.f32 $0xffff, v16, v16  }
0x42d: {  	v19 =	vmin.f32 v61, v63;
	v17 =	vmin.f32 v6, v1;
	v6, _, _ =	vpop (xrf1);
	(xrf1) =	vsort.dscd.msk.f32 $0xffff, v15, v15  }
0x42e: {  	v16 =	vmax.f32 v20, v62;
	v20 =	vmin.f32 v18, v19;
	v1, _, _ =	vpop (xrf1);
	(xrf1) =	vsort.dscd.msk.f32 $0xffff, v17, v17  }
0x42f: {  	s28 =	simm.s32 $0x200;
	s26 =	simm.s32 $0x0;
	v18 =	vmax.f32 v18, v19;
	v17 =	vmax.f32 v61, v63;
	v15, _, _ =	vpop (xrf1);
	(xrf1) =	vsort.ascd.msk.f32 $0xffff, v20, v20  }
.LBB2_11:
0x430: {  	p0 =	sne.s32 s28, $0x7E00;
	v22 =	vmin.f32 v16, v17;
	v20 =	vmax.f32 v8, v9;
	v21, _, _ =	vpop (xrf1);
	(xrf1) =	vsort.ascd.msk.f32 $0xffff, v18, v18  }
0x431: {  	v23 =	vmax.f32 v16, v17;
	v17 =	vmax.f32 v7, v10;
	v18, _, _ =	vpop (xrf1);
	(xrf1) =	vsort.ascd.msk.f32 $0xffff, v22, v22  }
0x432: {  	v8 =	vmin.f32 v8, v9;
	v9 =	vmax.f32 v20, v17;
	v19, _, _ =	vpop (xrf1);
	(xrf1) =	vsort.ascd.msk.f32 $0xffff, v23, v23  }
0x433: {  	v22 =	vmin.f32 v7, v10;
	v10 =	vmin.f32 v20, v17;
	v16, _, _ =	vpop (xrf1);
	(xrf1) =	vsort.dscd.msk.f32 $0xffff, v9, v9  }
0x434: {  	v17 =	vmin.f32 v2, v11;
	v9 =	vmax.f32 v8, v22;
	v20, _, _ =	vpop (xrf1);
	(xrf1) =	vsort.dscd.msk.f32 $0xffff, v10, v10  }
0x435: {  	v8 =	vmin.f32 v8, v22;
	v22 =	vmin.f32 v3, v12;
	v7, _, _ =	vpop (xrf1);
	(xrf1) =	vsort.dscd.msk.f32 $0xffff, v9, v9  }
0x436: {  	v2 =	vmax.f32 v2, v11;
	v9 =	vmin.f32 v17, v22;
	v11, _, _ =	vpop (xrf1);
	(xrf1) =	vsort.dscd.msk.f32 $0xffff, v8, v8  }
0x437: {  	v3 =	vmax.f32 v3, v12;
	v22 =	vmax.f32 v17, v22;
	v10, _, _ =	vpop (xrf1);
	(xrf1) =	vsort.ascd.msk.f32 $0xffff, v9, v9  }
0x438: {  	v12 =	vmax.f32 v4, v13;
	v9 =	vmin.f32 v2, v3;
	v17, _, _ =	vpop (xrf1);
	(xrf1) =	vsort.ascd.msk.f32 $0xffff, v22, v22  }
0x439: {  	v2 =	vmax.f32 v2, v3;
	v3 =	vmax.f32 v5, v14;
	v8, _, _ =	vpop (xrf1);
	(xrf1) =	vsort.ascd.msk.f32 $0xffff, v9, v9  }
0x43a: {  	v4 =	vmin.f32 v4, v13;
	v9 =	vmax.f32 v12, v3;
	v13, _, _ =	vpop (xrf1);
	(xrf1) =	vsort.ascd.msk.f32 $0xffff, v2, v2  }
0x43b: {  	v3 =	vmin.f32 v12, v3;
	v2 =	vmin.f32 v5, v14;
	v5, _, _ =	vpop (xrf1);
	(xrf1) =	vsort.dscd.msk.f32 $0xffff, v9, v9  }
0x43c: {  	v12 =	vmin.f32 v6, v15;
	v9 =	vmax.f32 v4, v2;
	v14, _, _ =	vpop (xrf1);
	(xrf1) =	vsort.dscd.msk.f32 $0xffff, v3, v3  }
0x43d: {  	v22 =	vmin.f32 v1, v21;
	v2 =	vmin.f32 v4, v2;
	v4, _, _ =	vpop (xrf1);
	(xrf1) =	vsort.dscd.msk.f32 $0xffff, v9, v9  }
0x43e: {  	s24 =	sadd.s32 $0x80, s24;
	v6 =	vmax.f32 v6, v15;
	v9 =	vmin.f32 v12, v22;
	v15, _, _ =	vpop (xrf1);
	(xrf1) =	vsort.dscd.msk.f32 $0xffff, v2, v2  }
0x43f: {  	s29 =	sand.u32 $0x7000, s28;
	s30 =	sand.u32 $0x380, s24;
	v1 =	vmax.f32 v1, v21;
	v2 =	vmax.f32 v12, v22;
	v3, _, _ =	vpop (xrf1);
	(xrf1) =	vsort.ascd.msk.f32 $0xffff, v9, v9  }
0x440: {  	s29 =	sor.u32 s30, s29;
	v12 =	vmax.f32 v18, v16;
	v9 =	vmin.f32 v6, v1;
	v21, _, _ =	vpop (xrf1);
	(xrf1) =	vsort.ascd.msk.f32 $0xffff, v2, v2  }
0x441: {  	v1 =	vmax.f32 v6, v1;
	v6 =	vmax.f32 v19, v20;
	v2 =	vld [tilespmem:s29+$0x8000];
	v22, _, _ =	vpop (xrf1);
	(xrf1) =	vsort.ascd.msk.f32 $0xffff, v9, v9  }
0x442: {  	v16 =	vmin.f32 v18, v16;
	v18 =	vmax.f32 v12, v6;
	v9 =	vld [tilespmem:s29+$0x8010];
	v23, _, _ =	vpop (xrf1);
	(xrf1) =	vsort.ascd.msk.f32 $0xffff, v1, v1  }
0x443: {  	v25 =	vmin.f32 v19, v20;
	v6 =	vmin.f32 v12, v6;
	v1 =	vld [tilespmem:s29+$0x8020];
	v12, _, _ =	vpop (xrf1);
	(xrf1) =	vsort.dscd.msk.f32 $0xffff, v18, v18  }
0x444: {  	v20 =	vmax.f32 v16, v25;
	v18 =	vld [tilespmem:s29+$0x8030];
	v24, _, _ =	vpop (xrf1);
	(xrf1) =	vsort.dscd.msk.f32 $0xffff, v6, v6  }
0x445: {  	v16 =	vmin.f32 v16, v25;
	v6 =	vld [tilespmem:s29+$0x8040];
	v19, _, _ =	vpop (xrf1);
	(xrf1) =	vsort.dscd.msk.f32 $0xffff, v20, v20  }
0x446: {  	v26 =	vand.u32 $0x7FFFFFFF, v2;
	v20 =	vld [tilespmem:s29+$0x8050];
	v25, _, _ =	vpop (xrf1);
	(xrf1) =	vsort.dscd.msk.f32 $0xffff, v16, v16  }
0x447: {  	v27 =	vand.u32 $0x7FFFFFFF, v9;
	v16 =	vld [tilespmem:s29+$0x8060];
	(xrf1) =	vsort.ascd.msk.f32 $0xffff, v26, v26;
	v2, _, _ =	vpop (xrf1)  }
0x448: {  	v28 =	vand.u32 $0x7FFFFFFF, v1;
	v26 =	vld [tilespmem:s29+$0x8070];
	(xrf1) =	vsort.dscd.msk.f32 $0xffff, v27, v27;
	v9, _, _ =	vpop (xrf1)  }
0x449: {  	v29 =	vand.u32 $0x7FFFFFFF, v18;
	v27 =	vld [tilespmem:s29+$0x8400];
	(xrf1) =	vsort.ascd.msk.f32 $0xffff, v28, v28;
	v1, _, _ =	vpop (xrf1)  }
0x44a: {  	v28 =	vand.u32 $0x7FFFFFFF, v6;
	(xrf1) =	vsort.dscd.msk.f32 $0xffff, v29, v29;
	v18, _, _ =	vpop (xrf1)  }
0x44b: {  	v29 =	vand.u32 $0x7FFFFFFF, v20;
	(xrf1) =	vsort.ascd.msk.f32 $0xffff, v28, v28;
	v6, _, _ =	vpop (xrf1)  }
0x44c: {  	v28 =	vand.u32 $0x7FFFFFFF, v16;
	(xrf1) =	vsort.dscd.msk.f32 $0xffff, v29, v29;
	v20, _, _ =	vpop (xrf1)  }
0x44d: {  	v29 =	vand.u32 $0x7FFFFFFF, v26;
	(xrf1) =	vsort.ascd.msk.f32 $0xffff, v28, v28;
	v16, _, _ =	vpop (xrf1)  }
0x44e: {  	v27 =	vand.u32 $0x7FFFFFFF, v27;
	(xrf1) =	vsort.dscd.msk.f32 $0xffff, v29, v29;
	v26, _, _ =	vpop (xrf1)  }
0x44f: {  	v7 =	vmax.f32 v7, v8;
	v8 =	vmax.f32 v11, v13;
	(xrf1) =	vsort.ascd.msk.f32 $0xffff, v27, v27;
	v11, _, _ =	vpop (xrf1)  }
0x450: {  	v5 =	vmax.f32 v10, v5;
	v10 =	vmax.f32 v17, v14;
	v4 =	vmax.f32 v4, v22;
	v13, _, _ =	vpop (xrf1)  }
0x451: {  	v14 =	vmax.f32 v15, v23;
	v3 =	vmax.f32 v3, v12;
	v12 =	vmax.f32 v21, v24;
	v15, _, _ =	vpop (xrf1)  }
0x452: {  	v17 =	vmax.f32 v19, v1;
	v18 =	vmax.f32 v25, v18;
	v19 =	vmax.f32 v2, v6;
	v1, _, _ =	vpop (xrf1)  }
0x453: {  	v20 =	vmax.f32 v9, v20;
	v15 =	vmax.f32 v16, v15;
	v16 =	vmax.f32 v26, v1;
	v1, _, _ =	vpop (xrf1)  }
0x454: {  	v2 =	vmin.f32 v7, v5;
	v9 =	vmin.f32 v8, v10;
	v11 =	vmax.f32 v11, v1;
	v1, _, _ =	vpop (xrf1)  }
0x455: {  	v5 =	vmax.f32 v7, v5;
	v21 =	vmin.f32 v2, v9;
	v6, _, _ =	vpop (xrf1);
	v13 =	vmax.f32 v13, v1  }
0x456: {  	v2 =	vmax.f32 v2, v9;
	v1 =	vmax.f32 v8, v10;
	v7, _, _ =	vpop (xrf1);
	(xrf1) =	vsort.ascd.msk.f32 $0xffff, v21, v21  }
0x457: {  	v10 =	vmin.f32 v5, v1;
	v21 =	vmax.f32 v4, v3;
	v8, _, _ =	vpop (xrf1);
	(xrf1) =	vsort.ascd.msk.f32 $0xffff, v2, v2  }
0x458: {  	v2 =	vmax.f32 v5, v1;
	v5 =	vmax.f32 v14, v12;
	v9, _, _ =	vpop (xrf1);
	(xrf1) =	vsort.ascd.msk.f32 $0xffff, v10, v10  }
0x459: {  	v3 =	vmin.f32 v4, v3;
	v10 =	vmax.f32 v21, v5;
	v1, _, _ =	vpop (xrf1);
	(xrf1) =	vsort.ascd.msk.f32 $0xffff, v2, v2  }
0x45a: {  	v12 =	vmin.f32 v14, v12;
	v21 =	vmin.f32 v21, v5;
	v4, _, _ =	vpop (xrf1);
	(xrf1) =	vsort.dscd.msk.f32 $0xffff, v10, v10  }
0x45b: {  	v14 =	vmin.f32 v17, v19;
	v10 =	vmax.f32 v3, v12;
	v2, _, _ =	vpop (xrf1);
	(xrf1) =	vsort.dscd.msk.f32 $0xffff, v21, v21  }
0x45c: {  	v12 =	vmin.f32 v3, v12;
	v21 =	vmin.f32 v18, v20;
	v5, _, _ =	vpop (xrf1);
	(xrf1) =	vsort.dscd.msk.f32 $0xffff, v10, v10  }
0x45d: {  	v10 =	vmax.f32 v17, v19;
	v17 =	vmin.f32 v14, v21;
	v3, _, _ =	vpop (xrf1);
	(xrf1) =	vsort.dscd.msk.f32 $0xffff, v12, v12  }
0x45e: {  	v14 =	vmax.f32 v14, v21;
	v12 =	vmax.f32 v18, v20;
	(xrf1) =	vsort.ascd.msk.f32 $0xffff, v17, v17  }
0x45f: {  	v18 =	vmax.f32 v15, v11;
	v17 =	vmin.f32 v10, v12;
	(xrf1) =	vsort.ascd.msk.f32 $0xffff, v14, v14  }
0x460: {  	v10 =	vmax.f32 v10, v12;
	v12 =	vmax.f32 v16, v13;
	v14 =	vld [tilespmem:s29+$0x8410];
	(xrf1) =	vsort.ascd.msk.f32 $0xffff, v17, v17  }
0x461: {  	v11 =	vmin.f32 v15, v11;
	v15 =	vmax.f32 v18, v12;
	v17 =	vld [tilespmem:s29+$0x8420];
	(xrf1) =	vsort.ascd.msk.f32 $0xffff, v10, v10  }
0x462: {  	v19 =	vmin.f32 v16, v13;
	v12 =	vmin.f32 v18, v12;
	v10 =	vld [tilespmem:s29+$0x8430];
	(xrf1) =	vsort.dscd.msk.f32 $0xffff, v15, v15  }
0x463: {  	v16 =	vmax.f32 v11, v19;
	v15 =	vld [tilespmem:s29+$0x8440];
	(xrf1) =	vsort.dscd.msk.f32 $0xffff, v12, v12  }
0x464: {  	v11 =	vmin.f32 v11, v19;
	v12 =	vld [tilespmem:s29+$0x8450];
	v13, _, _ =	vpop (xrf1);
	(xrf1) =	vsort.dscd.msk.f32 $0xffff, v16, v16  }
0x465: {  	v19 =	vand.u32 $0x7FFFFFFF, v14;
	v16 =	vld [tilespmem:s29+$0x8460];
	v18, _, _ =	vpop (xrf1);
	(xrf1) =	vsort.dscd.msk.f32 $0xffff, v11, v11  }
0x466: {  	v20 =	vand.u32 $0x7FFFFFFF, v17;
	v17 =	vld [tilespmem:s29+$0x8470];
	(xrf1) =	vsort.dscd.msk.f32 $0xffff, v19, v19;
	v14, _, _ =	vpop (xrf1)  }
0x467: {  	v21 =	vand.u32 $0x7FFFFFFF, v10;
	v19 =	vld [tilespmem:s29+$0x8800];
	(xrf1) =	vsort.ascd.msk.f32 $0xffff, v20, v20;
	v11, _, _ =	vpop (xrf1)  }
0x468: {  	v22 =	vand.u32 $0x7FFFFFFF, v15;
	v20 =	vld [tilespmem:s29+$0x8810];
	(xrf1) =	vsort.dscd.msk.f32 $0xffff, v21, v21;
	v10, _, _ =	vpop (xrf1)  }
0x469: {  	v23 =	vand.u32 $0x7FFFFFFF, v12;
	v21 =	vld [tilespmem:s29+$0x8820];
	(xrf1) =	vsort.ascd.msk.f32 $0xffff, v22, v22;
	v15, _, _ =	vpop (xrf1)  }
0x46a: {  	v24 =	vand.u32 $0x7FFFFFFF, v16;
	v22 =	vld [tilespmem:s29+$0x8830];
	(xrf1) =	vsort.dscd.msk.f32 $0xffff, v23, v23;
	v12, _, _ =	vpop (xrf1)  }
0x46b: {  	v23 =	vand.u32 $0x7FFFFFFF, v17;
	(xrf1) =	vsort.ascd.msk.f32 $0xffff, v24, v24;
	v16, _, _ =	vpop (xrf1)  }
0x46c: {  	v24 =	vand.u32 $0x7FFFFFFF, v19;
	(xrf1) =	vsort.dscd.msk.f32 $0xffff, v23, v23;
	v17, _, _ =	vpop (xrf1)  }
0x46d: {  	v23 =	vand.u32 $0x7FFFFFFF, v20;
	(xrf1) =	vsort.ascd.msk.f32 $0xffff, v24, v24;
	v19, _, _ =	vpop (xrf1)  }
0x46e: {  	v24 =	vand.u32 $0x7FFFFFFF, v21;
	(xrf1) =	vsort.dscd.msk.f32 $0xffff, v23, v23;
	v20, _, _ =	vpop (xrf1)  }
0x46f: {  	v23 =	vand.u32 $0x7FFFFFFF, v22;
	(xrf1) =	vsort.ascd.msk.f32 $0xffff, v24, v24;
	v21, _, _ =	vpop (xrf1)  }
0x470: {  	(xrf1) =	vsort.dscd.msk.f32 $0xffff, v23, v23;
	v22, _, _ =	vpop (xrf1)  }
0x471: {  	v10 =	vmax.f32 v13, v10;
	v13 =	vmax.f32 v18, v15;
	v12 =	vmax.f32 v14, v12;
	v14, _, _ =	vpop (xrf1)  }
0x472: {  	v15 =	vmax.f32 v11, v16;
	v16 =	vmax.f32 v17, v22;
	v17 =	vmax.f32 v19, v14;
	v11, _, _ =	vpop (xrf1)  }
0x473: {  	v18 =	vmin.f32 v13, v15;
	v14 =	vmin.f32 v10, v12;
	v19 =	vmax.f32 v20, v11;
	v20, _, _ =	vpop (xrf1)  }
0x474: {  	v22 =	vmax.f32 v10, v12;
	v12 =	vmin.f32 v14, v18;
	v11, _, _ =	vpop (xrf1);
	v20 =	vmax.f32 v21, v20  }
0x475: {  	v15 =	vmax.f32 v13, v15;
	v14 =	vmax.f32 v14, v18;
	v10, _, _ =	vpop (xrf1);
	(xrf1) =	vsort.ascd.msk.f32 $0xffff, v12, v12  }
0x476: {  	v18 =	vmin.f32 v22, v15;
	v21 =	vmax.f32 v16, v19;
	v13, _, _ =	vpop (xrf1);
	(xrf1) =	vsort.ascd.msk.f32 $0xffff, v14, v14  }
0x477: {  	v26 =	vmax.f32 v22, v15;
	v22 =	vmax.f32 v17, v20;
	v23 =	vld [tilespmem:s29+$0x8840];
	v12, _, _ =	vpop (xrf1);
	(xrf1) =	vsort.ascd.msk.f32 $0xffff, v18, v18  }
0x478: {  	v19 =	vmin.f32 v16, v19;
	v16 =	vmax.f32 v21, v22;
	v24 =	vld [tilespmem:s29+$0x8850];
	v15, _, _ =	vpop (xrf1);
	(xrf1) =	vsort.ascd.msk.f32 $0xffff, v26, v26  }
0x479: {  	v17 =	vmin.f32 v17, v20;
	v20 =	vmin.f32 v21, v22;
	v25 =	vld [tilespmem:s29+$0x8860];
	v14, _, _ =	vpop (xrf1);
	(xrf1) =	vsort.dscd.msk.f32 $0xffff, v16, v16  }
0x47a: {  	v22 =	vmax.f32 v19, v17;
	v21 =	vld [tilespmem:s29+$0x8870];
	v18, _, _ =	vpop (xrf1);
	(xrf1) =	vsort.dscd.msk.f32 $0xffff, v20, v20  }
0x47b: {  	v27 =	vmin.f32 v19, v17;
	v20 =	vld [tilespmem:s29+$0x8C00];
	v16, _, _ =	vpop (xrf1);
	(xrf1) =	vsort.dscd.msk.f32 $0xffff, v22, v22  }
0x47c: {  	v19 =	vand.u32 $0x7FFFFFFF, v23;
	v22 =	vld [tilespmem:s29+$0x8C10];
	v23, _, _ =	vpop (xrf1);
	(xrf1) =	vsort.dscd.msk.f32 $0xffff, v27, v27  }
0x47d: {  	v24 =	vand.u32 $0x7FFFFFFF, v24;
	v26 =	vld [tilespmem:s29+$0x8C20];
	v17, _, _ =	vpop (xrf1);
	(xrf1) =	vsort.ascd.msk.f32 $0xffff, v19, v19  }
0x47e: {  	v19 =	vand.u32 $0x7FFFFFFF, v25;
	v25 =	vld [tilespmem:s29+$0x8C30];
	v27, _, _ =	vpop (xrf1);
	(xrf1) =	vsort.dscd.msk.f32 $0xffff, v24, v24  }
0x47f: {  	v21 =	vand.u32 $0x7FFFFFFF, v21;
	v24 =	vld [tilespmem:s29+$0x8C40];
	(xrf1) =	vsort.ascd.msk.f32 $0xffff, v19, v19  }
0x480: {  	v19 =	vand.u32 $0x7FFFFFFF, v20;
	v20 =	vld [tilespmem:s29+$0x8C50];
	(xrf1) =	vsort.dscd.msk.f32 $0xffff, v21, v21  }
0x481: {  	v21 =	vand.u32 $0x7FFFFFFF, v22;
	v22 =	vld [tilespmem:s29+$0x8C60];
	(xrf1) =	vsort.ascd.msk.f32 $0xffff, v19, v19  }
0x482: {  	v28 =	vand.u32 $0x7FFFFFFF, v26;
	v26 =	vld [tilespmem:s29+$0x8C70];
	(xrf1) =	vsort.dscd.msk.f32 $0xffff, v21, v21  }
0x483: {  	v25 =	vand.u32 $0x7FFFFFFF, v25;
	(xrf1) =	vsort.ascd.msk.f32 $0xffff, v28, v28;
	v19, _, _ =	vpop (xrf1)  }
0x484: {  	v28 =	vand.u32 $0x7FFFFFFF, v24;
	(xrf1) =	vsort.dscd.msk.f32 $0xffff, v25, v25;
	v21, _, _ =	vpop (xrf1)  }
0x485: {  	v25 =	vand.u32 $0x7FFFFFFF, v20;
	(xrf1) =	vsort.ascd.msk.f32 $0xffff, v28, v28;
	v24, _, _ =	vpop (xrf1)  }
0x486: {  	v28 =	vand.u32 $0x7FFFFFFF, v22;
	(xrf1) =	vsort.dscd.msk.f32 $0xffff, v25, v25;
	v20, _, _ =	vpop (xrf1)  }
0x487: {  	v29 =	vand.u32 $0x7FFFFFFF, v26;
	(xrf1) =	vsort.ascd.msk.f32 $0xffff, v28, v28;
	v22, _, _ =	vpop (xrf1)  }
0x488: {  	v28 =	vmin.f32 v6, v7;
	(xrf1) =	vsort.dscd.msk.f32 $0xffff, v29, v29;
	v25, _, _ =	vpop (xrf1)  }
0x489: {  	v6 =	vmax.f32 v6, v7;
	v7 =	vmin.f32 v8, v9;
	(xrf1) =	vsort.ascd.msk.f32 $0xffff, v28, v28;
	v26, _, _ =	vpop (xrf1)  }
0x48a: {  	v8 =	vmax.f32 v8, v9;
	(xrf1) =	vsort.ascd.msk.f32 $0xffff, v6, v6;
	v6 =	vmax.f32 v19, v22;
	v9, _, _ =	vpop (xrf1)  }
0x48b: {  	v21 =	vmax.f32 v21, v25;
	v22 =	vmax.f32 v24, v26;
	v19, _, _ =	vpop (xrf1);
	v24 =	vmax.f32 v20, v9  }
0x48c: {  	v6 =	vmin.f32 v6, v22;
	v20, _, _ =	vpop (xrf1);
	(xrf1) =	vsort.dscd.msk.f32 $0xffff, v8, v8;
	v21 =	vmin.f32 v21, v24  }
0x48d: {  	v9, _, _ =	vpop (xrf1);
	(xrf1) =	vsort.dscd.msk.f32 $0xffff, v7, v7;
	v6 =	vmin.f32 v6, v21  }
0x48e: {  	v21 =	vmin.f32 v1, v4;
	v8, _, _ =	vpop (xrf1);
	(xrf1) =	vsort.ascd.msk.f32 $0xffff, v6, v6  }
0x48f: {  	v1 =	vmax.f32 v1, v4;
	v4, _, _ =	vpop (xrf1);
	(xrf1) =	vsort.ascd.msk.f32 $0xffff, v21, v21  }
0x490: {  	v21 =	vmax.f32 v2, v5;
	v7, _, _ =	vpop (xrf1);
	(xrf1) =	vsort.ascd.msk.f32 $0xffff, v1, v1  }
0x491: {  	v1 =	vmin.f32 v2, v5;
	v2, _, _ =	vpop (xrf1);
	(xrf1) =	vsort.dscd.msk.f32 $0xffff, v21, v21  }
0x492: {  	v5 =	vmin.f32 v3, v11;
	v6, _, _ =	vpop (xrf1);
	(xrf1) =	vsort.dscd.msk.f32 $0xffff, v1, v1  }
0x493: {  	v1 =	vmax.f32 v3, v11;
	v3, _, _ =	vpop (xrf1);
	(xrf1) =	vsort.ascd.msk.f32 $0xffff, v5, v5  }
0x494: {  	v5 =	vmax.f32 v10, v13;
	v11, _, _ =	vpop (xrf1);
	(xrf1) =	vsort.ascd.msk.f32 $0xffff, v1, v1  }
0x495: {  	v1 =	vmin.f32 v10, v13;
	v10, _, _ =	vpop (xrf1);
	(xrf1) =	vsort.dscd.msk.f32 $0xffff, v5, v5  }
0x496: {  	v5 =	vmin.f32 v12, v15;
	v13, _, _ =	vpop (xrf1);
	(xrf1) =	vsort.dscd.msk.f32 $0xffff, v1, v1  }
0x497: {  	v1 =	vmax.f32 v12, v15;
	v12, _, _ =	vpop (xrf1);
	(xrf1) =	vsort.ascd.msk.f32 $0xffff, v5, v5  }
0x498: {  	v5 =	vmax.f32 v14, v18;
	v15, _, _ =	vpop (xrf1);
	(xrf1) =	vsort.ascd.msk.f32 $0xffff, v1, v1  }
0x499: {  	v1 =	vmin.f32 v14, v18;
	(xrf1) =	vsort.dscd.msk.f32 $0xffff, v5, v5  }
0x49a: {  	v5 =	vmin.f32 v16, v23;
	v14, _, _ =	vpop (xrf1);
	(xrf1) =	vsort.dscd.msk.f32 $0xffff, v1, v1  }
0x49b: {  	v21 =	vmax.f32 v16, v23;
	v16, _, _ =	vpop (xrf1);
	(xrf1) =	vsort.ascd.msk.f32 $0xffff, v5, v5  }
0x49c: {  	s29 =	sshra.s32 s26, $0x2;
	s26 =	smov.u32 s28;
	v5 =	vmax.f32 v17, v27;
	(xrf1) =	vsort.ascd.msk.f32 $0xffff, v21, v21;
	v1, _, _ =	vpop (xrf1)  }
0x49d: {  	v22 =	vmin.f32 v17, v27;
	v18, _, _ =	vpop (xrf1);
	(xrf1) =	vsort.dscd.msk.f32 $0xffff, v5, v5;
	[tilespmem:s29+$0x10080] =	vst v1  }
0x49e: {  	v1 =	vmin.f32 v19, v20;
	v21, _, _ =	vpop (xrf1);
	(xrf1) =	vsort.dscd.msk.f32 $0xffff, v22, v22  }
0x49f: {  	v5 =	vmax.f32 v19, v20;
	v17, _, _ =	vpop (xrf1);
	(xrf1) =	vsort.ascd.msk.f32 $0xffff, v1, v1  }
0x4a0: {  	v1 =	vmax.f32 v9, v8;
	v19, _, _ =	vpop (xrf1);
	(xrf1) =	vsort.ascd.msk.f32 $0xffff, v5, v5  }
0x4a1: {  	v5 =	vmin.f32 v9, v8;
	v20, _, _ =	vpop (xrf1);
	(xrf1) =	vsort.dscd.msk.f32 $0xffff, v1, v1  }
0x4a2: {  	v1 =	vmin.f32 v4, v7;
	v22, _, _ =	vpop (xrf1);
	(xrf1) =	vsort.dscd.msk.f32 $0xffff, v5, v5  }
0x4a3: {  	v4 =	vmax.f32 v4, v7;
	v23, _, _ =	vpop (xrf1);
	(xrf1) =	vsort.ascd.msk.f32 $0xffff, v1, v1  }
0x4a4: {  	v1 =	vmax.f32 v2, v6;
	v24, _, _ =	vpop (xrf1);
	(xrf1) =	vsort.ascd.msk.f32 $0xffff, v4, v4  }
0x4a5: {  	v2 =	vmin.f32 v2, v6;
	v8, _, _ =	vpop (xrf1);
	(xrf1) =	vsort.dscd.msk.f32 $0xffff, v1, v1  }
0x4a6: {  	v1 =	vmin.f32 v3, v11;
	v7, _, _ =	vpop (xrf1);
	(xrf1) =	vsort.dscd.msk.f32 $0xffff, v2, v2  }
0x4a7: {  	v6 =	vmax.f32 v3, v11;
	v9, _, _ =	vpop (xrf1);
	(xrf1) =	vsort.ascd.msk.f32 $0xffff, v1, v1  }
0x4a8: {  	v11 =	vmax.f32 v10, v13;
	v1 =	vmin.f32 v10, v13;
	v10, _, _ =	vpop (xrf1);
	(xrf1) =	vsort.ascd.msk.f32 $0xffff, v6, v6  }
0x4a9: {  	v5 =	vmin.f32 v15, v16;
	v4 =	vmin.f32 v12, v14;
	v2, _, _ =	vpop (xrf1);
	(xrf1) =	vsort.dscd.msk.f32 $0xffff, v11, v11  }
0x4aa: {  	v6 =	vmax.f32 v12, v14;
	v14 =	vmin.f32 v4, v5;
	v3, _, _ =	vpop (xrf1);
	(xrf1) =	vsort.dscd.msk.f32 $0xffff, v1, v1  }
0x4ab: {  	v1 =	vmax.f32 v15, v16;
	v15 =	vmax.f32 v4, v5;
	v11, _, _ =	vpop (xrf1);
	(xrf1) =	vsort.ascd.msk.f32 $0xffff, v14, v14  }
0x4ac: {  	v13 =	vmax.f32 v18, v17;
	v16 =	vmin.f32 v6, v1;
	v12, _, _ =	vpop (xrf1);
	(xrf1) =	vsort.ascd.msk.f32 $0xffff, v15, v15  }
0x4ad: {  	v1 =	vmax.f32 v6, v1;
	v6 =	vmax.f32 v21, v19;
	v4, _, _ =	vpop (xrf1);
	(xrf1) =	vsort.ascd.msk.f32 $0xffff, v16, v16  }
0x4ae: {  	v15 =	vmin.f32 v18, v17;
	v17 =	vmax.f32 v13, v6;
	v5, _, _ =	vpop (xrf1);
	(xrf1) =	vsort.ascd.msk.f32 $0xffff, v1, v1  }
.Ltmp4:
0x4af: {  	v1 =	vmin.f32 v21, v19;
	v21 =	vmin.f32 v13, v6;
	v13, _, _ =	vpop (xrf1);
	(xrf1) =	vsort.dscd.msk.f32 $0xffff, v17, v17;
	(pc) =	sbr.rel @p0 .LBB2_11-.Ltmp4, $4  }
0x4b0: {  	v18 =	vmin.f32 v20, v23;
	v16 =	vmax.f32 v15, v1;
	v14, _, _ =	vpop (xrf1);
	(xrf1) =	vsort.dscd.msk.f32 $0xffff, v21, v21  }
0x4b1: {  	v19 =	vmin.f32 v22, v24;
	v21 =	vmin.f32 v15, v1;
	v6, _, _ =	vpop (xrf1);
	(xrf1) =	vsort.dscd.msk.f32 $0xffff, v16, v16  }
0x4b2: {  	v16 =	vmax.f32 v20, v23;
	v20 =	vmin.f32 v18, v19;
	v1, _, _ =	vpop (xrf1);
	(xrf1) =	vsort.dscd.msk.f32 $0xffff, v21, v21  }
0x4b3: {  	s28 =	sadd.s32 $0x200, s28;
	v17 =	vmax.f32 v22, v24;
	v18 =	vmax.f32 v18, v19;
	v15, _, _ =	vpop (xrf1);
	(xrf1) =	vsort.ascd.msk.f32 $0xffff, v20, v20  }
0x4b4: {  	v19 =	vmin.f32 v16, v17  }
0x4b5: {  	v20 =	vmax.f32 v8, v9;
	v21, _, _ =	vpop (xrf1);
	(xrf1) =	vsort.ascd.msk.f32 $0xffff, v18, v18;
	v46 =	vmax.f32 v16, v17  }
0x4b6: {  	v47 =	vmax.f32 v7, v10;
	v49 =	vmin.f32 v8, v9;
	v48, _, _ =	vpop (xrf1);
	(xrf1) =	vsort.ascd.msk.f32 $0xffff, v19, v19  }
0x4b7: {  	v52 =	vmin.f32 v7, v10;
	v50 =	vmax.f32 v20, v47;
	v51, _, _ =	vpop (xrf1);
	(xrf1) =	vsort.ascd.msk.f32 $0xffff, v46, v46  }
0x4b8: {  	v56 =	vmin.f32 v2, v11;
	v53 =	vmin.f32 v20, v47;
	v54, _, _ =	vpop (xrf1);
	(xrf1) =	vsort.dscd.msk.f32 $0xffff, v50, v50  }
0x4b9: {  	v58 =	vmin.f32 v3, v12;
	v55 =	vmax.f32 v49, v52;
	v57, _, _ =	vpop (xrf1);
	(xrf1) =	vsort.dscd.msk.f32 $0xffff, v53, v53  }
0x4ba: {  	v2 =	vmax.f32 v2, v11;
	v7 =	vmin.f32 v49, v52;
	v59, _, _ =	vpop (xrf1);
	(xrf1) =	vsort.dscd.msk.f32 $0xffff, v55, v55  }
0x4bb: {  	v3 =	vmax.f32 v3, v12;
	v60 =	vmin.f32 v56, v58;
	v61, _, _ =	vpop (xrf1);
	(xrf1) =	vsort.dscd.msk.f32 $0xffff, v7, v7  }
0x4bc: {  	v28 =	vmax.f32 v4, v13;
	v62 =	vmax.f32 v56, v58;
	v63, _, _ =	vpop (xrf1);
	(xrf1) =	vsort.ascd.msk.f32 $0xffff, v60, v60  }
0x4bd: {  	v31 =	vmin.f32 v4, v13;
	v27 =	vmin.f32 v2, v3;
	v29, _, _ =	vpop (xrf1);
	(xrf1) =	vsort.ascd.msk.f32 $0xffff, v62, v62  }
0x4be: {  	v2 =	vmax.f32 v2, v3;
	v3 =	vmax.f32 v5, v14;
	v30, _, _ =	vpop (xrf1);
	(xrf1) =	vsort.ascd.msk.f32 $0xffff, v27, v27  }
0x4bf: {  	v36 =	vmin.f32 v6, v15;
	v32 =	vmax.f32 v28, v3;
	v33, _, _ =	vpop (xrf1);
	(xrf1) =	vsort.ascd.msk.f32 $0xffff, v2, v2  }
0x4c0: {  	v3 =	vmin.f32 v28, v3;
	v2 =	vmin.f32 v5, v14;
	v34, _, _ =	vpop (xrf1);
	(xrf1) =	vsort.dscd.msk.f32 $0xffff, v32, v32  }
0x4c1: {  	v35 =	vmax.f32 v31, v2;
	v37, _, _ =	vpop (xrf1);
	(xrf1) =	vsort.dscd.msk.f32 $0xffff, v3, v3;
	v3 =	vmin.f32 v1, v21  }
0x4c2: {  	v39 =	vmax.f32 v6, v15;
	v2 =	vmin.f32 v31, v2;
	v38, _, _ =	vpop (xrf1);
	(xrf1) =	vsort.dscd.msk.f32 $0xffff, v35, v35  }
0x4c3: {  	v43 =	vmax.f32 v48, v54;
	v40 =	vmin.f32 v36, v3;
	v41, _, _ =	vpop (xrf1);
	(xrf1) =	vsort.dscd.msk.f32 $0xffff, v2, v2  }
0x4c4: {  	v1 =	vmax.f32 v1, v21;
	v2 =	vmax.f32 v36, v3;
	v3, _, _ =	vpop (xrf1);
	(xrf1) =	vsort.ascd.msk.f32 $0xffff, v40, v40  }
0x4c5: {  	v46 =	vmin.f32 v48, v54;
	v42 =	vmin.f32 v39, v1;
	v44, _, _ =	vpop (xrf1);
	(xrf1) =	vsort.ascd.msk.f32 $0xffff, v2, v2  }
0x4c6: {  	v1 =	vmax.f32 v39, v1;
	v2 =	vmax.f32 v51, v57;
	v45, _, _ =	vpop (xrf1);
	(xrf1) =	vsort.ascd.msk.f32 $0xffff, v42, v42  }
0x4c7: {  	v47 =	vmax.f32 v43, v2;
	v2 =	vmin.f32 v43, v2;
	v48, _, _ =	vpop (xrf1);
	(xrf1) =	vsort.ascd.msk.f32 $0xffff, v1, v1  }
0x4c8: {  	v1 =	vmin.f32 v51, v57;
	v49, _, _ =	vpop (xrf1);
	(xrf1) =	vsort.dscd.msk.f32 $0xffff, v47, v47  }
0x4c9: {  	v50 =	vmax.f32 v46, v1;
	v1 =	vmin.f32 v46, v1;
	v51, _, _ =	vpop (xrf1);
	(xrf1) =	vsort.dscd.msk.f32 $0xffff, v2, v2  }
0x4ca: {  	v2, _, _ =	vpop (xrf1)  }
0x4cb: {  	(xrf1) =	vsort.dscd.msk.f32 $0xffff, v50, v50;
	v52, _, _ =	vpop (xrf1)  }
0x4cc: {  	(xrf1) =	vsort.dscd.msk.f32 $0xffff, v1, v1;
	v1, _, _ =	vpop (xrf1)  }
0x4cd: {  	v53, _, _ =	vpop (xrf1)  }
0x4ce: {  	v54, _, _ =	vpop (xrf1)  }
0x4cf: {  	v22, _, _ =	vpop (xrf1)  }
0x4d0: {  	v7 =	vmax.f32 v59, v30;
	v5 =	vmax.f32 v63, v34;
	v23, _, _ =	vpop (xrf1)  }
0x4d1: {  	v55 =	vmax.f32 v61, v33;
	v21 =	vmin.f32 v7, v5;
	v5 =	vmax.f32 v7, v5;
	v24, _, _ =	vpop (xrf1)  }
0x4d2: {  	v57 =	vmax.f32 v29, v37;
	v4 =	vmax.f32 v38, v45;
	v59 =	vmax.f32 v41, v48;
	v25, _, _ =	vpop (xrf1)  }
0x4d3: {  	v8 =	vmax.f32 v55, v57;
	v3 =	vmax.f32 v3, v49;
	v60 =	vmax.f32 v44, v51;
	v26, _, _ =	vpop (xrf1)  }
0x4d4: {  	v27 =	vmax.f32 v4, v3;
	v3 =	vmin.f32 v4, v3;
	v28 =	vmax.f32 v59, v60;
	v56, _, _ =	vpop (xrf1)  }
0x4d5: {  	v30 =	vmin.f32 v59, v60;
	v9 =	vmax.f32 v52, v22;
	v22 =	vmin.f32 v55, v57;
	v58, _, _ =	vpop (xrf1)  }
0x4d6: {  	v29 =	vmax.f32 v27, v28;
	v16 =	vmax.f32 v53, v24;
	v24 =	vmin.f32 v21, v22;
	v61, _, _ =	vpop (xrf1)  }
0x4d7: {  	(xrf1) =	vsort.ascd.msk.f32 $0xffff, v24, v24;
	v62, _, _ =	vpop (xrf1);
	v14 =	vmax.f32 v25, v61;
	v25 =	vmax.f32 v21, v22  }
0x4d8: {  	v15 =	vmax.f32 v26, v62;
	v26 =	vmin.f32 v5, v8;
	(xrf1) =	vsort.ascd.msk.f32 $0xffff, v25, v25  }
0x4d9: {  	v31 =	vmin.f32 v27, v28;
	v5 =	vmax.f32 v5, v8;
	(xrf1) =	vsort.ascd.msk.f32 $0xffff, v26, v26  }
0x4da: {  	v32 =	vmax.f32 v3, v30;
	v3 =	vmin.f32 v3, v30;
	(xrf1) =	vsort.ascd.msk.f32 $0xffff, v5, v5  }
0x4db: {  	v2 =	vmax.f32 v2, v54;
	v1 =	vmax.f32 v1, v23;
	(xrf1) =	vsort.dscd.msk.f32 $0xffff, v29, v29  }
0x4dc: {  	v33 =	vmin.f32 v2, v1;
	v34 =	vmin.f32 v9, v16;
	(xrf1) =	vsort.dscd.msk.f32 $0xffff, v31, v31  }
0x4dd: {  	v1 =	vmax.f32 v2, v1;
	v2 =	vmin.f32 v33, v34;
	v63, _, _ =	vpop (xrf1);
	(xrf1) =	vsort.dscd.msk.f32 $0xffff, v32, v32  }
0x4de: {  	v35 =	vmax.f32 v33, v34;
	v11 =	vmax.f32 v56, v63;
	v23, _, _ =	vpop (xrf1);
	(xrf1) =	vsort.dscd.msk.f32 $0xffff, v3, v3  }
0x4df: {  	v6 =	vmax.f32 v58, v23;
	v3 =	vmax.f32 v9, v16;
	(xrf1) =	vsort.ascd.msk.f32 $0xffff, v2, v2  }
0x4e0: {  	v36 =	vmax.f32 v14, v11;
	v2 =	vmin.f32 v1, v3;
	(xrf1) =	vsort.ascd.msk.f32 $0xffff, v35, v35  }
0x4e1: {  	v1 =	vmax.f32 v1, v3;
	v3 =	vmax.f32 v15, v6;
	(xrf1) =	vsort.ascd.msk.f32 $0xffff, v2, v2  }
0x4e2: {  	v37 =	vmax.f32 v36, v3;
	v2 =	vmin.f32 v14, v11;
	(xrf1) =	vsort.ascd.msk.f32 $0xffff, v1, v1  }
0x4e3: {  	v3 =	vmin.f32 v36, v3;
	v1 =	vmin.f32 v15, v6;
	(xrf1) =	vsort.dscd.msk.f32 $0xffff, v37, v37  }
0x4e4: {  	v38 =	vmax.f32 v2, v1;
	v1 =	vmin.f32 v2, v1;
	(xrf1) =	vsort.dscd.msk.f32 $0xffff, v3, v3  }
0x4e5: {  	v2, _, _ =	vpop (xrf1);
	(xrf1) =	vsort.dscd.msk.f32 $0xffff, v38, v38  }
0x4e6: {  	v3, _, _ =	vpop (xrf1);
	(xrf1) =	vsort.dscd.msk.f32 $0xffff, v1, v1  }
0x4e7: {  	v1, _, _ =	vpop (xrf1)  }
0x4e8: {  	v39, _, _ =	vpop (xrf1)  }
0x4e9: {  	v40, _, _ =	vpop (xrf1)  }
0x4ea: {  	v41, _, _ =	vpop (xrf1)  }
0x4eb: {  	v42, _, _ =	vpop (xrf1)  }
0x4ec: {  	v43, _, _ =	vpop (xrf1)  }
0x4ed: {  	v44, _, _ =	vpop (xrf1)  }
0x4ee: {  	v45, _, _ =	vpop (xrf1)  }
0x4ef: {  	v2 =	vmax.f32 v2, v40;
	v46, _, _ =	vpop (xrf1)  }
0x4f0: {  	v3 =	vmax.f32 v3, v41;
	v1 =	vmax.f32 v1, v42;
	v4 =	vmax.f32 v39, v43;
	v47, _, _ =	vpop (xrf1)  }
0x4f1: {  	v52 =	vmin.f32 v2, v1;
	v53 =	vmin.f32 v3, v4;
	v48, _, _ =	vpop (xrf1)  }
0x4f2: {  	v1 =	vmax.f32 v2, v1;
	v3 =	vmax.f32 v3, v4;
	v2 =	vmin.f32 v52, v53;
	v49, _, _ =	vpop (xrf1)  }
0x4f3: {  	v55 =	vmax.f32 v52, v53;
	v50 =	vmax.f32 v44, v48;
	v5 =	vmax.f32 v45, v49;
	v51, _, _ =	vpop (xrf1)  }
0x4f4: {  	(xrf1) =	vsort.ascd.msk.f32 $0xffff, v2, v2;
	v2 =	vmin.f32 v1, v3;
	v1 =	vmax.f32 v1, v3;
	v54, _, _ =	vpop (xrf1)  }
0x4f5: {  	v7 =	vmax.f32 v46, v51;
	(xrf1) =	vsort.ascd.msk.f32 $0xffff, v55, v55;
	v10 =	vmax.f32 v47, v54  }
0x4f6: {  	v56 =	vmax.f32 v50, v7;
	(xrf1) =	vsort.ascd.msk.f32 $0xffff, v2, v2;
	v3 =	vmax.f32 v5, v10  }
0x4f7: {  	v2 =	vmin.f32 v50, v7;
	(xrf1) =	vsort.ascd.msk.f32 $0xffff, v1, v1;
	v57 =	vmax.f32 v56, v3  }
0x4f8: {  	v1 =	vmin.f32 v5, v10;
	v3 =	vmin.f32 v56, v3;
	(xrf1) =	vsort.dscd.msk.f32 $0xffff, v57, v57  }
0x4f9: {  	v58 =	vmax.f32 v2, v1;
	(xrf1) =	vsort.dscd.msk.f32 $0xffff, v3, v3  }
0x4fa: {  	v1 =	vmin.f32 v2, v1;
	(xrf1) =	vsort.dscd.msk.f32 $0xffff, v58, v58  }
0x4fb: {  	(xrf1) =	vsort.dscd.msk.f32 $0xffff, v1, v1;
	_ =	sdelay $0x6  }
0x4fc: {  	v1, _, _ =	vpop (xrf1)  }
0x4fd: {  	v2, _, _ =	vpop (xrf1)  }
0x4fe: {  	v3, _, _ =	vpop (xrf1)  }
0x4ff: {  	v59, _, _ =	vpop (xrf1)  }
0x500: {  	v60, _, _ =	vpop (xrf1)  }
0x501: {  	v61, _, _ =	vpop (xrf1)  }
0x502: {  	v62, _, _ =	vpop (xrf1)  }
0x503: {  	v1 =	vmax.f32 v1, v60;
	v63, _, _ =	vpop (xrf1)  }
0x504: {  	v2 =	vmax.f32 v2, v61;
	v3 =	vmax.f32 v3, v62;
	v4 =	vmax.f32 v59, v63  }
0x505: {  	v1 =	vmin.f32 v1, v3;
	v2 =	vmin.f32 v2, v4  }
0x506: {  	v1 =	vmin.f32 v1, v2  }
0x507: {  	(xrf1) =	vsort.ascd.msk.f32 $0xffff, v1, v1;
	_ =	sdelay $0xd  }
0x508: {  	s24 =	sshra.s32 s26, $0x2;
	v1, _, _ =	vpop (xrf1)  }
0x509: {  	[tilespmem:s24+$0x10080] =	vst v1  }
0x50a: {  	v1 =	vld.idx.msk [tilespmem:v0+s14+$0x0], $0xffff;
	_ =	sdelay $0x4  }
0x50b: {  	[tilespmem:$0x10000] =	vst v1  }
0x50c: {  	v1 =	vld.idx.msk [tilespmem:v0+s15+$0x0], $0xffff;
	_ =	sdelay $0x4  }
0x50d: {  	[tilespmem:$0x10010] =	vst v1  }
0x50e: {  	v1 =	vld.idx.msk [tilespmem:v0+s16+$0x0], $0xffff;
	_ =	sdelay $0x4  }
0x50f: {  	[tilespmem:$0x10020] =	vst v1  }
0x510: {  	v1 =	vld.idx.msk [tilespmem:v0+s17+$0x0], $0xffff;
	_ =	sdelay $0x1  }
0x511: {  	s31 =	sshll.u32 s25, $0x6  }
0x512: {  	s23 =	sadd.s32 $0x1, s23;
	s24 =	sadd.s32 s6, s31  }
0x513: {  	p0 =	sne.s32 s23, $0x4;
	s24 =	sshrl.u32 s24, $0x3  }
.Ltmp5:
0x514: {  	s24 =	sadd.s32 s7, s24;
	[tilespmem:$0x10030] =	vst v1;
	(pc) =	sbr.rel @p0 .LBB2_8-.Ltmp5, $4  }
0x515: {  	[hbm4b:s24+s4] =	stream.linear.scatter [tilespmem:s18], [sflag:$0x3], $0x40, $0x38;
	[tilespmem:$0x12080] =	vst v63  }
0x516: {  	_ =	swait.ge [sflag:s19], $0x40  }
0x517: {  	[sflag:s19] =	ssyncset.done $0x0  }
0x518: {  	[sflag:s19] =	ssyncadd.s32 $0xFFFFFFC0  }
0x519: {  	s21 =	sadd.s32 $0x1, s21  }
0x51a: {  	p0 =	sne.s32 s21, s11  }
.Ltmp6:
0x51b: {  	_ = 	snop;
	(pc) =	sbr.rel @p0 .LBB2_1-.Ltmp6, $1  }
0x51c: {  	_ =	sdelay $0x3  }
0x51d: {  	_ =	sfence.sel $0x180000  }
0x51e: {  	[bflag:$0x0] =	sbarrier.arrive $0xFFFF  }
0x51f: {  	p0 =	sne.s32 s3, $0x0;
	_ =	strace $0x90000047  }
0x520: {  	s0 =	sadd.s32 @!p0 $0x100000, s0;
	[bflag:$0x2] =	sbarrier.arrive $0xFFFF  }
0x521: {  	[sflag:s0] =	ssyncadd.tile.s32 @!p0 $0x1;
	_ =	shalt  }
.Lfunc_end2:
_tile_overlayer_lowered:
.L_overlay_start_2:
0x522: {  	(tag) =	ssettag $0x2  }
0x523: {  	s0 =	rddreg [dreg:$0x0];
	s2 =	stileid.u32  }
0x524: {  	s1 =	rddreg [dreg:$0x1];
	p0 =	sne.s32 s2, $0x0  }
0x525: {  	s3 =	rddreg [dreg:$0x2];
	[bflag:$0x3] =	sbarrier.arrive $0xFFFF;
	s2 =	simm.s32 @!p0 $0x1C03  }
0x526: {  	[timem:s3], [sflag:s2] =	dma.local @!p0 [hbm:s0], s1  }
0x527: {  	s0 =	simm.s32 @!p0 $0x3  }
0x528: {  	_ =	swait.ge @!p0 [sflag:s0], s1  }
0x529: {  	s1 =	ssub.s32 @!p0 $0x0, s1;
	[sflag:s0] =	ssyncset.done @!p0 $0x0  }
0x52a: {  	[sflag:s0] =	ssyncadd.s32 @!p0 s1  }
0x52b: {  	[bflag:$0x3] =	sbarrier.arrive $0xFFFF  }
0x52c: {  	_ =	shalt  }

</sc_bundles>
